<compile_context>
chip_gen: v7x
topology: tpu7x:2x2x1
jax: 0.10.2.dev20260603
libtpu: 0.0.44.dev20260713+nightly
codegen_flags: <defaults>
</compile_context>

<pallas_src>
import functools

import jax
import jax.numpy as jnp
from jax import lax
from jax.experimental import pallas as pl
from jax.experimental.pallas import tpu as pltpu
from jax.experimental.pallas import tpu_sc as plsc

NH = 8
DH = 32
NSUB = 16
NCORE = 2
C = 80
NPAD = 10112
NDEN = 640


def _mm1_body(hb, wq, wk, bq, bk, q_out, k_out):
    hv = hb[...]
    q_out[...] = (jnp.dot(hv, wq[0], preferred_element_type=jnp.float32)
                  + bq[0])
    k_out[...] = (jnp.dot(hv, wk[0], preferred_element_type=jnp.float32)
                  + bk[0])


def _qk_project(h, wq_r, wk_r, bq_r, bk_r, n, d, bn):
    nb = n // bn
    return pl.pallas_call(
        _mm1_body,
        grid=(NCORE, nb),
        in_specs=[
            pl.BlockSpec((bn, d), lambda c, i: (i, 0)),
            pl.BlockSpec((1, d, d // NCORE), lambda c, i: (c, 0, 0)),
            pl.BlockSpec((1, d, d // NCORE), lambda c, i: (c, 0, 0)),
            pl.BlockSpec((1, 1, d // NCORE), lambda c, i: (c, 0, 0)),
            pl.BlockSpec((1, 1, d // NCORE), lambda c, i: (c, 0, 0)),
        ],
        out_specs=[
            pl.BlockSpec((bn, d // NCORE), lambda c, i: (c * nb + i, 0)),
            pl.BlockSpec((bn, d // NCORE), lambda c, i: (c * nb + i, 0)),
        ],
        out_shape=[
            jax.ShapeDtypeStruct((NCORE * n, d // NCORE), jnp.float32),
            jax.ShapeDtypeStruct((NCORE * n, d // NCORE), jnp.float32),
        ],
    )(h, wq_r, wk_r, bq_r, bk_r)


def _edge_body(n, e, q2, k2, row_hbm, col_hbm, zn, zd, numer_hbm, den_hbm,
               idxr0, idxra0, idxca0, idxd0, rmbuf0, idxrs0,
               idxr1, idxra1, idxca1, idxd1, rmbuf1, idxrs1,
               qbuf0, kbuf0, qbuf1, kbuf1,
               sq0, sk0, sn0, sd0, sq1, sk1, sn1, sd1,
               si0a, si0b, si1a, si1b,
               acc_n, acc_d):
    c = lax.axis_index("c")
    s = lax.axis_index("s")
    cn = c * n

    rn = NPAD // NSUB
    rd = NDEN // NSUB
    pltpu.sync_copy(zn.at[pl.ds(s * rn, rn)], acc_n.at[pl.ds(s * rn, rn)])
    pltpu.sync_copy(zd.at[pl.ds(s * rd, rd)], acc_d.at[pl.ds(s * rd, rd)])
    plsc.subcore_barrier()

    lane = jnp.arange(16, dtype=jnp.int32)
    mpack = [((lane == j) | (lane == j + 8)).astype(jnp.float32)
             for j in range(4)]
    mlo4 = (lane < 4).astype(jnp.float32)
    mhi4 = ((lane >= 8) & (lane < 12)).astype(jnp.float32)
    zv = jnp.zeros((16,), jnp.float32)
    nchunks = e // (C * NSUB)
    npairs = nchunks // 2
    cid0 = s * nchunks

    bufA = (idxr0, idxra0, idxca0, idxd0, rmbuf0, qbuf0, kbuf0,
            sq0, sk0, sn0, sd0, si0a, si0b, idxrs0)
    bufB = (idxr1, idxra1, idxca1, idxd1, rmbuf1, qbuf1, kbuf1,
            sq1, sk1, sn1, sd1, si1a, si1b, idxrs1)

    def start_idx(b, i):
        base = i * C
        pltpu.async_copy(row_hbm.at[pl.ds(base, C)], b[0], b[11])
        pltpu.async_copy(col_hbm.at[pl.ds(base, C)], b[2], b[12])

    def finish_idx(b, i):
        idxr, idxra, idxca, idxd, rmbuf = b[0:5]
        base = i * C
        pltpu.make_async_copy(row_hbm.at[pl.ds(base, C)], idxr, b[11]).wait()
        pltpu.make_async_copy(col_hbm.at[pl.ds(base, C)], idxca, b[12]).wait()
        idxrs = b[13]
        for j in range(C // 16):
            sl = pl.ds(j * 16, 16)
            v = idxr[sl]
            idxra[sl] = v + cn
            idxca[sl] = idxca[sl] + cn
            idxd[sl] = lax.shift_right_logical(v, 4)
            rmbuf[sl] = lax.rem(v, 16)
            idxrs[sl] = v

    def load_idx(b, i):
        start_idx(b, i)
        finish_idx(b, i)

    def start_gather(b):
        pltpu.async_copy(q2.at[b[1]], b[5], b[7])
        pltpu.async_copy(k2.at[b[2]], b[6], b[8])

    def wait_gather(b):
        pltpu.make_async_copy(q2.at[b[1]], b[5], b[7]).wait()
        pltpu.make_async_copy(k2.at[b[2]], b[6], b[8]).wait()

    def start_scatter(b):
        pltpu.async_copy(b[6], acc_n.at[b[13]], b[9], add=True)
        pltpu.async_copy(b[5], acc_d.at[b[3]], b[10], add=True)

    def wait_scatter(b):
        pltpu.make_async_copy(b[6], acc_n.at[b[13]], b[9]).wait()
        pltpu.make_async_copy(b[5], acc_d.at[b[3]], b[10]).wait()

    def compute(b):
        idxr, idxra, idxca, idxd, rmbuf, qbuf, kbuf = b[0:7]

        @plsc.parallel_loop(0, C, unroll=2)
        def edge(ee):
            rm = rmbuf[pl.ds(ee, 16)][0]
            qs, ks, ss = [], [], []
            for j in range(4):
                sl0 = pl.ds(32 * j, 16)
                sl1 = pl.ds(32 * j + 16, 16)
                q0 = qbuf[ee, sl0]
                q1 = qbuf[ee, sl1]
                k0 = kbuf[ee, sl0]
                k1 = kbuf[ee, sl1]
                ss.append(jnp.sum(q0 * k0 + q1 * k1))
                ks.append((sl0, sl1, k0, k1))
            sv = (ss[0] * mpack[0] + ss[1] * mpack[1]
                  + ss[2] * mpack[2] + ss[3] * mpack[3])
            exv = jnp.exp(sv)
            for j in range(4):
                sl0, sl1, k0, k1 = ks[j]
                exj = jnp.full((16,), exv[j], dtype=jnp.float32)
                kbuf[ee, sl0] = k0 * exj
                kbuf[ee, sl1] = k1 * exj
            for t in range(8):
                qbuf[ee, pl.ds(16 * t, 16)] = zv
            odd = lax.rem(rm, 2)
            rm2 = lax.shift_right_logical(rm, 1)
            vec = jnp.where(odd == 1, exv * mhi4, exv * mlo4)
            qbuf[ee, pl.ds(rm2 * 16, 16)] = vec

    load_idx(bufA, cid0)
    start_gather(bufA)
    load_idx(bufB, cid0 + 1)
    start_gather(bufB)

    def pair(p, carry):
        i0 = cid0 + 2 * p
        wait_gather(bufA)
        compute(bufA)
        start_scatter(bufA)
        start_idx(bufA, i0 + 2)
        wait_gather(bufB)
        compute(bufB)
        start_scatter(bufB)

        @pl.when(p < npairs - 1)
        def _():
            start_idx(bufB, i0 + 3)
        wait_scatter(bufA)
        finish_idx(bufA, i0 + 2)
        start_gather(bufA)
        wait_scatter(bufB)

        @pl.when(p < npairs - 1)
        def _():
            finish_idx(bufB, i0 + 3)
            start_gather(bufB)
        return carry

    lax.fori_loop(0, npairs, pair, 0)
    wait_gather(bufA)
    compute(bufA)
    start_scatter(bufA)
    wait_scatter(bufA)

    plsc.subcore_barrier()
    dn = (n // NSUB) // 8 * 8
    pltpu.sync_copy(acc_n.at[pl.ds(s * dn, dn)],
                    numer_hbm.at[pl.ds(c * n + s * dn, dn)])
    nden = n // 16
    ndenp = (nden + 7) // 8 * 8
    dd = (nden // NSUB) // 8 * 8
    pltpu.sync_copy(acc_d.at[pl.ds(s * dd, dd)],
                    den_hbm.at[pl.ds(c * ndenp + s * dd, dd)])

    @pl.when(s == 0)
    def _():
        pltpu.sync_copy(acc_n.at[pl.ds(dn * NSUB, n - dn * NSUB)],
                        numer_hbm.at[pl.ds(c * n + dn * NSUB,
                                           n - dn * NSUB)])
        pltpu.sync_copy(acc_d.at[pl.ds(dd * NSUB, ndenp - dd * NSUB)],
                        den_hbm.at[pl.ds(c * ndenp + dd * NSUB,
                                         ndenp - dd * NSUB)])


def _edge_kernel(q2, k2, row, col, n, e):
    hw = q2.shape[1]
    mesh = plsc.VectorSubcoreMesh(core_axis_name="c", subcore_axis_name="s")
    zn = jnp.zeros((NPAD, hw), jnp.float32)
    zd = jnp.zeros((NDEN, hw), jnp.float32)
    f = pl.kernel(
        functools.partial(_edge_body, n, e),
        out_type=[
            jax.ShapeDtypeStruct((NCORE * n, hw), jnp.float32),
            jax.ShapeDtypeStruct((NCORE * ((n // 16 + 7) // 8 * 8), hw),
                                 jnp.float32),
        ],
        mesh=mesh,
        compiler_params=pltpu.CompilerParams(needs_layout_passes=False),
        scratch_types=[
            pltpu.VMEM((C,), jnp.int32),
            pltpu.VMEM((C,), jnp.int32),
            pltpu.VMEM((C,), jnp.int32),
            pltpu.VMEM((C,), jnp.int32),
            pltpu.VMEM((C + 16,), jnp.int32),
            pltpu.VMEM((C,), jnp.int32),
            pltpu.VMEM((C,), jnp.int32),
            pltpu.VMEM((C,), jnp.int32),
            pltpu.VMEM((C,), jnp.int32),
            pltpu.VMEM((C,), jnp.int32),
            pltpu.VMEM((C + 16,), jnp.int32),
            pltpu.VMEM((C,), jnp.int32),
            pltpu.VMEM((C, hw), jnp.float32),
            pltpu.VMEM((C, hw), jnp.float32),
            pltpu.VMEM((C, hw), jnp.float32),
            pltpu.VMEM((C, hw), jnp.float32),
            pltpu.SemaphoreType.DMA,
            pltpu.SemaphoreType.DMA,
            pltpu.SemaphoreType.DMA,
            pltpu.SemaphoreType.DMA,
            pltpu.SemaphoreType.DMA,
            pltpu.SemaphoreType.DMA,
            pltpu.SemaphoreType.DMA,
            pltpu.SemaphoreType.DMA,
            pltpu.SemaphoreType.DMA,
            pltpu.SemaphoreType.DMA,
            pltpu.SemaphoreType.DMA,
            pltpu.SemaphoreType.DMA,
            pltpu.VMEM_SHARED((NPAD, hw), jnp.float32),
            pltpu.VMEM_SHARED((NDEN, hw), jnp.float32),
        ],
    )
    return f(q2, k2, row, col, zn, zd)


def _mm2_body(n0, n1, d0, d1, w0, w1, bob, out):
    def ctx(nb, db):
        r = jnp.where(db > 0, 1.0 / db, 0.0)
        parts = [nb[:, 32 * j:32 * j + 32] * r[:, j:j + 1] for j in range(4)]
        return jnp.concatenate(parts, axis=1)

    c0 = ctx(n0[...], d0[...])
    c1 = ctx(n1[...], d1[...])
    out[...] = (jnp.dot(c0, w0[...], preferred_element_type=jnp.float32)
                + jnp.dot(c1, w1[...], preferred_element_type=jnp.float32)
                + bob[...])


def _out_project(numer, den, w0, w1, bo2, n, d, bn):
    nb = n // bn
    hw = d // NCORE
    return pl.pallas_call(
        _mm2_body,
        grid=(nb,),
        in_specs=[
            pl.BlockSpec((bn, hw), lambda i: (i, 0)),
            pl.BlockSpec((bn, hw), lambda i, _nb=nb: (_nb + i, 0)),
            pl.BlockSpec((bn, 8), lambda i: (i, 0)),
            pl.BlockSpec((bn, 8), lambda i, _nb=nb: (_nb + i, 0)),
            pl.BlockSpec((hw, d), lambda i: (0, 0)),
            pl.BlockSpec((hw, d), lambda i: (0, 0)),
            pl.BlockSpec((1, d), lambda i: (0, 0)),
        ],
        out_specs=pl.BlockSpec((bn, d), lambda i: (i, 0)),
        out_shape=jax.ShapeDtypeStruct((n, d), jnp.float32),
    )(numer, numer, den, den, w0, w1, bo2)


def kernel(h, edge_index, Wq, bq, Wk, bk, Wo, bo):
    n, d = h.shape
    e = edge_index.shape[1]
    hw = d // NCORE

    ar = jnp.arange(d)
    perm = (ar % DH) * NH + ar // DH
    wqp = Wq[perm]
    bqp = bq[perm]
    wkp = Wk[perm]
    bkp = bk[perm]
    wop = Wo[:, perm]

    wq_r = wqp.reshape(NCORE, hw, d).transpose(0, 2, 1)
    wk_r = wkp.reshape(NCORE, hw, d).transpose(0, 2, 1)
    bq_r = bqp.reshape(NCORE, 1, hw)
    bk_r = bkp.reshape(NCORE, 1, hw)

    q2, k2 = _qk_project(h, wq_r, wk_r, bq_r, bk_r, n, d, bn=2000)

    numer, den_p = _edge_kernel(q2, k2, edge_index[0], edge_index[1], n, e)

    ndenp = (n // 16 + 7) // 8 * 8
    den = den_p.reshape(NCORE, ndenp * 16, 8)[:, :n].reshape(NCORE * n, 8)

    w0 = wop[:, :hw].T
    w1 = wop[:, hw:].T
    return _out_project(numer, den, w0, w1, bo.reshape(1, d), n, d, bn=2000)

# --- scband reference (transcript-rebuilt; emitter-appended) ---
"""Pipeline reference for scband-sparse-mha-21818433863964 (READ-ONLY COPY).

The authoritative reference and input builder live on the scoring server;
editing this copy changes nothing except your own understanding.
"""

import jax, jax.numpy as jnp
import numpy as np

N = 10000
E = 160000
D = 256
NH = 8
DH = D // NH


def setup_inputs(seed: int = 0) -> dict:
    key = jax.random.key(seed)
    ks = jax.random.split(key, 10)
    h = jax.random.normal(ks[0], (N, D), dtype=jnp.float32)
    edge_index = jax.random.randint(ks[1], (2, E), 0, N, dtype=jnp.int32)
    bound = 1.0 / np.sqrt(D)

    def lin(k1, k2):
        W = jax.random.uniform(k1, (D, D), minval=-bound, maxval=bound, dtype=jnp.float32)
        b = jax.random.uniform(k2, (D,), minval=-bound, maxval=bound, dtype=jnp.float32)
        return W, b

    Wq, bq = lin(ks[2], ks[3])
    Wk, bk = lin(ks[4], ks[5])
    Wo, bo = lin(ks[6], ks[7])
    return {"h": h, "edge_index": edge_index, "Wq": Wq, "bq": bq,
            "Wk": Wk, "bk": bk, "Wo": Wo, "bo": bo}


def reference(h, edge_index, Wq, bq, Wk, bk, Wo, bo):
    n = h.shape[0]
    q = (h @ Wq.T + bq).reshape(n, DH, NH)
    k = (h @ Wk.T + bk).reshape(n, DH, NH)
    # Faithful to original module: v is computed with linear_k (linear_v is unused).
    v = (h @ Wk.T + bk).reshape(n, DH, NH)
    row = edge_index[0]
    col = edge_index[1]
    # bsddmm: per-edge, per-head score = sum_d q[row, d, head] * k[col, d, head]
    scores = jnp.einsum('edh,edh->eh', q[row], k[col])
    # sparse softmax over each row's nonzeros, per head
    m = jax.ops.segment_max(scores, row, num_segments=n)
    m = jnp.where(jnp.isfinite(m), m, 0.0)
    ex = jnp.exp(scores - m[row])
    denom = jax.ops.segment_sum(ex, row, num_segments=n)
    attn = ex / denom[row]
    # bspmm: out[i, d, head] = sum_{e: row[e]=i} attn[e, head] * v[col[e], d, head]
    out = jax.ops.segment_sum(attn[:, None, :] * v[col], row, num_segments=n)
    out = out.reshape(n, -1)
    return out @ Wo.T + bo

if __name__ == "__main__":
    import jax
    _d = setup_inputs()
    print(jax.jit(kernel)(*tuple(_d.values())))

</pallas_src>

<mosaic_0001>
#map = affine_map<(d0, d1) -> (0, 0)>
#map1 = affine_map<(d0, d1) -> (0)>
module attributes {stable_mosaic.version = 14 : i64} {
  func.func @_edge_body(%arg0: i32, %arg1: i32, %arg2: memref<20000x128xf32, #tpu.memory_space<hbm>>, %arg3: memref<20000x128xf32, #tpu.memory_space<hbm>>, %arg4: memref<160000xi32, #tpu.memory_space<hbm>>, %arg5: memref<160000xi32, #tpu.memory_space<hbm>>, %arg6: memref<10112x128xf32, #tpu.memory_space<hbm>>, %arg7: memref<640x128xf32, #tpu.memory_space<hbm>>, %arg8: memref<20000x128xf32, #tpu.memory_space<hbm>>, %arg9: memref<1264x128xf32, #tpu.memory_space<hbm>>, %arg10: memref<80xi32, #tpu.memory_space<vmem>>, %arg11: memref<80xi32, #tpu.memory_space<vmem>>, %arg12: memref<80xi32, #tpu.memory_space<vmem>>, %arg13: memref<80xi32, #tpu.memory_space<vmem>>, %arg14: memref<96xi32, #tpu.memory_space<vmem>>, %arg15: memref<80xi32, #tpu.memory_space<vmem>>, %arg16: memref<80xi32, #tpu.memory_space<vmem>>, %arg17: memref<80xi32, #tpu.memory_space<vmem>>, %arg18: memref<80xi32, #tpu.memory_space<vmem>>, %arg19: memref<80xi32, #tpu.memory_space<vmem>>, %arg20: memref<96xi32, #tpu.memory_space<vmem>>, %arg21: memref<80xi32, #tpu.memory_space<vmem>>, %arg22: memref<80x128xf32, #tpu.memory_space<vmem>>, %arg23: memref<80x128xf32, #tpu.memory_space<vmem>>, %arg24: memref<80x128xf32, #tpu.memory_space<vmem>>, %arg25: memref<80x128xf32, #tpu.memory_space<vmem>>, %arg26: memref<!tpu.dma_semaphore, #tpu.memory_space<semaphore_mem>>, %arg27: memref<!tpu.dma_semaphore, #tpu.memory_space<semaphore_mem>>, %arg28: memref<!tpu.dma_semaphore, #tpu.memory_space<semaphore_mem>>, %arg29: memref<!tpu.dma_semaphore, #tpu.memory_space<semaphore_mem>>, %arg30: memref<!tpu.dma_semaphore, #tpu.memory_space<semaphore_mem>>, %arg31: memref<!tpu.dma_semaphore, #tpu.memory_space<semaphore_mem>>, %arg32: memref<!tpu.dma_semaphore, #tpu.memory_space<semaphore_mem>>, %arg33: memref<!tpu.dma_semaphore, #tpu.memory_space<semaphore_mem>>, %arg34: memref<!tpu.dma_semaphore, #tpu.memory_space<semaphore_mem>>, %arg35: memref<!tpu.dma_semaphore, #tpu.memory_space<semaphore_mem>>, %arg36: memref<!tpu.dma_semaphore, #tpu.memory_space<semaphore_mem>>, %arg37: memref<!tpu.dma_semaphore, #tpu.memory_space<semaphore_mem>>, %arg38: memref<10112x128xf32, #tpu.memory_space<vmem_shared>>, %arg39: memref<640x128xf32, #tpu.memory_space<vmem_shared>>) attributes {dimension_semantics = [#tpu.dimension_semantics<core_parallel>, #tpu.dimension_semantics<subcore_parallel>], iteration_bounds = array<i64: 2, 16>, scalar_prefetch = 0 : i64, scratch_operands = 30 : i64, tpu.core_type = #tpu.core_type<sc_vector_subcore>, window_params = [{transform_indices = #map}, {transform_indices = #map}, {transform_indices = #map1}, {transform_indices = #map1}, {transform_indices = #map}, {transform_indices = #map}, {transform_indices = #map}, {transform_indices = #map}]} {
    %mul3A = arith.constant 10000 : i32
    %mul3A_0 = arith.muli %arg0, %mul3A : i32
    %mul3A_1 = arith.constant 632 : i32
    %mul3A_2 = arith.muli %arg1, %mul3A_1 : i32
    %mul3A_3 = arith.constant 632 : i32
    %mul3A_4 = arith.muli %arg1, %mul3A_3 : i32
    "tpu.region"() ({
      %run_scoped3A = tpu.sem_alloc : memref<!tpu.dma_semaphore, #tpu.memory_space<semaphore_mem>>
      %dma_start3A_371 = arith.constant 0 : i32
      %dma_start3A_372 = tpu.memref_slice %arg38[%mul3A_4, %dma_start3A_371] : memref<10112x128xf32, #tpu.memory_space<vmem_shared>> -> memref<632x128xf32, #tpu.memory_space<vmem_shared>>
      %dma_start3A_373 = arith.constant 0 : i32
      %dma_start3A_374 = tpu.memref_slice %arg6[%mul3A_2, %dma_start3A_373] : memref<10112x128xf32, #tpu.memory_space<hbm>> -> memref<632x128xf32, #tpu.memory_space<hbm>>
      tpu.enqueue_dma source(%dma_start3A_374 : memref<632x128xf32, #tpu.memory_space<hbm>>) target(%dma_start3A_372 : memref<632x128xf32, #tpu.memory_space<vmem_shared>>) target_semaphore(%run_scoped3A : memref<!tpu.dma_semaphore, #tpu.memory_space<semaphore_mem>>)
      %dma_wait3A_375 = arith.constant 0 : i32
      %dma_wait3A_376 = tpu.memref_slice %arg38[%mul3A_4, %dma_wait3A_375] : memref<10112x128xf32, #tpu.memory_space<vmem_shared>> -> memref<632x128xf32, #tpu.memory_space<vmem_shared>>
      %dma_wait3A_377 = arith.constant 0 : i32
      %dma_wait3A_378 = tpu.memref_slice %arg6[%mul3A_2, %dma_wait3A_377] : memref<10112x128xf32, #tpu.memory_space<hbm>> -> memref<632x128xf32, #tpu.memory_space<hbm>>
      tpu.wait_dma2 semaphore(%run_scoped3A : memref<!tpu.dma_semaphore, #tpu.memory_space<semaphore_mem>>) src(%dma_wait3A_378 : memref<632x128xf32, #tpu.memory_space<hbm>>) dst(%dma_wait3A_376 : memref<632x128xf32, #tpu.memory_space<vmem_shared>>)
      tpu.yield
    }) : () -> ()
    %mul3A_5 = arith.constant 40 : i32
    %mul3A_6 = arith.muli %arg1, %mul3A_5 : i32
    %mul3A_7 = arith.constant 40 : i32
    %mul3A_8 = arith.muli %arg1, %mul3A_7 : i32
    "tpu.region"() ({
      %run_scoped3A = tpu.sem_alloc : memref<!tpu.dma_semaphore, #tpu.memory_space<semaphore_mem>>
      %dma_start3A_371 = arith.constant 0 : i32
      %dma_start3A_372 = tpu.memref_slice %arg39[%mul3A_8, %dma_start3A_371] : memref<640x128xf32, #tpu.memory_space<vmem_shared>> -> memref<40x128xf32, #tpu.memory_space<vmem_shared>>
      %dma_start3A_373 = arith.constant 0 : i32
      %dma_start3A_374 = tpu.memref_slice %arg7[%mul3A_6, %dma_start3A_373] : memref<640x128xf32, #tpu.memory_space<hbm>> -> memref<40x128xf32, #tpu.memory_space<hbm>>
      tpu.enqueue_dma source(%dma_start3A_374 : memref<40x128xf32, #tpu.memory_space<hbm>>) target(%dma_start3A_372 : memref<40x128xf32, #tpu.memory_space<vmem_shared>>) target_semaphore(%run_scoped3A : memref<!tpu.dma_semaphore, #tpu.memory_space<semaphore_mem>>)
      %dma_wait3A_375 = arith.constant 0 : i32
      %dma_wait3A_376 = tpu.memref_slice %arg39[%mul3A_8, %dma_wait3A_375] : memref<640x128xf32, #tpu.memory_space<vmem_shared>> -> memref<40x128xf32, #tpu.memory_space<vmem_shared>>
      %dma_wait3A_377 = arith.constant 0 : i32
      %dma_wait3A_378 = tpu.memref_slice %arg7[%mul3A_6, %dma_wait3A_377] : memref<640x128xf32, #tpu.memory_space<hbm>> -> memref<40x128xf32, #tpu.memory_space<hbm>>
      tpu.wait_dma2 semaphore(%run_scoped3A : memref<!tpu.dma_semaphore, #tpu.memory_space<semaphore_mem>>) src(%dma_wait3A_378 : memref<40x128xf32, #tpu.memory_space<hbm>>) dst(%dma_wait3A_376 : memref<40x128xf32, #tpu.memory_space<vmem_shared>>)
      tpu.yield
    }) : () -> ()
    %barrier3A = arith.constant 0 : index
    tpu.barrier barrier_id(%barrier3A)
    %iota3A = tpu.iota {dimensions = array<i32: 0>} : vector<16xi32>
    %eq3A = arith.constant 0 : i32
    %eq3A_9 = vector.broadcast %eq3A : i32 to vector<16xi32>
    %eq3A_10 = arith.cmpi eq, %iota3A, %eq3A_9 : vector<16xi32>
    %eq3A_11 = arith.constant 8 : i32
    %eq3A_12 = vector.broadcast %eq3A_11 : i32 to vector<16xi32>
    %eq3A_13 = arith.cmpi eq, %iota3A, %eq3A_12 : vector<16xi32>
    %or3A = arith.ori %eq3A_10, %eq3A_13 : vector<16xi1>
    %convert_element_type3A = arith.extui %or3A : vector<16xi1> to vector<16xi32>
    %convert_element_type3A_14 = arith.sitofp %convert_element_type3A : vector<16xi32> to vector<16xf32>
    %eq3A_15 = arith.constant 1 : i32
    %eq3A_16 = vector.broadcast %eq3A_15 : i32 to vector<16xi32>
    %eq3A_17 = arith.cmpi eq, %iota3A, %eq3A_16 : vector<16xi32>
    %eq3A_18 = arith.constant 9 : i32
    %eq3A_19 = vector.broadcast %eq3A_18 : i32 to vector<16xi32>
    %eq3A_20 = arith.cmpi eq, %iota3A, %eq3A_19 : vector<16xi32>
    %or3A_21 = arith.ori %eq3A_17, %eq3A_20 : vector<16xi1>
    %convert_element_type3A_22 = arith.extui %or3A_21 : vector<16xi1> to vector<16xi32>
    %convert_element_type3A_23 = arith.sitofp %convert_element_type3A_22 : vector<16xi32> to vector<16xf32>
    %eq3A_24 = arith.constant 2 : i32
    %eq3A_25 = vector.broadcast %eq3A_24 : i32 to vector<16xi32>
    %eq3A_26 = arith.cmpi eq, %iota3A, %eq3A_25 : vector<16xi32>
    %eq3A_27 = arith.constant 10 : i32
    %eq3A_28 = vector.broadcast %eq3A_27 : i32 to vector<16xi32>
    %eq3A_29 = arith.cmpi eq, %iota3A, %eq3A_28 : vector<16xi32>
    %or3A_30 = arith.ori %eq3A_26, %eq3A_29 : vector<16xi1>
    %convert_element_type3A_31 = arith.extui %or3A_30 : vector<16xi1> to vector<16xi32>
    %convert_element_type3A_32 = arith.sitofp %convert_element_type3A_31 : vector<16xi32> to vector<16xf32>
    %eq3A_33 = arith.constant 3 : i32
    %eq3A_34 = vector.broadcast %eq3A_33 : i32 to vector<16xi32>
    %eq3A_35 = arith.cmpi eq, %iota3A, %eq3A_34 : vector<16xi32>
    %eq3A_36 = arith.constant 11 : i32
    %eq3A_37 = vector.broadcast %eq3A_36 : i32 to vector<16xi32>
    %eq3A_38 = arith.cmpi eq, %iota3A, %eq3A_37 : vector<16xi32>
    %or3A_39 = arith.ori %eq3A_35, %eq3A_38 : vector<16xi1>
    %convert_element_type3A_40 = arith.extui %or3A_39 : vector<16xi1> to vector<16xi32>
    %convert_element_type3A_41 = arith.sitofp %convert_element_type3A_40 : vector<16xi32> to vector<16xf32>
    %lt3A = arith.constant 4 : i32
    %lt3A_42 = vector.broadcast %lt3A : i32 to vector<16xi32>
    %lt3A_43 = arith.cmpi slt, %iota3A, %lt3A_42 : vector<16xi32>
    %convert_element_type3A_44 = arith.extui %lt3A_43 : vector<16xi1> to vector<16xi32>
    %convert_element_type3A_45 = arith.sitofp %convert_element_type3A_44 : vector<16xi32> to vector<16xf32>
    %ge3A = arith.constant 8 : i32
    %ge3A_46 = vector.broadcast %ge3A : i32 to vector<16xi32>
    %ge3A_47 = arith.cmpi sge, %iota3A, %ge3A_46 : vector<16xi32>
    %lt3A_48 = arith.constant 12 : i32
    %lt3A_49 = vector.broadcast %lt3A_48 : i32 to vector<16xi32>
    %lt3A_50 = arith.cmpi slt, %iota3A, %lt3A_49 : vector<16xi32>
    %and3A = arith.andi %ge3A_47, %lt3A_50 : vector<16xi1>
    %convert_element_type3A_51 = arith.extui %and3A : vector<16xi1> to vector<16xi32>
    %convert_element_type3A_52 = arith.sitofp %convert_element_type3A_51 : vector<16xi32> to vector<16xf32>
    %broadcast_in_dim3A = arith.constant 0.000000e+00 : f32
    %broadcast_in_dim3A_53 = vector.broadcast %broadcast_in_dim3A : f32 to vector<16xf32>
    %mul3A_54 = arith.constant 125 : i32
    %mul3A_55 = arith.muli %arg1, %mul3A_54 : i32
    %mul3A_56 = arith.constant 80 : i32
    %mul3A_57 = arith.muli %mul3A_55, %mul3A_56 : i32
    %dma_start3A = tpu.memref_slice %arg4[%mul3A_57] : memref<160000xi32, #tpu.memory_space<hbm>> -> memref<80xi32, #tpu.memory_space<hbm>>
    %dma_start3A_58 = tpu.memref_slice %arg4[%mul3A_57] : memref<160000xi32, #tpu.memory_space<hbm>> -> memref<80xi32, #tpu.memory_space<hbm>>
    tpu.enqueue_dma source(%dma_start3A_58 : memref<80xi32, #tpu.memory_space<hbm>>) target(%arg10 : memref<80xi32, #tpu.memory_space<vmem>>) target_semaphore(%arg34 : memref<!tpu.dma_semaphore, #tpu.memory_space<semaphore_mem>>)
    %dma_start3A_59 = tpu.memref_slice %arg5[%mul3A_57] : memref<160000xi32, #tpu.memory_space<hbm>> -> memref<80xi32, #tpu.memory_space<hbm>>
    %dma_start3A_60 = tpu.memref_slice %arg5[%mul3A_57] : memref<160000xi32, #tpu.memory_space<hbm>> -> memref<80xi32, #tpu.memory_space<hbm>>
    tpu.enqueue_dma source(%dma_start3A_60 : memref<80xi32, #tpu.memory_space<hbm>>) target(%arg12 : memref<80xi32, #tpu.memory_space<vmem>>) target_semaphore(%arg35 : memref<!tpu.dma_semaphore, #tpu.memory_space<semaphore_mem>>)
    %mul3A_61 = arith.constant 80 : i32
    %mul3A_62 = arith.muli %mul3A_55, %mul3A_61 : i32
    %dma_wait3A = tpu.memref_slice %arg4[%mul3A_62] : memref<160000xi32, #tpu.memory_space<hbm>> -> memref<80xi32, #tpu.memory_space<hbm>>
    %dma_wait3A_63 = tpu.memref_slice %arg4[%mul3A_62] : memref<160000xi32, #tpu.memory_space<hbm>> -> memref<80xi32, #tpu.memory_space<hbm>>
    tpu.wait_dma2 semaphore(%arg34 : memref<!tpu.dma_semaphore, #tpu.memory_space<semaphore_mem>>) src(%dma_wait3A_63 : memref<80xi32, #tpu.memory_space<hbm>>) dst(%arg10 : memref<80xi32, #tpu.memory_space<vmem>>)
    %dma_wait3A_64 = tpu.memref_slice %arg5[%mul3A_62] : memref<160000xi32, #tpu.memory_space<hbm>> -> memref<80xi32, #tpu.memory_space<hbm>>
    %dma_wait3A_65 = tpu.memref_slice %arg5[%mul3A_62] : memref<160000xi32, #tpu.memory_space<hbm>> -> memref<80xi32, #tpu.memory_space<hbm>>
    tpu.wait_dma2 semaphore(%arg35 : memref<!tpu.dma_semaphore, #tpu.memory_space<semaphore_mem>>) src(%dma_wait3A_65 : memref<80xi32, #tpu.memory_space<hbm>>) dst(%arg12 : memref<80xi32, #tpu.memory_space<vmem>>)
    %get3A = arith.constant 0 : index
    %get3A_66 = tpu.vector_load %arg10[%get3A] {strides = array<i32>} : memref<80xi32, #tpu.memory_space<vmem>>, vector<16xi32>,
    %add3A = vector.broadcast %mul3A_0 : i32 to vector<16xi32>
    %add3A_67 = arith.addi %get3A_66, %add3A : vector<16xi32>
    %swap3A = arith.constant 0 : index
    %swap3A_68 = tpu.vector_load %arg11[%swap3A] {strides = array<i32>} : memref<80xi32, #tpu.memory_space<vmem>>, vector<16xi32>,
    tpu.vector_store %arg11[%swap3A], %add3A_67 {strides = array<i32>} : memref<80xi32, #tpu.memory_space<vmem>>, vector<16xi32>,
    %get3A_69 = arith.constant 0 : index
    %get3A_70 = tpu.vector_load %arg12[%get3A_69] {strides = array<i32>} : memref<80xi32, #tpu.memory_space<vmem>>, vector<16xi32>,
    %add3A_71 = vector.broadcast %mul3A_0 : i32 to vector<16xi32>
    %add3A_72 = arith.addi %get3A_70, %add3A_71 : vector<16xi32>
    %swap3A_73 = arith.constant 0 : index
    %swap3A_74 = tpu.vector_load %arg12[%swap3A_73] {strides = array<i32>} : memref<80xi32, #tpu.memory_space<vmem>>, vector<16xi32>,
    tpu.vector_store %arg12[%swap3A_73], %add3A_72 {strides = array<i32>} : memref<80xi32, #tpu.memory_space<vmem>>, vector<16xi32>,
    %shift_right_logical3A = arith.constant 4 : i32
    %shift_right_logical3A_75 = vector.broadcast %shift_right_logical3A : i32 to vector<16xi32>
    %shift_right_logical3A_76 = arith.shrui %get3A_66, %shift_right_logical3A_75 : vector<16xi32>
    %swap3A_77 = arith.constant 0 : index
    %swap3A_78 = tpu.vector_load %arg13[%swap3A_77] {strides = array<i32>} : memref<80xi32, #tpu.memory_space<vmem>>, vector<16xi32>,
    tpu.vector_store %arg13[%swap3A_77], %shift_right_logical3A_76 {strides = array<i32>} : memref<80xi32, #tpu.memory_space<vmem>>, vector<16xi32>,
    %rem3A = arith.constant 16 : i32
    %rem3A_79 = vector.broadcast %rem3A : i32 to vector<16xi32>
    %rem3A_80 = arith.remsi %get3A_66, %rem3A_79 : vector<16xi32>
    %swap3A_81 = arith.constant 0 : index
    %swap3A_82 = tpu.vector_load %arg14[%swap3A_81] {strides = array<i32>} : memref<96xi32, #tpu.memory_space<vmem>>, vector<16xi32>,
    tpu.vector_store %arg14[%swap3A_81], %rem3A_80 {strides = array<i32>} : memref<96xi32, #tpu.memory_space<vmem>>, vector<16xi32>,
    %swap3A_83 = arith.constant 0 : index
    %swap3A_84 = tpu.vector_load %arg15[%swap3A_83] {strides = array<i32>} : memref<80xi32, #tpu.memory_space<vmem>>, vector<16xi32>,
    tpu.vector_store %arg15[%swap3A_83], %get3A_66 {strides = array<i32>} : memref<80xi32, #tpu.memory_space<vmem>>, vector<16xi32>,
    %get3A_85 = arith.constant 16 : index
    %get3A_86 = tpu.vector_load %arg10[%get3A_85] {strides = array<i32>} : memref<80xi32, #tpu.memory_space<vmem>>, vector<16xi32>,
    %add3A_87 = vector.broadcast %mul3A_0 : i32 to vector<16xi32>
    %add3A_88 = arith.addi %get3A_86, %add3A_87 : vector<16xi32>
    %swap3A_89 = arith.constant 16 : index
    %swap3A_90 = tpu.vector_load %arg11[%swap3A_89] {strides = array<i32>} : memref<80xi32, #tpu.memory_space<vmem>>, vector<16xi32>,
    tpu.vector_store %arg11[%swap3A_89], %add3A_88 {strides = array<i32>} : memref<80xi32, #tpu.memory_space<vmem>>, vector<16xi32>,
    %get3A_91 = arith.constant 16 : index
    %get3A_92 = tpu.vector_load %arg12[%get3A_91] {strides = array<i32>} : memref<80xi32, #tpu.memory_space<vmem>>, vector<16xi32>,
    %add3A_93 = vector.broadcast %mul3A_0 : i32 to vector<16xi32>
    %add3A_94 = arith.addi %get3A_92, %add3A_93 : vector<16xi32>
    %swap3A_95 = arith.constant 16 : index
    %swap3A_96 = tpu.vector_load %arg12[%swap3A_95] {strides = array<i32>} : memref<80xi32, #tpu.memory_space<vmem>>, vector<16xi32>,
    tpu.vector_store %arg12[%swap3A_95], %add3A_94 {strides = array<i32>} : memref<80xi32, #tpu.memory_space<vmem>>, vector<16xi32>,
    %shift_right_logical3A_97 = arith.constant 4 : i32
    %shift_right_logical3A_98 = vector.broadcast %shift_right_logical3A_97 : i32 to vector<16xi32>
    %shift_right_logical3A_99 = arith.shrui %get3A_86, %shift_right_logical3A_98 : vector<16xi32>
    %swap3A_100 = arith.constant 16 : index
    %swap3A_101 = tpu.vector_load %arg13[%swap3A_100] {strides = array<i32>} : memref<80xi32, #tpu.memory_space<vmem>>, vector<16xi32>,
    tpu.vector_store %arg13[%swap3A_100], %shift_right_logical3A_99 {strides = array<i32>} : memref<80xi32, #tpu.memory_space<vmem>>, vector<16xi32>,
    %rem3A_102 = arith.constant 16 : i32
    %rem3A_103 = vector.broadcast %rem3A_102 : i32 to vector<16xi32>
    %rem3A_104 = arith.remsi %get3A_86, %rem3A_103 : vector<16xi32>
    %swap3A_105 = arith.constant 16 : index
    %swap3A_106 = tpu.vector_load %arg14[%swap3A_105] {strides = array<i32>} : memref<96xi32, #tpu.memory_space<vmem>>, vector<16xi32>,
    tpu.vector_store %arg14[%swap3A_105], %rem3A_104 {strides = array<i32>} : memref<96xi32, #tpu.memory_space<vmem>>, vector<16xi32>,
    %swap3A_107 = arith.constant 16 : index
    %swap3A_108 = tpu.vector_load %arg15[%swap3A_107] {strides = array<i32>} : memref<80xi32, #tpu.memory_space<vmem>>, vector<16xi32>,
    tpu.vector_store %arg15[%swap3A_107], %get3A_86 {strides = array<i32>} : memref<80xi32, #tpu.memory_space<vmem>>, vector<16xi32>,
    %get3A_109 = arith.constant 32 : index
    %get3A_110 = tpu.vector_load %arg10[%get3A_109] {strides = array<i32>} : memref<80xi32, #tpu.memory_space<vmem>>, vector<16xi32>,
    %add3A_111 = vector.broadcast %mul3A_0 : i32 to vector<16xi32>
    %add3A_112 = arith.addi %get3A_110, %add3A_111 : vector<16xi32>
    %swap3A_113 = arith.constant 32 : index
    %swap3A_114 = tpu.vector_load %arg11[%swap3A_113] {strides = array<i32>} : memref<80xi32, #tpu.memory_space<vmem>>, vector<16xi32>,
    tpu.vector_store %arg11[%swap3A_113], %add3A_112 {strides = array<i32>} : memref<80xi32, #tpu.memory_space<vmem>>, vector<16xi32>,
    %get3A_115 = arith.constant 32 : index
    %get3A_116 = tpu.vector_load %arg12[%get3A_115] {strides = array<i32>} : memref<80xi32, #tpu.memory_space<vmem>>, vector<16xi32>,
    %add3A_117 = vector.broadcast %mul3A_0 : i32 to vector<16xi32>
    %add3A_118 = arith.addi %get3A_116, %add3A_117 : vector<16xi32>
    %swap3A_119 = arith.constant 32 : index
    %swap3A_120 = tpu.vector_load %arg12[%swap3A_119] {strides = array<i32>} : memref<80xi32, #tpu.memory_space<vmem>>, vector<16xi32>,
    tpu.vector_store %arg12[%swap3A_119], %add3A_118 {strides = array<i32>} : memref<80xi32, #tpu.memory_space<vmem>>, vector<16xi32>,
    %shift_right_logical3A_121 = arith.constant 4 : i32
    %shift_right_logical3A_122 = vector.broadcast %shift_right_logical3A_121 : i32 to vector<16xi32>
    %shift_right_logical3A_123 = arith.shrui %get3A_110, %shift_right_logical3A_122 : vector<16xi32>
    %swap3A_124 = arith.constant 32 : index
    %swap3A_125 = tpu.vector_load %arg13[%swap3A_124] {strides = array<i32>} : memref<80xi32, #tpu.memory_space<vmem>>, vector<16xi32>,
    tpu.vector_store %arg13[%swap3A_124], %shift_right_logical3A_123 {strides = array<i32>} : memref<80xi32, #tpu.memory_space<vmem>>, vector<16xi32>,
    %rem3A_126 = arith.constant 16 : i32
    %rem3A_127 = vector.broadcast %rem3A_126 : i32 to vector<16xi32>
    %rem3A_128 = arith.remsi %get3A_110, %rem3A_127 : vector<16xi32>
    %swap3A_129 = arith.constant 32 : index
    %swap3A_130 = tpu.vector_load %arg14[%swap3A_129] {strides = array<i32>} : memref<96xi32, #tpu.memory_space<vmem>>, vector<16xi32>,
    tpu.vector_store %arg14[%swap3A_129], %rem3A_128 {strides = array<i32>} : memref<96xi32, #tpu.memory_space<vmem>>, vector<16xi32>,
    %swap3A_131 = arith.constant 32 : index
    %swap3A_132 = tpu.vector_load %arg15[%swap3A_131] {strides = array<i32>} : memref<80xi32, #tpu.memory_space<vmem>>, vector<16xi32>,
    tpu.vector_store %arg15[%swap3A_131], %get3A_110 {strides = array<i32>} : memref<80xi32, #tpu.memory_space<vmem>>, vector<16xi32>,
    %get3A_133 = arith.constant 48 : index
    %get3A_134 = tpu.vector_load %arg10[%get3A_133] {strides = array<i32>} : memref<80xi32, #tpu.memory_space<vmem>>, vector<16xi32>,
    %add3A_135 = vector.broadcast %mul3A_0 : i32 to vector<16xi32>
    %add3A_136 = arith.addi %get3A_134, %add3A_135 : vector<16xi32>
    %swap3A_137 = arith.constant 48 : index
    %swap3A_138 = tpu.vector_load %arg11[%swap3A_137] {strides = array<i32>} : memref<80xi32, #tpu.memory_space<vmem>>, vector<16xi32>,
    tpu.vector_store %arg11[%swap3A_137], %add3A_136 {strides = array<i32>} : memref<80xi32, #tpu.memory_space<vmem>>, vector<16xi32>,
    %get3A_139 = arith.constant 48 : index
    %get3A_140 = tpu.vector_load %arg12[%get3A_139] {strides = array<i32>} : memref<80xi32, #tpu.memory_space<vmem>>, vector<16xi32>,
    %add3A_141 = vector.broadcast %mul3A_0 : i32 to vector<16xi32>
    %add3A_142 = arith.addi %get3A_140, %add3A_141 : vector<16xi32>
    %swap3A_143 = arith.constant 48 : index
    %swap3A_144 = tpu.vector_load %arg12[%swap3A_143] {strides = array<i32>} : memref<80xi32, #tpu.memory_space<vmem>>, vector<16xi32>,
    tpu.vector_store %arg12[%swap3A_143], %add3A_142 {strides = array<i32>} : memref<80xi32, #tpu.memory_space<vmem>>, vector<16xi32>,
    %shift_right_logical3A_145 = arith.constant 4 : i32
    %shift_right_logical3A_146 = vector.broadcast %shift_right_logical3A_145 : i32 to vector<16xi32>
    %shift_right_logical3A_147 = arith.shrui %get3A_134, %shift_right_logical3A_146 : vector<16xi32>
    %swap3A_148 = arith.constant 48 : index
    %swap3A_149 = tpu.vector_load %arg13[%swap3A_148] {strides = array<i32>} : memref<80xi32, #tpu.memory_space<vmem>>, vector<16xi32>,
    tpu.vector_store %arg13[%swap3A_148], %shift_right_logical3A_147 {strides = array<i32>} : memref<80xi32, #tpu.memory_space<vmem>>, vector<16xi32>,
    %rem3A_150 = arith.constant 16 : i32
    %rem3A_151 = vector.broadcast %rem3A_150 : i32 to vector<16xi32>
    %rem3A_152 = arith.remsi %get3A_134, %rem3A_151 : vector<16xi32>
    %swap3A_153 = arith.constant 48 : index
    %swap3A_154 = tpu.vector_load %arg14[%swap3A_153] {strides = array<i32>} : memref<96xi32, #tpu.memory_space<vmem>>, vector<16xi32>,
    tpu.vector_store %arg14[%swap3A_153], %rem3A_152 {strides = array<i32>} : memref<96xi32, #tpu.memory_space<vmem>>, vector<16xi32>,
    %swap3A_155 = arith.constant 48 : index
    %swap3A_156 = tpu.vector_load %arg15[%swap3A_155] {strides = array<i32>} : memref<80xi32, #tpu.memory_space<vmem>>, vector<16xi32>,
    tpu.vector_store %arg15[%swap3A_155], %get3A_134 {strides = array<i32>} : memref<80xi32, #tpu.memory_space<vmem>>, vector<16xi32>,
    %get3A_157 = arith.constant 64 : index
    %get3A_158 = tpu.vector_load %arg10[%get3A_157] {strides = array<i32>} : memref<80xi32, #tpu.memory_space<vmem>>, vector<16xi32>,
    %add3A_159 = vector.broadcast %mul3A_0 : i32 to vector<16xi32>
    %add3A_160 = arith.addi %get3A_158, %add3A_159 : vector<16xi32>
    %swap3A_161 = arith.constant 64 : index
    %swap3A_162 = tpu.vector_load %arg11[%swap3A_161] {strides = array<i32>} : memref<80xi32, #tpu.memory_space<vmem>>, vector<16xi32>,
    tpu.vector_store %arg11[%swap3A_161], %add3A_160 {strides = array<i32>} : memref<80xi32, #tpu.memory_space<vmem>>, vector<16xi32>,
    %get3A_163 = arith.constant 64 : index
    %get3A_164 = tpu.vector_load %arg12[%get3A_163] {strides = array<i32>} : memref<80xi32, #tpu.memory_space<vmem>>, vector<16xi32>,
    %add3A_165 = vector.broadcast %mul3A_0 : i32 to vector<16xi32>
    %add3A_166 = arith.addi %get3A_164, %add3A_165 : vector<16xi32>
    %swap3A_167 = arith.constant 64 : index
    %swap3A_168 = tpu.vector_load %arg12[%swap3A_167] {strides = array<i32>} : memref<80xi32, #tpu.memory_space<vmem>>, vector<16xi32>,
    tpu.vector_store %arg12[%swap3A_167], %add3A_166 {strides = array<i32>} : memref<80xi32, #tpu.memory_space<vmem>>, vector<16xi32>,
    %shift_right_logical3A_169 = arith.constant 4 : i32
    %shift_right_logical3A_170 = vector.broadcast %shift_right_logical3A_169 : i32 to vector<16xi32>
    %shift_right_logical3A_171 = arith.shrui %get3A_158, %shift_right_logical3A_170 : vector<16xi32>
    %swap3A_172 = arith.constant 64 : index
    %swap3A_173 = tpu.vector_load %arg13[%swap3A_172] {strides = array<i32>} : memref<80xi32, #tpu.memory_space<vmem>>, vector<16xi32>,
    tpu.vector_store %arg13[%swap3A_172], %shift_right_logical3A_171 {strides = array<i32>} : memref<80xi32, #tpu.memory_space<vmem>>, vector<16xi32>,
    %rem3A_174 = arith.constant 16 : i32
    %rem3A_175 = vector.broadcast %rem3A_174 : i32 to vector<16xi32>
    %rem3A_176 = arith.remsi %get3A_158, %rem3A_175 : vector<16xi32>
    %swap3A_177 = arith.constant 64 : index
    %swap3A_178 = tpu.vector_load %arg14[%swap3A_177] {strides = array<i32>} : memref<96xi32, #tpu.memory_space<vmem>>, vector<16xi32>,
    tpu.vector_store %arg14[%swap3A_177], %rem3A_176 {strides = array<i32>} : memref<96xi32, #tpu.memory_space<vmem>>, vector<16xi32>,
    %swap3A_179 = arith.constant 64 : index
    %swap3A_180 = tpu.vector_load %arg15[%swap3A_179] {strides = array<i32>} : memref<80xi32, #tpu.memory_space<vmem>>, vector<16xi32>,
    tpu.vector_store %arg15[%swap3A_179], %get3A_158 {strides = array<i32>} : memref<80xi32, #tpu.memory_space<vmem>>, vector<16xi32>,
    %dma_start3A_181 = arith.constant 0 : i32
    %dma_start3A_182 = arith.constant 0 : i32
    %dma_start3A_183 = tpu.memref_slice %arg2[%dma_start3A_181, %dma_start3A_182] : memref<20000x128xf32, #tpu.memory_space<hbm>> -> memref<20000x128xf32, #tpu.memory_space<hbm>>
    tpu.enqueue_indirect_dma source(%dma_start3A_183 : memref<20000x128xf32, #tpu.memory_space<hbm>>) target(%arg22 : memref<80x128xf32, #tpu.memory_space<vmem>>) offsets(%arg11 : memref<80xi32, #tpu.memory_space<vmem>>) semaphore(%arg26 : memref<!tpu.dma_semaphore, #tpu.memory_space<semaphore_mem>>)
    %dma_start3A_184 = arith.constant 0 : i32
    %dma_start3A_185 = arith.constant 0 : i32
    %dma_start3A_186 = tpu.memref_slice %arg3[%dma_start3A_184, %dma_start3A_185] : memref<20000x128xf32, #tpu.memory_space<hbm>> -> memref<20000x128xf32, #tpu.memory_space<hbm>>
    tpu.enqueue_indirect_dma source(%dma_start3A_186 : memref<20000x128xf32, #tpu.memory_space<hbm>>) target(%arg23 : memref<80x128xf32, #tpu.memory_space<vmem>>) offsets(%arg12 : memref<80xi32, #tpu.memory_space<vmem>>) semaphore(%arg27 : memref<!tpu.dma_semaphore, #tpu.memory_space<semaphore_mem>>)
    %add3A_187 = arith.constant 1 : i32
    %add3A_188 = arith.addi %mul3A_55, %add3A_187 : i32
    %mul3A_189 = arith.constant 80 : i32
    %mul3A_190 = arith.muli %add3A_188, %mul3A_189 : i32
    %dma_start3A_191 = tpu.memref_slice %arg4[%mul3A_190] : memref<160000xi32, #tpu.memory_space<hbm>> -> memref<80xi32, #tpu.memory_space<hbm>>
    %dma_start3A_192 = tpu.memref_slice %arg4[%mul3A_190] : memref<160000xi32, #tpu.memory_space<hbm>> -> memref<80xi32, #tpu.memory_space<hbm>>
    tpu.enqueue_dma source(%dma_start3A_192 : memref<80xi32, #tpu.memory_space<hbm>>) target(%arg16 : memref<80xi32, #tpu.memory_space<vmem>>) target_semaphore(%arg36 : memref<!tpu.dma_semaphore, #tpu.memory_space<semaphore_mem>>)
    %dma_start3A_193 = tpu.memref_slice %arg5[%mul3A_190] : memref<160000xi32, #tpu.memory_space<hbm>> -> memref<80xi32, #tpu.memory_space<hbm>>
    %dma_start3A_194 = tpu.memref_slice %arg5[%mul3A_190] : memref<160000xi32, #tpu.memory_space<hbm>> -> memref<80xi32, #tpu.memory_space<hbm>>
    tpu.enqueue_dma source(%dma_start3A_194 : memref<80xi32, #tpu.memory_space<hbm>>) target(%arg18 : memref<80xi32, #tpu.memory_space<vmem>>) target_semaphore(%arg37 : memref<!tpu.dma_semaphore, #tpu.memory_space<semaphore_mem>>)
    %mul3A_195 = arith.constant 80 : i32
    %mul3A_196 = arith.muli %add3A_188, %mul3A_195 : i32
    %dma_wait3A_197 = tpu.memref_slice %arg4[%mul3A_196] : memref<160000xi32, #tpu.memory_space<hbm>> -> memref<80xi32, #tpu.memory_space<hbm>>
    %dma_wait3A_198 = tpu.memref_slice %arg4[%mul3A_196] : memref<160000xi32, #tpu.memory_space<hbm>> -> memref<80xi32, #tpu.memory_space<hbm>>
    tpu.wait_dma2 semaphore(%arg36 : memref<!tpu.dma_semaphore, #tpu.memory_space<semaphore_mem>>) src(%dma_wait3A_198 : memref<80xi32, #tpu.memory_space<hbm>>) dst(%arg16 : memref<80xi32, #tpu.memory_space<vmem>>)
    %dma_wait3A_199 = tpu.memref_slice %arg5[%mul3A_196] : memref<160000xi32, #tpu.memory_space<hbm>> -> memref<80xi32, #tpu.memory_space<hbm>>
    %dma_wait3A_200 = tpu.memref_slice %arg5[%mul3A_196] : memref<160000xi32, #tpu.memory_space<hbm>> -> memref<80xi32, #tpu.memory_space<hbm>>
    tpu.wait_dma2 semaphore(%arg37 : memref<!tpu.dma_semaphore, #tpu.memory_space<semaphore_mem>>) src(%dma_wait3A_200 : memref<80xi32, #tpu.memory_space<hbm>>) dst(%arg18 : memref<80xi32, #tpu.memory_space<vmem>>)
    %get3A_201 = arith.constant 0 : index
    %get3A_202 = tpu.vector_load %arg16[%get3A_201] {strides = array<i32>} : memref<80xi32, #tpu.memory_space<vmem>>, vector<16xi32>,
    %add3A_203 = vector.broadcast %mul3A_0 : i32 to vector<16xi32>
    %add3A_204 = arith.addi %get3A_202, %add3A_203 : vector<16xi32>
    %swap3A_205 = arith.constant 0 : index
    %swap3A_206 = tpu.vector_load %arg17[%swap3A_205] {strides = array<i32>} : memref<80xi32, #tpu.memory_space<vmem>>, vector<16xi32>,
    tpu.vector_store %arg17[%swap3A_205], %add3A_204 {strides = array<i32>} : memref<80xi32, #tpu.memory_space<vmem>>, vector<16xi32>,
    %get3A_207 = arith.constant 0 : index
    %get3A_208 = tpu.vector_load %arg18[%get3A_207] {strides = array<i32>} : memref<80xi32, #tpu.memory_space<vmem>>, vector<16xi32>,
    %add3A_209 = vector.broadcast %mul3A_0 : i32 to vector<16xi32>
    %add3A_210 = arith.addi %get3A_208, %add3A_209 : vector<16xi32>
    %swap3A_211 = arith.constant 0 : index
    %swap3A_212 = tpu.vector_load %arg18[%swap3A_211] {strides = array<i32>} : memref<80xi32, #tpu.memory_space<vmem>>, vector<16xi32>,
    tpu.vector_store %arg18[%swap3A_211], %add3A_210 {strides = array<i32>} : memref<80xi32, #tpu.memory_space<vmem>>, vector<16xi32>,
    %shift_right_logical3A_213 = arith.constant 4 : i32
    %shift_right_logical3A_214 = vector.broadcast %shift_right_logical3A_213 : i32 to vector<16xi32>
    %shift_right_logical3A_215 = arith.shrui %get3A_202, %shift_right_logical3A_214 : vector<16xi32>
    %swap3A_216 = arith.constant 0 : index
    %swap3A_217 = tpu.vector_load %arg19[%swap3A_216] {strides = array<i32>} : memref<80xi32, #tpu.memory_space<vmem>>, vector<16xi32>,
    tpu.vector_store %arg19[%swap3A_216], %shift_right_logical3A_215 {strides = array<i32>} : memref<80xi32, #tpu.memory_space<vmem>>, vector<16xi32>,
    %rem3A_218 = arith.constant 16 : i32
    %rem3A_219 = vector.broadcast %rem3A_218 : i32 to vector<16xi32>
    %rem3A_220 = arith.remsi %get3A_202, %rem3A_219 : vector<16xi32>
    %swap3A_221 = arith.constant 0 : index
    %swap3A_222 = tpu.vector_load %arg20[%swap3A_221] {strides = array<i32>} : memref<96xi32, #tpu.memory_space<vmem>>, vector<16xi32>,
    tpu.vector_store %arg20[%swap3A_221], %rem3A_220 {strides = array<i32>} : memref<96xi32, #tpu.memory_space<vmem>>, vector<16xi32>,
    %swap3A_223 = arith.constant 0 : index
    %swap3A_224 = tpu.vector_load %arg21[%swap3A_223] {strides = array<i32>} : memref<80xi32, #tpu.memory_space<vmem>>, vector<16xi32>,
    tpu.vector_store %arg21[%swap3A_223], %get3A_202 {strides = array<i32>} : memref<80xi32, #tpu.memory_space<vmem>>, vector<16xi32>,
    %get3A_225 = arith.constant 16 : index
    %get3A_226 = tpu.vector_load %arg16[%get3A_225] {strides = array<i32>} : memref<80xi32, #tpu.memory_space<vmem>>, vector<16xi32>,
    %add3A_227 = vector.broadcast %mul3A_0 : i32 to vector<16xi32>
    %add3A_228 = arith.addi %get3A_226, %add3A_227 : vector<16xi32>
    %swap3A_229 = arith.constant 16 : index
    %swap3A_230 = tpu.vector_load %arg17[%swap3A_229] {strides = array<i32>} : memref<80xi32, #tpu.memory_space<vmem>>, vector<16xi32>,
    tpu.vector_store %arg17[%swap3A_229], %add3A_228 {strides = array<i32>} : memref<80xi32, #tpu.memory_space<vmem>>, vector<16xi32>,
    %get3A_231 = arith.constant 16 : index
    %get3A_232 = tpu.vector_load %arg18[%get3A_231] {strides = array<i32>} : memref<80xi32, #tpu.memory_space<vmem>>, vector<16xi32>,
    %add3A_233 = vector.broadcast %mul3A_0 : i32 to vector<16xi32>
    %add3A_234 = arith.addi %get3A_232, %add3A_233 : vector<16xi32>
    %swap3A_235 = arith.constant 16 : index
    %swap3A_236 = tpu.vector_load %arg18[%swap3A_235] {strides = array<i32>} : memref<80xi32, #tpu.memory_space<vmem>>, vector<16xi32>,
    tpu.vector_store %arg18[%swap3A_235], %add3A_234 {strides = array<i32>} : memref<80xi32, #tpu.memory_space<vmem>>, vector<16xi32>,
    %shift_right_logical3A_237 = arith.constant 4 : i32
    %shift_right_logical3A_238 = vector.broadcast %shift_right_logical3A_237 : i32 to vector<16xi32>
    %shift_right_logical3A_239 = arith.shrui %get3A_226, %shift_right_logical3A_238 : vector<16xi32>
    %swap3A_240 = arith.constant 16 : index
    %swap3A_241 = tpu.vector_load %arg19[%swap3A_240] {strides = array<i32>} : memref<80xi32, #tpu.memory_space<vmem>>, vector<16xi32>,
    tpu.vector_store %arg19[%swap3A_240], %shift_right_logical3A_239 {strides = array<i32>} : memref<80xi32, #tpu.memory_space<vmem>>, vector<16xi32>,
    %rem3A_242 = arith.constant 16 : i32
    %rem3A_243 = vector.broadcast %rem3A_242 : i32 to vector<16xi32>
    %rem3A_244 = arith.remsi %get3A_226, %rem3A_243 : vector<16xi32>
    %swap3A_245 = arith.constant 16 : index
    %swap3A_246 = tpu.vector_load %arg20[%swap3A_245] {strides = array<i32>} : memref<96xi32, #tpu.memory_space<vmem>>, vector<16xi32>,
    tpu.vector_store %arg20[%swap3A_245], %rem3A_244 {strides = array<i32>} : memref<96xi32, #tpu.memory_space<vmem>>, vector<16xi32>,
    %swap3A_247 = arith.constant 16 : index
    %swap3A_248 = tpu.vector_load %arg21[%swap3A_247] {strides = array<i32>} : memref<80xi32, #tpu.memory_space<vmem>>, vector<16xi32>,
    tpu.vector_store %arg21[%swap3A_247], %get3A_226 {strides = array<i32>} : memref<80xi32, #tpu.memory_space<vmem>>, vector<16xi32>,
    %get3A_249 = arith.constant 32 : index
    %get3A_250 = tpu.vector_load %arg16[%get3A_249] {strides = array<i32>} : memref<80xi32, #tpu.memory_space<vmem>>, vector<16xi32>,
    %add3A_251 = vector.broadcast %mul3A_0 : i32 to vector<16xi32>
    %add3A_252 = arith.addi %get3A_250, %add3A_251 : vector<16xi32>
    %swap3A_253 = arith.constant 32 : index
    %swap3A_254 = tpu.vector_load %arg17[%swap3A_253] {strides = array<i32>} : memref<80xi32, #tpu.memory_space<vmem>>, vector<16xi32>,
    tpu.vector_store %arg17[%swap3A_253], %add3A_252 {strides = array<i32>} : memref<80xi32, #tpu.memory_space<vmem>>, vector<16xi32>,
    %get3A_255 = arith.constant 32 : index
    %get3A_256 = tpu.vector_load %arg18[%get3A_255] {strides = array<i32>} : memref<80xi32, #tpu.memory_space<vmem>>, vector<16xi32>,
    %add3A_257 = vector.broadcast %mul3A_0 : i32 to vector<16xi32>
    %add3A_258 = arith.addi %get3A_256, %add3A_257 : vector<16xi32>
    %swap3A_259 = arith.constant 32 : index
    %swap3A_260 = tpu.vector_load %arg18[%swap3A_259] {strides = array<i32>} : memref<80xi32, #tpu.memory_space<vmem>>, vector<16xi32>,
    tpu.vector_store %arg18[%swap3A_259], %add3A_258 {strides = array<i32>} : memref<80xi32, #tpu.memory_space<vmem>>, vector<16xi32>,
    %shift_right_logical3A_261 = arith.constant 4 : i32
    %shift_right_logical3A_262 = vector.broadcast %shift_right_logical3A_261 : i32 to vector<16xi32>
    %shift_right_logical3A_263 = arith.shrui %get3A_250, %shift_right_logical3A_262 : vector<16xi32>
    %swap3A_264 = arith.constant 32 : index
    %swap3A_265 = tpu.vector_load %arg19[%swap3A_264] {strides = array<i32>} : memref<80xi32, #tpu.memory_space<vmem>>, vector<16xi32>,
    tpu.vector_store %arg19[%swap3A_264], %shift_right_logical3A_263 {strides = array<i32>} : memref<80xi32, #tpu.memory_space<vmem>>, vector<16xi32>,
    %rem3A_266 = arith.constant 16 : i32
    %rem3A_267 = vector.broadcast %rem3A_266 : i32 to vector<16xi32>
    %rem3A_268 = arith.remsi %get3A_250, %rem3A_267 : vector<16xi32>
    %swap3A_269 = arith.constant 32 : index
    %swap3A_270 = tpu.vector_load %arg20[%swap3A_269] {strides = array<i32>} : memref<96xi32, #tpu.memory_space<vmem>>, vector<16xi32>,
    tpu.vector_store %arg20[%swap3A_269], %rem3A_268 {strides = array<i32>} : memref<96xi32, #tpu.memory_space<vmem>>, vector<16xi32>,
    %swap3A_271 = arith.constant 32 : index
    %swap3A_272 = tpu.vector_load %arg21[%swap3A_271] {strides = array<i32>} : memref<80xi32, #tpu.memory_space<vmem>>, vector<16xi32>,
    tpu.vector_store %arg21[%swap3A_271], %get3A_250 {strides = array<i32>} : memref<80xi32, #tpu.memory_space<vmem>>, vector<16xi32>,
    %get3A_273 = arith.constant 48 : index
    %get3A_274 = tpu.vector_load %arg16[%get3A_273] {strides = array<i32>} : memref<80xi32, #tpu.memory_space<vmem>>, vector<16xi32>,
    %add3A_275 = vector.broadcast %mul3A_0 : i32 to vector<16xi32>
    %add3A_276 = arith.addi %get3A_274, %add3A_275 : vector<16xi32>
    %swap3A_277 = arith.constant 48 : index
    %swap3A_278 = tpu.vector_load %arg17[%swap3A_277] {strides = array<i32>} : memref<80xi32, #tpu.memory_space<vmem>>, vector<16xi32>,
    tpu.vector_store %arg17[%swap3A_277], %add3A_276 {strides = array<i32>} : memref<80xi32, #tpu.memory_space<vmem>>, vector<16xi32>,
    %get3A_279 = arith.constant 48 : index
    %get3A_280 = tpu.vector_load %arg18[%get3A_279] {strides = array<i32>} : memref<80xi32, #tpu.memory_space<vmem>>, vector<16xi32>,
    %add3A_281 = vector.broadcast %mul3A_0 : i32 to vector<16xi32>
    %add3A_282 = arith.addi %get3A_280, %add3A_281 : vector<16xi32>
    %swap3A_283 = arith.constant 48 : index
    %swap3A_284 = tpu.vector_load %arg18[%swap3A_283] {strides = array<i32>} : memref<80xi32, #tpu.memory_space<vmem>>, vector<16xi32>,
    tpu.vector_store %arg18[%swap3A_283], %add3A_282 {strides = array<i32>} : memref<80xi32, #tpu.memory_space<vmem>>, vector<16xi32>,
    %shift_right_logical3A_285 = arith.constant 4 : i32
    %shift_right_logical3A_286 = vector.broadcast %shift_right_logical3A_285 : i32 to vector<16xi32>
    %shift_right_logical3A_287 = arith.shrui %get3A_274, %shift_right_logical3A_286 : vector<16xi32>
    %swap3A_288 = arith.constant 48 : index
    %swap3A_289 = tpu.vector_load %arg19[%swap3A_288] {strides = array<i32>} : memref<80xi32, #tpu.memory_space<vmem>>, vector<16xi32>,
    tpu.vector_store %arg19[%swap3A_288], %shift_right_logical3A_287 {strides = array<i32>} : memref<80xi32, #tpu.memory_space<vmem>>, vector<16xi32>,
    %rem3A_290 = arith.constant 16 : i32
    %rem3A_291 = vector.broadcast %rem3A_290 : i32 to vector<16xi32>
    %rem3A_292 = arith.remsi %get3A_274, %rem3A_291 : vector<16xi32>
    %swap3A_293 = arith.constant 48 : index
    %swap3A_294 = tpu.vector_load %arg20[%swap3A_293] {strides = array<i32>} : memref<96xi32, #tpu.memory_space<vmem>>, vector<16xi32>,
    tpu.vector_store %arg20[%swap3A_293], %rem3A_292 {strides = array<i32>} : memref<96xi32, #tpu.memory_space<vmem>>, vector<16xi32>,
    %swap3A_295 = arith.constant 48 : index
    %swap3A_296 = tpu.vector_load %arg21[%swap3A_295] {strides = array<i32>} : memref<80xi32, #tpu.memory_space<vmem>>, vector<16xi32>,
    tpu.vector_store %arg21[%swap3A_295], %get3A_274 {strides = array<i32>} : memref<80xi32, #tpu.memory_space<vmem>>, vector<16xi32>,
    %get3A_297 = arith.constant 64 : index
    %get3A_298 = tpu.vector_load %arg16[%get3A_297] {strides = array<i32>} : memref<80xi32, #tpu.memory_space<vmem>>, vector<16xi32>,
    %add3A_299 = vector.broadcast %mul3A_0 : i32 to vector<16xi32>
    %add3A_300 = arith.addi %get3A_298, %add3A_299 : vector<16xi32>
    %swap3A_301 = arith.constant 64 : index
    %swap3A_302 = tpu.vector_load %arg17[%swap3A_301] {strides = array<i32>} : memref<80xi32, #tpu.memory_space<vmem>>, vector<16xi32>,
    tpu.vector_store %arg17[%swap3A_301], %add3A_300 {strides = array<i32>} : memref<80xi32, #tpu.memory_space<vmem>>, vector<16xi32>,
    %get3A_303 = arith.constant 64 : index
    %get3A_304 = tpu.vector_load %arg18[%get3A_303] {strides = array<i32>} : memref<80xi32, #tpu.memory_space<vmem>>, vector<16xi32>,
    %add3A_305 = vector.broadcast %mul3A_0 : i32 to vector<16xi32>
    %add3A_306 = arith.addi %get3A_304, %add3A_305 : vector<16xi32>
    %swap3A_307 = arith.constant 64 : index
    %swap3A_308 = tpu.vector_load %arg18[%swap3A_307] {strides = array<i32>} : memref<80xi32, #tpu.memory_space<vmem>>, vector<16xi32>,
    tpu.vector_store %arg18[%swap3A_307], %add3A_306 {strides = array<i32>} : memref<80xi32, #tpu.memory_space<vmem>>, vector<16xi32>,
    %shift_right_logical3A_309 = arith.constant 4 : i32
    %shift_right_logical3A_310 = vector.broadcast %shift_right_logical3A_309 : i32 to vector<16xi32>
    %shift_right_logical3A_311 = arith.shrui %get3A_298, %shift_right_logical3A_310 : vector<16xi32>
    %swap3A_312 = arith.constant 64 : index
    %swap3A_313 = tpu.vector_load %arg19[%swap3A_312] {strides = array<i32>} : memref<80xi32, #tpu.memory_space<vmem>>, vector<16xi32>,
    tpu.vector_store %arg19[%swap3A_312], %shift_right_logical3A_311 {strides = array<i32>} : memref<80xi32, #tpu.memory_space<vmem>>, vector<16xi32>,
    %rem3A_314 = arith.constant 16 : i32
    %rem3A_315 = vector.broadcast %rem3A_314 : i32 to vector<16xi32>
    %rem3A_316 = arith.remsi %get3A_298, %rem3A_315 : vector<16xi32>
    %swap3A_317 = arith.constant 64 : index
    %swap3A_318 = tpu.vector_load %arg20[%swap3A_317] {strides = array<i32>} : memref<96xi32, #tpu.memory_space<vmem>>, vector<16xi32>,
    tpu.vector_store %arg20[%swap3A_317], %rem3A_316 {strides = array<i32>} : memref<96xi32, #tpu.memory_space<vmem>>, vector<16xi32>,
    %swap3A_319 = arith.constant 64 : index
    %swap3A_320 = tpu.vector_load %arg21[%swap3A_319] {strides = array<i32>} : memref<80xi32, #tpu.memory_space<vmem>>, vector<16xi32>,
    tpu.vector_store %arg21[%swap3A_319], %get3A_298 {strides = array<i32>} : memref<80xi32, #tpu.memory_space<vmem>>, vector<16xi32>,
    %dma_start3A_321 = arith.constant 0 : i32
    %dma_start3A_322 = arith.constant 0 : i32
    %dma_start3A_323 = tpu.memref_slice %arg2[%dma_start3A_321, %dma_start3A_322] : memref<20000x128xf32, #tpu.memory_space<hbm>> -> memref<20000x128xf32, #tpu.memory_space<hbm>>
    tpu.enqueue_indirect_dma source(%dma_start3A_323 : memref<20000x128xf32, #tpu.memory_space<hbm>>) target(%arg24 : memref<80x128xf32, #tpu.memory_space<vmem>>) offsets(%arg17 : memref<80xi32, #tpu.memory_space<vmem>>) semaphore(%arg30 : memref<!tpu.dma_semaphore, #tpu.memory_space<semaphore_mem>>)
    %dma_start3A_324 = arith.constant 0 : i32
    %dma_start3A_325 = arith.constant 0 : i32
    %dma_start3A_326 = tpu.memref_slice %arg3[%dma_start3A_324, %dma_start3A_325] : memref<20000x128xf32, #tpu.memory_space<hbm>> -> memref<20000x128xf32, #tpu.memory_space<hbm>>
    tpu.enqueue_indirect_dma source(%dma_start3A_326 : memref<20000x128xf32, #tpu.memory_space<hbm>>) target(%arg25 : memref<80x128xf32, #tpu.memory_space<vmem>>) offsets(%arg18 : memref<80xi32, #tpu.memory_space<vmem>>) semaphore(%arg31 : memref<!tpu.dma_semaphore, #tpu.memory_space<semaphore_mem>>)
    %scan3A = arith.constant 0 : i32
    %scan3A_327 = arith.constant 0 : i32
    %scan3A_328 = arith.constant 62 : i32
    %scan3A_329 = arith.addi %scan3A_327, %scan3A_328 : i32
    %scan3A_330 = arith.constant 1 : i32
    scf.for %scan3A_371 = %scan3A_327 to %scan3A_329 step %scan3A_330  : i32 {
      %mul3A_372 = arith.constant 2 : i32
      %mul3A_373 = arith.muli %mul3A_372, %scan3A_371 : i32
      %add3A_374 = arith.addi %mul3A_55, %mul3A_373 : i32
      %dma_wait3A_375 = arith.constant 0 : i32
      %dma_wait3A_376 = arith.constant 0 : i32
      %dma_wait3A_377 = tpu.memref_slice %arg2[%dma_wait3A_375, %dma_wait3A_376] : memref<20000x128xf32, #tpu.memory_space<hbm>> -> memref<20000x128xf32, #tpu.memory_space<hbm>>
      tpu.wait_indirect_dma semaphore(%arg26 : memref<!tpu.dma_semaphore, #tpu.memory_space<semaphore_mem>>) src(%dma_wait3A_377 : memref<20000x128xf32, #tpu.memory_space<hbm>>) dst(%arg22 : memref<80x128xf32, #tpu.memory_space<vmem>>)
      %dma_wait3A_378 = arith.constant 0 : i32
      %dma_wait3A_379 = arith.constant 0 : i32
      %dma_wait3A_380 = tpu.memref_slice %arg3[%dma_wait3A_378, %dma_wait3A_379] : memref<20000x128xf32, #tpu.memory_space<hbm>> -> memref<20000x128xf32, #tpu.memory_space<hbm>>
      tpu.wait_indirect_dma semaphore(%arg27 : memref<!tpu.dma_semaphore, #tpu.memory_space<semaphore_mem>>) src(%dma_wait3A_380 : memref<20000x128xf32, #tpu.memory_space<hbm>>) dst(%arg23 : memref<80x128xf32, #tpu.memory_space<vmem>>)
      %parallel_loop3A_381 = arith.constant 0 : i32
      %parallel_loop3A_382 = arith.constant 80 : i32
      %parallel_loop3A_383 = arith.constant 1 : i32
      scf.for %parallel_loop3A_569 = %parallel_loop3A_381 to %parallel_loop3A_382 step %parallel_loop3A_383  : i32 {
        %parallel_loop3A_570 = arith.index_cast %parallel_loop3A_569 : i32 to index
        %parallel_loop3A_571 = tpu.vector_load %arg14[%parallel_loop3A_570] {strides = array<i32>} : memref<96xi32, #tpu.memory_space<vmem>>, vector<16xi32>,
        %parallel_loop3A_572 = vector.extract_strided_slice %parallel_loop3A_571 {offsets = [0], sizes = [1], strides = [1]} : vector<16xi32> to vector<1xi32>
        %parallel_loop3A_573 = vector.extract %parallel_loop3A_572[0] : i32 from vector<1xi32>
        %parallel_loop3A_574 = arith.index_cast %parallel_loop3A_569 : i32 to index
        %parallel_loop3A_575 = arith.constant 0 : index
        %parallel_loop3A_576 = tpu.vector_load %arg22[%parallel_loop3A_574, %parallel_loop3A_575] {strides = array<i32>} : memref<80x128xf32, #tpu.memory_space<vmem>>, vector<16xf32>,
        %parallel_loop3A_577 = arith.index_cast %parallel_loop3A_569 : i32 to index
        %parallel_loop3A_578 = arith.constant 16 : index
        %parallel_loop3A_579 = tpu.vector_load %arg22[%parallel_loop3A_577, %parallel_loop3A_578] {strides = array<i32>} : memref<80x128xf32, #tpu.memory_space<vmem>>, vector<16xf32>,
        %parallel_loop3A_580 = arith.index_cast %parallel_loop3A_569 : i32 to index
        %parallel_loop3A_581 = arith.constant 0 : index
        %parallel_loop3A_582 = tpu.vector_load %arg23[%parallel_loop3A_580, %parallel_loop3A_581] {strides = array<i32>} : memref<80x128xf32, #tpu.memory_space<vmem>>, vector<16xf32>,
        %parallel_loop3A_583 = arith.index_cast %parallel_loop3A_569 : i32 to index
        %parallel_loop3A_584 = arith.constant 16 : index
        %parallel_loop3A_585 = tpu.vector_load %arg23[%parallel_loop3A_583, %parallel_loop3A_584] {strides = array<i32>} : memref<80x128xf32, #tpu.memory_space<vmem>>, vector<16xf32>,
        %parallel_loop3A_586 = arith.mulf %parallel_loop3A_576, %parallel_loop3A_582 : vector<16xf32>
        %parallel_loop3A_587 = arith.mulf %parallel_loop3A_579, %parallel_loop3A_585 : vector<16xf32>
        %parallel_loop3A_588 = arith.addf %parallel_loop3A_586, %parallel_loop3A_587 : vector<16xf32>
        %parallel_loop3A_589 = arith.constant true
        %parallel_loop3A_590 = vector.broadcast %parallel_loop3A_589 : i1 to vector<16xi1>
        %parallel_loop3A_591 = tpu.scan <sum>, %parallel_loop3A_588 masked %parallel_loop3A_590 : vector<16xf32>, vector<16xi1> -> vector<16xf32>
        %parallel_loop3A_592 = vector.extract %parallel_loop3A_591[15] : f32 from vector<16xf32>
        %parallel_loop3A_593 = arith.index_cast %parallel_loop3A_569 : i32 to index
        %parallel_loop3A_594 = arith.constant 32 : index
        %parallel_loop3A_595 = tpu.vector_load %arg22[%parallel_loop3A_593, %parallel_loop3A_594] {strides = array<i32>} : memref<80x128xf32, #tpu.memory_space<vmem>>, vector<16xf32>,
        %parallel_loop3A_596 = arith.index_cast %parallel_loop3A_569 : i32 to index
        %parallel_loop3A_597 = arith.constant 48 : index
        %parallel_loop3A_598 = tpu.vector_load %arg22[%parallel_loop3A_596, %parallel_loop3A_597] {strides = array<i32>} : memref<80x128xf32, #tpu.memory_space<vmem>>, vector<16xf32>,
        %parallel_loop3A_599 = arith.index_cast %parallel_loop3A_569 : i32 to index
        %parallel_loop3A_600 = arith.constant 32 : index
        %parallel_loop3A_601 = tpu.vector_load %arg23[%parallel_loop3A_599, %parallel_loop3A_600] {strides = array<i32>} : memref<80x128xf32, #tpu.memory_space<vmem>>, vector<16xf32>,
        %parallel_loop3A_602 = arith.index_cast %parallel_loop3A_569 : i32 to index
        %parallel_loop3A_603 = arith.constant 48 : index
        %parallel_loop3A_604 = tpu.vector_load %arg23[%parallel_loop3A_602, %parallel_loop3A_603] {strides = array<i32>} : memref<80x128xf32, #tpu.memory_space<vmem>>, vector<16xf32>,
        %parallel_loop3A_605 = arith.mulf %parallel_loop3A_595, %parallel_loop3A_601 : vector<16xf32>
        %parallel_loop3A_606 = arith.mulf %parallel_loop3A_598, %parallel_loop3A_604 : vector<16xf32>
        %parallel_loop3A_607 = arith.addf %parallel_loop3A_605, %parallel_loop3A_606 : vector<16xf32>
        %parallel_loop3A_608 = arith.constant true
        %parallel_loop3A_609 = vector.broadcast %parallel_loop3A_608 : i1 to vector<16xi1>
        %parallel_loop3A_610 = tpu.scan <sum>, %parallel_loop3A_607 masked %parallel_loop3A_609 : vector<16xf32>, vector<16xi1> -> vector<16xf32>
        %parallel_loop3A_611 = vector.extract %parallel_loop3A_610[15] : f32 from vector<16xf32>
        %parallel_loop3A_612 = arith.index_cast %parallel_loop3A_569 : i32 to index
        %parallel_loop3A_613 = arith.constant 64 : index
        %parallel_loop3A_614 = tpu.vector_load %arg22[%parallel_loop3A_612, %parallel_loop3A_613] {strides = array<i32>} : memref<80x128xf32, #tpu.memory_space<vmem>>, vector<16xf32>,
        %parallel_loop3A_615 = arith.index_cast %parallel_loop3A_569 : i32 to index
        %parallel_loop3A_616 = arith.constant 80 : index
        %parallel_loop3A_617 = tpu.vector_load %arg22[%parallel_loop3A_615, %parallel_loop3A_616] {strides = array<i32>} : memref<80x128xf32, #tpu.memory_space<vmem>>, vector<16xf32>,
        %parallel_loop3A_618 = arith.index_cast %parallel_loop3A_569 : i32 to index
        %parallel_loop3A_619 = arith.constant 64 : index
        %parallel_loop3A_620 = tpu.vector_load %arg23[%parallel_loop3A_618, %parallel_loop3A_619] {strides = array<i32>} : memref<80x128xf32, #tpu.memory_space<vmem>>, vector<16xf32>,
        %parallel_loop3A_621 = arith.index_cast %parallel_loop3A_569 : i32 to index
        %parallel_loop3A_622 = arith.constant 80 : index
        %parallel_loop3A_623 = tpu.vector_load %arg23[%parallel_loop3A_621, %parallel_loop3A_622] {strides = array<i32>} : memref<80x128xf32, #tpu.memory_space<vmem>>, vector<16xf32>,
        %parallel_loop3A_624 = arith.mulf %parallel_loop3A_614, %parallel_loop3A_620 : vector<16xf32>
        %parallel_loop3A_625 = arith.mulf %parallel_loop3A_617, %parallel_loop3A_623 : vector<16xf32>
        %parallel_loop3A_626 = arith.addf %parallel_loop3A_624, %parallel_loop3A_625 : vector<16xf32>
        %parallel_loop3A_627 = arith.constant true
        %parallel_loop3A_628 = vector.broadcast %parallel_loop3A_627 : i1 to vector<16xi1>
        %parallel_loop3A_629 = tpu.scan <sum>, %parallel_loop3A_626 masked %parallel_loop3A_628 : vector<16xf32>, vector<16xi1> -> vector<16xf32>
        %parallel_loop3A_630 = vector.extract %parallel_loop3A_629[15] : f32 from vector<16xf32>
        %parallel_loop3A_631 = arith.index_cast %parallel_loop3A_569 : i32 to index
        %parallel_loop3A_632 = arith.constant 96 : index
        %parallel_loop3A_633 = tpu.vector_load %arg22[%parallel_loop3A_631, %parallel_loop3A_632] {strides = array<i32>} : memref<80x128xf32, #tpu.memory_space<vmem>>, vector<16xf32>,
        %parallel_loop3A_634 = arith.index_cast %parallel_loop3A_569 : i32 to index
        %parallel_loop3A_635 = arith.constant 112 : index
        %parallel_loop3A_636 = tpu.vector_load %arg22[%parallel_loop3A_634, %parallel_loop3A_635] {strides = array<i32>} : memref<80x128xf32, #tpu.memory_space<vmem>>, vector<16xf32>,
        %parallel_loop3A_637 = arith.index_cast %parallel_loop3A_569 : i32 to index
        %parallel_loop3A_638 = arith.constant 96 : index
        %parallel_loop3A_639 = tpu.vector_load %arg23[%parallel_loop3A_637, %parallel_loop3A_638] {strides = array<i32>} : memref<80x128xf32, #tpu.memory_space<vmem>>, vector<16xf32>,
        %parallel_loop3A_640 = arith.index_cast %parallel_loop3A_569 : i32 to index
        %parallel_loop3A_641 = arith.constant 112 : index
        %parallel_loop3A_642 = tpu.vector_load %arg23[%parallel_loop3A_640, %parallel_loop3A_641] {strides = array<i32>} : memref<80x128xf32, #tpu.memory_space<vmem>>, vector<16xf32>,
        %parallel_loop3A_643 = arith.mulf %parallel_loop3A_633, %parallel_loop3A_639 : vector<16xf32>
        %parallel_loop3A_644 = arith.mulf %parallel_loop3A_636, %parallel_loop3A_642 : vector<16xf32>
        %parallel_loop3A_645 = arith.addf %parallel_loop3A_643, %parallel_loop3A_644 : vector<16xf32>
        %parallel_loop3A_646 = arith.constant true
        %parallel_loop3A_647 = vector.broadcast %parallel_loop3A_646 : i1 to vector<16xi1>
        %parallel_loop3A_648 = tpu.scan <sum>, %parallel_loop3A_645 masked %parallel_loop3A_647 : vector<16xf32>, vector<16xi1> -> vector<16xf32>
        %parallel_loop3A_649 = vector.extract %parallel_loop3A_648[15] : f32 from vector<16xf32>
        %parallel_loop3A_650 = vector.broadcast %parallel_loop3A_592 : f32 to vector<16xf32>
        %parallel_loop3A_651 = arith.mulf %parallel_loop3A_650, %convert_element_type3A_14 : vector<16xf32>
        %parallel_loop3A_652 = vector.broadcast %parallel_loop3A_611 : f32 to vector<16xf32>
        %parallel_loop3A_653 = arith.mulf %parallel_loop3A_652, %convert_element_type3A_23 : vector<16xf32>
        %parallel_loop3A_654 = arith.addf %parallel_loop3A_651, %parallel_loop3A_653 : vector<16xf32>
        %parallel_loop3A_655 = vector.broadcast %parallel_loop3A_630 : f32 to vector<16xf32>
        %parallel_loop3A_656 = arith.mulf %parallel_loop3A_655, %convert_element_type3A_32 : vector<16xf32>
        %parallel_loop3A_657 = arith.addf %parallel_loop3A_654, %parallel_loop3A_656 : vector<16xf32>
        %parallel_loop3A_658 = vector.broadcast %parallel_loop3A_649 : f32 to vector<16xf32>
        %parallel_loop3A_659 = arith.mulf %parallel_loop3A_658, %convert_element_type3A_41 : vector<16xf32>
        %parallel_loop3A_660 = arith.addf %parallel_loop3A_657, %parallel_loop3A_659 : vector<16xf32>
        %parallel_loop3A_661 = math.exp %parallel_loop3A_660 : vector<16xf32>
        %parallel_loop3A_662 = vector.extract_strided_slice %parallel_loop3A_661 {offsets = [0], sizes = [1], strides = [1]} : vector<16xf32> to vector<1xf32>
        %parallel_loop3A_663 = vector.extract %parallel_loop3A_662[0] : f32 from vector<1xf32>
        %parallel_loop3A_664 = vector.broadcast %parallel_loop3A_663 : f32 to vector<16xf32>
        %parallel_loop3A_665 = arith.mulf %parallel_loop3A_582, %parallel_loop3A_664 : vector<16xf32>
        %parallel_loop3A_666 = arith.index_cast %parallel_loop3A_569 : i32 to index
        %parallel_loop3A_667 = arith.constant 0 : index
        %parallel_loop3A_668 = tpu.vector_load %arg23[%parallel_loop3A_666, %parallel_loop3A_667] {strides = array<i32>} : memref<80x128xf32, #tpu.memory_space<vmem>>, vector<16xf32>,
        tpu.vector_store %arg23[%parallel_loop3A_666, %parallel_loop3A_667], %parallel_loop3A_665 {strides = array<i32>} : memref<80x128xf32, #tpu.memory_space<vmem>>, vector<16xf32>,
        %parallel_loop3A_669 = arith.mulf %parallel_loop3A_585, %parallel_loop3A_664 : vector<16xf32>
        %parallel_loop3A_670 = arith.index_cast %parallel_loop3A_569 : i32 to index
        %parallel_loop3A_671 = arith.constant 16 : index
        %parallel_loop3A_672 = tpu.vector_load %arg23[%parallel_loop3A_670, %parallel_loop3A_671] {strides = array<i32>} : memref<80x128xf32, #tpu.memory_space<vmem>>, vector<16xf32>,
        tpu.vector_store %arg23[%parallel_loop3A_670, %parallel_loop3A_671], %parallel_loop3A_669 {strides = array<i32>} : memref<80x128xf32, #tpu.memory_space<vmem>>, vector<16xf32>,
        %parallel_loop3A_673 = vector.extract_strided_slice %parallel_loop3A_661 {offsets = [1], sizes = [1], strides = [1]} : vector<16xf32> to vector<1xf32>
        %parallel_loop3A_674 = vector.extract %parallel_loop3A_673[0] : f32 from vector<1xf32>
        %parallel_loop3A_675 = vector.broadcast %parallel_loop3A_674 : f32 to vector<16xf32>
        %parallel_loop3A_676 = arith.mulf %parallel_loop3A_601, %parallel_loop3A_675 : vector<16xf32>
        %parallel_loop3A_677 = arith.index_cast %parallel_loop3A_569 : i32 to index
        %parallel_loop3A_678 = arith.constant 32 : index
        %parallel_loop3A_679 = tpu.vector_load %arg23[%parallel_loop3A_677, %parallel_loop3A_678] {strides = array<i32>} : memref<80x128xf32, #tpu.memory_space<vmem>>, vector<16xf32>,
        tpu.vector_store %arg23[%parallel_loop3A_677, %parallel_loop3A_678], %parallel_loop3A_676 {strides = array<i32>} : memref<80x128xf32, #tpu.memory_space<vmem>>, vector<16xf32>,
        %parallel_loop3A_680 = arith.mulf %parallel_loop3A_604, %parallel_loop3A_675 : vector<16xf32>
        %parallel_loop3A_681 = arith.index_cast %parallel_loop3A_569 : i32 to index
        %parallel_loop3A_682 = arith.constant 48 : index
        %parallel_loop3A_683 = tpu.vector_load %arg23[%parallel_loop3A_681, %parallel_loop3A_682] {strides = array<i32>} : memref<80x128xf32, #tpu.memory_space<vmem>>, vector<16xf32>,
        tpu.vector_store %arg23[%parallel_loop3A_681, %parallel_loop3A_682], %parallel_loop3A_680 {strides = array<i32>} : memref<80x128xf32, #tpu.memory_space<vmem>>, vector<16xf32>,
        %parallel_loop3A_684 = vector.extract_strided_slice %parallel_loop3A_661 {offsets = [2], sizes = [1], strides = [1]} : vector<16xf32> to vector<1xf32>
        %parallel_loop3A_685 = vector.extract %parallel_loop3A_684[0] : f32 from vector<1xf32>
        %parallel_loop3A_686 = vector.broadcast %parallel_loop3A_685 : f32 to vector<16xf32>
        %parallel_loop3A_687 = arith.mulf %parallel_loop3A_620, %parallel_loop3A_686 : vector<16xf32>
        %parallel_loop3A_688 = arith.index_cast %parallel_loop3A_569 : i32 to index
        %parallel_loop3A_689 = arith.constant 64 : index
        %parallel_loop3A_690 = tpu.vector_load %arg23[%parallel_loop3A_688, %parallel_loop3A_689] {strides = array<i32>} : memref<80x128xf32, #tpu.memory_space<vmem>>, vector<16xf32>,
        tpu.vector_store %arg23[%parallel_loop3A_688, %parallel_loop3A_689], %parallel_loop3A_687 {strides = array<i32>} : memref<80x128xf32, #tpu.memory_space<vmem>>, vector<16xf32>,
        %parallel_loop3A_691 = arith.mulf %parallel_loop3A_623, %parallel_loop3A_686 : vector<16xf32>
        %parallel_loop3A_692 = arith.index_cast %parallel_loop3A_569 : i32 to index
        %parallel_loop3A_693 = arith.constant 80 : index
        %parallel_loop3A_694 = tpu.vector_load %arg23[%parallel_loop3A_692, %parallel_loop3A_693] {strides = array<i32>} : memref<80x128xf32, #tpu.memory_space<vmem>>, vector<16xf32>,
        tpu.vector_store %arg23[%parallel_loop3A_692, %parallel_loop3A_693], %parallel_loop3A_691 {strides = array<i32>} : memref<80x128xf32, #tpu.memory_space<vmem>>, vector<16xf32>,
        %parallel_loop3A_695 = vector.extract_strided_slice %parallel_loop3A_661 {offsets = [3], sizes = [1], strides = [1]} : vector<16xf32> to vector<1xf32>
        %parallel_loop3A_696 = vector.extract %parallel_loop3A_695[0] : f32 from vector<1xf32>
        %parallel_loop3A_697 = vector.broadcast %parallel_loop3A_696 : f32 to vector<16xf32>
        %parallel_loop3A_698 = arith.mulf %parallel_loop3A_639, %parallel_loop3A_697 : vector<16xf32>
        %parallel_loop3A_699 = arith.index_cast %parallel_loop3A_569 : i32 to index
        %parallel_loop3A_700 = arith.constant 96 : index
        %parallel_loop3A_701 = tpu.vector_load %arg23[%parallel_loop3A_699, %parallel_loop3A_700] {strides = array<i32>} : memref<80x128xf32, #tpu.memory_space<vmem>>, vector<16xf32>,
        tpu.vector_store %arg23[%parallel_loop3A_699, %parallel_loop3A_700], %parallel_loop3A_698 {strides = array<i32>} : memref<80x128xf32, #tpu.memory_space<vmem>>, vector<16xf32>,
        %parallel_loop3A_702 = arith.mulf %parallel_loop3A_642, %parallel_loop3A_697 : vector<16xf32>
        %parallel_loop3A_703 = arith.index_cast %parallel_loop3A_569 : i32 to index
        %parallel_loop3A_704 = arith.constant 112 : index
        %parallel_loop3A_705 = tpu.vector_load %arg23[%parallel_loop3A_703, %parallel_loop3A_704] {strides = array<i32>} : memref<80x128xf32, #tpu.memory_space<vmem>>, vector<16xf32>,
        tpu.vector_store %arg23[%parallel_loop3A_703, %parallel_loop3A_704], %parallel_loop3A_702 {strides = array<i32>} : memref<80x128xf32, #tpu.memory_space<vmem>>, vector<16xf32>,
        %parallel_loop3A_706 = arith.index_cast %parallel_loop3A_569 : i32 to index
        %parallel_loop3A_707 = arith.constant 0 : index
        %parallel_loop3A_708 = tpu.vector_load %arg22[%parallel_loop3A_706, %parallel_loop3A_707] {strides = array<i32>} : memref<80x128xf32, #tpu.memory_space<vmem>>, vector<16xf32>,
        tpu.vector_store %arg22[%parallel_loop3A_706, %parallel_loop3A_707], %broadcast_in_dim3A_53 {strides = array<i32>} : memref<80x128xf32, #tpu.memory_space<vmem>>, vector<16xf32>,
        %parallel_loop3A_709 = arith.index_cast %parallel_loop3A_569 : i32 to index
        %parallel_loop3A_710 = arith.constant 16 : index
        %parallel_loop3A_711 = tpu.vector_load %arg22[%parallel_loop3A_709, %parallel_loop3A_710] {strides = array<i32>} : memref<80x128xf32, #tpu.memory_space<vmem>>, vector<16xf32>,
        tpu.vector_store %arg22[%parallel_loop3A_709, %parallel_loop3A_710], %broadcast_in_dim3A_53 {strides = array<i32>} : memref<80x128xf32, #tpu.memory_space<vmem>>, vector<16xf32>,
        %parallel_loop3A_712 = arith.index_cast %parallel_loop3A_569 : i32 to index
        %parallel_loop3A_713 = arith.constant 32 : index
        %parallel_loop3A_714 = tpu.vector_load %arg22[%parallel_loop3A_712, %parallel_loop3A_713] {strides = array<i32>} : memref<80x128xf32, #tpu.memory_space<vmem>>, vector<16xf32>,
        tpu.vector_store %arg22[%parallel_loop3A_712, %parallel_loop3A_713], %broadcast_in_dim3A_53 {strides = array<i32>} : memref<80x128xf32, #tpu.memory_space<vmem>>, vector<16xf32>,
        %parallel_loop3A_715 = arith.index_cast %parallel_loop3A_569 : i32 to index
        %parallel_loop3A_716 = arith.constant 48 : index
        %parallel_loop3A_717 = tpu.vector_load %arg22[%parallel_loop3A_715, %parallel_loop3A_716] {strides = array<i32>} : memref<80x128xf32, #tpu.memory_space<vmem>>, vector<16xf32>,
        tpu.vector_store %arg22[%parallel_loop3A_715, %parallel_loop3A_716], %broadcast_in_dim3A_53 {strides = array<i32>} : memref<80x128xf32, #tpu.memory_space<vmem>>, vector<16xf32>,
        %parallel_loop3A_718 = arith.index_cast %parallel_loop3A_569 : i32 to index
        %parallel_loop3A_719 = arith.constant 64 : index
        %parallel_loop3A_720 = tpu.vector_load %arg22[%parallel_loop3A_718, %parallel_loop3A_719] {strides = array<i32>} : memref<80x128xf32, #tpu.memory_space<vmem>>, vector<16xf32>,
        tpu.vector_store %arg22[%parallel_loop3A_718, %parallel_loop3A_719], %broadcast_in_dim3A_53 {strides = array<i32>} : memref<80x128xf32, #tpu.memory_space<vmem>>, vector<16xf32>,
        %parallel_loop3A_721 = arith.index_cast %parallel_loop3A_569 : i32 to index
        %parallel_loop3A_722 = arith.constant 80 : index
        %parallel_loop3A_723 = tpu.vector_load %arg22[%parallel_loop3A_721, %parallel_loop3A_722] {strides = array<i32>} : memref<80x128xf32, #tpu.memory_space<vmem>>, vector<16xf32>,
        tpu.vector_store %arg22[%parallel_loop3A_721, %parallel_loop3A_722], %broadcast_in_dim3A_53 {strides = array<i32>} : memref<80x128xf32, #tpu.memory_space<vmem>>, vector<16xf32>,
        %parallel_loop3A_724 = arith.index_cast %parallel_loop3A_569 : i32 to index
        %parallel_loop3A_725 = arith.constant 96 : index
        %parallel_loop3A_726 = tpu.vector_load %arg22[%parallel_loop3A_724, %parallel_loop3A_725] {strides = array<i32>} : memref<80x128xf32, #tpu.memory_space<vmem>>, vector<16xf32>,
        tpu.vector_store %arg22[%parallel_loop3A_724, %parallel_loop3A_725], %broadcast_in_dim3A_53 {strides = array<i32>} : memref<80x128xf32, #tpu.memory_space<vmem>>, vector<16xf32>,
        %parallel_loop3A_727 = arith.index_cast %parallel_loop3A_569 : i32 to index
        %parallel_loop3A_728 = arith.constant 112 : index
        %parallel_loop3A_729 = tpu.vector_load %arg22[%parallel_loop3A_727, %parallel_loop3A_728] {strides = array<i32>} : memref<80x128xf32, #tpu.memory_space<vmem>>, vector<16xf32>,
        tpu.vector_store %arg22[%parallel_loop3A_727, %parallel_loop3A_728], %broadcast_in_dim3A_53 {strides = array<i32>} : memref<80x128xf32, #tpu.memory_space<vmem>>, vector<16xf32>,
        %parallel_loop3A_730 = arith.constant 2 : i32
        %parallel_loop3A_731 = arith.remsi %parallel_loop3A_573, %parallel_loop3A_730 : i32
        %parallel_loop3A_732 = arith.constant 1 : i32
        %parallel_loop3A_733 = arith.shrui %parallel_loop3A_573, %parallel_loop3A_732 : i32
        %parallel_loop3A_734 = arith.constant 1 : i32
        %parallel_loop3A_735 = arith.cmpi eq, %parallel_loop3A_731, %parallel_loop3A_734 : i32
        %parallel_loop3A_736 = arith.mulf %parallel_loop3A_661, %convert_element_type3A_52 : vector<16xf32>
        %parallel_loop3A_737 = arith.mulf %parallel_loop3A_661, %convert_element_type3A_45 : vector<16xf32>
        %parallel_loop3A_738 = arith.select %parallel_loop3A_735, %parallel_loop3A_736, %parallel_loop3A_737 : vector<16xf32>
        %parallel_loop3A_739 = arith.constant 16 : i32
        %parallel_loop3A_740 = arith.muli %parallel_loop3A_733, %parallel_loop3A_739 : i32
        %parallel_loop3A_741 = arith.index_cast %parallel_loop3A_569 : i32 to index
        %parallel_loop3A_742 = arith.index_cast %parallel_loop3A_740 : i32 to index
        %parallel_loop3A_743 = tpu.vector_load %arg22[%parallel_loop3A_741, %parallel_loop3A_742] {strides = array<i32>} : memref<80x128xf32, #tpu.memory_space<vmem>>, vector<16xf32>,
        tpu.vector_store %arg22[%parallel_loop3A_741, %parallel_loop3A_742], %parallel_loop3A_738 {strides = array<i32>} : memref<80x128xf32, #tpu.memory_space<vmem>>, vector<16xf32>,
      } {sc.loop_unroll_factor = 2 : i64, sc.parallel_access}
      %dma_start3A_384 = arith.constant 0 : i32
      %dma_start3A_385 = arith.constant 0 : i32
      %dma_start3A_386 = tpu.memref_slice %arg38[%dma_start3A_384, %dma_start3A_385] : memref<10112x128xf32, #tpu.memory_space<vmem_shared>> -> memref<10112x128xf32, #tpu.memory_space<vmem_shared>>
      tpu.enqueue_indirect_dma source(%arg23 : memref<80x128xf32, #tpu.memory_space<vmem>>) target(%dma_start3A_386 : memref<10112x128xf32, #tpu.memory_space<vmem_shared>>) offsets(%arg15 : memref<80xi32, #tpu.memory_space<vmem>>) semaphore(%arg28 : memref<!tpu.dma_semaphore, #tpu.memory_space<semaphore_mem>>) {add = true}
      %dma_start3A_387 = arith.constant 0 : i32
      %dma_start3A_388 = arith.constant 0 : i32
      %dma_start3A_389 = tpu.memref_slice %arg39[%dma_start3A_387, %dma_start3A_388] : memref<640x128xf32, #tpu.memory_space<vmem_shared>> -> memref<640x128xf32, #tpu.memory_space<vmem_shared>>
      tpu.enqueue_indirect_dma source(%arg22 : memref<80x128xf32, #tpu.memory_space<vmem>>) target(%dma_start3A_389 : memref<640x128xf32, #tpu.memory_space<vmem_shared>>) offsets(%arg13 : memref<80xi32, #tpu.memory_space<vmem>>) semaphore(%arg29 : memref<!tpu.dma_semaphore, #tpu.memory_space<semaphore_mem>>) {add = true}
      %add3A_390 = arith.constant 2 : i32
      %add3A_391 = arith.addi %add3A_374, %add3A_390 : i32
      %mul3A_392 = arith.constant 80 : i32
      %mul3A_393 = arith.muli %add3A_391, %mul3A_392 : i32
      %dma_start3A_394 = tpu.memref_slice %arg4[%mul3A_393] : memref<160000xi32, #tpu.memory_space<hbm>> -> memref<80xi32, #tpu.memory_space<hbm>>
      %dma_start3A_395 = tpu.memref_slice %arg4[%mul3A_393] : memref<160000xi32, #tpu.memory_space<hbm>> -> memref<80xi32, #tpu.memory_space<hbm>>
      tpu.enqueue_dma source(%dma_start3A_395 : memref<80xi32, #tpu.memory_space<hbm>>) target(%arg10 : memref<80xi32, #tpu.memory_space<vmem>>) target_semaphore(%arg34 : memref<!tpu.dma_semaphore, #tpu.memory_space<semaphore_mem>>)
      %dma_start3A_396 = tpu.memref_slice %arg5[%mul3A_393] : memref<160000xi32, #tpu.memory_space<hbm>> -> memref<80xi32, #tpu.memory_space<hbm>>
      %dma_start3A_397 = tpu.memref_slice %arg5[%mul3A_393] : memref<160000xi32, #tpu.memory_space<hbm>> -> memref<80xi32, #tpu.memory_space<hbm>>
      tpu.enqueue_dma source(%dma_start3A_397 : memref<80xi32, #tpu.memory_space<hbm>>) target(%arg12 : memref<80xi32, #tpu.memory_space<vmem>>) target_semaphore(%arg35 : memref<!tpu.dma_semaphore, #tpu.memory_space<semaphore_mem>>)
      %dma_wait3A_398 = arith.constant 0 : i32
      %dma_wait3A_399 = arith.constant 0 : i32
      %dma_wait3A_400 = tpu.memref_slice %arg2[%dma_wait3A_398, %dma_wait3A_399] : memref<20000x128xf32, #tpu.memory_space<hbm>> -> memref<20000x128xf32, #tpu.memory_space<hbm>>
      tpu.wait_indirect_dma semaphore(%arg30 : memref<!tpu.dma_semaphore, #tpu.memory_space<semaphore_mem>>) src(%dma_wait3A_400 : memref<20000x128xf32, #tpu.memory_space<hbm>>) dst(%arg24 : memref<80x128xf32, #tpu.memory_space<vmem>>)
      %dma_wait3A_401 = arith.constant 0 : i32
      %dma_wait3A_402 = arith.constant 0 : i32
      %dma_wait3A_403 = tpu.memref_slice %arg3[%dma_wait3A_401, %dma_wait3A_402] : memref<20000x128xf32, #tpu.memory_space<hbm>> -> memref<20000x128xf32, #tpu.memory_space<hbm>>
      tpu.wait_indirect_dma semaphore(%arg31 : memref<!tpu.dma_semaphore, #tpu.memory_space<semaphore_mem>>) src(%dma_wait3A_403 : memref<20000x128xf32, #tpu.memory_space<hbm>>) dst(%arg25 : memref<80x128xf32, #tpu.memory_space<vmem>>)
      %parallel_loop3A_404 = arith.constant 0 : i32
      %parallel_loop3A_405 = arith.constant 80 : i32
      %parallel_loop3A_406 = arith.constant 1 : i32
      scf.for %parallel_loop3A_569 = %parallel_loop3A_404 to %parallel_loop3A_405 step %parallel_loop3A_406  : i32 {
        %parallel_loop3A_570 = arith.index_cast %parallel_loop3A_569 : i32 to index
        %parallel_loop3A_571 = tpu.vector_load %arg20[%parallel_loop3A_570] {strides = array<i32>} : memref<96xi32, #tpu.memory_space<vmem>>, vector<16xi32>,
        %parallel_loop3A_572 = vector.extract_strided_slice %parallel_loop3A_571 {offsets = [0], sizes = [1], strides = [1]} : vector<16xi32> to vector<1xi32>
        %parallel_loop3A_573 = vector.extract %parallel_loop3A_572[0] : i32 from vector<1xi32>
        %parallel_loop3A_574 = arith.index_cast %parallel_loop3A_569 : i32 to index
        %parallel_loop3A_575 = arith.constant 0 : index
        %parallel_loop3A_576 = tpu.vector_load %arg24[%parallel_loop3A_574, %parallel_loop3A_575] {strides = array<i32>} : memref<80x128xf32, #tpu.memory_space<vmem>>, vector<16xf32>,
        %parallel_loop3A_577 = arith.index_cast %parallel_loop3A_569 : i32 to index
        %parallel_loop3A_578 = arith.constant 16 : index
        %parallel_loop3A_579 = tpu.vector_load %arg24[%parallel_loop3A_577, %parallel_loop3A_578] {strides = array<i32>} : memref<80x128xf32, #tpu.memory_space<vmem>>, vector<16xf32>,
        %parallel_loop3A_580 = arith.index_cast %parallel_loop3A_569 : i32 to index
        %parallel_loop3A_581 = arith.constant 0 : index
        %parallel_loop3A_582 = tpu.vector_load %arg25[%parallel_loop3A_580, %parallel_loop3A_581] {strides = array<i32>} : memref<80x128xf32, #tpu.memory_space<vmem>>, vector<16xf32>,
        %parallel_loop3A_583 = arith.index_cast %parallel_loop3A_569 : i32 to index
        %parallel_loop3A_584 = arith.constant 16 : index
        %parallel_loop3A_585 = tpu.vector_load %arg25[%parallel_loop3A_583, %parallel_loop3A_584] {strides = array<i32>} : memref<80x128xf32, #tpu.memory_space<vmem>>, vector<16xf32>,
        %parallel_loop3A_586 = arith.mulf %parallel_loop3A_576, %parallel_loop3A_582 : vector<16xf32>
        %parallel_loop3A_587 = arith.mulf %parallel_loop3A_579, %parallel_loop3A_585 : vector<16xf32>
        %parallel_loop3A_588 = arith.addf %parallel_loop3A_586, %parallel_loop3A_587 : vector<16xf32>
        %parallel_loop3A_589 = arith.constant true
        %parallel_loop3A_590 = vector.broadcast %parallel_loop3A_589 : i1 to vector<16xi1>
        %parallel_loop3A_591 = tpu.scan <sum>, %parallel_loop3A_588 masked %parallel_loop3A_590 : vector<16xf32>, vector<16xi1> -> vector<16xf32>
        %parallel_loop3A_592 = vector.extract %parallel_loop3A_591[15] : f32 from vector<16xf32>
        %parallel_loop3A_593 = arith.index_cast %parallel_loop3A_569 : i32 to index
        %parallel_loop3A_594 = arith.constant 32 : index
        %parallel_loop3A_595 = tpu.vector_load %arg24[%parallel_loop3A_593, %parallel_loop3A_594] {strides = array<i32>} : memref<80x128xf32, #tpu.memory_space<vmem>>, vector<16xf32>,
        %parallel_loop3A_596 = arith.index_cast %parallel_loop3A_569 : i32 to index
        %parallel_loop3A_597 = arith.constant 48 : index
        %parallel_loop3A_598 = tpu.vector_load %arg24[%parallel_loop3A_596, %parallel_loop3A_597] {strides = array<i32>} : memref<80x128xf32, #tpu.memory_space<vmem>>, vector<16xf32>,
        %parallel_loop3A_599 = arith.index_cast %parallel_loop3A_569 : i32 to index
        %parallel_loop3A_600 = arith.constant 32 : index
        %parallel_loop3A_601 = tpu.vector_load %arg25[%parallel_loop3A_599, %parallel_loop3A_600] {strides = array<i32>} : memref<80x128xf32, #tpu.memory_space<vmem>>, vector<16xf32>,
        %parallel_loop3A_602 = arith.index_cast %parallel_loop3A_569 : i32 to index
        %parallel_loop3A_603 = arith.constant 48 : index
        %parallel_loop3A_604 = tpu.vector_load %arg25[%parallel_loop3A_602, %parallel_loop3A_603] {strides = array<i32>} : memref<80x128xf32, #tpu.memory_space<vmem>>, vector<16xf32>,
        %parallel_loop3A_605 = arith.mulf %parallel_loop3A_595, %parallel_loop3A_601 : vector<16xf32>
        %parallel_loop3A_606 = arith.mulf %parallel_loop3A_598, %parallel_loop3A_604 : vector<16xf32>
        %parallel_loop3A_607 = arith.addf %parallel_loop3A_605, %parallel_loop3A_606 : vector<16xf32>
        %parallel_loop3A_608 = arith.constant true
        %parallel_loop3A_609 = vector.broadcast %parallel_loop3A_608 : i1 to vector<16xi1>
        %parallel_loop3A_610 = tpu.scan <sum>, %parallel_loop3A_607 masked %parallel_loop3A_609 : vector<16xf32>, vector<16xi1> -> vector<16xf32>
        %parallel_loop3A_611 = vector.extract %parallel_loop3A_610[15] : f32 from vector<16xf32>
        %parallel_loop3A_612 = arith.index_cast %parallel_loop3A_569 : i32 to index
        %parallel_loop3A_613 = arith.constant 64 : index
        %parallel_loop3A_614 = tpu.vector_load %arg24[%parallel_loop3A_612, %parallel_loop3A_613] {strides = array<i32>} : memref<80x128xf32, #tpu.memory_space<vmem>>, vector<16xf32>,
        %parallel_loop3A_615 = arith.index_cast %parallel_loop3A_569 : i32 to index
        %parallel_loop3A_616 = arith.constant 80 : index
        %parallel_loop3A_617 = tpu.vector_load %arg24[%parallel_loop3A_615, %parallel_loop3A_616] {strides = array<i32>} : memref<80x128xf32, #tpu.memory_space<vmem>>, vector<16xf32>,
        %parallel_loop3A_618 = arith.index_cast %parallel_loop3A_569 : i32 to index
        %parallel_loop3A_619 = arith.constant 64 : index
        %parallel_loop3A_620 = tpu.vector_load %arg25[%parallel_loop3A_618, %parallel_loop3A_619] {strides = array<i32>} : memref<80x128xf32, #tpu.memory_space<vmem>>, vector<16xf32>,
        %parallel_loop3A_621 = arith.index_cast %parallel_loop3A_569 : i32 to index
        %parallel_loop3A_622 = arith.constant 80 : index
        %parallel_loop3A_623 = tpu.vector_load %arg25[%parallel_loop3A_621, %parallel_loop3A_622] {strides = array<i32>} : memref<80x128xf32, #tpu.memory_space<vmem>>, vector<16xf32>,
        %parallel_loop3A_624 = arith.mulf %parallel_loop3A_614, %parallel_loop3A_620 : vector<16xf32>
        %parallel_loop3A_625 = arith.mulf %parallel_loop3A_617, %parallel_loop3A_623 : vector<16xf32>
        %parallel_loop3A_626 = arith.addf %parallel_loop3A_624, %parallel_loop3A_625 : vector<16xf32>
        %parallel_loop3A_627 = arith.constant true
        %parallel_loop3A_628 = vector.broadcast %parallel_loop3A_627 : i1 to vector<16xi1>
        %parallel_loop3A_629 = tpu.scan <sum>, %parallel_loop3A_626 masked %parallel_loop3A_628 : vector<16xf32>, vector<16xi1> -> vector<16xf32>
        %parallel_loop3A_630 = vector.extract %parallel_loop3A_629[15] : f32 from vector<16xf32>
        %parallel_loop3A_631 = arith.index_cast %parallel_loop3A_569 : i32 to index
        %parallel_loop3A_632 = arith.constant 96 : index
        %parallel_loop3A_633 = tpu.vector_load %arg24[%parallel_loop3A_631, %parallel_loop3A_632] {strides = array<i32>} : memref<80x128xf32, #tpu.memory_space<vmem>>, vector<16xf32>,
        %parallel_loop3A_634 = arith.index_cast %parallel_loop3A_569 : i32 to index
        %parallel_loop3A_635 = arith.constant 112 : index
        %parallel_loop3A_636 = tpu.vector_load %arg24[%parallel_loop3A_634, %parallel_loop3A_635] {strides = array<i32>} : memref<80x128xf32, #tpu.memory_space<vmem>>, vector<16xf32>,
        %parallel_loop3A_637 = arith.index_cast %parallel_loop3A_569 : i32 to index
        %parallel_loop3A_638 = arith.constant 96 : index
        %parallel_loop3A_639 = tpu.vector_load %arg25[%parallel_loop3A_637, %parallel_loop3A_638] {strides = array<i32>} : memref<80x128xf32, #tpu.memory_space<vmem>>, vector<16xf32>,
        %parallel_loop3A_640 = arith.index_cast %parallel_loop3A_569 : i32 to index
        %parallel_loop3A_641 = arith.constant 112 : index
        %parallel_loop3A_642 = tpu.vector_load %arg25[%parallel_loop3A_640, %parallel_loop3A_641] {strides = array<i32>} : memref<80x128xf32, #tpu.memory_space<vmem>>, vector<16xf32>,
        %parallel_loop3A_643 = arith.mulf %parallel_loop3A_633, %parallel_loop3A_639 : vector<16xf32>
        %parallel_loop3A_644 = arith.mulf %parallel_loop3A_636, %parallel_loop3A_642 : vector<16xf32>
        %parallel_loop3A_645 = arith.addf %parallel_loop3A_643, %parallel_loop3A_644 : vector<16xf32>
        %parallel_loop3A_646 = arith.constant true
        %parallel_loop3A_647 = vector.broadcast %parallel_loop3A_646 : i1 to vector<16xi1>
        %parallel_loop3A_648 = tpu.scan <sum>, %parallel_loop3A_645 masked %parallel_loop3A_647 : vector<16xf32>, vector<16xi1> -> vector<16xf32>
        %parallel_loop3A_649 = vector.extract %parallel_loop3A_648[15] : f32 from vector<16xf32>
        %parallel_loop3A_650 = vector.broadcast %parallel_loop3A_592 : f32 to vector<16xf32>
        %parallel_loop3A_651 = arith.mulf %parallel_loop3A_650, %convert_element_type3A_14 : vector<16xf32>
        %parallel_loop3A_652 = vector.broadcast %parallel_loop3A_611 : f32 to vector<16xf32>
        %parallel_loop3A_653 = arith.mulf %parallel_loop3A_652, %convert_element_type3A_23 : vector<16xf32>
        %parallel_loop3A_654 = arith.addf %parallel_loop3A_651, %parallel_loop3A_653 : vector<16xf32>
        %parallel_loop3A_655 = vector.broadcast %parallel_loop3A_630 : f32 to vector<16xf32>
        %parallel_loop3A_656 = arith.mulf %parallel_loop3A_655, %convert_element_type3A_32 : vector<16xf32>
        %parallel_loop3A_657 = arith.addf %parallel_loop3A_654, %parallel_loop3A_656 : vector<16xf32>
        %parallel_loop3A_658 = vector.broadcast %parallel_loop3A_649 : f32 to vector<16xf32>
        %parallel_loop3A_659 = arith.mulf %parallel_loop3A_658, %convert_element_type3A_41 : vector<16xf32>
        %parallel_loop3A_660 = arith.addf %parallel_loop3A_657, %parallel_loop3A_659 : vector<16xf32>
        %parallel_loop3A_661 = math.exp %parallel_loop3A_660 : vector<16xf32>
        %parallel_loop3A_662 = vector.extract_strided_slice %parallel_loop3A_661 {offsets = [0], sizes = [1], strides = [1]} : vector<16xf32> to vector<1xf32>
        %parallel_loop3A_663 = vector.extract %parallel_loop3A_662[0] : f32 from vector<1xf32>
        %parallel_loop3A_664 = vector.broadcast %parallel_loop3A_663 : f32 to vector<16xf32>
        %parallel_loop3A_665 = arith.mulf %parallel_loop3A_582, %parallel_loop3A_664 : vector<16xf32>
        %parallel_loop3A_666 = arith.index_cast %parallel_loop3A_569 : i32 to index
        %parallel_loop3A_667 = arith.constant 0 : index
        %parallel_loop3A_668 = tpu.vector_load %arg25[%parallel_loop3A_666, %parallel_loop3A_667] {strides = array<i32>} : memref<80x128xf32, #tpu.memory_space<vmem>>, vector<16xf32>,
        tpu.vector_store %arg25[%parallel_loop3A_666, %parallel_loop3A_667], %parallel_loop3A_665 {strides = array<i32>} : memref<80x128xf32, #tpu.memory_space<vmem>>, vector<16xf32>,
        %parallel_loop3A_669 = arith.mulf %parallel_loop3A_585, %parallel_loop3A_664 : vector<16xf32>
        %parallel_loop3A_670 = arith.index_cast %parallel_loop3A_569 : i32 to index
        %parallel_loop3A_671 = arith.constant 16 : index
        %parallel_loop3A_672 = tpu.vector_load %arg25[%parallel_loop3A_670, %parallel_loop3A_671] {strides = array<i32>} : memref<80x128xf32, #tpu.memory_space<vmem>>, vector<16xf32>,
        tpu.vector_store %arg25[%parallel_loop3A_670, %parallel_loop3A_671], %parallel_loop3A_669 {strides = array<i32>} : memref<80x128xf32, #tpu.memory_space<vmem>>, vector<16xf32>,
        %parallel_loop3A_673 = vector.extract_strided_slice %parallel_loop3A_661 {offsets = [1], sizes = [1], strides = [1]} : vector<16xf32> to vector<1xf32>
        %parallel_loop3A_674 = vector.extract %parallel_loop3A_673[0] : f32 from vector<1xf32>
        %parallel_loop3A_675 = vector.broadcast %parallel_loop3A_674 : f32 to vector<16xf32>
        %parallel_loop3A_676 = arith.mulf %parallel_loop3A_601, %parallel_loop3A_675 : vector<16xf32>
        %parallel_loop3A_677 = arith.index_cast %parallel_loop3A_569 : i32 to index
        %parallel_loop3A_678 = arith.constant 32 : index
        %parallel_loop3A_679 = tpu.vector_load %arg25[%parallel_loop3A_677, %parallel_loop3A_678] {strides = array<i32>} : memref<80x128xf32, #tpu.memory_space<vmem>>, vector<16xf32>,
        tpu.vector_store %arg25[%parallel_loop3A_677, %parallel_loop3A_678], %parallel_loop3A_676 {strides = array<i32>} : memref<80x128xf32, #tpu.memory_space<vmem>>, vector<16xf32>,
        %parallel_loop3A_680 = arith.mulf %parallel_loop3A_604, %parallel_loop3A_675 : vector<16xf32>
        %parallel_loop3A_681 = arith.index_cast %parallel_loop3A_569 : i32 to index
        %parallel_loop3A_682 = arith.constant 48 : index
        %parallel_loop3A_683 = tpu.vector_load %arg25[%parallel_loop3A_681, %parallel_loop3A_682] {strides = array<i32>} : memref<80x128xf32, #tpu.memory_space<vmem>>, vector<16xf32>,
        tpu.vector_store %arg25[%parallel_loop3A_681, %parallel_loop3A_682], %parallel_loop3A_680 {strides = array<i32>} : memref<80x128xf32, #tpu.memory_space<vmem>>, vector<16xf32>,
        %parallel_loop3A_684 = vector.extract_strided_slice %parallel_loop3A_661 {offsets = [2], sizes = [1], strides = [1]} : vector<16xf32> to vector<1xf32>
        %parallel_loop3A_685 = vector.extract %parallel_loop3A_684[0] : f32 from vector<1xf32>
        %parallel_loop3A_686 = vector.broadcast %parallel_loop3A_685 : f32 to vector<16xf32>
        %parallel_loop3A_687 = arith.mulf %parallel_loop3A_620, %parallel_loop3A_686 : vector<16xf32>
        %parallel_loop3A_688 = arith.index_cast %parallel_loop3A_569 : i32 to index
        %parallel_loop3A_689 = arith.constant 64 : index
        %parallel_loop3A_690 = tpu.vector_load %arg25[%parallel_loop3A_688, %parallel_loop3A_689] {strides = array<i32>} : memref<80x128xf32, #tpu.memory_space<vmem>>, vector<16xf32>,
        tpu.vector_store %arg25[%parallel_loop3A_688, %parallel_loop3A_689], %parallel_loop3A_687 {strides = array<i32>} : memref<80x128xf32, #tpu.memory_space<vmem>>, vector<16xf32>,
        %parallel_loop3A_691 = arith.mulf %parallel_loop3A_623, %parallel_loop3A_686 : vector<16xf32>
        %parallel_loop3A_692 = arith.index_cast %parallel_loop3A_569 : i32 to index
        %parallel_loop3A_693 = arith.constant 80 : index
        %parallel_loop3A_694 = tpu.vector_load %arg25[%parallel_loop3A_692, %parallel_loop3A_693] {strides = array<i32>} : memref<80x128xf32, #tpu.memory_space<vmem>>, vector<16xf32>,
        tpu.vector_store %arg25[%parallel_loop3A_692, %parallel_loop3A_693], %parallel_loop3A_691 {strides = array<i32>} : memref<80x128xf32, #tpu.memory_space<vmem>>, vector<16xf32>,
        %parallel_loop3A_695 = vector.extract_strided_slice %parallel_loop3A_661 {offsets = [3], sizes = [1], strides = [1]} : vector<16xf32> to vector<1xf32>
        %parallel_loop3A_696 = vector.extract %parallel_loop3A_695[0] : f32 from vector<1xf32>
        %parallel_loop3A_697 = vector.broadcast %parallel_loop3A_696 : f32 to vector<16xf32>
        %parallel_loop3A_698 = arith.mulf %parallel_loop3A_639, %parallel_loop3A_697 : vector<16xf32>
        %parallel_loop3A_699 = arith.index_cast %parallel_loop3A_569 : i32 to index
        %parallel_loop3A_700 = arith.constant 96 : index
        %parallel_loop3A_701 = tpu.vector_load %arg25[%parallel_loop3A_699, %parallel_loop3A_700] {strides = array<i32>} : memref<80x128xf32, #tpu.memory_space<vmem>>, vector<16xf32>,
        tpu.vector_store %arg25[%parallel_loop3A_699, %parallel_loop3A_700], %parallel_loop3A_698 {strides = array<i32>} : memref<80x128xf32, #tpu.memory_space<vmem>>, vector<16xf32>,
        %parallel_loop3A_702 = arith.mulf %parallel_loop3A_642, %parallel_loop3A_697 : vector<16xf32>
        %parallel_loop3A_703 = arith.index_cast %parallel_loop3A_569 : i32 to index
        %parallel_loop3A_704 = arith.constant 112 : index
        %parallel_loop3A_705 = tpu.vector_load %arg25[%parallel_loop3A_703, %parallel_loop3A_704] {strides = array<i32>} : memref<80x128xf32, #tpu.memory_space<vmem>>, vector<16xf32>,
        tpu.vector_store %arg25[%parallel_loop3A_703, %parallel_loop3A_704], %parallel_loop3A_702 {strides = array<i32>} : memref<80x128xf32, #tpu.memory_space<vmem>>, vector<16xf32>,
        %parallel_loop3A_706 = arith.index_cast %parallel_loop3A_569 : i32 to index
        %parallel_loop3A_707 = arith.constant 0 : index
        %parallel_loop3A_708 = tpu.vector_load %arg24[%parallel_loop3A_706, %parallel_loop3A_707] {strides = array<i32>} : memref<80x128xf32, #tpu.memory_space<vmem>>, vector<16xf32>,
        tpu.vector_store %arg24[%parallel_loop3A_706, %parallel_loop3A_707], %broadcast_in_dim3A_53 {strides = array<i32>} : memref<80x128xf32, #tpu.memory_space<vmem>>, vector<16xf32>,
        %parallel_loop3A_709 = arith.index_cast %parallel_loop3A_569 : i32 to index
        %parallel_loop3A_710 = arith.constant 16 : index
        %parallel_loop3A_711 = tpu.vector_load %arg24[%parallel_loop3A_709, %parallel_loop3A_710] {strides = array<i32>} : memref<80x128xf32, #tpu.memory_space<vmem>>, vector<16xf32>,
        tpu.vector_store %arg24[%parallel_loop3A_709, %parallel_loop3A_710], %broadcast_in_dim3A_53 {strides = array<i32>} : memref<80x128xf32, #tpu.memory_space<vmem>>, vector<16xf32>,
        %parallel_loop3A_712 = arith.index_cast %parallel_loop3A_569 : i32 to index
        %parallel_loop3A_713 = arith.constant 32 : index
        %parallel_loop3A_714 = tpu.vector_load %arg24[%parallel_loop3A_712, %parallel_loop3A_713] {strides = array<i32>} : memref<80x128xf32, #tpu.memory_space<vmem>>, vector<16xf32>,
        tpu.vector_store %arg24[%parallel_loop3A_712, %parallel_loop3A_713], %broadcast_in_dim3A_53 {strides = array<i32>} : memref<80x128xf32, #tpu.memory_space<vmem>>, vector<16xf32>,
        %parallel_loop3A_715 = arith.index_cast %parallel_loop3A_569 : i32 to index
        %parallel_loop3A_716 = arith.constant 48 : index
        %parallel_loop3A_717 = tpu.vector_load %arg24[%parallel_loop3A_715, %parallel_loop3A_716] {strides = array<i32>} : memref<80x128xf32, #tpu.memory_space<vmem>>, vector<16xf32>,
        tpu.vector_store %arg24[%parallel_loop3A_715, %parallel_loop3A_716], %broadcast_in_dim3A_53 {strides = array<i32>} : memref<80x128xf32, #tpu.memory_space<vmem>>, vector<16xf32>,
        %parallel_loop3A_718 = arith.index_cast %parallel_loop3A_569 : i32 to index
        %parallel_loop3A_719 = arith.constant 64 : index
        %parallel_loop3A_720 = tpu.vector_load %arg24[%parallel_loop3A_718, %parallel_loop3A_719] {strides = array<i32>} : memref<80x128xf32, #tpu.memory_space<vmem>>, vector<16xf32>,
        tpu.vector_store %arg24[%parallel_loop3A_718, %parallel_loop3A_719], %broadcast_in_dim3A_53 {strides = array<i32>} : memref<80x128xf32, #tpu.memory_space<vmem>>, vector<16xf32>,
        %parallel_loop3A_721 = arith.index_cast %parallel_loop3A_569 : i32 to index
        %parallel_loop3A_722 = arith.constant 80 : index
        %parallel_loop3A_723 = tpu.vector_load %arg24[%parallel_loop3A_721, %parallel_loop3A_722] {strides = array<i32>} : memref<80x128xf32, #tpu.memory_space<vmem>>, vector<16xf32>,
        tpu.vector_store %arg24[%parallel_loop3A_721, %parallel_loop3A_722], %broadcast_in_dim3A_53 {strides = array<i32>} : memref<80x128xf32, #tpu.memory_space<vmem>>, vector<16xf32>,
        %parallel_loop3A_724 = arith.index_cast %parallel_loop3A_569 : i32 to index
        %parallel_loop3A_725 = arith.constant 96 : index
        %parallel_loop3A_726 = tpu.vector_load %arg24[%parallel_loop3A_724, %parallel_loop3A_725] {strides = array<i32>} : memref<80x128xf32, #tpu.memory_space<vmem>>, vector<16xf32>,
        tpu.vector_store %arg24[%parallel_loop3A_724, %parallel_loop3A_725], %broadcast_in_dim3A_53 {strides = array<i32>} : memref<80x128xf32, #tpu.memory_space<vmem>>, vector<16xf32>,
        %parallel_loop3A_727 = arith.index_cast %parallel_loop3A_569 : i32 to index
        %parallel_loop3A_728 = arith.constant 112 : index
        %parallel_loop3A_729 = tpu.vector_load %arg24[%parallel_loop3A_727, %parallel_loop3A_728] {strides = array<i32>} : memref<80x128xf32, #tpu.memory_space<vmem>>, vector<16xf32>,
        tpu.vector_store %arg24[%parallel_loop3A_727, %parallel_loop3A_728], %broadcast_in_dim3A_53 {strides = array<i32>} : memref<80x128xf32, #tpu.memory_space<vmem>>, vector<16xf32>,
        %parallel_loop3A_730 = arith.constant 2 : i32
        %parallel_loop3A_731 = arith.remsi %parallel_loop3A_573, %parallel_loop3A_730 : i32
        %parallel_loop3A_732 = arith.constant 1 : i32
        %parallel_loop3A_733 = arith.shrui %parallel_loop3A_573, %parallel_loop3A_732 : i32
        %parallel_loop3A_734 = arith.constant 1 : i32
        %parallel_loop3A_735 = arith.cmpi eq, %parallel_loop3A_731, %parallel_loop3A_734 : i32
        %parallel_loop3A_736 = arith.mulf %parallel_loop3A_661, %convert_element_type3A_52 : vector<16xf32>
        %parallel_loop3A_737 = arith.mulf %parallel_loop3A_661, %convert_element_type3A_45 : vector<16xf32>
        %parallel_loop3A_738 = arith.select %parallel_loop3A_735, %parallel_loop3A_736, %parallel_loop3A_737 : vector<16xf32>
        %parallel_loop3A_739 = arith.constant 16 : i32
        %parallel_loop3A_740 = arith.muli %parallel_loop3A_733, %parallel_loop3A_739 : i32
        %parallel_loop3A_741 = arith.index_cast %parallel_loop3A_569 : i32 to index
        %parallel_loop3A_742 = arith.index_cast %parallel_loop3A_740 : i32 to index
        %parallel_loop3A_743 = tpu.vector_load %arg24[%parallel_loop3A_741, %parallel_loop3A_742] {strides = array<i32>} : memref<80x128xf32, #tpu.memory_space<vmem>>, vector<16xf32>,
        tpu.vector_store %arg24[%parallel_loop3A_741, %parallel_loop3A_742], %parallel_loop3A_738 {strides = array<i32>} : memref<80x128xf32, #tpu.memory_space<vmem>>, vector<16xf32>,
      } {sc.loop_unroll_factor = 2 : i64, sc.parallel_access}
      %dma_start3A_407 = arith.constant 0 : i32
      %dma_start3A_408 = arith.constant 0 : i32
      %dma_start3A_409 = tpu.memref_slice %arg38[%dma_start3A_407, %dma_start3A_408] : memref<10112x128xf32, #tpu.memory_space<vmem_shared>> -> memref<10112x128xf32, #tpu.memory_space<vmem_shared>>
      tpu.enqueue_indirect_dma source(%arg25 : memref<80x128xf32, #tpu.memory_space<vmem>>) target(%dma_start3A_409 : memref<10112x128xf32, #tpu.memory_space<vmem_shared>>) offsets(%arg21 : memref<80xi32, #tpu.memory_space<vmem>>) semaphore(%arg32 : memref<!tpu.dma_semaphore, #tpu.memory_space<semaphore_mem>>) {add = true}
      %dma_start3A_410 = arith.constant 0 : i32
      %dma_start3A_411 = arith.constant 0 : i32
      %dma_start3A_412 = tpu.memref_slice %arg39[%dma_start3A_410, %dma_start3A_411] : memref<640x128xf32, #tpu.memory_space<vmem_shared>> -> memref<640x128xf32, #tpu.memory_space<vmem_shared>>
      tpu.enqueue_indirect_dma source(%arg24 : memref<80x128xf32, #tpu.memory_space<vmem>>) target(%dma_start3A_412 : memref<640x128xf32, #tpu.memory_space<vmem_shared>>) offsets(%arg19 : memref<80xi32, #tpu.memory_space<vmem>>) semaphore(%arg33 : memref<!tpu.dma_semaphore, #tpu.memory_space<semaphore_mem>>) {add = true}
      %lt3A_413 = arith.constant 61 : i32
      %lt3A_414 = arith.cmpi slt, %scan3A_371, %lt3A_413 : i32
      %convert_element_type3A_415 = arith.extui %lt3A_414 : i1 to i32
      %cond3A_416 = arith.constant 0 : i32
      %cond3A_417 = arith.cmpi ne, %convert_element_type3A_415, %cond3A_416 : i32
      scf.if %cond3A_417 {
        %add3A_569 = arith.constant 3 : i32
        %add3A_570 = arith.addi %add3A_374, %add3A_569 : i32
        %mul3A_571 = arith.constant 80 : i32
        %mul3A_572 = arith.muli %add3A_570, %mul3A_571 : i32
        %dma_start3A_573 = tpu.memref_slice %arg4[%mul3A_572] : memref<160000xi32, #tpu.memory_space<hbm>> -> memref<80xi32, #tpu.memory_space<hbm>>
        %dma_start3A_574 = tpu.memref_slice %arg4[%mul3A_572] : memref<160000xi32, #tpu.memory_space<hbm>> -> memref<80xi32, #tpu.memory_space<hbm>>
        tpu.enqueue_dma source(%dma_start3A_574 : memref<80xi32, #tpu.memory_space<hbm>>) target(%arg16 : memref<80xi32, #tpu.memory_space<vmem>>) target_semaphore(%arg36 : memref<!tpu.dma_semaphore, #tpu.memory_space<semaphore_mem>>)
        %dma_start3A_575 = tpu.memref_slice %arg5[%mul3A_572] : memref<160000xi32, #tpu.memory_space<hbm>> -> memref<80xi32, #tpu.memory_space<hbm>>
        %dma_start3A_576 = tpu.memref_slice %arg5[%mul3A_572] : memref<160000xi32, #tpu.memory_space<hbm>> -> memref<80xi32, #tpu.memory_space<hbm>>
        tpu.enqueue_dma source(%dma_start3A_576 : memref<80xi32, #tpu.memory_space<hbm>>) target(%arg18 : memref<80xi32, #tpu.memory_space<vmem>>) target_semaphore(%arg37 : memref<!tpu.dma_semaphore, #tpu.memory_space<semaphore_mem>>)
      } else {
      }
      %dma_wait3A_418 = arith.constant 0 : i32
      %dma_wait3A_419 = arith.constant 0 : i32
      %dma_wait3A_420 = tpu.memref_slice %arg38[%dma_wait3A_418, %dma_wait3A_419] : memref<10112x128xf32, #tpu.memory_space<vmem_shared>> -> memref<10112x128xf32, #tpu.memory_space<vmem_shared>>
      tpu.wait_indirect_dma semaphore(%arg28 : memref<!tpu.dma_semaphore, #tpu.memory_space<semaphore_mem>>) src(%arg23 : memref<80x128xf32, #tpu.memory_space<vmem>>) dst(%dma_wait3A_420 : memref<10112x128xf32, #tpu.memory_space<vmem_shared>>)
      %dma_wait3A_421 = arith.constant 0 : i32
      %dma_wait3A_422 = arith.constant 0 : i32
      %dma_wait3A_423 = tpu.memref_slice %arg39[%dma_wait3A_421, %dma_wait3A_422] : memref<640x128xf32, #tpu.memory_space<vmem_shared>> -> memref<640x128xf32, #tpu.memory_space<vmem_shared>>
      tpu.wait_indirect_dma semaphore(%arg29 : memref<!tpu.dma_semaphore, #tpu.memory_space<semaphore_mem>>) src(%arg22 : memref<80x128xf32, #tpu.memory_space<vmem>>) dst(%dma_wait3A_423 : memref<640x128xf32, #tpu.memory_space<vmem_shared>>)
      %add3A_424 = arith.constant 2 : i32
      %add3A_425 = arith.addi %add3A_374, %add3A_424 : i32
      %mul3A_426 = arith.constant 80 : i32
      %mul3A_427 = arith.muli %add3A_425, %mul3A_426 : i32
      %dma_wait3A_428 = tpu.memref_slice %arg4[%mul3A_427] : memref<160000xi32, #tpu.memory_space<hbm>> -> memref<80xi32, #tpu.memory_space<hbm>>
      %dma_wait3A_429 = tpu.memref_slice %arg4[%mul3A_427] : memref<160000xi32, #tpu.memory_space<hbm>> -> memref<80xi32, #tpu.memory_space<hbm>>
      tpu.wait_dma2 semaphore(%arg34 : memref<!tpu.dma_semaphore, #tpu.memory_space<semaphore_mem>>) src(%dma_wait3A_429 : memref<80xi32, #tpu.memory_space<hbm>>) dst(%arg10 : memref<80xi32, #tpu.memory_space<vmem>>)
      %dma_wait3A_430 = tpu.memref_slice %arg5[%mul3A_427] : memref<160000xi32, #tpu.memory_space<hbm>> -> memref<80xi32, #tpu.memory_space<hbm>>
      %dma_wait3A_431 = tpu.memref_slice %arg5[%mul3A_427] : memref<160000xi32, #tpu.memory_space<hbm>> -> memref<80xi32, #tpu.memory_space<hbm>>
      tpu.wait_dma2 semaphore(%arg35 : memref<!tpu.dma_semaphore, #tpu.memory_space<semaphore_mem>>) src(%dma_wait3A_431 : memref<80xi32, #tpu.memory_space<hbm>>) dst(%arg12 : memref<80xi32, #tpu.memory_space<vmem>>)
      %get3A_432 = arith.constant 0 : index
      %get3A_433 = tpu.vector_load %arg10[%get3A_432] {strides = array<i32>} : memref<80xi32, #tpu.memory_space<vmem>>, vector<16xi32>,
      %add3A_434 = vector.broadcast %mul3A_0 : i32 to vector<16xi32>
      %add3A_435 = arith.addi %get3A_433, %add3A_434 : vector<16xi32>
      %swap3A_436 = arith.constant 0 : index
      %swap3A_437 = tpu.vector_load %arg11[%swap3A_436] {strides = array<i32>} : memref<80xi32, #tpu.memory_space<vmem>>, vector<16xi32>,
      tpu.vector_store %arg11[%swap3A_436], %add3A_435 {strides = array<i32>} : memref<80xi32, #tpu.memory_space<vmem>>, vector<16xi32>,
      %get3A_438 = arith.constant 0 : index
      %get3A_439 = tpu.vector_load %arg12[%get3A_438] {strides = array<i32>} : memref<80xi32, #tpu.memory_space<vmem>>, vector<16xi32>,
      %add3A_440 = vector.broadcast %mul3A_0 : i32 to vector<16xi32>
      %add3A_441 = arith.addi %get3A_439, %add3A_440 : vector<16xi32>
      %swap3A_442 = arith.constant 0 : index
      %swap3A_443 = tpu.vector_load %arg12[%swap3A_442] {strides = array<i32>} : memref<80xi32, #tpu.memory_space<vmem>>, vector<16xi32>,
      tpu.vector_store %arg12[%swap3A_442], %add3A_441 {strides = array<i32>} : memref<80xi32, #tpu.memory_space<vmem>>, vector<16xi32>,
      %shift_right_logical3A_444 = arith.constant 4 : i32
      %shift_right_logical3A_445 = vector.broadcast %shift_right_logical3A_444 : i32 to vector<16xi32>
      %shift_right_logical3A_446 = arith.shrui %get3A_433, %shift_right_logical3A_445 : vector<16xi32>
      %swap3A_447 = arith.constant 0 : index
      %swap3A_448 = tpu.vector_load %arg13[%swap3A_447] {strides = array<i32>} : memref<80xi32, #tpu.memory_space<vmem>>, vector<16xi32>,
      tpu.vector_store %arg13[%swap3A_447], %shift_right_logical3A_446 {strides = array<i32>} : memref<80xi32, #tpu.memory_space<vmem>>, vector<16xi32>,
      %rem3A_449 = arith.constant 16 : i32
      %rem3A_450 = vector.broadcast %rem3A_449 : i32 to vector<16xi32>
      %rem3A_451 = arith.remsi %get3A_433, %rem3A_450 : vector<16xi32>
      %swap3A_452 = arith.constant 0 : index
      %swap3A_453 = tpu.vector_load %arg14[%swap3A_452] {strides = array<i32>} : memref<96xi32, #tpu.memory_space<vmem>>, vector<16xi32>,
      tpu.vector_store %arg14[%swap3A_452], %rem3A_451 {strides = array<i32>} : memref<96xi32, #tpu.memory_space<vmem>>, vector<16xi32>,
      %swap3A_454 = arith.constant 0 : index
      %swap3A_455 = tpu.vector_load %arg15[%swap3A_454] {strides = array<i32>} : memref<80xi32, #tpu.memory_space<vmem>>, vector<16xi32>,
      tpu.vector_store %arg15[%swap3A_454], %get3A_433 {strides = array<i32>} : memref<80xi32, #tpu.memory_space<vmem>>, vector<16xi32>,
      %get3A_456 = arith.constant 16 : index
      %get3A_457 = tpu.vector_load %arg10[%get3A_456] {strides = array<i32>} : memref<80xi32, #tpu.memory_space<vmem>>, vector<16xi32>,
      %add3A_458 = vector.broadcast %mul3A_0 : i32 to vector<16xi32>
      %add3A_459 = arith.addi %get3A_457, %add3A_458 : vector<16xi32>
      %swap3A_460 = arith.constant 16 : index
      %swap3A_461 = tpu.vector_load %arg11[%swap3A_460] {strides = array<i32>} : memref<80xi32, #tpu.memory_space<vmem>>, vector<16xi32>,
      tpu.vector_store %arg11[%swap3A_460], %add3A_459 {strides = array<i32>} : memref<80xi32, #tpu.memory_space<vmem>>, vector<16xi32>,
      %get3A_462 = arith.constant 16 : index
      %get3A_463 = tpu.vector_load %arg12[%get3A_462] {strides = array<i32>} : memref<80xi32, #tpu.memory_space<vmem>>, vector<16xi32>,
      %add3A_464 = vector.broadcast %mul3A_0 : i32 to vector<16xi32>
      %add3A_465 = arith.addi %get3A_463, %add3A_464 : vector<16xi32>
      %swap3A_466 = arith.constant 16 : index
      %swap3A_467 = tpu.vector_load %arg12[%swap3A_466] {strides = array<i32>} : memref<80xi32, #tpu.memory_space<vmem>>, vector<16xi32>,
      tpu.vector_store %arg12[%swap3A_466], %add3A_465 {strides = array<i32>} : memref<80xi32, #tpu.memory_space<vmem>>, vector<16xi32>,
      %shift_right_logical3A_468 = arith.constant 4 : i32
      %shift_right_logical3A_469 = vector.broadcast %shift_right_logical3A_468 : i32 to vector<16xi32>
      %shift_right_logical3A_470 = arith.shrui %get3A_457, %shift_right_logical3A_469 : vector<16xi32>
      %swap3A_471 = arith.constant 16 : index
      %swap3A_472 = tpu.vector_load %arg13[%swap3A_471] {strides = array<i32>} : memref<80xi32, #tpu.memory_space<vmem>>, vector<16xi32>,
      tpu.vector_store %arg13[%swap3A_471], %shift_right_logical3A_470 {strides = array<i32>} : memref<80xi32, #tpu.memory_space<vmem>>, vector<16xi32>,
      %rem3A_473 = arith.constant 16 : i32
      %rem3A_474 = vector.broadcast %rem3A_473 : i32 to vector<16xi32>
      %rem3A_475 = arith.remsi %get3A_457, %rem3A_474 : vector<16xi32>
      %swap3A_476 = arith.constant 16 : index
      %swap3A_477 = tpu.vector_load %arg14[%swap3A_476] {strides = array<i32>} : memref<96xi32, #tpu.memory_space<vmem>>, vector<16xi32>,
      tpu.vector_store %arg14[%swap3A_476], %rem3A_475 {strides = array<i32>} : memref<96xi32, #tpu.memory_space<vmem>>, vector<16xi32>,
      %swap3A_478 = arith.constant 16 : index
      %swap3A_479 = tpu.vector_load %arg15[%swap3A_478] {strides = array<i32>} : memref<80xi32, #tpu.memory_space<vmem>>, vector<16xi32>,
      tpu.vector_store %arg15[%swap3A_478], %get3A_457 {strides = array<i32>} : memref<80xi32, #tpu.memory_space<vmem>>, vector<16xi32>,
      %get3A_480 = arith.constant 32 : index
      %get3A_481 = tpu.vector_load %arg10[%get3A_480] {strides = array<i32>} : memref<80xi32, #tpu.memory_space<vmem>>, vector<16xi32>,
      %add3A_482 = vector.broadcast %mul3A_0 : i32 to vector<16xi32>
      %add3A_483 = arith.addi %get3A_481, %add3A_482 : vector<16xi32>
      %swap3A_484 = arith.constant 32 : index
      %swap3A_485 = tpu.vector_load %arg11[%swap3A_484] {strides = array<i32>} : memref<80xi32, #tpu.memory_space<vmem>>, vector<16xi32>,
      tpu.vector_store %arg11[%swap3A_484], %add3A_483 {strides = array<i32>} : memref<80xi32, #tpu.memory_space<vmem>>, vector<16xi32>,
      %get3A_486 = arith.constant 32 : index
      %get3A_487 = tpu.vector_load %arg12[%get3A_486] {strides = array<i32>} : memref<80xi32, #tpu.memory_space<vmem>>, vector<16xi32>,
      %add3A_488 = vector.broadcast %mul3A_0 : i32 to vector<16xi32>
      %add3A_489 = arith.addi %get3A_487, %add3A_488 : vector<16xi32>
      %swap3A_490 = arith.constant 32 : index
      %swap3A_491 = tpu.vector_load %arg12[%swap3A_490] {strides = array<i32>} : memref<80xi32, #tpu.memory_space<vmem>>, vector<16xi32>,
      tpu.vector_store %arg12[%swap3A_490], %add3A_489 {strides = array<i32>} : memref<80xi32, #tpu.memory_space<vmem>>, vector<16xi32>,
      %shift_right_logical3A_492 = arith.constant 4 : i32
      %shift_right_logical3A_493 = vector.broadcast %shift_right_logical3A_492 : i32 to vector<16xi32>
      %shift_right_logical3A_494 = arith.shrui %get3A_481, %shift_right_logical3A_493 : vector<16xi32>
      %swap3A_495 = arith.constant 32 : index
      %swap3A_496 = tpu.vector_load %arg13[%swap3A_495] {strides = array<i32>} : memref<80xi32, #tpu.memory_space<vmem>>, vector<16xi32>,
      tpu.vector_store %arg13[%swap3A_495], %shift_right_logical3A_494 {strides = array<i32>} : memref<80xi32, #tpu.memory_space<vmem>>, vector<16xi32>,
      %rem3A_497 = arith.constant 16 : i32
      %rem3A_498 = vector.broadcast %rem3A_497 : i32 to vector<16xi32>
      %rem3A_499 = arith.remsi %get3A_481, %rem3A_498 : vector<16xi32>
      %swap3A_500 = arith.constant 32 : index
      %swap3A_501 = tpu.vector_load %arg14[%swap3A_500] {strides = array<i32>} : memref<96xi32, #tpu.memory_space<vmem>>, vector<16xi32>,
      tpu.vector_store %arg14[%swap3A_500], %rem3A_499 {strides = array<i32>} : memref<96xi32, #tpu.memory_space<vmem>>, vector<16xi32>,
      %swap3A_502 = arith.constant 32 : index
      %swap3A_503 = tpu.vector_load %arg15[%swap3A_502] {strides = array<i32>} : memref<80xi32, #tpu.memory_space<vmem>>, vector<16xi32>,
      tpu.vector_store %arg15[%swap3A_502], %get3A_481 {strides = array<i32>} : memref<80xi32, #tpu.memory_space<vmem>>, vector<16xi32>,
      %get3A_504 = arith.constant 48 : index
      %get3A_505 = tpu.vector_load %arg10[%get3A_504] {strides = array<i32>} : memref<80xi32, #tpu.memory_space<vmem>>, vector<16xi32>,
      %add3A_506 = vector.broadcast %mul3A_0 : i32 to vector<16xi32>
      %add3A_507 = arith.addi %get3A_505, %add3A_506 : vector<16xi32>
      %swap3A_508 = arith.constant 48 : index
      %swap3A_509 = tpu.vector_load %arg11[%swap3A_508] {strides = array<i32>} : memref<80xi32, #tpu.memory_space<vmem>>, vector<16xi32>,
      tpu.vector_store %arg11[%swap3A_508], %add3A_507 {strides = array<i32>} : memref<80xi32, #tpu.memory_space<vmem>>, vector<16xi32>,
      %get3A_510 = arith.constant 48 : index
      %get3A_511 = tpu.vector_load %arg12[%get3A_510] {strides = array<i32>} : memref<80xi32, #tpu.memory_space<vmem>>, vector<16xi32>,
      %add3A_512 = vector.broadcast %mul3A_0 : i32 to vector<16xi32>
      %add3A_513 = arith.addi %get3A_511, %add3A_512 : vector<16xi32>
      %swap3A_514 = arith.constant 48 : index
      %swap3A_515 = tpu.vector_load %arg12[%swap3A_514] {strides = array<i32>} : memref<80xi32, #tpu.memory_space<vmem>>, vector<16xi32>,
      tpu.vector_store %arg12[%swap3A_514], %add3A_513 {strides = array<i32>} : memref<80xi32, #tpu.memory_space<vmem>>, vector<16xi32>,
      %shift_right_logical3A_516 = arith.constant 4 : i32
      %shift_right_logical3A_517 = vector.broadcast %shift_right_logical3A_516 : i32 to vector<16xi32>
      %shift_right_logical3A_518 = arith.shrui %get3A_505, %shift_right_logical3A_517 : vector<16xi32>
      %swap3A_519 = arith.constant 48 : index
      %swap3A_520 = tpu.vector_load %arg13[%swap3A_519] {strides = array<i32>} : memref<80xi32, #tpu.memory_space<vmem>>, vector<16xi32>,
      tpu.vector_store %arg13[%swap3A_519], %shift_right_logical3A_518 {strides = array<i32>} : memref<80xi32, #tpu.memory_space<vmem>>, vector<16xi32>,
      %rem3A_521 = arith.constant 16 : i32
      %rem3A_522 = vector.broadcast %rem3A_521 : i32 to vector<16xi32>
      %rem3A_523 = arith.remsi %get3A_505, %rem3A_522 : vector<16xi32>
      %swap3A_524 = arith.constant 48 : index
      %swap3A_525 = tpu.vector_load %arg14[%swap3A_524] {strides = array<i32>} : memref<96xi32, #tpu.memory_space<vmem>>, vector<16xi32>,
      tpu.vector_store %arg14[%swap3A_524], %rem3A_523 {strides = array<i32>} : memref<96xi32, #tpu.memory_space<vmem>>, vector<16xi32>,
      %swap3A_526 = arith.constant 48 : index
      %swap3A_527 = tpu.vector_load %arg15[%swap3A_526] {strides = array<i32>} : memref<80xi32, #tpu.memory_space<vmem>>, vector<16xi32>,
      tpu.vector_store %arg15[%swap3A_526], %get3A_505 {strides = array<i32>} : memref<80xi32, #tpu.memory_space<vmem>>, vector<16xi32>,
      %get3A_528 = arith.constant 64 : index
      %get3A_529 = tpu.vector_load %arg10[%get3A_528] {strides = array<i32>} : memref<80xi32, #tpu.memory_space<vmem>>, vector<16xi32>,
      %add3A_530 = vector.broadcast %mul3A_0 : i32 to vector<16xi32>
      %add3A_531 = arith.addi %get3A_529, %add3A_530 : vector<16xi32>
      %swap3A_532 = arith.constant 64 : index
      %swap3A_533 = tpu.vector_load %arg11[%swap3A_532] {strides = array<i32>} : memref<80xi32, #tpu.memory_space<vmem>>, vector<16xi32>,
      tpu.vector_store %arg11[%swap3A_532], %add3A_531 {strides = array<i32>} : memref<80xi32, #tpu.memory_space<vmem>>, vector<16xi32>,
      %get3A_534 = arith.constant 64 : index
      %get3A_535 = tpu.vector_load %arg12[%get3A_534] {strides = array<i32>} : memref<80xi32, #tpu.memory_space<vmem>>, vector<16xi32>,
      %add3A_536 = vector.broadcast %mul3A_0 : i32 to vector<16xi32>
      %add3A_537 = arith.addi %get3A_535, %add3A_536 : vector<16xi32>
      %swap3A_538 = arith.constant 64 : index
      %swap3A_539 = tpu.vector_load %arg12[%swap3A_538] {strides = array<i32>} : memref<80xi32, #tpu.memory_space<vmem>>, vector<16xi32>,
      tpu.vector_store %arg12[%swap3A_538], %add3A_537 {strides = array<i32>} : memref<80xi32, #tpu.memory_space<vmem>>, vector<16xi32>,
      %shift_right_logical3A_540 = arith.constant 4 : i32
      %shift_right_logical3A_541 = vector.broadcast %shift_right_logical3A_540 : i32 to vector<16xi32>
      %shift_right_logical3A_542 = arith.shrui %get3A_529, %shift_right_logical3A_541 : vector<16xi32>
      %swap3A_543 = arith.constant 64 : index
      %swap3A_544 = tpu.vector_load %arg13[%swap3A_543] {strides = array<i32>} : memref<80xi32, #tpu.memory_space<vmem>>, vector<16xi32>,
      tpu.vector_store %arg13[%swap3A_543], %shift_right_logical3A_542 {strides = array<i32>} : memref<80xi32, #tpu.memory_space<vmem>>, vector<16xi32>,
      %rem3A_545 = arith.constant 16 : i32
      %rem3A_546 = vector.broadcast %rem3A_545 : i32 to vector<16xi32>
      %rem3A_547 = arith.remsi %get3A_529, %rem3A_546 : vector<16xi32>
      %swap3A_548 = arith.constant 64 : index
      %swap3A_549 = tpu.vector_load %arg14[%swap3A_548] {strides = array<i32>} : memref<96xi32, #tpu.memory_space<vmem>>, vector<16xi32>,
      tpu.vector_store %arg14[%swap3A_548], %rem3A_547 {strides = array<i32>} : memref<96xi32, #tpu.memory_space<vmem>>, vector<16xi32>,
      %swap3A_550 = arith.constant 64 : index
      %swap3A_551 = tpu.vector_load %arg15[%swap3A_550] {strides = array<i32>} : memref<80xi32, #tpu.memory_space<vmem>>, vector<16xi32>,
      tpu.vector_store %arg15[%swap3A_550], %get3A_529 {strides = array<i32>} : memref<80xi32, #tpu.memory_space<vmem>>, vector<16xi32>,
      %dma_start3A_552 = arith.constant 0 : i32
      %dma_start3A_553 = arith.constant 0 : i32
      %dma_start3A_554 = tpu.memref_slice %arg2[%dma_start3A_552, %dma_start3A_553] : memref<20000x128xf32, #tpu.memory_space<hbm>> -> memref<20000x128xf32, #tpu.memory_space<hbm>>
      tpu.enqueue_indirect_dma source(%dma_start3A_554 : memref<20000x128xf32, #tpu.memory_space<hbm>>) target(%arg22 : memref<80x128xf32, #tpu.memory_space<vmem>>) offsets(%arg11 : memref<80xi32, #tpu.memory_space<vmem>>) semaphore(%arg26 : memref<!tpu.dma_semaphore, #tpu.memory_space<semaphore_mem>>)
      %dma_start3A_555 = arith.constant 0 : i32
      %dma_start3A_556 = arith.constant 0 : i32
      %dma_start3A_557 = tpu.memref_slice %arg3[%dma_start3A_555, %dma_start3A_556] : memref<20000x128xf32, #tpu.memory_space<hbm>> -> memref<20000x128xf32, #tpu.memory_space<hbm>>
      tpu.enqueue_indirect_dma source(%dma_start3A_557 : memref<20000x128xf32, #tpu.memory_space<hbm>>) target(%arg23 : memref<80x128xf32, #tpu.memory_space<vmem>>) offsets(%arg12 : memref<80xi32, #tpu.memory_space<vmem>>) semaphore(%arg27 : memref<!tpu.dma_semaphore, #tpu.memory_space<semaphore_mem>>)
      %dma_wait3A_558 = arith.constant 0 : i32
      %dma_wait3A_559 = arith.constant 0 : i32
      %dma_wait3A_560 = tpu.memref_slice %arg38[%dma_wait3A_558, %dma_wait3A_559] : memref<10112x128xf32, #tpu.memory_space<vmem_shared>> -> memref<10112x128xf32, #tpu.memory_space<vmem_shared>>
      tpu.wait_indirect_dma semaphore(%arg32 : memref<!tpu.dma_semaphore, #tpu.memory_space<semaphore_mem>>) src(%arg25 : memref<80x128xf32, #tpu.memory_space<vmem>>) dst(%dma_wait3A_560 : memref<10112x128xf32, #tpu.memory_space<vmem_shared>>)
      %dma_wait3A_561 = arith.constant 0 : i32
      %dma_wait3A_562 = arith.constant 0 : i32
      %dma_wait3A_563 = tpu.memref_slice %arg39[%dma_wait3A_561, %dma_wait3A_562] : memref<640x128xf32, #tpu.memory_space<vmem_shared>> -> memref<640x128xf32, #tpu.memory_space<vmem_shared>>
      tpu.wait_indirect_dma semaphore(%arg33 : memref<!tpu.dma_semaphore, #tpu.memory_space<semaphore_mem>>) src(%arg24 : memref<80x128xf32, #tpu.memory_space<vmem>>) dst(%dma_wait3A_563 : memref<640x128xf32, #tpu.memory_space<vmem_shared>>)
      %lt3A_564 = arith.constant 61 : i32
      %lt3A_565 = arith.cmpi slt, %scan3A_371, %lt3A_564 : i32
      %convert_element_type3A_566 = arith.extui %lt3A_565 : i1 to i32
      %cond3A_567 = arith.constant 0 : i32
      %cond3A_568 = arith.cmpi ne, %convert_element_type3A_566, %cond3A_567 : i32
      scf.if %cond3A_568 {
        %add3A_569 = arith.constant 3 : i32
        %add3A_570 = arith.addi %add3A_374, %add3A_569 : i32
        %mul3A_571 = arith.constant 80 : i32
        %mul3A_572 = arith.muli %add3A_570, %mul3A_571 : i32
        %dma_wait3A_573 = tpu.memref_slice %arg4[%mul3A_572] : memref<160000xi32, #tpu.memory_space<hbm>> -> memref<80xi32, #tpu.memory_space<hbm>>
        %dma_wait3A_574 = tpu.memref_slice %arg4[%mul3A_572] : memref<160000xi32, #tpu.memory_space<hbm>> -> memref<80xi32, #tpu.memory_space<hbm>>
        tpu.wait_dma2 semaphore(%arg36 : memref<!tpu.dma_semaphore, #tpu.memory_space<semaphore_mem>>) src(%dma_wait3A_574 : memref<80xi32, #tpu.memory_space<hbm>>) dst(%arg16 : memref<80xi32, #tpu.memory_space<vmem>>)
        %dma_wait3A_575 = tpu.memref_slice %arg5[%mul3A_572] : memref<160000xi32, #tpu.memory_space<hbm>> -> memref<80xi32, #tpu.memory_space<hbm>>
        %dma_wait3A_576 = tpu.memref_slice %arg5[%mul3A_572] : memref<160000xi32, #tpu.memory_space<hbm>> -> memref<80xi32, #tpu.memory_space<hbm>>
        tpu.wait_dma2 semaphore(%arg37 : memref<!tpu.dma_semaphore, #tpu.memory_space<semaphore_mem>>) src(%dma_wait3A_576 : memref<80xi32, #tpu.memory_space<hbm>>) dst(%arg18 : memref<80xi32, #tpu.memory_space<vmem>>)
        %get3A_577 = arith.constant 0 : index
        %get3A_578 = tpu.vector_load %arg16[%get3A_577] {strides = array<i32>} : memref<80xi32, #tpu.memory_space<vmem>>, vector<16xi32>,
        %add3A_579 = vector.broadcast %mul3A_0 : i32 to vector<16xi32>
        %add3A_580 = arith.addi %get3A_578, %add3A_579 : vector<16xi32>
        %swap3A_581 = arith.constant 0 : index
        %swap3A_582 = tpu.vector_load %arg17[%swap3A_581] {strides = array<i32>} : memref<80xi32, #tpu.memory_space<vmem>>, vector<16xi32>,
        tpu.vector_store %arg17[%swap3A_581], %add3A_580 {strides = array<i32>} : memref<80xi32, #tpu.memory_space<vmem>>, vector<16xi32>,
        %get3A_583 = arith.constant 0 : index
        %get3A_584 = tpu.vector_load %arg18[%get3A_583] {strides = array<i32>} : memref<80xi32, #tpu.memory_space<vmem>>, vector<16xi32>,
        %add3A_585 = vector.broadcast %mul3A_0 : i32 to vector<16xi32>
        %add3A_586 = arith.addi %get3A_584, %add3A_585 : vector<16xi32>
        %swap3A_587 = arith.constant 0 : index
        %swap3A_588 = tpu.vector_load %arg18[%swap3A_587] {strides = array<i32>} : memref<80xi32, #tpu.memory_space<vmem>>, vector<16xi32>,
        tpu.vector_store %arg18[%swap3A_587], %add3A_586 {strides = array<i32>} : memref<80xi32, #tpu.memory_space<vmem>>, vector<16xi32>,
        %shift_right_logical3A_589 = arith.constant 4 : i32
        %shift_right_logical3A_590 = vector.broadcast %shift_right_logical3A_589 : i32 to vector<16xi32>
        %shift_right_logical3A_591 = arith.shrui %get3A_578, %shift_right_logical3A_590 : vector<16xi32>
        %swap3A_592 = arith.constant 0 : index
        %swap3A_593 = tpu.vector_load %arg19[%swap3A_592] {strides = array<i32>} : memref<80xi32, #tpu.memory_space<vmem>>, vector<16xi32>,
        tpu.vector_store %arg19[%swap3A_592], %shift_right_logical3A_591 {strides = array<i32>} : memref<80xi32, #tpu.memory_space<vmem>>, vector<16xi32>,
        %rem3A_594 = arith.constant 16 : i32
        %rem3A_595 = vector.broadcast %rem3A_594 : i32 to vector<16xi32>
        %rem3A_596 = arith.remsi %get3A_578, %rem3A_595 : vector<16xi32>
        %swap3A_597 = arith.constant 0 : index
        %swap3A_598 = tpu.vector_load %arg20[%swap3A_597] {strides = array<i32>} : memref<96xi32, #tpu.memory_space<vmem>>, vector<16xi32>,
        tpu.vector_store %arg20[%swap3A_597], %rem3A_596 {strides = array<i32>} : memref<96xi32, #tpu.memory_space<vmem>>, vector<16xi32>,
        %swap3A_599 = arith.constant 0 : index
        %swap3A_600 = tpu.vector_load %arg21[%swap3A_599] {strides = array<i32>} : memref<80xi32, #tpu.memory_space<vmem>>, vector<16xi32>,
        tpu.vector_store %arg21[%swap3A_599], %get3A_578 {strides = array<i32>} : memref<80xi32, #tpu.memory_space<vmem>>, vector<16xi32>,
        %get3A_601 = arith.constant 16 : index
        %get3A_602 = tpu.vector_load %arg16[%get3A_601] {strides = array<i32>} : memref<80xi32, #tpu.memory_space<vmem>>, vector<16xi32>,
        %add3A_603 = vector.broadcast %mul3A_0 : i32 to vector<16xi32>
        %add3A_604 = arith.addi %get3A_602, %add3A_603 : vector<16xi32>
        %swap3A_605 = arith.constant 16 : index
        %swap3A_606 = tpu.vector_load %arg17[%swap3A_605] {strides = array<i32>} : memref<80xi32, #tpu.memory_space<vmem>>, vector<16xi32>,
        tpu.vector_store %arg17[%swap3A_605], %add3A_604 {strides = array<i32>} : memref<80xi32, #tpu.memory_space<vmem>>, vector<16xi32>,
        %get3A_607 = arith.constant 16 : index
        %get3A_608 = tpu.vector_load %arg18[%get3A_607] {strides = array<i32>} : memref<80xi32, #tpu.memory_space<vmem>>, vector<16xi32>,
        %add3A_609 = vector.broadcast %mul3A_0 : i32 to vector<16xi32>
        %add3A_610 = arith.addi %get3A_608, %add3A_609 : vector<16xi32>
        %swap3A_611 = arith.constant 16 : index
        %swap3A_612 = tpu.vector_load %arg18[%swap3A_611] {strides = array<i32>} : memref<80xi32, #tpu.memory_space<vmem>>, vector<16xi32>,
        tpu.vector_store %arg18[%swap3A_611], %add3A_610 {strides = array<i32>} : memref<80xi32, #tpu.memory_space<vmem>>, vector<16xi32>,
        %shift_right_logical3A_613 = arith.constant 4 : i32
        %shift_right_logical3A_614 = vector.broadcast %shift_right_logical3A_613 : i32 to vector<16xi32>
        %shift_right_logical3A_615 = arith.shrui %get3A_602, %shift_right_logical3A_614 : vector<16xi32>
        %swap3A_616 = arith.constant 16 : index
        %swap3A_617 = tpu.vector_load %arg19[%swap3A_616] {strides = array<i32>} : memref<80xi32, #tpu.memory_space<vmem>>, vector<16xi32>,
        tpu.vector_store %arg19[%swap3A_616], %shift_right_logical3A_615 {strides = array<i32>} : memref<80xi32, #tpu.memory_space<vmem>>, vector<16xi32>,
        %rem3A_618 = arith.constant 16 : i32
        %rem3A_619 = vector.broadcast %rem3A_618 : i32 to vector<16xi32>
        %rem3A_620 = arith.remsi %get3A_602, %rem3A_619 : vector<16xi32>
        %swap3A_621 = arith.constant 16 : index
        %swap3A_622 = tpu.vector_load %arg20[%swap3A_621] {strides = array<i32>} : memref<96xi32, #tpu.memory_space<vmem>>, vector<16xi32>,
        tpu.vector_store %arg20[%swap3A_621], %rem3A_620 {strides = array<i32>} : memref<96xi32, #tpu.memory_space<vmem>>, vector<16xi32>,
        %swap3A_623 = arith.constant 16 : index
        %swap3A_624 = tpu.vector_load %arg21[%swap3A_623] {strides = array<i32>} : memref<80xi32, #tpu.memory_space<vmem>>, vector<16xi32>,
        tpu.vector_store %arg21[%swap3A_623], %get3A_602 {strides = array<i32>} : memref<80xi32, #tpu.memory_space<vmem>>, vector<16xi32>,
        %get3A_625 = arith.constant 32 : index
        %get3A_626 = tpu.vector_load %arg16[%get3A_625] {strides = array<i32>} : memref<80xi32, #tpu.memory_space<vmem>>, vector<16xi32>,
        %add3A_627 = vector.broadcast %mul3A_0 : i32 to vector<16xi32>
        %add3A_628 = arith.addi %get3A_626, %add3A_627 : vector<16xi32>
        %swap3A_629 = arith.constant 32 : index
        %swap3A_630 = tpu.vector_load %arg17[%swap3A_629] {strides = array<i32>} : memref<80xi32, #tpu.memory_space<vmem>>, vector<16xi32>,
        tpu.vector_store %arg17[%swap3A_629], %add3A_628 {strides = array<i32>} : memref<80xi32, #tpu.memory_space<vmem>>, vector<16xi32>,
        %get3A_631 = arith.constant 32 : index
        %get3A_632 = tpu.vector_load %arg18[%get3A_631] {strides = array<i32>} : memref<80xi32, #tpu.memory_space<vmem>>, vector<16xi32>,
        %add3A_633 = vector.broadcast %mul3A_0 : i32 to vector<16xi32>
        %add3A_634 = arith.addi %get3A_632, %add3A_633 : vector<16xi32>
        %swap3A_635 = arith.constant 32 : index
        %swap3A_636 = tpu.vector_load %arg18[%swap3A_635] {strides = array<i32>} : memref<80xi32, #tpu.memory_space<vmem>>, vector<16xi32>,
        tpu.vector_store %arg18[%swap3A_635], %add3A_634 {strides = array<i32>} : memref<80xi32, #tpu.memory_space<vmem>>, vector<16xi32>,
        %shift_right_logical3A_637 = arith.constant 4 : i32
        %shift_right_logical3A_638 = vector.broadcast %shift_right_logical3A_637 : i32 to vector<16xi32>
        %shift_right_logical3A_639 = arith.shrui %get3A_626, %shift_right_logical3A_638 : vector<16xi32>
        %swap3A_640 = arith.constant 32 : index
        %swap3A_641 = tpu.vector_load %arg19[%swap3A_640] {strides = array<i32>} : memref<80xi32, #tpu.memory_space<vmem>>, vector<16xi32>,
        tpu.vector_store %arg19[%swap3A_640], %shift_right_logical3A_639 {strides = array<i32>} : memref<80xi32, #tpu.memory_space<vmem>>, vector<16xi32>,
        %rem3A_642 = arith.constant 16 : i32
        %rem3A_643 = vector.broadcast %rem3A_642 : i32 to vector<16xi32>
        %rem3A_644 = arith.remsi %get3A_626, %rem3A_643 : vector<16xi32>
        %swap3A_645 = arith.constant 32 : index
        %swap3A_646 = tpu.vector_load %arg20[%swap3A_645] {strides = array<i32>} : memref<96xi32, #tpu.memory_space<vmem>>, vector<16xi32>,
        tpu.vector_store %arg20[%swap3A_645], %rem3A_644 {strides = array<i32>} : memref<96xi32, #tpu.memory_space<vmem>>, vector<16xi32>,
        %swap3A_647 = arith.constant 32 : index
        %swap3A_648 = tpu.vector_load %arg21[%swap3A_647] {strides = array<i32>} : memref<80xi32, #tpu.memory_space<vmem>>, vector<16xi32>,
        tpu.vector_store %arg21[%swap3A_647], %get3A_626 {strides = array<i32>} : memref<80xi32, #tpu.memory_space<vmem>>, vector<16xi32>,
        %get3A_649 = arith.constant 48 : index
        %get3A_650 = tpu.vector_load %arg16[%get3A_649] {strides = array<i32>} : memref<80xi32, #tpu.memory_space<vmem>>, vector<16xi32>,
        %add3A_651 = vector.broadcast %mul3A_0 : i32 to vector<16xi32>
        %add3A_652 = arith.addi %get3A_650, %add3A_651 : vector<16xi32>
        %swap3A_653 = arith.constant 48 : index
        %swap3A_654 = tpu.vector_load %arg17[%swap3A_653] {strides = array<i32>} : memref<80xi32, #tpu.memory_space<vmem>>, vector<16xi32>,
        tpu.vector_store %arg17[%swap3A_653], %add3A_652 {strides = array<i32>} : memref<80xi32, #tpu.memory_space<vmem>>, vector<16xi32>,
        %get3A_655 = arith.constant 48 : index
        %get3A_656 = tpu.vector_load %arg18[%get3A_655] {strides = array<i32>} : memref<80xi32, #tpu.memory_space<vmem>>, vector<16xi32>,
        %add3A_657 = vector.broadcast %mul3A_0 : i32 to vector<16xi32>
        %add3A_658 = arith.addi %get3A_656, %add3A_657 : vector<16xi32>
        %swap3A_659 = arith.constant 48 : index
        %swap3A_660 = tpu.vector_load %arg18[%swap3A_659] {strides = array<i32>} : memref<80xi32, #tpu.memory_space<vmem>>, vector<16xi32>,
        tpu.vector_store %arg18[%swap3A_659], %add3A_658 {strides = array<i32>} : memref<80xi32, #tpu.memory_space<vmem>>, vector<16xi32>,
        %shift_right_logical3A_661 = arith.constant 4 : i32
        %shift_right_logical3A_662 = vector.broadcast %shift_right_logical3A_661 : i32 to vector<16xi32>
        %shift_right_logical3A_663 = arith.shrui %get3A_650, %shift_right_logical3A_662 : vector<16xi32>
        %swap3A_664 = arith.constant 48 : index
        %swap3A_665 = tpu.vector_load %arg19[%swap3A_664] {strides = array<i32>} : memref<80xi32, #tpu.memory_space<vmem>>, vector<16xi32>,
        tpu.vector_store %arg19[%swap3A_664], %shift_right_logical3A_663 {strides = array<i32>} : memref<80xi32, #tpu.memory_space<vmem>>, vector<16xi32>,
        %rem3A_666 = arith.constant 16 : i32
        %rem3A_667 = vector.broadcast %rem3A_666 : i32 to vector<16xi32>
        %rem3A_668 = arith.remsi %get3A_650, %rem3A_667 : vector<16xi32>
        %swap3A_669 = arith.constant 48 : index
        %swap3A_670 = tpu.vector_load %arg20[%swap3A_669] {strides = array<i32>} : memref<96xi32, #tpu.memory_space<vmem>>, vector<16xi32>,
        tpu.vector_store %arg20[%swap3A_669], %rem3A_668 {strides = array<i32>} : memref<96xi32, #tpu.memory_space<vmem>>, vector<16xi32>,
        %swap3A_671 = arith.constant 48 : index
        %swap3A_672 = tpu.vector_load %arg21[%swap3A_671] {strides = array<i32>} : memref<80xi32, #tpu.memory_space<vmem>>, vector<16xi32>,
        tpu.vector_store %arg21[%swap3A_671], %get3A_650 {strides = array<i32>} : memref<80xi32, #tpu.memory_space<vmem>>, vector<16xi32>,
        %get3A_673 = arith.constant 64 : index
        %get3A_674 = tpu.vector_load %arg16[%get3A_673] {strides = array<i32>} : memref<80xi32, #tpu.memory_space<vmem>>, vector<16xi32>,
        %add3A_675 = vector.broadcast %mul3A_0 : i32 to vector<16xi32>
        %add3A_676 = arith.addi %get3A_674, %add3A_675 : vector<16xi32>
        %swap3A_677 = arith.constant 64 : index
        %swap3A_678 = tpu.vector_load %arg17[%swap3A_677] {strides = array<i32>} : memref<80xi32, #tpu.memory_space<vmem>>, vector<16xi32>,
        tpu.vector_store %arg17[%swap3A_677], %add3A_676 {strides = array<i32>} : memref<80xi32, #tpu.memory_space<vmem>>, vector<16xi32>,
        %get3A_679 = arith.constant 64 : index
        %get3A_680 = tpu.vector_load %arg18[%get3A_679] {strides = array<i32>} : memref<80xi32, #tpu.memory_space<vmem>>, vector<16xi32>,
        %add3A_681 = vector.broadcast %mul3A_0 : i32 to vector<16xi32>
        %add3A_682 = arith.addi %get3A_680, %add3A_681 : vector<16xi32>
        %swap3A_683 = arith.constant 64 : index
        %swap3A_684 = tpu.vector_load %arg18[%swap3A_683] {strides = array<i32>} : memref<80xi32, #tpu.memory_space<vmem>>, vector<16xi32>,
        tpu.vector_store %arg18[%swap3A_683], %add3A_682 {strides = array<i32>} : memref<80xi32, #tpu.memory_space<vmem>>, vector<16xi32>,
        %shift_right_logical3A_685 = arith.constant 4 : i32
        %shift_right_logical3A_686 = vector.broadcast %shift_right_logical3A_685 : i32 to vector<16xi32>
        %shift_right_logical3A_687 = arith.shrui %get3A_674, %shift_right_logical3A_686 : vector<16xi32>
        %swap3A_688 = arith.constant 64 : index
        %swap3A_689 = tpu.vector_load %arg19[%swap3A_688] {strides = array<i32>} : memref<80xi32, #tpu.memory_space<vmem>>, vector<16xi32>,
        tpu.vector_store %arg19[%swap3A_688], %shift_right_logical3A_687 {strides = array<i32>} : memref<80xi32, #tpu.memory_space<vmem>>, vector<16xi32>,
        %rem3A_690 = arith.constant 16 : i32
        %rem3A_691 = vector.broadcast %rem3A_690 : i32 to vector<16xi32>
        %rem3A_692 = arith.remsi %get3A_674, %rem3A_691 : vector<16xi32>
        %swap3A_693 = arith.constant 64 : index
        %swap3A_694 = tpu.vector_load %arg20[%swap3A_693] {strides = array<i32>} : memref<96xi32, #tpu.memory_space<vmem>>, vector<16xi32>,
        tpu.vector_store %arg20[%swap3A_693], %rem3A_692 {strides = array<i32>} : memref<96xi32, #tpu.memory_space<vmem>>, vector<16xi32>,
        %swap3A_695 = arith.constant 64 : index
        %swap3A_696 = tpu.vector_load %arg21[%swap3A_695] {strides = array<i32>} : memref<80xi32, #tpu.memory_space<vmem>>, vector<16xi32>,
        tpu.vector_store %arg21[%swap3A_695], %get3A_674 {strides = array<i32>} : memref<80xi32, #tpu.memory_space<vmem>>, vector<16xi32>,
        %dma_start3A_697 = arith.constant 0 : i32
        %dma_start3A_698 = arith.constant 0 : i32
        %dma_start3A_699 = tpu.memref_slice %arg2[%dma_start3A_697, %dma_start3A_698] : memref<20000x128xf32, #tpu.memory_space<hbm>> -> memref<20000x128xf32, #tpu.memory_space<hbm>>
        tpu.enqueue_indirect_dma source(%dma_start3A_699 : memref<20000x128xf32, #tpu.memory_space<hbm>>) target(%arg24 : memref<80x128xf32, #tpu.memory_space<vmem>>) offsets(%arg17 : memref<80xi32, #tpu.memory_space<vmem>>) semaphore(%arg30 : memref<!tpu.dma_semaphore, #tpu.memory_space<semaphore_mem>>)
        %dma_start3A_700 = arith.constant 0 : i32
        %dma_start3A_701 = arith.constant 0 : i32
        %dma_start3A_702 = tpu.memref_slice %arg3[%dma_start3A_700, %dma_start3A_701] : memref<20000x128xf32, #tpu.memory_space<hbm>> -> memref<20000x128xf32, #tpu.memory_space<hbm>>
        tpu.enqueue_indirect_dma source(%dma_start3A_702 : memref<20000x128xf32, #tpu.memory_space<hbm>>) target(%arg25 : memref<80x128xf32, #tpu.memory_space<vmem>>) offsets(%arg18 : memref<80xi32, #tpu.memory_space<vmem>>) semaphore(%arg31 : memref<!tpu.dma_semaphore, #tpu.memory_space<semaphore_mem>>)
      } else {
      }
    }
    %scan3A_331 = arith.constant 62 : i32
    %dma_wait3A_332 = arith.constant 0 : i32
    %dma_wait3A_333 = arith.constant 0 : i32
    %dma_wait3A_334 = tpu.memref_slice %arg2[%dma_wait3A_332, %dma_wait3A_333] : memref<20000x128xf32, #tpu.memory_space<hbm>> -> memref<20000x128xf32, #tpu.memory_space<hbm>>
    tpu.wait_indirect_dma semaphore(%arg26 : memref<!tpu.dma_semaphore, #tpu.memory_space<semaphore_mem>>) src(%dma_wait3A_334 : memref<20000x128xf32, #tpu.memory_space<hbm>>) dst(%arg22 : memref<80x128xf32, #tpu.memory_space<vmem>>)
    %dma_wait3A_335 = arith.constant 0 : i32
    %dma_wait3A_336 = arith.constant 0 : i32
    %dma_wait3A_337 = tpu.memref_slice %arg3[%dma_wait3A_335, %dma_wait3A_336] : memref<20000x128xf32, #tpu.memory_space<hbm>> -> memref<20000x128xf32, #tpu.memory_space<hbm>>
    tpu.wait_indirect_dma semaphore(%arg27 : memref<!tpu.dma_semaphore, #tpu.memory_space<semaphore_mem>>) src(%dma_wait3A_337 : memref<20000x128xf32, #tpu.memory_space<hbm>>) dst(%arg23 : memref<80x128xf32, #tpu.memory_space<vmem>>)
    %parallel_loop3A = arith.constant 0 : i32
    %parallel_loop3A_338 = arith.constant 80 : i32
    %parallel_loop3A_339 = arith.constant 1 : i32
    scf.for %parallel_loop3A_371 = %parallel_loop3A to %parallel_loop3A_338 step %parallel_loop3A_339  : i32 {
      %parallel_loop3A_372 = arith.index_cast %parallel_loop3A_371 : i32 to index
      %parallel_loop3A_373 = tpu.vector_load %arg14[%parallel_loop3A_372] {strides = array<i32>} : memref<96xi32, #tpu.memory_space<vmem>>, vector<16xi32>,
      %parallel_loop3A_374 = vector.extract_strided_slice %parallel_loop3A_373 {offsets = [0], sizes = [1], strides = [1]} : vector<16xi32> to vector<1xi32>
      %parallel_loop3A_375 = vector.extract %parallel_loop3A_374[0] : i32 from vector<1xi32>
      %parallel_loop3A_376 = arith.index_cast %parallel_loop3A_371 : i32 to index
      %parallel_loop3A_377 = arith.constant 0 : index
      %parallel_loop3A_378 = tpu.vector_load %arg22[%parallel_loop3A_376, %parallel_loop3A_377] {strides = array<i32>} : memref<80x128xf32, #tpu.memory_space<vmem>>, vector<16xf32>,
      %parallel_loop3A_379 = arith.index_cast %parallel_loop3A_371 : i32 to index
      %parallel_loop3A_380 = arith.constant 16 : index
      %parallel_loop3A_381 = tpu.vector_load %arg22[%parallel_loop3A_379, %parallel_loop3A_380] {strides = array<i32>} : memref<80x128xf32, #tpu.memory_space<vmem>>, vector<16xf32>,
      %parallel_loop3A_382 = arith.index_cast %parallel_loop3A_371 : i32 to index
      %parallel_loop3A_383 = arith.constant 0 : index
      %parallel_loop3A_384 = tpu.vector_load %arg23[%parallel_loop3A_382, %parallel_loop3A_383] {strides = array<i32>} : memref<80x128xf32, #tpu.memory_space<vmem>>, vector<16xf32>,
      %parallel_loop3A_385 = arith.index_cast %parallel_loop3A_371 : i32 to index
      %parallel_loop3A_386 = arith.constant 16 : index
      %parallel_loop3A_387 = tpu.vector_load %arg23[%parallel_loop3A_385, %parallel_loop3A_386] {strides = array<i32>} : memref<80x128xf32, #tpu.memory_space<vmem>>, vector<16xf32>,
      %parallel_loop3A_388 = arith.mulf %parallel_loop3A_378, %parallel_loop3A_384 : vector<16xf32>
      %parallel_loop3A_389 = arith.mulf %parallel_loop3A_381, %parallel_loop3A_387 : vector<16xf32>
      %parallel_loop3A_390 = arith.addf %parallel_loop3A_388, %parallel_loop3A_389 : vector<16xf32>
      %parallel_loop3A_391 = arith.constant true
      %parallel_loop3A_392 = vector.broadcast %parallel_loop3A_391 : i1 to vector<16xi1>
      %parallel_loop3A_393 = tpu.scan <sum>, %parallel_loop3A_390 masked %parallel_loop3A_392 : vector<16xf32>, vector<16xi1> -> vector<16xf32>
      %parallel_loop3A_394 = vector.extract %parallel_loop3A_393[15] : f32 from vector<16xf32>
      %parallel_loop3A_395 = arith.index_cast %parallel_loop3A_371 : i32 to index
      %parallel_loop3A_396 = arith.constant 32 : index
      %parallel_loop3A_397 = tpu.vector_load %arg22[%parallel_loop3A_395, %parallel_loop3A_396] {strides = array<i32>} : memref<80x128xf32, #tpu.memory_space<vmem>>, vector<16xf32>,
      %parallel_loop3A_398 = arith.index_cast %parallel_loop3A_371 : i32 to index
      %parallel_loop3A_399 = arith.constant 48 : index
      %parallel_loop3A_400 = tpu.vector_load %arg22[%parallel_loop3A_398, %parallel_loop3A_399] {strides = array<i32>} : memref<80x128xf32, #tpu.memory_space<vmem>>, vector<16xf32>,
      %parallel_loop3A_401 = arith.index_cast %parallel_loop3A_371 : i32 to index
      %parallel_loop3A_402 = arith.constant 32 : index
      %parallel_loop3A_403 = tpu.vector_load %arg23[%parallel_loop3A_401, %parallel_loop3A_402] {strides = array<i32>} : memref<80x128xf32, #tpu.memory_space<vmem>>, vector<16xf32>,
      %parallel_loop3A_404 = arith.index_cast %parallel_loop3A_371 : i32 to index
      %parallel_loop3A_405 = arith.constant 48 : index
      %parallel_loop3A_406 = tpu.vector_load %arg23[%parallel_loop3A_404, %parallel_loop3A_405] {strides = array<i32>} : memref<80x128xf32, #tpu.memory_space<vmem>>, vector<16xf32>,
      %parallel_loop3A_407 = arith.mulf %parallel_loop3A_397, %parallel_loop3A_403 : vector<16xf32>
      %parallel_loop3A_408 = arith.mulf %parallel_loop3A_400, %parallel_loop3A_406 : vector<16xf32>
      %parallel_loop3A_409 = arith.addf %parallel_loop3A_407, %parallel_loop3A_408 : vector<16xf32>
      %parallel_loop3A_410 = arith.constant true
      %parallel_loop3A_411 = vector.broadcast %parallel_loop3A_410 : i1 to vector<16xi1>
      %parallel_loop3A_412 = tpu.scan <sum>, %parallel_loop3A_409 masked %parallel_loop3A_411 : vector<16xf32>, vector<16xi1> -> vector<16xf32>
      %parallel_loop3A_413 = vector.extract %parallel_loop3A_412[15] : f32 from vector<16xf32>
      %parallel_loop3A_414 = arith.index_cast %parallel_loop3A_371 : i32 to index
      %parallel_loop3A_415 = arith.constant 64 : index
      %parallel_loop3A_416 = tpu.vector_load %arg22[%parallel_loop3A_414, %parallel_loop3A_415] {strides = array<i32>} : memref<80x128xf32, #tpu.memory_space<vmem>>, vector<16xf32>,
      %parallel_loop3A_417 = arith.index_cast %parallel_loop3A_371 : i32 to index
      %parallel_loop3A_418 = arith.constant 80 : index
      %parallel_loop3A_419 = tpu.vector_load %arg22[%parallel_loop3A_417, %parallel_loop3A_418] {strides = array<i32>} : memref<80x128xf32, #tpu.memory_space<vmem>>, vector<16xf32>,
      %parallel_loop3A_420 = arith.index_cast %parallel_loop3A_371 : i32 to index
      %parallel_loop3A_421 = arith.constant 64 : index
      %parallel_loop3A_422 = tpu.vector_load %arg23[%parallel_loop3A_420, %parallel_loop3A_421] {strides = array<i32>} : memref<80x128xf32, #tpu.memory_space<vmem>>, vector<16xf32>,
      %parallel_loop3A_423 = arith.index_cast %parallel_loop3A_371 : i32 to index
      %parallel_loop3A_424 = arith.constant 80 : index
      %parallel_loop3A_425 = tpu.vector_load %arg23[%parallel_loop3A_423, %parallel_loop3A_424] {strides = array<i32>} : memref<80x128xf32, #tpu.memory_space<vmem>>, vector<16xf32>,
      %parallel_loop3A_426 = arith.mulf %parallel_loop3A_416, %parallel_loop3A_422 : vector<16xf32>
      %parallel_loop3A_427 = arith.mulf %parallel_loop3A_419, %parallel_loop3A_425 : vector<16xf32>
      %parallel_loop3A_428 = arith.addf %parallel_loop3A_426, %parallel_loop3A_427 : vector<16xf32>
      %parallel_loop3A_429 = arith.constant true
      %parallel_loop3A_430 = vector.broadcast %parallel_loop3A_429 : i1 to vector<16xi1>
      %parallel_loop3A_431 = tpu.scan <sum>, %parallel_loop3A_428 masked %parallel_loop3A_430 : vector<16xf32>, vector<16xi1> -> vector<16xf32>
      %parallel_loop3A_432 = vector.extract %parallel_loop3A_431[15] : f32 from vector<16xf32>
      %parallel_loop3A_433 = arith.index_cast %parallel_loop3A_371 : i32 to index
      %parallel_loop3A_434 = arith.constant 96 : index
      %parallel_loop3A_435 = tpu.vector_load %arg22[%parallel_loop3A_433, %parallel_loop3A_434] {strides = array<i32>} : memref<80x128xf32, #tpu.memory_space<vmem>>, vector<16xf32>,
      %parallel_loop3A_436 = arith.index_cast %parallel_loop3A_371 : i32 to index
      %parallel_loop3A_437 = arith.constant 112 : index
      %parallel_loop3A_438 = tpu.vector_load %arg22[%parallel_loop3A_436, %parallel_loop3A_437] {strides = array<i32>} : memref<80x128xf32, #tpu.memory_space<vmem>>, vector<16xf32>,
      %parallel_loop3A_439 = arith.index_cast %parallel_loop3A_371 : i32 to index
      %parallel_loop3A_440 = arith.constant 96 : index
      %parallel_loop3A_441 = tpu.vector_load %arg23[%parallel_loop3A_439, %parallel_loop3A_440] {strides = array<i32>} : memref<80x128xf32, #tpu.memory_space<vmem>>, vector<16xf32>,
      %parallel_loop3A_442 = arith.index_cast %parallel_loop3A_371 : i32 to index
      %parallel_loop3A_443 = arith.constant 112 : index
      %parallel_loop3A_444 = tpu.vector_load %arg23[%parallel_loop3A_442, %parallel_loop3A_443] {strides = array<i32>} : memref<80x128xf32, #tpu.memory_space<vmem>>, vector<16xf32>,
      %parallel_loop3A_445 = arith.mulf %parallel_loop3A_435, %parallel_loop3A_441 : vector<16xf32>
      %parallel_loop3A_446 = arith.mulf %parallel_loop3A_438, %parallel_loop3A_444 : vector<16xf32>
      %parallel_loop3A_447 = arith.addf %parallel_loop3A_445, %parallel_loop3A_446 : vector<16xf32>
      %parallel_loop3A_448 = arith.constant true
      %parallel_loop3A_449 = vector.broadcast %parallel_loop3A_448 : i1 to vector<16xi1>
      %parallel_loop3A_450 = tpu.scan <sum>, %parallel_loop3A_447 masked %parallel_loop3A_449 : vector<16xf32>, vector<16xi1> -> vector<16xf32>
      %parallel_loop3A_451 = vector.extract %parallel_loop3A_450[15] : f32 from vector<16xf32>
      %parallel_loop3A_452 = vector.broadcast %parallel_loop3A_394 : f32 to vector<16xf32>
      %parallel_loop3A_453 = arith.mulf %parallel_loop3A_452, %convert_element_type3A_14 : vector<16xf32>
      %parallel_loop3A_454 = vector.broadcast %parallel_loop3A_413 : f32 to vector<16xf32>
      %parallel_loop3A_455 = arith.mulf %parallel_loop3A_454, %convert_element_type3A_23 : vector<16xf32>
      %parallel_loop3A_456 = arith.addf %parallel_loop3A_453, %parallel_loop3A_455 : vector<16xf32>
      %parallel_loop3A_457 = vector.broadcast %parallel_loop3A_432 : f32 to vector<16xf32>
      %parallel_loop3A_458 = arith.mulf %parallel_loop3A_457, %convert_element_type3A_32 : vector<16xf32>
      %parallel_loop3A_459 = arith.addf %parallel_loop3A_456, %parallel_loop3A_458 : vector<16xf32>
      %parallel_loop3A_460 = vector.broadcast %parallel_loop3A_451 : f32 to vector<16xf32>
      %parallel_loop3A_461 = arith.mulf %parallel_loop3A_460, %convert_element_type3A_41 : vector<16xf32>
      %parallel_loop3A_462 = arith.addf %parallel_loop3A_459, %parallel_loop3A_461 : vector<16xf32>
      %parallel_loop3A_463 = math.exp %parallel_loop3A_462 : vector<16xf32>
      %parallel_loop3A_464 = vector.extract_strided_slice %parallel_loop3A_463 {offsets = [0], sizes = [1], strides = [1]} : vector<16xf32> to vector<1xf32>
      %parallel_loop3A_465 = vector.extract %parallel_loop3A_464[0] : f32 from vector<1xf32>
      %parallel_loop3A_466 = vector.broadcast %parallel_loop3A_465 : f32 to vector<16xf32>
      %parallel_loop3A_467 = arith.mulf %parallel_loop3A_384, %parallel_loop3A_466 : vector<16xf32>
      %parallel_loop3A_468 = arith.index_cast %parallel_loop3A_371 : i32 to index
      %parallel_loop3A_469 = arith.constant 0 : index
      %parallel_loop3A_470 = tpu.vector_load %arg23[%parallel_loop3A_468, %parallel_loop3A_469] {strides = array<i32>} : memref<80x128xf32, #tpu.memory_space<vmem>>, vector<16xf32>,
      tpu.vector_store %arg23[%parallel_loop3A_468, %parallel_loop3A_469], %parallel_loop3A_467 {strides = array<i32>} : memref<80x128xf32, #tpu.memory_space<vmem>>, vector<16xf32>,
      %parallel_loop3A_471 = arith.mulf %parallel_loop3A_387, %parallel_loop3A_466 : vector<16xf32>
      %parallel_loop3A_472 = arith.index_cast %parallel_loop3A_371 : i32 to index
      %parallel_loop3A_473 = arith.constant 16 : index
      %parallel_loop3A_474 = tpu.vector_load %arg23[%parallel_loop3A_472, %parallel_loop3A_473] {strides = array<i32>} : memref<80x128xf32, #tpu.memory_space<vmem>>, vector<16xf32>,
      tpu.vector_store %arg23[%parallel_loop3A_472, %parallel_loop3A_473], %parallel_loop3A_471 {strides = array<i32>} : memref<80x128xf32, #tpu.memory_space<vmem>>, vector<16xf32>,
      %parallel_loop3A_475 = vector.extract_strided_slice %parallel_loop3A_463 {offsets = [1], sizes = [1], strides = [1]} : vector<16xf32> to vector<1xf32>
      %parallel_loop3A_476 = vector.extract %parallel_loop3A_475[0] : f32 from vector<1xf32>
      %parallel_loop3A_477 = vector.broadcast %parallel_loop3A_476 : f32 to vector<16xf32>
      %parallel_loop3A_478 = arith.mulf %parallel_loop3A_403, %parallel_loop3A_477 : vector<16xf32>
      %parallel_loop3A_479 = arith.index_cast %parallel_loop3A_371 : i32 to index
      %parallel_loop3A_480 = arith.constant 32 : index
      %parallel_loop3A_481 = tpu.vector_load %arg23[%parallel_loop3A_479, %parallel_loop3A_480] {strides = array<i32>} : memref<80x128xf32, #tpu.memory_space<vmem>>, vector<16xf32>,
      tpu.vector_store %arg23[%parallel_loop3A_479, %parallel_loop3A_480], %parallel_loop3A_478 {strides = array<i32>} : memref<80x128xf32, #tpu.memory_space<vmem>>, vector<16xf32>,
      %parallel_loop3A_482 = arith.mulf %parallel_loop3A_406, %parallel_loop3A_477 : vector<16xf32>
      %parallel_loop3A_483 = arith.index_cast %parallel_loop3A_371 : i32 to index
      %parallel_loop3A_484 = arith.constant 48 : index
      %parallel_loop3A_485 = tpu.vector_load %arg23[%parallel_loop3A_483, %parallel_loop3A_484] {strides = array<i32>} : memref<80x128xf32, #tpu.memory_space<vmem>>, vector<16xf32>,
      tpu.vector_store %arg23[%parallel_loop3A_483, %parallel_loop3A_484], %parallel_loop3A_482 {strides = array<i32>} : memref<80x128xf32, #tpu.memory_space<vmem>>, vector<16xf32>,
      %parallel_loop3A_486 = vector.extract_strided_slice %parallel_loop3A_463 {offsets = [2], sizes = [1], strides = [1]} : vector<16xf32> to vector<1xf32>
      %parallel_loop3A_487 = vector.extract %parallel_loop3A_486[0] : f32 from vector<1xf32>
      %parallel_loop3A_488 = vector.broadcast %parallel_loop3A_487 : f32 to vector<16xf32>
      %parallel_loop3A_489 = arith.mulf %parallel_loop3A_422, %parallel_loop3A_488 : vector<16xf32>
      %parallel_loop3A_490 = arith.index_cast %parallel_loop3A_371 : i32 to index
      %parallel_loop3A_491 = arith.constant 64 : index
      %parallel_loop3A_492 = tpu.vector_load %arg23[%parallel_loop3A_490, %parallel_loop3A_491] {strides = array<i32>} : memref<80x128xf32, #tpu.memory_space<vmem>>, vector<16xf32>,
      tpu.vector_store %arg23[%parallel_loop3A_490, %parallel_loop3A_491], %parallel_loop3A_489 {strides = array<i32>} : memref<80x128xf32, #tpu.memory_space<vmem>>, vector<16xf32>,
      %parallel_loop3A_493 = arith.mulf %parallel_loop3A_425, %parallel_loop3A_488 : vector<16xf32>
      %parallel_loop3A_494 = arith.index_cast %parallel_loop3A_371 : i32 to index
      %parallel_loop3A_495 = arith.constant 80 : index
      %parallel_loop3A_496 = tpu.vector_load %arg23[%parallel_loop3A_494, %parallel_loop3A_495] {strides = array<i32>} : memref<80x128xf32, #tpu.memory_space<vmem>>, vector<16xf32>,
      tpu.vector_store %arg23[%parallel_loop3A_494, %parallel_loop3A_495], %parallel_loop3A_493 {strides = array<i32>} : memref<80x128xf32, #tpu.memory_space<vmem>>, vector<16xf32>,
      %parallel_loop3A_497 = vector.extract_strided_slice %parallel_loop3A_463 {offsets = [3], sizes = [1], strides = [1]} : vector<16xf32> to vector<1xf32>
      %parallel_loop3A_498 = vector.extract %parallel_loop3A_497[0] : f32 from vector<1xf32>
      %parallel_loop3A_499 = vector.broadcast %parallel_loop3A_498 : f32 to vector<16xf32>
      %parallel_loop3A_500 = arith.mulf %parallel_loop3A_441, %parallel_loop3A_499 : vector<16xf32>
      %parallel_loop3A_501 = arith.index_cast %parallel_loop3A_371 : i32 to index
      %parallel_loop3A_502 = arith.constant 96 : index
      %parallel_loop3A_503 = tpu.vector_load %arg23[%parallel_loop3A_501, %parallel_loop3A_502] {strides = array<i32>} : memref<80x128xf32, #tpu.memory_space<vmem>>, vector<16xf32>,
      tpu.vector_store %arg23[%parallel_loop3A_501, %parallel_loop3A_502], %parallel_loop3A_500 {strides = array<i32>} : memref<80x128xf32, #tpu.memory_space<vmem>>, vector<16xf32>,
      %parallel_loop3A_504 = arith.mulf %parallel_loop3A_444, %parallel_loop3A_499 : vector<16xf32>
      %parallel_loop3A_505 = arith.index_cast %parallel_loop3A_371 : i32 to index
      %parallel_loop3A_506 = arith.constant 112 : index
      %parallel_loop3A_507 = tpu.vector_load %arg23[%parallel_loop3A_505, %parallel_loop3A_506] {strides = array<i32>} : memref<80x128xf32, #tpu.memory_space<vmem>>, vector<16xf32>,
      tpu.vector_store %arg23[%parallel_loop3A_505, %parallel_loop3A_506], %parallel_loop3A_504 {strides = array<i32>} : memref<80x128xf32, #tpu.memory_space<vmem>>, vector<16xf32>,
      %parallel_loop3A_508 = arith.index_cast %parallel_loop3A_371 : i32 to index
      %parallel_loop3A_509 = arith.constant 0 : index
      %parallel_loop3A_510 = tpu.vector_load %arg22[%parallel_loop3A_508, %parallel_loop3A_509] {strides = array<i32>} : memref<80x128xf32, #tpu.memory_space<vmem>>, vector<16xf32>,
      tpu.vector_store %arg22[%parallel_loop3A_508, %parallel_loop3A_509], %broadcast_in_dim3A_53 {strides = array<i32>} : memref<80x128xf32, #tpu.memory_space<vmem>>, vector<16xf32>,
      %parallel_loop3A_511 = arith.index_cast %parallel_loop3A_371 : i32 to index
      %parallel_loop3A_512 = arith.constant 16 : index
      %parallel_loop3A_513 = tpu.vector_load %arg22[%parallel_loop3A_511, %parallel_loop3A_512] {strides = array<i32>} : memref<80x128xf32, #tpu.memory_space<vmem>>, vector<16xf32>,
      tpu.vector_store %arg22[%parallel_loop3A_511, %parallel_loop3A_512], %broadcast_in_dim3A_53 {strides = array<i32>} : memref<80x128xf32, #tpu.memory_space<vmem>>, vector<16xf32>,
      %parallel_loop3A_514 = arith.index_cast %parallel_loop3A_371 : i32 to index
      %parallel_loop3A_515 = arith.constant 32 : index
      %parallel_loop3A_516 = tpu.vector_load %arg22[%parallel_loop3A_514, %parallel_loop3A_515] {strides = array<i32>} : memref<80x128xf32, #tpu.memory_space<vmem>>, vector<16xf32>,
      tpu.vector_store %arg22[%parallel_loop3A_514, %parallel_loop3A_515], %broadcast_in_dim3A_53 {strides = array<i32>} : memref<80x128xf32, #tpu.memory_space<vmem>>, vector<16xf32>,
      %parallel_loop3A_517 = arith.index_cast %parallel_loop3A_371 : i32 to index
      %parallel_loop3A_518 = arith.constant 48 : index
      %parallel_loop3A_519 = tpu.vector_load %arg22[%parallel_loop3A_517, %parallel_loop3A_518] {strides = array<i32>} : memref<80x128xf32, #tpu.memory_space<vmem>>, vector<16xf32>,
      tpu.vector_store %arg22[%parallel_loop3A_517, %parallel_loop3A_518], %broadcast_in_dim3A_53 {strides = array<i32>} : memref<80x128xf32, #tpu.memory_space<vmem>>, vector<16xf32>,
      %parallel_loop3A_520 = arith.index_cast %parallel_loop3A_371 : i32 to index
      %parallel_loop3A_521 = arith.constant 64 : index
      %parallel_loop3A_522 = tpu.vector_load %arg22[%parallel_loop3A_520, %parallel_loop3A_521] {strides = array<i32>} : memref<80x128xf32, #tpu.memory_space<vmem>>, vector<16xf32>,
      tpu.vector_store %arg22[%parallel_loop3A_520, %parallel_loop3A_521], %broadcast_in_dim3A_53 {strides = array<i32>} : memref<80x128xf32, #tpu.memory_space<vmem>>, vector<16xf32>,
      %parallel_loop3A_523 = arith.index_cast %parallel_loop3A_371 : i32 to index
      %parallel_loop3A_524 = arith.constant 80 : index
      %parallel_loop3A_525 = tpu.vector_load %arg22[%parallel_loop3A_523, %parallel_loop3A_524] {strides = array<i32>} : memref<80x128xf32, #tpu.memory_space<vmem>>, vector<16xf32>,
      tpu.vector_store %arg22[%parallel_loop3A_523, %parallel_loop3A_524], %broadcast_in_dim3A_53 {strides = array<i32>} : memref<80x128xf32, #tpu.memory_space<vmem>>, vector<16xf32>,
      %parallel_loop3A_526 = arith.index_cast %parallel_loop3A_371 : i32 to index
      %parallel_loop3A_527 = arith.constant 96 : index
      %parallel_loop3A_528 = tpu.vector_load %arg22[%parallel_loop3A_526, %parallel_loop3A_527] {strides = array<i32>} : memref<80x128xf32, #tpu.memory_space<vmem>>, vector<16xf32>,
      tpu.vector_store %arg22[%parallel_loop3A_526, %parallel_loop3A_527], %broadcast_in_dim3A_53 {strides = array<i32>} : memref<80x128xf32, #tpu.memory_space<vmem>>, vector<16xf32>,
      %parallel_loop3A_529 = arith.index_cast %parallel_loop3A_371 : i32 to index
      %parallel_loop3A_530 = arith.constant 112 : index
      %parallel_loop3A_531 = tpu.vector_load %arg22[%parallel_loop3A_529, %parallel_loop3A_530] {strides = array<i32>} : memref<80x128xf32, #tpu.memory_space<vmem>>, vector<16xf32>,
      tpu.vector_store %arg22[%parallel_loop3A_529, %parallel_loop3A_530], %broadcast_in_dim3A_53 {strides = array<i32>} : memref<80x128xf32, #tpu.memory_space<vmem>>, vector<16xf32>,
      %parallel_loop3A_532 = arith.constant 2 : i32
      %parallel_loop3A_533 = arith.remsi %parallel_loop3A_375, %parallel_loop3A_532 : i32
      %parallel_loop3A_534 = arith.constant 1 : i32
      %parallel_loop3A_535 = arith.shrui %parallel_loop3A_375, %parallel_loop3A_534 : i32
      %parallel_loop3A_536 = arith.constant 1 : i32
      %parallel_loop3A_537 = arith.cmpi eq, %parallel_loop3A_533, %parallel_loop3A_536 : i32
      %parallel_loop3A_538 = arith.mulf %parallel_loop3A_463, %convert_element_type3A_52 : vector<16xf32>
      %parallel_loop3A_539 = arith.mulf %parallel_loop3A_463, %convert_element_type3A_45 : vector<16xf32>
      %parallel_loop3A_540 = arith.select %parallel_loop3A_537, %parallel_loop3A_538, %parallel_loop3A_539 : vector<16xf32>
      %parallel_loop3A_541 = arith.constant 16 : i32
      %parallel_loop3A_542 = arith.muli %parallel_loop3A_535, %parallel_loop3A_541 : i32
      %parallel_loop3A_543 = arith.index_cast %parallel_loop3A_371 : i32 to index
      %parallel_loop3A_544 = arith.index_cast %parallel_loop3A_542 : i32 to index
      %parallel_loop3A_545 = tpu.vector_load %arg22[%parallel_loop3A_543, %parallel_loop3A_544] {strides = array<i32>} : memref<80x128xf32, #tpu.memory_space<vmem>>, vector<16xf32>,
      tpu.vector_store %arg22[%parallel_loop3A_543, %parallel_loop3A_544], %parallel_loop3A_540 {strides = array<i32>} : memref<80x128xf32, #tpu.memory_space<vmem>>, vector<16xf32>,
    } {sc.loop_unroll_factor = 2 : i64, sc.parallel_access}
    %dma_start3A_340 = arith.constant 0 : i32
    %dma_start3A_341 = arith.constant 0 : i32
    %dma_start3A_342 = tpu.memref_slice %arg38[%dma_start3A_340, %dma_start3A_341] : memref<10112x128xf32, #tpu.memory_space<vmem_shared>> -> memref<10112x128xf32, #tpu.memory_space<vmem_shared>>
    tpu.enqueue_indirect_dma source(%arg23 : memref<80x128xf32, #tpu.memory_space<vmem>>) target(%dma_start3A_342 : memref<10112x128xf32, #tpu.memory_space<vmem_shared>>) offsets(%arg15 : memref<80xi32, #tpu.memory_space<vmem>>) semaphore(%arg28 : memref<!tpu.dma_semaphore, #tpu.memory_space<semaphore_mem>>) {add = true}
    %dma_start3A_343 = arith.constant 0 : i32
    %dma_start3A_344 = arith.constant 0 : i32
    %dma_start3A_345 = tpu.memref_slice %arg39[%dma_start3A_343, %dma_start3A_344] : memref<640x128xf32, #tpu.memory_space<vmem_shared>> -> memref<640x128xf32, #tpu.memory_space<vmem_shared>>
    tpu.enqueue_indirect_dma source(%arg22 : memref<80x128xf32, #tpu.memory_space<vmem>>) target(%dma_start3A_345 : memref<640x128xf32, #tpu.memory_space<vmem_shared>>) offsets(%arg13 : memref<80xi32, #tpu.memory_space<vmem>>) semaphore(%arg29 : memref<!tpu.dma_semaphore, #tpu.memory_space<semaphore_mem>>) {add = true}
    %dma_wait3A_346 = arith.constant 0 : i32
    %dma_wait3A_347 = arith.constant 0 : i32
    %dma_wait3A_348 = tpu.memref_slice %arg38[%dma_wait3A_346, %dma_wait3A_347] : memref<10112x128xf32, #tpu.memory_space<vmem_shared>> -> memref<10112x128xf32, #tpu.memory_space<vmem_shared>>
    tpu.wait_indirect_dma semaphore(%arg28 : memref<!tpu.dma_semaphore, #tpu.memory_space<semaphore_mem>>) src(%arg23 : memref<80x128xf32, #tpu.memory_space<vmem>>) dst(%dma_wait3A_348 : memref<10112x128xf32, #tpu.memory_space<vmem_shared>>)
    %dma_wait3A_349 = arith.constant 0 : i32
    %dma_wait3A_350 = arith.constant 0 : i32
    %dma_wait3A_351 = tpu.memref_slice %arg39[%dma_wait3A_349, %dma_wait3A_350] : memref<640x128xf32, #tpu.memory_space<vmem_shared>> -> memref<640x128xf32, #tpu.memory_space<vmem_shared>>
    tpu.wait_indirect_dma semaphore(%arg29 : memref<!tpu.dma_semaphore, #tpu.memory_space<semaphore_mem>>) src(%arg22 : memref<80x128xf32, #tpu.memory_space<vmem>>) dst(%dma_wait3A_351 : memref<640x128xf32, #tpu.memory_space<vmem_shared>>)
    %barrier3A_352 = arith.constant 0 : index
    tpu.barrier barrier_id(%barrier3A_352)
    %mul3A_353 = arith.constant 624 : i32
    %mul3A_354 = arith.muli %arg1, %mul3A_353 : i32
    %mul3A_355 = arith.constant 10000 : i32
    %mul3A_356 = arith.muli %arg0, %mul3A_355 : i32
    %mul3A_357 = arith.constant 624 : i32
    %mul3A_358 = arith.muli %arg1, %mul3A_357 : i32
    %add3A_359 = arith.addi %mul3A_356, %mul3A_358 : i32
    "tpu.region"() ({
      %run_scoped3A = tpu.sem_alloc : memref<!tpu.dma_semaphore, #tpu.memory_space<semaphore_mem>>
      %dma_start3A_371 = arith.constant 0 : i32
      %dma_start3A_372 = tpu.memref_slice %arg8[%add3A_359, %dma_start3A_371] : memref<20000x128xf32, #tpu.memory_space<hbm>> -> memref<624x128xf32, #tpu.memory_space<hbm>>
      %dma_start3A_373 = arith.constant 0 : i32
      %dma_start3A_374 = tpu.memref_slice %arg38[%mul3A_354, %dma_start3A_373] : memref<10112x128xf32, #tpu.memory_space<vmem_shared>> -> memref<624x128xf32, #tpu.memory_space<vmem_shared>>
      tpu.enqueue_dma source(%dma_start3A_374 : memref<624x128xf32, #tpu.memory_space<vmem_shared>>) target(%dma_start3A_372 : memref<624x128xf32, #tpu.memory_space<hbm>>) target_semaphore(%run_scoped3A : memref<!tpu.dma_semaphore, #tpu.memory_space<semaphore_mem>>)
      %dma_wait3A_375 = arith.constant 0 : i32
      %dma_wait3A_376 = tpu.memref_slice %arg8[%add3A_359, %dma_wait3A_375] : memref<20000x128xf32, #tpu.memory_space<hbm>> -> memref<624x128xf32, #tpu.memory_space<hbm>>
      %dma_wait3A_377 = arith.constant 0 : i32
      %dma_wait3A_378 = tpu.memref_slice %arg38[%mul3A_354, %dma_wait3A_377] : memref<10112x128xf32, #tpu.memory_space<vmem_shared>> -> memref<624x128xf32, #tpu.memory_space<vmem_shared>>
      tpu.wait_dma2 semaphore(%run_scoped3A : memref<!tpu.dma_semaphore, #tpu.memory_space<semaphore_mem>>) src(%dma_wait3A_378 : memref<624x128xf32, #tpu.memory_space<vmem_shared>>) dst(%dma_wait3A_376 : memref<624x128xf32, #tpu.memory_space<hbm>>)
      tpu.yield
    }) : () -> ()
    %mul3A_360 = arith.constant 32 : i32
    %mul3A_361 = arith.muli %arg1, %mul3A_360 : i32
    %mul3A_362 = arith.constant 632 : i32
    %mul3A_363 = arith.muli %arg0, %mul3A_362 : i32
    %mul3A_364 = arith.constant 32 : i32
    %mul3A_365 = arith.muli %arg1, %mul3A_364 : i32
    %add3A_366 = arith.addi %mul3A_363, %mul3A_365 : i32
    "tpu.region"() ({
      %run_scoped3A = tpu.sem_alloc : memref<!tpu.dma_semaphore, #tpu.memory_space<semaphore_mem>>
      %dma_start3A_371 = arith.constant 0 : i32
      %dma_start3A_372 = tpu.memref_slice %arg9[%add3A_366, %dma_start3A_371] : memref<1264x128xf32, #tpu.memory_space<hbm>> -> memref<32x128xf32, #tpu.memory_space<hbm>>
      %dma_start3A_373 = arith.constant 0 : i32
      %dma_start3A_374 = tpu.memref_slice %arg39[%mul3A_361, %dma_start3A_373] : memref<640x128xf32, #tpu.memory_space<vmem_shared>> -> memref<32x128xf32, #tpu.memory_space<vmem_shared>>
      tpu.enqueue_dma source(%dma_start3A_374 : memref<32x128xf32, #tpu.memory_space<vmem_shared>>) target(%dma_start3A_372 : memref<32x128xf32, #tpu.memory_space<hbm>>) target_semaphore(%run_scoped3A : memref<!tpu.dma_semaphore, #tpu.memory_space<semaphore_mem>>)
      %dma_wait3A_375 = arith.constant 0 : i32
      %dma_wait3A_376 = tpu.memref_slice %arg9[%add3A_366, %dma_wait3A_375] : memref<1264x128xf32, #tpu.memory_space<hbm>> -> memref<32x128xf32, #tpu.memory_space<hbm>>
      %dma_wait3A_377 = arith.constant 0 : i32
      %dma_wait3A_378 = tpu.memref_slice %arg39[%mul3A_361, %dma_wait3A_377] : memref<640x128xf32, #tpu.memory_space<vmem_shared>> -> memref<32x128xf32, #tpu.memory_space<vmem_shared>>
      tpu.wait_dma2 semaphore(%run_scoped3A : memref<!tpu.dma_semaphore, #tpu.memory_space<semaphore_mem>>) src(%dma_wait3A_378 : memref<32x128xf32, #tpu.memory_space<vmem_shared>>) dst(%dma_wait3A_376 : memref<32x128xf32, #tpu.memory_space<hbm>>)
      tpu.yield
    }) : () -> ()
    %eq3A_367 = arith.constant 0 : i32
    %eq3A_368 = arith.cmpi eq, %arg1, %eq3A_367 : i32
    %convert_element_type3A_369 = arith.extui %eq3A_368 : i1 to i32
    %cond3A = arith.constant 0 : i32
    %cond3A_370 = arith.cmpi ne, %convert_element_type3A_369, %cond3A : i32
    scf.if %cond3A_370 {
      %mul3A_371 = arith.constant 10000 : i32
      %mul3A_372 = arith.muli %arg0, %mul3A_371 : i32
      %add3A_373 = arith.constant 9984 : i32
      %add3A_374 = arith.addi %mul3A_372, %add3A_373 : i32
      "tpu.region"() ({
        %run_scoped3A = tpu.sem_alloc : memref<!tpu.dma_semaphore, #tpu.memory_space<semaphore_mem>>
        %dma_start3A_379 = arith.constant 0 : i32
        %dma_start3A_380 = tpu.memref_slice %arg8[%add3A_374, %dma_start3A_379] : memref<20000x128xf32, #tpu.memory_space<hbm>> -> memref<16x128xf32, #tpu.memory_space<hbm>>
        %dma_start3A_381 = arith.constant 9984 : i32
        %dma_start3A_382 = arith.constant 0 : i32
        %dma_start3A_383 = tpu.memref_slice %arg38[%dma_start3A_381, %dma_start3A_382] : memref<10112x128xf32, #tpu.memory_space<vmem_shared>> -> memref<16x128xf32, #tpu.memory_space<vmem_shared>>
        tpu.enqueue_dma source(%dma_start3A_383 : memref<16x128xf32, #tpu.memory_space<vmem_shared>>) target(%dma_start3A_380 : memref<16x128xf32, #tpu.memory_space<hbm>>) target_semaphore(%run_scoped3A : memref<!tpu.dma_semaphore, #tpu.memory_space<semaphore_mem>>)
        %dma_wait3A_384 = arith.constant 0 : i32
        %dma_wait3A_385 = tpu.memref_slice %arg8[%add3A_374, %dma_wait3A_384] : memref<20000x128xf32, #tpu.memory_space<hbm>> -> memref<16x128xf32, #tpu.memory_space<hbm>>
        %dma_wait3A_386 = arith.constant 9984 : i32
        %dma_wait3A_387 = arith.constant 0 : i32
        %dma_wait3A_388 = tpu.memref_slice %arg38[%dma_wait3A_386, %dma_wait3A_387] : memref<10112x128xf32, #tpu.memory_space<vmem_shared>> -> memref<16x128xf32, #tpu.memory_space<vmem_shared>>
        tpu.wait_dma2 semaphore(%run_scoped3A : memref<!tpu.dma_semaphore, #tpu.memory_space<semaphore_mem>>) src(%dma_wait3A_388 : memref<16x128xf32, #tpu.memory_space<vmem_shared>>) dst(%dma_wait3A_385 : memref<16x128xf32, #tpu.memory_space<hbm>>)
        tpu.yield
      }) : () -> ()
      %mul3A_375 = arith.constant 632 : i32
      %mul3A_376 = arith.muli %arg0, %mul3A_375 : i32
      %add3A_377 = arith.constant 512 : i32
      %add3A_378 = arith.addi %mul3A_376, %add3A_377 : i32
      "tpu.region"() ({
        %run_scoped3A = tpu.sem_alloc : memref<!tpu.dma_semaphore, #tpu.memory_space<semaphore_mem>>
        %dma_start3A_379 = arith.constant 0 : i32
        %dma_start3A_380 = tpu.memref_slice %arg9[%add3A_378, %dma_start3A_379] : memref<1264x128xf32, #tpu.memory_space<hbm>> -> memref<120x128xf32, #tpu.memory_space<hbm>>
        %dma_start3A_381 = arith.constant 512 : i32
        %dma_start3A_382 = arith.constant 0 : i32
        %dma_start3A_383 = tpu.memref_slice %arg39[%dma_start3A_381, %dma_start3A_382] : memref<640x128xf32, #tpu.memory_space<vmem_shared>> -> memref<120x128xf32, #tpu.memory_space<vmem_shared>>
        tpu.enqueue_dma source(%dma_start3A_383 : memref<120x128xf32, #tpu.memory_space<vmem_shared>>) target(%dma_start3A_380 : memref<120x128xf32, #tpu.memory_space<hbm>>) target_semaphore(%run_scoped3A : memref<!tpu.dma_semaphore, #tpu.memory_space<semaphore_mem>>)
        %dma_wait3A_384 = arith.constant 0 : i32
        %dma_wait3A_385 = tpu.memref_slice %arg9[%add3A_378, %dma_wait3A_384] : memref<1264x128xf32, #tpu.memory_space<hbm>> -> memref<120x128xf32, #tpu.memory_space<hbm>>
        %dma_wait3A_386 = arith.constant 512 : i32
        %dma_wait3A_387 = arith.constant 0 : i32
        %dma_wait3A_388 = tpu.memref_slice %arg39[%dma_wait3A_386, %dma_wait3A_387] : memref<640x128xf32, #tpu.memory_space<vmem_shared>> -> memref<120x128xf32, #tpu.memory_space<vmem_shared>>
        tpu.wait_dma2 semaphore(%run_scoped3A : memref<!tpu.dma_semaphore, #tpu.memory_space<semaphore_mem>>) src(%dma_wait3A_388 : memref<120x128xf32, #tpu.memory_space<vmem_shared>>) dst(%dma_wait3A_385 : memref<120x128xf32, #tpu.memory_space<hbm>>)
        tpu.yield
      }) : () -> ()
    } else {
    }
    return
  }
}

module attributes {stable_mosaic.version = 14 : i64} {
  func.func @_mm1_body(%arg0: i32, %arg1: i32, %arg2: memref<2000x256xf32, #tpu.memory_space<vmem>>, %arg3: memref<1x256x128xf32, #tpu.memory_space<vmem>>, %arg4: memref<1x256x128xf32, #tpu.memory_space<vmem>>, %arg5: memref<1x1x128xf32, #tpu.memory_space<vmem>>, %arg6: memref<1x1x128xf32, #tpu.memory_space<vmem>>, %arg7: memref<2000x128xf32, #tpu.memory_space<vmem>>, %arg8: memref<2000x128xf32, #tpu.memory_space<vmem>>) attributes {dimension_semantics = [#tpu.dimension_semantics<arbitrary>, #tpu.dimension_semantics<arbitrary>], iteration_bounds = array<i64: 2, 5>, scalar_prefetch = 0 : i64, scratch_operands = 0 : i64, tpu.core_type = #tpu.core_type<tc>, window_params = [{transform_indices = @transform_0, window_bounds = array<i64: 2000, 256>}, {transform_indices = @transform_1, window_bounds = array<i64: 1, 256, 128>}, {transform_indices = @transform_2, window_bounds = array<i64: 1, 256, 128>}, {transform_indices = @transform_3, window_bounds = array<i64: 1, 1, 128>}, {transform_indices = @transform_4, window_bounds = array<i64: 1, 1, 128>}, {transform_indices = @transform_5, window_bounds = array<i64: 2000, 128>}, {transform_indices = @transform_6, window_bounds = array<i64: 2000, 128>}]} {
    %get3A = arith.constant 0 : index
    %get3A_0 = arith.constant 0 : index
    %get3A_1 = vector.load %arg2[%get3A, %get3A_0] : memref<2000x256xf32, #tpu.memory_space<vmem>>, vector<2000x256xf32>
    %get3A_2 = arith.constant 0 : index
    %get3A_3 = arith.constant 0 : index
    %get3A_4 = arith.constant 0 : index
    %get3A_5 = vector.load %arg3[%get3A_2, %get3A_3, %get3A_4] : memref<1x256x128xf32, #tpu.memory_space<vmem>>, vector<1x256x128xf32>
    %get3A_6 = vector.shape_cast %get3A_5 : vector<1x256x128xf32> to vector<256x128xf32>
    %dot_general3A = arith.constant dense<0.000000e+00> : vector<2000x128xf32>
    %dot_general3A_7 = tpu.matmul %get3A_1, %get3A_6, %dot_general3A {dimension_numbers = #tpu.dot_dimension_numbers<[1], [0], [0], [1], [0, 0, 1, 1], [], []>, transpose_lhs_hint = false} : vector<2000x256xf32>, vector<256x128xf32>, vector<2000x128xf32> -> vector<2000x128xf32>
    %get3A_8 = arith.constant 0 : index
    %get3A_9 = arith.constant 0 : index
    %get3A_10 = arith.constant 0 : index
    %get3A_11 = vector.load %arg5[%get3A_8, %get3A_9, %get3A_10] : memref<1x1x128xf32, #tpu.memory_space<vmem>>, vector<1x1x128xf32>
    %get3A_12 = vector.shape_cast %get3A_11 : vector<1x1x128xf32> to vector<1x128xf32>
    %add3A = vector.broadcast %get3A_12 : vector<1x128xf32> to vector<2000x128xf32>
    %add3A_13 = arith.addf %dot_general3A_7, %add3A : vector<2000x128xf32>
    %swap3A = arith.constant 0 : index
    %swap3A_14 = arith.constant 0 : index
    %swap3A_15 = vector.load %arg7[%swap3A, %swap3A_14] : memref<2000x128xf32, #tpu.memory_space<vmem>>, vector<2000x128xf32>
    tpu.vector_store %arg7[%swap3A, %swap3A_14], %add3A_13 {strides = array<i32>} : memref<2000x128xf32, #tpu.memory_space<vmem>>, vector<2000x128xf32>,
    %get3A_16 = arith.constant 0 : index
    %get3A_17 = arith.constant 0 : index
    %get3A_18 = arith.constant 0 : index
    %get3A_19 = vector.load %arg4[%get3A_16, %get3A_17, %get3A_18] : memref<1x256x128xf32, #tpu.memory_space<vmem>>, vector<1x256x128xf32>
    %get3A_20 = vector.shape_cast %get3A_19 : vector<1x256x128xf32> to vector<256x128xf32>
    %dot_general3A_21 = arith.constant dense<0.000000e+00> : vector<2000x128xf32>
    %dot_general3A_22 = tpu.matmul %get3A_1, %get3A_20, %dot_general3A_21 {dimension_numbers = #tpu.dot_dimension_numbers<[1], [0], [0], [1], [0, 0, 1, 1], [], []>, transpose_lhs_hint = false} : vector<2000x256xf32>, vector<256x128xf32>, vector<2000x128xf32> -> vector<2000x128xf32>
    %get3A_23 = arith.constant 0 : index
    %get3A_24 = arith.constant 0 : index
    %get3A_25 = arith.constant 0 : index
    %get3A_26 = vector.load %arg6[%get3A_23, %get3A_24, %get3A_25] : memref<1x1x128xf32, #tpu.memory_space<vmem>>, vector<1x1x128xf32>
    %get3A_27 = vector.shape_cast %get3A_26 : vector<1x1x128xf32> to vector<1x128xf32>
    %add3A_28 = vector.broadcast %get3A_27 : vector<1x128xf32> to vector<2000x128xf32>
    %add3A_29 = arith.addf %dot_general3A_22, %add3A_28 : vector<2000x128xf32>
    %swap3A_30 = arith.constant 0 : index
    %swap3A_31 = arith.constant 0 : index
    %swap3A_32 = vector.load %arg8[%swap3A_30, %swap3A_31] : memref<2000x128xf32, #tpu.memory_space<vmem>>, vector<2000x128xf32>
    tpu.vector_store %arg8[%swap3A_30, %swap3A_31], %add3A_29 {strides = array<i32>} : memref<2000x128xf32, #tpu.memory_space<vmem>>, vector<2000x128xf32>,
    return
  }
  func.func @transform_0(%arg0: i32, %arg1: i32) -> (i32, i32) {
    %c0_i32 = arith.constant 0 : i32
    %c0_i32_0 = arith.constant 0 : i32
    return %arg1, %c0_i32 : i32, i32
  }
  func.func @transform_1(%arg0: i32, %arg1: i32) -> (i32, i32, i32) {
    %c0_i32 = arith.constant 0 : i32
    %c0_i32_0 = arith.constant 0 : i32
    %c0_i32_1 = arith.constant 0 : i32
    return %arg0, %c0_i32, %c0_i32_0 : i32, i32, i32
  }
  func.func @transform_2(%arg0: i32, %arg1: i32) -> (i32, i32, i32) {
    %c0_i32 = arith.constant 0 : i32
    %c0_i32_0 = arith.constant 0 : i32
    %c0_i32_1 = arith.constant 0 : i32
    return %arg0, %c0_i32, %c0_i32_0 : i32, i32, i32
  }
  func.func @transform_3(%arg0: i32, %arg1: i32) -> (i32, i32, i32) {
    %c0_i32 = arith.constant 0 : i32
    %c0_i32_0 = arith.constant 0 : i32
    %c0_i32_1 = arith.constant 0 : i32
    return %arg0, %c0_i32, %c0_i32_0 : i32, i32, i32
  }
  func.func @transform_4(%arg0: i32, %arg1: i32) -> (i32, i32, i32) {
    %c0_i32 = arith.constant 0 : i32
    %c0_i32_0 = arith.constant 0 : i32
    %c0_i32_1 = arith.constant 0 : i32
    return %arg0, %c0_i32, %c0_i32_0 : i32, i32, i32
  }
  func.func @transform_5(%arg0: i32, %arg1: i32) -> (i32, i32) {
    %mul3A = arith.constant 5 : i32
    %mul3A_0 = arith.muli %arg0, %mul3A : i32
    %add3A = arith.addi %mul3A_0, %arg1 : i32
    %c0_i32 = arith.constant 0 : i32
    %c0_i32_1 = arith.constant 0 : i32
    return %add3A, %c0_i32 : i32, i32
  }
  func.func @transform_6(%arg0: i32, %arg1: i32) -> (i32, i32) {
    %mul3A = arith.constant 5 : i32
    %mul3A_0 = arith.muli %arg0, %mul3A : i32
    %add3A = arith.addi %mul3A_0, %arg1 : i32
    %c0_i32 = arith.constant 0 : i32
    %c0_i32_1 = arith.constant 0 : i32
    return %add3A, %c0_i32 : i32, i32
  }
}

module attributes {stable_mosaic.version = 14 : i64} {
  func.func @_mm2_body(%arg0: i32, %arg1: memref<2000x128xf32, #tpu.memory_space<vmem>>, %arg2: memref<2000x128xf32, #tpu.memory_space<vmem>>, %arg3: memref<2000x8xf32, #tpu.memory_space<vmem>>, %arg4: memref<2000x8xf32, #tpu.memory_space<vmem>>, %arg5: memref<128x256xf32, #tpu.memory_space<vmem>>, %arg6: memref<128x256xf32, #tpu.memory_space<vmem>>, %arg7: memref<1x256xf32, #tpu.memory_space<vmem>>, %arg8: memref<2000x256xf32, #tpu.memory_space<vmem>>) attributes {dimension_semantics = [#tpu.dimension_semantics<arbitrary>], iteration_bounds = array<i64: 5>, scalar_prefetch = 0 : i64, scratch_operands = 0 : i64, tpu.core_type = #tpu.core_type<tc>, window_params = [{transform_indices = @transform_0, window_bounds = array<i64: 2000, 128>}, {transform_indices = @transform_1, window_bounds = array<i64: 2000, 128>}, {transform_indices = @transform_2, window_bounds = array<i64: 2000, 8>}, {transform_indices = @transform_3, window_bounds = array<i64: 2000, 8>}, {pipeline_mode = #tpu.pipeline_mode<synchronous>, transform_indices = @transform_4, window_bounds = array<i64: 128, 256>}, {pipeline_mode = #tpu.pipeline_mode<synchronous>, transform_indices = @transform_5, window_bounds = array<i64: 128, 256>}, {pipeline_mode = #tpu.pipeline_mode<synchronous>, transform_indices = @transform_6, window_bounds = array<i64: 1, 256>}, {transform_indices = @transform_7, window_bounds = array<i64: 2000, 256>}]} {
    %get3A = arith.constant 0 : index
    %get3A_0 = arith.constant 0 : index
    %get3A_1 = vector.load %arg1[%get3A, %get3A_0] : memref<2000x128xf32, #tpu.memory_space<vmem>>, vector<2000x128xf32>
    %get3A_2 = arith.constant 0 : index
    %get3A_3 = arith.constant 0 : index
    %get3A_4 = vector.load %arg3[%get3A_2, %get3A_3] : memref<2000x8xf32, #tpu.memory_space<vmem>>, vector<2000x8xf32>
    %gt3A = arith.constant 0.000000e+00 : f32
    %gt3A_5 = vector.broadcast %gt3A : f32 to vector<2000x8xf32>
    %gt3A_6 = arith.cmpf ogt, %get3A_4, %gt3A_5 : vector<2000x8xf32>
    %div3A = arith.constant 1.000000e+00 : f32
    %div3A_7 = vector.broadcast %div3A : f32 to vector<2000x8xf32>
    %div3A_8 = arith.divf %div3A_7, %get3A_4 : vector<2000x8xf32>
    %jit3A = arith.constant 0.000000e+00 : f32
    %broadcast_in_dim3A = vector.broadcast %jit3A : f32 to vector<2000x8xf32>
    %select_n3A = arith.select %gt3A_6, %div3A_8, %broadcast_in_dim3A : vector<2000x8xi1>, vector<2000x8xf32>
    %slice3A = vector.extract_strided_slice %get3A_1 {offsets = [0, 0], sizes = [2000, 32], strides = [1, 1]} : vector<2000x128xf32> to vector<2000x32xf32>
    %slice3A_9 = vector.extract_strided_slice %select_n3A {offsets = [0, 0], sizes = [2000, 1], strides = [1, 1]} : vector<2000x8xf32> to vector<2000x1xf32>
    %mul3A = vector.broadcast %slice3A_9 : vector<2000x1xf32> to vector<2000x32xf32>
    %mul3A_10 = arith.mulf %slice3A, %mul3A : vector<2000x32xf32>
    %slice3A_11 = vector.extract_strided_slice %get3A_1 {offsets = [0, 32], sizes = [2000, 32], strides = [1, 1]} : vector<2000x128xf32> to vector<2000x32xf32>
    %slice3A_12 = vector.extract_strided_slice %select_n3A {offsets = [0, 1], sizes = [2000, 1], strides = [1, 1]} : vector<2000x8xf32> to vector<2000x1xf32>
    %mul3A_13 = vector.broadcast %slice3A_12 : vector<2000x1xf32> to vector<2000x32xf32>
    %mul3A_14 = arith.mulf %slice3A_11, %mul3A_13 : vector<2000x32xf32>
    %slice3A_15 = vector.extract_strided_slice %get3A_1 {offsets = [0, 64], sizes = [2000, 32], strides = [1, 1]} : vector<2000x128xf32> to vector<2000x32xf32>
    %slice3A_16 = vector.extract_strided_slice %select_n3A {offsets = [0, 2], sizes = [2000, 1], strides = [1, 1]} : vector<2000x8xf32> to vector<2000x1xf32>
    %mul3A_17 = vector.broadcast %slice3A_16 : vector<2000x1xf32> to vector<2000x32xf32>
    %mul3A_18 = arith.mulf %slice3A_15, %mul3A_17 : vector<2000x32xf32>
    %slice3A_19 = vector.extract_strided_slice %get3A_1 {offsets = [0, 96], sizes = [2000, 32], strides = [1, 1]} : vector<2000x128xf32> to vector<2000x32xf32>
    %slice3A_20 = vector.extract_strided_slice %select_n3A {offsets = [0, 3], sizes = [2000, 1], strides = [1, 1]} : vector<2000x8xf32> to vector<2000x1xf32>
    %mul3A_21 = vector.broadcast %slice3A_20 : vector<2000x1xf32> to vector<2000x32xf32>
    %mul3A_22 = arith.mulf %slice3A_19, %mul3A_21 : vector<2000x32xf32>
    %concatenate3A = tpu.concatenate %mul3A_10, %mul3A_14, %mul3A_18, %mul3A_22 in 1 : vector<2000x32xf32>, vector<2000x32xf32>, vector<2000x32xf32>, vector<2000x32xf32> -> vector<2000x128xf32>
    %get3A_23 = arith.constant 0 : index
    %get3A_24 = arith.constant 0 : index
    %get3A_25 = vector.load %arg2[%get3A_23, %get3A_24] : memref<2000x128xf32, #tpu.memory_space<vmem>>, vector<2000x128xf32>
    %get3A_26 = arith.constant 0 : index
    %get3A_27 = arith.constant 0 : index
    %get3A_28 = vector.load %arg4[%get3A_26, %get3A_27] : memref<2000x8xf32, #tpu.memory_space<vmem>>, vector<2000x8xf32>
    %gt3A_29 = arith.constant 0.000000e+00 : f32
    %gt3A_30 = vector.broadcast %gt3A_29 : f32 to vector<2000x8xf32>
    %gt3A_31 = arith.cmpf ogt, %get3A_28, %gt3A_30 : vector<2000x8xf32>
    %div3A_32 = arith.constant 1.000000e+00 : f32
    %div3A_33 = vector.broadcast %div3A_32 : f32 to vector<2000x8xf32>
    %div3A_34 = arith.divf %div3A_33, %get3A_28 : vector<2000x8xf32>
    %jit3A_35 = arith.constant 0.000000e+00 : f32
    %broadcast_in_dim3A_36 = vector.broadcast %jit3A_35 : f32 to vector<2000x8xf32>
    %select_n3A_37 = arith.select %gt3A_31, %div3A_34, %broadcast_in_dim3A_36 : vector<2000x8xi1>, vector<2000x8xf32>
    %slice3A_38 = vector.extract_strided_slice %get3A_25 {offsets = [0, 0], sizes = [2000, 32], strides = [1, 1]} : vector<2000x128xf32> to vector<2000x32xf32>
    %slice3A_39 = vector.extract_strided_slice %select_n3A_37 {offsets = [0, 0], sizes = [2000, 1], strides = [1, 1]} : vector<2000x8xf32> to vector<2000x1xf32>
    %mul3A_40 = vector.broadcast %slice3A_39 : vector<2000x1xf32> to vector<2000x32xf32>
    %mul3A_41 = arith.mulf %slice3A_38, %mul3A_40 : vector<2000x32xf32>
    %slice3A_42 = vector.extract_strided_slice %get3A_25 {offsets = [0, 32], sizes = [2000, 32], strides = [1, 1]} : vector<2000x128xf32> to vector<2000x32xf32>
    %slice3A_43 = vector.extract_strided_slice %select_n3A_37 {offsets = [0, 1], sizes = [2000, 1], strides = [1, 1]} : vector<2000x8xf32> to vector<2000x1xf32>
    %mul3A_44 = vector.broadcast %slice3A_43 : vector<2000x1xf32> to vector<2000x32xf32>
    %mul3A_45 = arith.mulf %slice3A_42, %mul3A_44 : vector<2000x32xf32>
    %slice3A_46 = vector.extract_strided_slice %get3A_25 {offsets = [0, 64], sizes = [2000, 32], strides = [1, 1]} : vector<2000x128xf32> to vector<2000x32xf32>
    %slice3A_47 = vector.extract_strided_slice %select_n3A_37 {offsets = [0, 2], sizes = [2000, 1], strides = [1, 1]} : vector<2000x8xf32> to vector<2000x1xf32>
    %mul3A_48 = vector.broadcast %slice3A_47 : vector<2000x1xf32> to vector<2000x32xf32>
    %mul3A_49 = arith.mulf %slice3A_46, %mul3A_48 : vector<2000x32xf32>
    %slice3A_50 = vector.extract_strided_slice %get3A_25 {offsets = [0, 96], sizes = [2000, 32], strides = [1, 1]} : vector<2000x128xf32> to vector<2000x32xf32>
    %slice3A_51 = vector.extract_strided_slice %select_n3A_37 {offsets = [0, 3], sizes = [2000, 1], strides = [1, 1]} : vector<2000x8xf32> to vector<2000x1xf32>
    %mul3A_52 = vector.broadcast %slice3A_51 : vector<2000x1xf32> to vector<2000x32xf32>
    %mul3A_53 = arith.mulf %slice3A_50, %mul3A_52 : vector<2000x32xf32>
    %concatenate3A_54 = tpu.concatenate %mul3A_41, %mul3A_45, %mul3A_49, %mul3A_53 in 1 : vector<2000x32xf32>, vector<2000x32xf32>, vector<2000x32xf32>, vector<2000x32xf32> -> vector<2000x128xf32>
    %get3A_55 = arith.constant 0 : index
    %get3A_56 = arith.constant 0 : index
    %get3A_57 = vector.load %arg5[%get3A_55, %get3A_56] : memref<128x256xf32, #tpu.memory_space<vmem>>, vector<128x256xf32>
    %dot_general3A = arith.constant dense<0.000000e+00> : vector<2000x256xf32>
    %dot_general3A_58 = tpu.matmul %concatenate3A, %get3A_57, %dot_general3A {dimension_numbers = #tpu.dot_dimension_numbers<[1], [0], [0], [1], [0, 0, 1, 1], [], []>, transpose_lhs_hint = false} : vector<2000x128xf32>, vector<128x256xf32>, vector<2000x256xf32> -> vector<2000x256xf32>
    %get3A_59 = arith.constant 0 : index
    %get3A_60 = arith.constant 0 : index
    %get3A_61 = vector.load %arg6[%get3A_59, %get3A_60] : memref<128x256xf32, #tpu.memory_space<vmem>>, vector<128x256xf32>
    %dot_general3A_62 = arith.constant dense<0.000000e+00> : vector<2000x256xf32>
    %dot_general3A_63 = tpu.matmul %concatenate3A_54, %get3A_61, %dot_general3A_62 {dimension_numbers = #tpu.dot_dimension_numbers<[1], [0], [0], [1], [0, 0, 1, 1], [], []>, transpose_lhs_hint = false} : vector<2000x128xf32>, vector<128x256xf32>, vector<2000x256xf32> -> vector<2000x256xf32>
    %add3A = arith.addf %dot_general3A_58, %dot_general3A_63 : vector<2000x256xf32>
    %get3A_64 = arith.constant 0 : index
    %get3A_65 = arith.constant 0 : index
    %get3A_66 = vector.load %arg7[%get3A_64, %get3A_65] : memref<1x256xf32, #tpu.memory_space<vmem>>, vector<1x256xf32>
    %add3A_67 = vector.broadcast %get3A_66 : vector<1x256xf32> to vector<2000x256xf32>
    %add3A_68 = arith.addf %add3A, %add3A_67 : vector<2000x256xf32>
    %swap3A = arith.constant 0 : index
    %swap3A_69 = arith.constant 0 : index
    %swap3A_70 = vector.load %arg8[%swap3A, %swap3A_69] : memref<2000x256xf32, #tpu.memory_space<vmem>>, vector<2000x256xf32>
    tpu.vector_store %arg8[%swap3A, %swap3A_69], %add3A_68 {strides = array<i32>} : memref<2000x256xf32, #tpu.memory_space<vmem>>, vector<2000x256xf32>,
    return
  }
  func.func @transform_0(%arg0: i32) -> (i32, i32) {
    %c0_i32 = arith.constant 0 : i32
    %c0_i32_0 = arith.constant 0 : i32
    return %arg0, %c0_i32 : i32, i32
  }
  func.func @transform_1(%arg0: i32) -> (i32, i32) {
    %add3A = arith.constant 5 : i32
    %add3A_0 = arith.addi %add3A, %arg0 : i32
    %c0_i32 = arith.constant 0 : i32
    %c0_i32_1 = arith.constant 0 : i32
    return %add3A_0, %c0_i32 : i32, i32
  }
  func.func @transform_2(%arg0: i32) -> (i32, i32) {
    %c0_i32 = arith.constant 0 : i32
    %c0_i32_0 = arith.constant 0 : i32
    return %arg0, %c0_i32 : i32, i32
  }
  func.func @transform_3(%arg0: i32) -> (i32, i32) {
    %add3A = arith.constant 5 : i32
    %add3A_0 = arith.addi %add3A, %arg0 : i32
    %c0_i32 = arith.constant 0 : i32
    %c0_i32_1 = arith.constant 0 : i32
    return %add3A_0, %c0_i32 : i32, i32
  }
  func.func @transform_4(%arg0: i32) -> (i32, i32) {
    %c0_i32 = arith.constant 0 : i32
    %c0_i32_0 = arith.constant 0 : i32
    %c0_i32_1 = arith.constant 0 : i32
    return %c0_i32, %c0_i32_0 : i32, i32
  }
  func.func @transform_5(%arg0: i32) -> (i32, i32) {
    %c0_i32 = arith.constant 0 : i32
    %c0_i32_0 = arith.constant 0 : i32
    %c0_i32_1 = arith.constant 0 : i32
    return %c0_i32, %c0_i32_0 : i32, i32
  }
  func.func @transform_6(%arg0: i32) -> (i32, i32) {
    %c0_i32 = arith.constant 0 : i32
    %c0_i32_0 = arith.constant 0 : i32
    %c0_i32_1 = arith.constant 0 : i32
    return %c0_i32, %c0_i32_0 : i32, i32
  }
  func.func @transform_7(%arg0: i32) -> (i32, i32) {
    %c0_i32 = arith.constant 0 : i32
    %c0_i32_0 = arith.constant 0 : i32
    return %arg0, %c0_i32 : i32, i32
  }
}

</mosaic_0001>

<sc_bundles>
// kernel: kernel.5.cloned.1.call-start
scs
__scs_entry_jumppad:
0x0: {  	(pc) =	sbr.rel $0x88, $3  }
0x1: {  	(tag) =	ssettag $0x0;
	lr =	simm.s32 $0x1  }
0x2: {  	[smem:$0x3F99] =	sst lr;
	_ =	strace $0xD0000000  }
0x3: {  	_ = 	snop  }
0x4: {  	_ = 	snop  }
0x5: {  	_ = 	snop  }
0x6: {  	_ = 	snop  }
0x7: {  	_ = 	snop  }
__scs_overlays_trampoline_lowered:
0x8: {  	[smem:$0x3FA8] =	sst s0  }
0x9: {  	[smem:$0x3FA9] =	sst s1  }
0xa: {  	[smem:$0x3FAA] =	sst s2  }
0xb: {  	[smem:$0x3FAB] =	sst s3  }
0xc: {  	[smem:$0x3FAC] =	sst s4  }
0xd: {  	[smem:$0x3FAD] =	sst s5  }
0xe: {  	[smem:$0x3FAE] =	sst s6  }
0xf: {  	[smem:$0x3FAF] =	sst s7  }
0x10: {  	[smem:$0x3FB0] =	sst s8  }
0x11: {  	[smem:$0x3FB1] =	sst s9;
	s0 =	simm.s32 @!p0 $0x0  }
0x12: {  	s1 =	sld [smem:$0x3F97];
	s0 =	simm.s32 @p0 $0x1  }
0x13: {  	[smem:$0x3FB2] =	sst s0;
	s0 =	simm.s32 @!p1 $0x0  }
0x14: {  	s2 =	sld [smem:$0x3F96];
	s0 =	simm.s32 @p1 $0x1  }
0x15: {  	[smem:$0x3FB3] =	sst s0;
	s0 =	simm.s32 @!p2 $0x0  }
0x16: {  	s3 =	sld [smem:$0x3FDB];
	s0 =	simm.s32 @p2 $0x1  }
0x17: {  	s4 =	simm.s32 $0x1BF5;
	[smem:$0x3FB5] =	sst s0  }
0x18: {  	s0 =	sld [smem:$0x3F98];
	_ =	swait.ge [sflag:s4], $0x0  }
0x19: {  	s7 =	sld [smem:$0x3F99]  }
0x1a: {  	s8 =	sadd.s32 $0xFFFFE003, lr  }
0x1b: {  	s9 =	sadd.s32 $0xFFFFFEF7, lr;
	s5 =	simm.s32 $0xFFFFFFFF;
	p2 =	slt.u32 s8, $0xFFFFF086  }
0x1c: {  	p1 =	slt.u32 s9, $0xF7A;
	s5 =	simm.s32 @!p2 $0x0  }
0x1d: {  	s5 =	simm.s32 @p1 $0x1;
	p0 =	seq.s32 s7, s2  }
0x1e: {  	s7 =	smul.u32 @!p0 $0xF7A, s2;
	p2 =	seq.s32 @!p0 s5, $0x0  }
0x1f: {  	s9 =	smul.u32 $0xF7A, s1;
	s8 =	simm.s32 @!p0 $0x1BF5;
	p2 =	por !p2, p0  }
0x20: {  	[sflag:s8] =	ssyncset.s32 @!p0 $0xFFFFF086;
	s6 =	sadd.s32 @!p0 s3, s7;
	s7 =	simm.s32 @!p0 $0x108  }
0x21: {  	s3 =	sadd.s32 s3, s9;
	s6 =	sadd.s32 @!p0 $0x88, s6;
	s7 =	simm.s32 @p2 $0x1082  }
0x22: {  	[simem:s7], [sflag:s8] =	dma.local @!p0 [hbm:s6], $0xF7A  }
0x23: {  	s9 =	sor.u32 $0xD0000000, s2;
	s6 =	simm.s32 $0x108;
	_ =	swait.ge @!p0 [sflag:s8], $0x0  }
0x24: {  	s3 =	sadd.s32 $0x88, s3;
	s6 =	simm.s32 @!p1 $0x1082;
	[sflag:s4] =	ssyncset.s32 $0xFFFFF086  }
0x25: {  	[simem:s6], [sflag:s4] =	dma.local [hbm:s3], $0xF7A  }
0x26: {  	[smem:$0x3F99] =	sst s1;
	(tag) =	ssettag s2;
	_ =	strace s9  }
0x27: {  	s1 =	sld [smem:$0x3FA9]  }
0x28: {  	s2 =	sld [smem:$0x3FAA]  }
0x29: {  	s4 =	sld [smem:$0x3FAC]  }
0x2a: {  	p0 =	seq.s32 s5, $0x0;
	s5 =	sld [smem:$0x3FAD]  }
0x2b: {  	s6 =	sld [smem:$0x3FAE]  }
0x2c: {  	s7 =	sld [smem:$0x3FAF]  }
0x2d: {  	s3 =	simm.s32 $0x108;
	s8 =	sld [smem:$0x3FB0]  }
0x2e: {  	s3 =	simm.s32 @!p0 $0x1082;
	s9 =	sld [smem:$0x3FB1]  }
0x2f: {  	lr =	sadd.s32 s0, s3;
	s0 =	sld [smem:$0x3FA8]  }
0x30: {  	s3 =	sld [smem:$0x3FAB]  }
0x31: {  	[smem:$0x3FB4] =	sst s10  }
0x32: {  	s10 =	sld [smem:$0x3FB2];
	_ =	sdelay $0x3  }
0x33: {  	p0 =	seq.s32 s10, $0x1;
	s10 =	sld [smem:$0x3FB4];
	_ =	sdelay $0x3  }
0x34: {  	[smem:$0x3FB4] =	sst s10  }
0x35: {  	s10 =	sld [smem:$0x3FB3];
	_ =	sdelay $0x3  }
0x36: {  	p1 =	seq.s32 s10, $0x1;
	s10 =	sld [smem:$0x3FB4];
	_ =	sdelay $0x3  }
0x37: {  	[smem:$0x3FB4] =	sst s10  }
0x38: {  	s10 =	sld [smem:$0x3FB5]  }
0x39: {  	_ = 	snop;
	(pc) =	sbr.ind lr, $3  }
0x3a: {  	_ = 	snop  }
0x3b: {  	_ = 	snop  }
0x3c: {  	p2 =	seq.s32 s10, $0x1;
	s10 =	sld [smem:$0x3FB4]  }
0x3d: {  	_ =	shalt  }
0x3e: {  	_ =	shalt  }
0x3f: {  	_ =	shalt  }
0x40: {  	_ =	shalt  }
0x41: {  	_ =	shalt  }
0x42: {  	_ =	shalt  }
0x43: {  	_ =	shalt  }
0x44: {  	_ =	shalt  }
0x45: {  	_ =	shalt  }
0x46: {  	_ =	shalt  }
0x47: {  	_ =	shalt  }
0x48: {  	_ =	shalt  }
0x49: {  	_ =	shalt  }
0x4a: {  	_ =	shalt  }
0x4b: {  	_ =	shalt  }
0x4c: {  	_ =	shalt  }
0x4d: {  	_ =	shalt  }
0x4e: {  	_ =	shalt  }
0x4f: {  	_ =	shalt  }
0x50: {  	_ =	shalt  }
0x51: {  	_ =	shalt  }
0x52: {  	_ =	shalt  }
0x53: {  	_ =	shalt  }
0x54: {  	_ =	shalt  }
0x55: {  	_ =	shalt  }
0x56: {  	_ =	shalt  }
0x57: {  	_ =	shalt  }
0x58: {  	_ =	shalt  }
0x59: {  	_ =	shalt  }
0x5a: {  	_ =	shalt  }
0x5b: {  	_ =	shalt  }
0x5c: {  	_ =	shalt  }
0x5d: {  	_ =	shalt  }
0x5e: {  	_ =	shalt  }
0x5f: {  	_ =	shalt  }
0x60: {  	_ =	shalt  }
0x61: {  	_ =	shalt  }
0x62: {  	_ =	shalt  }
0x63: {  	_ =	shalt  }
0x64: {  	_ =	shalt  }
0x65: {  	_ =	shalt  }
0x66: {  	_ =	shalt  }
0x67: {  	_ =	shalt  }
0x68: {  	_ =	shalt  }
0x69: {  	_ =	shalt  }
0x6a: {  	_ =	shalt  }
0x6b: {  	_ =	shalt  }
0x6c: {  	_ =	shalt  }
0x6d: {  	_ =	shalt  }
0x6e: {  	_ =	shalt  }
0x6f: {  	_ =	shalt  }
0x70: {  	_ =	shalt  }
0x71: {  	_ =	shalt  }
0x72: {  	_ =	shalt  }
0x73: {  	_ =	shalt  }
0x74: {  	_ =	shalt  }
0x75: {  	_ =	shalt  }
0x76: {  	_ =	shalt  }
0x77: {  	_ =	shalt  }
0x78: {  	_ =	shalt  }
0x79: {  	_ =	shalt  }
0x7a: {  	_ =	shalt  }
0x7b: {  	_ =	shalt  }
0x7c: {  	_ =	shalt  }
0x7d: {  	_ =	shalt  }
0x7e: {  	_ =	shalt  }
0x7f: {  	_ =	shalt  }
0x80: {  	_ =	shalt  }
0x81: {  	_ =	shalt  }
0x82: {  	_ =	shalt  }
0x83: {  	_ =	shalt  }
0x84: {  	_ =	shalt  }
0x85: {  	_ =	shalt  }
0x86: {  	_ =	shalt  }
0x87: {  	_ =	shalt  }
.Lfunc_end0:
.L_simem_size_0:
called_computation_lowered:
.L_overlay_start_0:
0x88: {  	s2 =	sld [smem:$0x3FD9]  }
0x89: {  	s3 =	sld [smem:$0x3FFE];
	_ =	sdelay $0x1  }
0x8a: {  	s1 =	srdreg.scid  }
0x8b: {  	s0 =	sand.u32 $0x1, s1  }
0x8c: {  	s17 =	sshll.u32 s0, $0xA;
	s2 =	sadd.s32 s3, s2  }
0x8d: {  	s2 =	sadd.s32 s2, s17  }
0x8e: {  	[smem:$0x3FC0] =	sst s2  }
0x8f: {  	_ = 	snop  }
0x90: {  	s2 =	sld [smem:$0x3FD0];
	(tm) =	ssettm $0x1  }
0x91: {  	s18 =	sld [smem:$0x3FFB];
	_ =	sdelay $0x3  }
0x92: {  	_ =	strace s18  }
0x93: {  	s3 =	sld [smem:$0x3FFC];
	_ =	sdelay $0x3  }
0x94: {  	_ =	strace s3  }
0x95: {  	s3 =	sld [smem:$0x3FFD];
	_ =	sdelay $0x3  }
0x96: {  	_ =	strace s3  }
0x97: {  	_ =	strace $0x8FFFFFFF  }
0x98: {  	s19 =	sld [smem:$0x3FDB];
	_ =	sdelay $0x1  }
0x99: {  	s4 =	simm.s32 $_scs_section_size  }
0x9a: {  	s5 =	simm.s32 $_size__tile_overlayer_lowered;
	s6 =	simm.s32 $_tile_overlayer_lowered  }
0x9b: {  	s22 =	simm.s32 $0x1BFF;
	s21 =	sshll.u32 s6, $0x1;
	s3 =	sadd.s32 s4, s19  }
0x9c: {  	s7 =	simm.s32 $0x0;
	s20 =	sshll.u32 s5, $0x1;
	s5 =	sadd.s32 s21, s3  }
0x9d: {  	[timem:s7], [sflag:s22] =	dma.local [hbm:s5], s20  }
0x9e: {  	_ =	swait.ge [sflag:s22], s20  }
0x9f: {  	s4 =	ssub.s32 $0x0, s20;
	[sflag:s22] =	ssyncset.done $0x0  }
0xa0: {  	[sflag:s22] =	ssyncadd.s32 s4;
	_ =	sdelay $0x1  }
0xa1: {  	s23 =	simm.s32 $0x1B8B  }
0xa2: {  	_ =	swait.ge [sflag:s23], $0x1  }
0xa3: {  	[sflag:s23] =	ssyncset.done $0x0  }
0xa4: {  	s25 =	simm.s32 $0x1B8E;
	s24 =	sld [smem:$0x3FFE];
	[sflag:s23] =	ssyncadd.s32 $0xFFFFFFFF  }
0xa5: {  	s26 =	simm.s32 $execute0_lowered;
	[smem:$0x3FD2] =	sst s25  }
0xa6: {  	s5 =	sshll.u32 s26, $0x1;
	_ =	strace $0x80000046;
	[dreg:$0x1] =	wrdreg $0xFFFFFFFF  }
0xa7: {  	s28 =	simm.s32 $_size_execute0_lowered;
	s3 =	sadd.s32 s3, s5;
	[dreg:$0x0] =	wrdreg $0x0  }
0xa8: {  	s5 =	sshll.u32 s28, $0x1;
	[dreg:$0x2] =	wrdreg s3  }
0xa9: {  	[dreg:$0x3] =	wrdreg s5  }
0xaa: {  	[dreg:$0x4] =	wrdreg $0xC0  }
0xab: {  	_ =	task [dreg:s7], $0x5FFFF  }
0xac: {  	[dreg:$0x1] =	wrdreg $0xFFFFFFFF  }
0xad: {  	[dreg:$0x0] =	wrdreg $0x60  }
0xae: {  	[dreg:$0x2] =	wrdreg s2  }
0xaf: {  	[dreg:$0x3] =	wrdreg s24  }
0xb0: {  	[dreg:$0x4] =	wrdreg $0xA6000  }
0xb1: {  	[dreg:$0x5] =	wrdreg $0x1E2000  }
0xb2: {  	[dreg:$0x6] =	wrdreg $0x9  }
0xb3: {  	_ =	task.clear_ibuf [dreg:s7], $0x7FFFF;
	_ =	strace $0x90000046  }
0xb4: {  	s29 =	simm.s32 $0x9;
	_ =	strace $0x80000048  }
0xb5: {  	_ =	swait.ge [sflag:s29], $0x1  }
0xb6: {  	[sflag:s29] =	ssyncadd.s32 $0xFFFFFFFF  }
0xb7: {  	_ =	strace $0x90000048  }
0xb8: {  	_ =	sfence  }
0xb9: {  	s30 =	sld [smem:$0x0];
	_ =	sdelay $0x2  }
0xba: {  	s31 =	sshll.u32 s1, $0xD;
	s1 =	sshrl.u32 s1, $0x2  }
0xbb: {  	s3 =	sand.u32 $0x4000, s31;
	s1 =	sadd.s32 s1, s30  }
0xbc: {  	s0 =	sor.u32 s3, s0;
	s1 =	sshll.u32 s1, $0x11  }
0xbd: {  	s0 =	sor.u32 s1, s0  }
0xbe: {  	s0 =	sadd.s32 $0x8F2B, s0  }
0xbf: {  	[sflag:s0] =	ssyncadd.remote.s32 $0x1  }
0xc0: {  	_ =	sfence.sel $0xFFFF  }
0xc1: {  	[dreg:$0x0] =	wrdreg $0xFFFFFFFF;
	(pc) =	sbr.abs _section_cstart, $3  }
0xc2: {  	[dreg:$0x1] =	wrdreg $0xFFFFFFFF  }
0xc3: {  	_ =	task.clear_ibuf [dreg:s7], $0x2FFFF;
	_ =	strace $0x9FFFFFFF  }
0xc4: {  	(tm) =	ssettm $0x7FFFFFFF  }
0xc5: {  	_ =	shalt  }
tec
execute0_lowered:
.L_overlay_start_1:
0x0: {  	(tag) =	ssettag $0x1  }
0x1: {  	s29 =	rddreg [dreg:$0x0]  }
0x2: {  	s0 =	rddreg [dreg:$0x1];
	s2 =	stileid.u32  }
0x3: {  	s16 =	rddreg [dreg:$0x2];
	s3 =	smul.u32 $0x2780, s2  }
0x4: {  	s17 =	rddreg [dreg:$0x3];
	s1 =	simm.s32 $0x0;
	s4 =	smul.u32 $0x280, s2  }
0x5: {  	s25 =	srdreg.scid;
	s30 =	simm.s32 $0x9;
	s9 =	smul.u32 $0x4F000, s2  }
0x6: {  	s31 =	simm.s32 $0xA;
	s28 =	simm.s32 $0x4;
	s12 =	smul.u32 $0x5000, s2  }
0x7: {  	[smem:$0x7FF] =	sst s1;
	s5 =	sadd.s32 $0xBC00, s0;
	s14 =	smul.u32 $0x7D, s2  }
0x8: {  	s8 =	sand.u32 $0x1, s25;
	s6 =	sadd.s32 $0x6C00, s0;
	s26 =	smul.u32 $0x2710, s2  }
0x9: {  	s7 =	sadd.s32 $0x1C00, s0;
	s10 =	sadd.s32 $0x88E00, s0;
	s15 =	smul.u32 $0x270, s2  }
0xa: {  	s19 =	sshll.u32 s2, $0x6;
	s22 =	sshll.u32 s2, $0xC;
	s25 =	smul.u32 $0x4E000, s2  }
0xb: {  	p0 =	sne.s32 s2, $0x0;
	_ =	strace $0x80000047;
	s1 =	smul.u32 $0x2710, s8  }
0xc: {  	s11 =	ssub.s32 $0x2, s8;
	s18 =	sor.u32 $0x1C0D, s19;
	s20 =	smul.u32 $0x13C00, s8  }
0xd: {  	s8 =	smul.u32 $0x138800, s8;
	s3 =	sadd.s32 s3, s0;
	s4 =	sadd.s32 s4, s0  }
0xe: {  	s0 =	sadd.s32 $0x83E00, s0;
	s13 =	sshrl.u32 s11, $0x1;
	[dreg:$0x5] =	wrdreg s14  }
0xf: {  	s9 =	sshrl.u32 s9, $0x2;
	s12 =	sshrl.u32 s12, $0x2;
	s19 =	sshrl.u32 s25, $0x2  }
0x10: {  	s14 =	simm.s32 $0x600;
	[dreg:$0x7] =	wrdreg s18;
	s11 =	ssub.s32 s11, s13  }
0x11: {  	s13 =	smul.u32 $0x4E2, s2;
	s9 =	sadd.s32 s9, s16;
	s3 =	sadd.s32 $0x59E00, s3  }
0x12: {  	s12 =	sadd.s32 s12, s17;
	s4 =	sadd.s32 $0x81600, s4;
	s21 =	sadd.s32 s15, s1  }
0x13: {  	s23 =	sadd.s32 s20, s22;
	s8 =	sshrl.u32 s8, $0x3;
	s24 =	sshrl.u32 s20, $0x3  }
0x14: {  	s2 =	sadd.s32 s19, s16;
	s20 =	sadd.s32 s22, s17;
	[dreg:$0x6] =	wrdreg s3  }
0x15: {  	s19 =	simm.s32 $0x1;
	[dreg:$0x8] =	wrdreg s4;
	s3 =	sshrl.u32 s26, $0x3  }
0x16: {  	s4 =	sshll.u32 s21, $0x4;
	s8 =	sadd.s32 s10, s8;
	s22 =	smax.u32 s11, $0x1  }
0x17: {  	s25 =	sshrl.u32 s2, $0x3;
	s2 =	sadd.s32 $0x10000, s17;
	[dreg:$0x11] =	wrdreg s22  }
0x18: {  	s11 =	simm.s32 $0x7E00;
	s4 =	sadd.s32 s10, s4;
	[dreg:$0x14] =	wrdreg s25  }
0x19: {  	s26 =	sadd.s32 s6, s13;
	s10 =	sadd.s32 s7, s13;
	[dreg:$0x9] =	wrdreg s4  }
0x1a: {  	s3 =	sadd.s32 $0xA, s3;
	s21 =	sadd.s32 $0x27000, s8;
	[dreg:$0xb] =	wrdreg s26  }
0x1b: {  	s8 =	simm.s32 $0x2E00;
	s25 =	simm.s32 $0x8;
	[dreg:$0xc] =	wrdreg s10  }
0x1c: {  	s4 =	sshrl.u32 s23, $0x3;
	s13 =	sadd.s32 s6, s3;
	[dreg:$0xf] =	wrdreg s21  }
0x1d: {  	s3 =	sadd.s32 s7, s3;
	s23 =	sshrl.u32 s9, $0x3;
	[dreg:$0xd] =	wrdreg s13  }
0x1e: {  	vm0 =	vcmask $0x300;
	s26 =	sshrl.u32 s20, $0x3;
	s9 =	simm.s32 $0x5600;
	[dreg:$0xe] =	wrdreg s3  }
0x1f: {  	v0 =	vimm.f32 $0.0e+00;
	vm9 =	vcmask $0x2320;
	vm10 =	vcmask $0x704;
	s20 =	simm.s32 $0x2;
	s10 =	simm.s32 $0x3;
	[dreg:$0x12] =	wrdreg s23  }
0x20: {  	vm11 =	vcmask $0x2724;
	vm1 =	vcmask $0xB08;
	vm12 =	vcmask $0x2B28;
	s4 =	sadd.s32 s0, s4;
	s0 =	sadd.s32 s0, s24;
	[dreg:$0x15] =	wrdreg s26  }
0x21: {  	vm2 =	vcmask $0xF0C;
	vm13 =	vcmask $0x2F2C;
	vm14 =	vcmask $0xF00;
	s24 =	sshrl.u32 s12, $0x3;
	[dreg:$0xa] =	wrdreg s4;
	s0 =	sadd.s32 $0x2000, s0  }
0x22: {  	vm15 =	vcmask $0x2F20;
	v2 =	vsel vm0, $0x3F800000, v0;
	v3 =	vsel vm10, $0x3F800000, v0;
	s3 =	simm.s32 $0x0;
	[dreg:$0x10] =	wrdreg s0;
	s0 =	sadd.s32 $0x138000, s16  }
0x23: {  	v4 =	vsel vm1, $0x3F800000, v0;
	v5 =	vsel vm2, $0x3F800000, v0;
	v6 =	vsel vm14, $0x3F800000, v0;
	s23 =	simm.s32 $0x100;
	[dreg:$0x13] =	wrdreg s24;
	s0 =	sshrl.u32 @!p0 s0, $0x3  }
0x24: {  	v7 =	vsel vm15, $0x3F800000, v0;
	v2 =	vsel vm9, $0x3F800000, v2;
	v3 =	vsel vm11, $0x3F800000, v3;
	s4 =	simm.s32 $0xD;
	[dreg:$0x16] =	wrdreg s0;
	s0 =	sshrl.u32 @!p0 s2, $0x3  }
0x25: {  	v4 =	vsel vm12, $0x3F800000, v4;
	v5 =	vsel vm13, $0x3F800000, v5;
	v1 =	vmov s1;
	s16 =	simm.s32 $0x7;
	[dreg:$0x17] =	wrdreg s0;
	s0 =	simm.s32 $0x50  }
.LBB2_1:
0x26: {  	[dreg:$0x18] =	wrdreg s3  }
0x27: {  	s1 =	rddreg [dreg:$0x6]  }
0x28: {  	s2 =	rddreg [dreg:$0x12]  }
0x29: {  	[spmem:s2], [sflag:s18] =	dma.local [hbm:s1], $0x2780  }
0x2a: {  	_ =	swait.ge [sflag:s4], $0x2780  }
0x2b: {  	[sflag:s4] =	ssyncset.done $0x0;
	s17 =	rddreg [dreg:$0x8]  }
0x2c: {  	s21 =	rddreg [dreg:$0x13];
	[sflag:s4] =	ssyncadd.s32 $0xFFFFD880  }
0x2d: {  	[spmem:s21], [sflag:s18] =	dma.local [hbm:s17], $0x280  }
0x2e: {  	_ =	swait.ge [sflag:s4], $0x280  }
0x2f: {  	[sflag:s4] =	ssyncset.done $0x0  }
0x30: {  	[sflag:s4] =	ssyncadd.s32 $0xFFFFFD80  }
0x31: {  	[bflag:$0x0] =	sbarrier.arrive $0xFFFF  }
0x32: {  	s22 =	simm.s32 $0x0;
	s26 =	rddreg [dreg:$0xb]  }
0x33: {  	[tilespmem:s22], [sflag:$0x9] =	stream.linear.gather [hbm4b:s26+s22], $0x50, $0x38;
	[tilespmem:$0x1F600] =	vst v63  }
0x34: {  	s4 =	simm.s32 $0x100;
	s3 =	rddreg [dreg:$0xc]  }
0x35: {  	[tilespmem:s4], [sflag:$0xA] =	stream.linear.gather [hbm4b:s3+s22], $0x50, $0x38;
	[tilespmem:$0x1F600] =	vst v63  }
0x36: {  	_ =	swait.ge [sflag:s30], $0x50  }
0x37: {  	[sflag:s30] =	ssyncset.done $0x0  }
0x38: {  	[sflag:s30] =	ssyncadd.s32 $0xFFFFFFB0  }
0x39: {  	_ =	swait.ge [sflag:s31], $0x50  }
0x3a: {  	[sflag:s31] =	ssyncset.done $0x0  }
0x3b: {  	[sflag:s31] =	ssyncadd.s32 $0xFFFFFFB0  }
0x3c: {  	v8 =	vld [tilespmem:$0x0]  }
0x3d: {  	v9 =	vld [tilespmem:$0x100]  }
0x3e: {  	v11 =	vld [tilespmem:$0x10]  }
0x3f: {  	v26 =	vld [tilespmem:$0x20]  }
0x40: {  	v28 =	vld [tilespmem:$0x30]  }
0x41: {  	v33 =	vld [tilespmem:$0x40]  }
0x42: {  	[tilespmem:$0x280] =	vst v8  }
0x43: {  	v22 =	vld [tilespmem:$0x110];
	v10 =	vshra.s32 v8, $0x1F;
	[tilespmem:$0x290] =	vst v11  }
0x44: {  	[tilespmem:$0x2A0] =	vst v26;
	v10 =	vshrl.u32 v10, $0x1C  }
0x45: {  	v12 =	vadd.s32 v1, v8;
	v9 =	vadd.s32 v1, v9;
	[tilespmem:$0x2B0] =	vst v28;
	v10 =	vadd.s32 v10, v8  }
0x46: {  	v23 =	vshrl.u32 v8, $0x4;
	v25 =	vshra.s32 v11, $0x1F;
	[tilespmem:$0x2C0] =	vst v33;
	v10 =	vand.u32 $0xFFFFFFF0, v10  }
0x47: {  	[tilespmem:$0x100] =	vst v9;
	v9 =	vshrl.u32 v25, $0x1C;
	v24 =	vsub.s32 v8, v10;
	v8 =	vadd.s32 v1, v11  }
0x48: {  	v9 =	vadd.s32 v9, v11;
	[tilespmem:$0x90] =	vst v8;
	v8 =	vadd.s32 v1, v22  }
0x49: {  	v27 =	vld [tilespmem:$0x120];
	v9 =	vand.u32 $0xFFFFFFF0, v9;
	[tilespmem:$0x110] =	vst v8;
	v8 =	vshrl.u32 v11, $0x4  }
0x4a: {  	[tilespmem:$0x190] =	vst v8;
	v8 =	vsub.s32 v11, v9  }
0x4b: {  	[tilespmem:$0x210] =	vst v8;
	v8 =	vshra.s32 v26, $0x1F  }
0x4c: {  	[tilespmem:$0x80] =	vst v12;
	v8 =	vshrl.u32 v8, $0x1C  }
0x4d: {  	v31 =	vld [tilespmem:$0x130];
	v29 =	vadd.s32 v1, v26;
	[tilespmem:$0x180] =	vst v23;
	v8 =	vadd.s32 v8, v26  }
0x4e: {  	v30 =	vadd.s32 v1, v27;
	[tilespmem:$0xA0] =	vst v29;
	v8 =	vand.u32 $0xFFFFFFF0, v8  }
0x4f: {  	[tilespmem:$0x120] =	vst v30;
	v8 =	vsub.s32 v26, v8  }
0x50: {  	v32 =	vshrl.u32 v26, $0x4;
	[tilespmem:$0x220] =	vst v8;
	v8 =	vshra.s32 v28, $0x1F  }
0x51: {  	v36 =	vld [tilespmem:$0x140];
	v34 =	vadd.s32 v1, v28;
	[tilespmem:$0x1A0] =	vst v32;
	v8 =	vshrl.u32 v8, $0x1C  }
0x52: {  	v35 =	vadd.s32 v1, v31;
	[tilespmem:$0xB0] =	vst v34;
	v8 =	vadd.s32 v8, v28  }
0x53: {  	v37 =	vshrl.u32 v28, $0x4;
	[tilespmem:$0x130] =	vst v35;
	v8 =	vand.u32 $0xFFFFFFF0, v8  }
0x54: {  	[tilespmem:$0x1B0] =	vst v37;
	v8 =	vsub.s32 v28, v8  }
0x55: {  	v38 =	vadd.s32 v1, v33;
	[tilespmem:$0x230] =	vst v8;
	v8 =	vshra.s32 v33, $0x1F  }
0x56: {  	v39 =	vadd.s32 v1, v36;
	[tilespmem:$0xC0] =	vst v38;
	v8 =	vshrl.u32 v8, $0x1C  }
0x57: {  	v40 =	vshrl.u32 v33, $0x4;
	[tilespmem:$0x140] =	vst v39;
	v8 =	vadd.s32 v8, v33  }
0x58: {  	[tilespmem:$0x1C0] =	vst v40;
	v8 =	vand.u32 $0xFFFFFFF0, v8  }
0x59: {  	[tilespmem:$0x200] =	vst v24;
	v8 =	vsub.s32 v33, v8  }
0x5a: {  	s12 =	simm.s32 $0x80;
	[tilespmem:$0x240] =	vst v8  }
0x5b: {  	[tilespmem:s14], [sflag:$0x1] =	stream.indirect.gather [hbm4b:s29+s0], $0x80, s12, s0, $0xb8;
	[tilespmem:$0x1F600] =	vst v63  }
0x5c: {  	_ = 	snop  }
0x5d: {  	[tilespmem:s8], [sflag:$0x2] =	stream.indirect.gather [hbm4b:s5+s0], $0x80, s4, s0, $0xb8;
	[tilespmem:$0x1F600] =	vst v63  }
0x5e: {  	s15 =	simm.s32 $0x300;
	s13 =	rddreg [dreg:$0xd]  }
0x5f: {  	[tilespmem:s15], [sflag:$0xB] =	stream.linear.gather [hbm4b:s13+s22], $0x50, $0x38;
	[tilespmem:$0x1F600] =	vst v63  }
0x60: {  	s18 =	simm.s32 $0x400;
	s21 =	simm.s32 $0xB;
	s17 =	rddreg [dreg:$0xe]  }
0x61: {  	[tilespmem:s18], [sflag:$0xC] =	stream.linear.gather [hbm4b:s17+s22], $0x50, $0x38;
	[tilespmem:$0x1F600] =	vst v63  }
0x62: {  	_ =	swait.ge [sflag:s21], $0x50  }
0x63: {  	[sflag:s21] =	ssyncset.done $0x0  }
0x64: {  	s22 =	simm.s32 $0xC;
	[sflag:s21] =	ssyncadd.s32 $0xFFFFFFB0  }
0x65: {  	_ =	swait.ge [sflag:s22], $0x50  }
0x66: {  	[sflag:s22] =	ssyncset.done $0x0  }
0x67: {  	[sflag:s22] =	ssyncadd.s32 $0xFFFFFFB0  }
0x68: {  	v8 =	vld [tilespmem:$0x300]  }
0x69: {  	v41 =	vld [tilespmem:$0x400]  }
0x6a: {  	v43 =	vld [tilespmem:$0x310]  }
0x6b: {  	v49 =	vld [tilespmem:$0x320]  }
0x6c: {  	v51 =	vld [tilespmem:$0x330]  }
0x6d: {  	v56 =	vld [tilespmem:$0x340]  }
0x6e: {  	[tilespmem:$0x580] =	vst v8  }
0x6f: {  	v45 =	vld [tilespmem:$0x410];
	v42 =	vshra.s32 v8, $0x1F;
	[tilespmem:$0x590] =	vst v43  }
0x70: {  	[tilespmem:$0x5A0] =	vst v49;
	v10 =	vshrl.u32 v42, $0x1C  }
0x71: {  	v44 =	vadd.s32 v1, v8;
	v9 =	vadd.s32 v1, v41;
	[tilespmem:$0x5B0] =	vst v51;
	v10 =	vadd.s32 v10, v8  }
0x72: {  	v46 =	vshrl.u32 v8, $0x4;
	v48 =	vshra.s32 v43, $0x1F;
	[tilespmem:$0x5C0] =	vst v56;
	v10 =	vand.u32 $0xFFFFFFF0, v10  }
0x73: {  	[tilespmem:$0x400] =	vst v9;
	v9 =	vshrl.u32 v48, $0x1C;
	v47 =	vsub.s32 v8, v10;
	v8 =	vadd.s32 v1, v43  }
0x74: {  	v9 =	vadd.s32 v9, v43;
	[tilespmem:$0x390] =	vst v8;
	v8 =	vadd.s32 v1, v45  }
0x75: {  	v50 =	vld [tilespmem:$0x420];
	v9 =	vand.u32 $0xFFFFFFF0, v9;
	[tilespmem:$0x410] =	vst v8;
	v8 =	vshrl.u32 v43, $0x4  }
0x76: {  	[tilespmem:$0x490] =	vst v8;
	v8 =	vsub.s32 v43, v9  }
0x77: {  	[tilespmem:$0x510] =	vst v8;
	v8 =	vshra.s32 v49, $0x1F  }
0x78: {  	[tilespmem:$0x380] =	vst v44;
	v8 =	vshrl.u32 v8, $0x1C  }
0x79: {  	v54 =	vld [tilespmem:$0x430];
	v52 =	vadd.s32 v1, v49;
	[tilespmem:$0x480] =	vst v46;
	v8 =	vadd.s32 v8, v49  }
0x7a: {  	v53 =	vadd.s32 v1, v50;
	[tilespmem:$0x3A0] =	vst v52;
	v8 =	vand.u32 $0xFFFFFFF0, v8  }
0x7b: {  	[tilespmem:$0x420] =	vst v53;
	v8 =	vsub.s32 v49, v8  }
0x7c: {  	v55 =	vshrl.u32 v49, $0x4;
	[tilespmem:$0x520] =	vst v8;
	v8 =	vshra.s32 v51, $0x1F  }
0x7d: {  	v59 =	vld [tilespmem:$0x440];
	v57 =	vadd.s32 v1, v51;
	[tilespmem:$0x4A0] =	vst v55;
	v8 =	vshrl.u32 v8, $0x1C  }
0x7e: {  	v58 =	vadd.s32 v1, v54;
	[tilespmem:$0x3B0] =	vst v57;
	v8 =	vadd.s32 v8, v51  }
0x7f: {  	v60 =	vshrl.u32 v51, $0x4;
	[tilespmem:$0x430] =	vst v58;
	v8 =	vand.u32 $0xFFFFFFF0, v8  }
0x80: {  	[tilespmem:$0x4B0] =	vst v60;
	v8 =	vsub.s32 v51, v8  }
0x81: {  	v61 =	vadd.s32 v1, v56;
	[tilespmem:$0x530] =	vst v8;
	v8 =	vshra.s32 v56, $0x1F  }
0x82: {  	v62 =	vadd.s32 v1, v59;
	[tilespmem:$0x3C0] =	vst v61;
	v8 =	vshrl.u32 v8, $0x1C  }
0x83: {  	v63 =	vshrl.u32 v56, $0x4;
	[tilespmem:$0x440] =	vst v62;
	v8 =	vadd.s32 v8, v56  }
0x84: {  	[tilespmem:$0x4C0] =	vst v63;
	v8 =	vand.u32 $0xFFFFFFF0, v8  }
0x85: {  	[tilespmem:$0x500] =	vst v47;
	v8 =	vsub.s32 v56, v8  }
0x86: {  	s26 =	simm.s32 $0x380;
	[tilespmem:$0x540] =	vst v8  }
0x87: {  	[tilespmem:s9], [sflag:$0x5] =	stream.indirect.gather [hbm4b:s29+s0], $0x80, s26, s0, $0xb8;
	[tilespmem:$0x1F600] =	vst v63  }
0x88: {  	s24 =	simm.s32 $0x2E00;
	s15 =	smov.u32 s29;
	s26 =	simm.s32 $0x0  }
0x89: {  	[tilespmem:s11], [sflag:$0x6] =	stream.indirect.gather [hbm4b:s5+s0], $0x80, s18, s0, $0xb8;
	[tilespmem:$0x1F600] =	vst v63  }
.LBB2_2:
0x8a: {  	_ =	swait.ge [sflag:s19], $0x2800  }
0x8b: {  	[sflag:s19] =	ssyncset.done $0x0  }
0x8c: {  	[sflag:s19] =	ssyncadd.s32 $0xFFFFD800  }
0x8d: {  	_ =	swait.ge [sflag:s20], $0x2800  }
0x8e: {  	[sflag:s20] =	ssyncset.done $0x0  }
0x8f: {  	s1 =	simm.s32 $0x600;
	[sflag:s20] =	ssyncadd.s32 $0xFFFFD800  }
0x90: {  	v8 =	vld [tilespmem:s1+$0xC0]  }
0x91: {  	s3 =	simm.s32 $0x2E80;
	v9 =	vld [tilespmem:s1+$0xD0]  }
0x92: {  	v34 =	vld [tilespmem:s3+$0x40]  }
0x93: {  	v33 =	vld [tilespmem:s3+$0x50]  }
0x94: {  	v10 =	vld [tilespmem:s1+$0x80]  }
0x95: {  	v11 =	vld [tilespmem:s1+$0x90]  }
0x96: {  	v13 =	vld [tilespmem:s3+$0x0]  }
0x97: {  	v38 =	vld [tilespmem:s3+$0x10]  }
0x98: {  	v12 =	vld [tilespmem:s1+$0xA0]  }
0x99: {  	v14 =	vld [tilespmem:s1+$0xB0]  }
0x9a: {  	v36 =	vld [tilespmem:s3+$0x20]  }
0x9b: {  	v37 =	vld [tilespmem:s3+$0x30]  }
0x9c: {  	v17 =	vld [tilespmem:s1+$0xE0]  }
0x9d: {  	v18 =	vld [tilespmem:s1+$0xF0]  }
0x9e: {  	v16 =	vld [tilespmem:s3+$0x60]  }
0x9f: {  	v15 =	vld [tilespmem:s3+$0x70]  }
0xa0: {  	v21 =	vld [tilespmem:s1+$0x0]  }
0xa1: {  	v22 =	vld [tilespmem:s1+$0x10]  }
0xa2: {  	v23 =	vld [tilespmem:s3+$0xFFFFFF80]  }
0xa3: {  	v27 =	vld [tilespmem:s3+$0xFFFFFF90]  }
0xa4: {  	v28 =	vld [tilespmem:s3+$0xFFFFFFA0]  }
0xa5: {  	v31 =	vld [tilespmem:s3+$0xFFFFFFB0]  }
0xa6: {  	v30 =	vld [tilespmem:s3+$0xFFFFFFC0];
	v8 =	vmul.f32 v34, v8;
	v9 =	vmul.f32 v33, v9  }
0xa7: {  	v29 =	vld [tilespmem:s3+$0xFFFFFFD0];
	v10 =	vmul.f32 v13, v10;
	v11 =	vmul.f32 v38, v11  }
0xa8: {  	v26 =	vld [tilespmem:s3+$0xFFFFFFE0];
	v8 =	vadd.f32 v9, v8;
	v9 =	vmul.f32 v36, v12;
	v12 =	vmul.f32 v37, v14  }
0xa9: {  	s2 =	simm.s32 $0x201;
	v24 =	vld [tilespmem:s3+$0xFFFFFFF0];
	v10 =	vadd.f32 v11, v10  }
0xaa: {  	s9 =	simm.s32 $0x700;
	v39 =	vld [tilespmem:s2+$0x0];
	(xrf2) =	vadd.scan.msk.f32 $0xffff, v8;
	v8 =	vadd.f32 v12, v9  }
0xab: {  	v35 =	vld [tilespmem:s9+$0xC0];
	(xrf2) =	vadd.scan.msk.f32 $0xffff, v10  }
0xac: {  	s21 =	simm.s32 $0x2F80;
	v40 =	vld [tilespmem:s9+$0xD0];
	v12 =	vmul.f32 v15, v18;
	v10 =	vmul.f32 v16, v17;
	(xrf2) =	vadd.scan.msk.f32 $0xffff, v8  }
0xad: {  	v20 =	vld [tilespmem:s21+$0x40]  }
0xae: {  	v41 =	vld [tilespmem:s9+$0x80];
	v10 =	vadd.f32 v12, v10  }
0xaf: {  	v42 =	vld [tilespmem:s9+$0x90]  }
0xb0: {  	v43 =	vld [tilespmem:s9+$0xA0];
	(xrf2) =	vadd.scan.msk.f32 $0xffff, v10  }
0xb1: {  	v44 =	vld [tilespmem:s9+$0xB0]  }
0xb2: {  	v61 =	vld [tilespmem:s9+$0x10]  }
0xb3: {  	v62 =	vld [tilespmem:s9+$0x20]  }
0xb4: {  	v11 =	vld [tilespmem:s1+$0x20];
	v17, _, _ =	vpop (xrf2)  }
0xb5: {  	v9 =	vld [tilespmem:s1+$0x30];
	v18, _, _ =	vpop (xrf2)  }
0xb6: {  	v21 =	vmul.f32 v23, v21;
	v8 =	vld [tilespmem:s1+$0x40];
	v19, _, _ =	vpop (xrf2)  }
0xb7: {  	v12 =	vld [tilespmem:s1+$0x50];
	v18 =	vbroadcast v18, $0xF;
	v19 =	vbroadcast v19, $0xF  }
0xb8: {  	v63 =	vld [tilespmem:s9+$0x30];
	v22 =	vmul.f32 v27, v22;
	v17 =	vbroadcast v17, $0xF  }
0xb9: {  	v14 =	vld [tilespmem:s1+$0x70];
	v25 =	vmul.f32 v2, v18;
	v19 =	vmul.f32 v3, v19  }
0xba: {  	v21 =	vadd.f32 v22, v21;
	v11 =	vmul.f32 v28, v11;
	v10 =	vld [tilespmem:s1+$0x60];
	v9 =	vmul.f32 v31, v9;
	v32, _, _ =	vpop (xrf2)  }
0xbb: {  	v22 =	vld [tilespmem:s21+$0x60];
	v32 =	vbroadcast v32, $0xF;
	v19 =	vadd.f32 v19, v25;
	v25 =	vmul.f32 v4, v17  }
0xbc: {  	v8 =	vmul.f32 v30, v8;
	v12 =	vmul.f32 v29, v12;
	v18 =	vld [tilespmem:s21+$0x50]  }
0xbd: {  	v9 =	vadd.f32 v9, v11;
	v17 =	vld [tilespmem:s21+$0x0];
	v32 =	vmul.f32 v5, v32;
	v25 =	vadd.f32 v25, v19  }
0xbe: {  	(xrf2) =	vadd.scan.msk.f32 $0xffff, v21;
	v8 =	vadd.f32 v12, v8;
	v19 =	vld [tilespmem:s21+$0x10]  }
0xbf: {  	v10 =	vmul.f32 v26, v10;
	v12 =	vld [tilespmem:s9+$0xE0];
	(xrf2) =	vadd.scan.msk.f32 $0xffff, v9;
	v25 =	vadd.f32 v32, v25  }
0xc0: {  	v9 =	vmul.f32 v24, v14;
	(xrf2) =	vadd.scan.msk.f32 $0xffff, v8;
	v8 =	vmul.f32 v20, v35;
	v32 =	vld [tilespmem:s21+$0x20]  }
0xc1: {  	v14 =	vmul.f32 v18, v40;
	v11 =	vmul.f32 $1.442695020e+00, v25;
	v25 =	vld [tilespmem:s21+$0x30]  }
0xc2: {  	v21 =	vld [tilespmem:s21+$0x70];
	v9 =	vadd.f32 v9, v10;
	v10 =	vmul.f32 v17, v41  }
0xc3: {  	v8 =	vadd.f32 v14, v8;
	v58 =	vmul.f32 v19, v42;
	(erf) = vpow2.f32 v11;
	v11 =	vld [tilespmem:s9+$0xF0]  }
0xc4: {  	v35 =	vld [tilespmem:s21+$0xFFFFFF80];
	(xrf2) =	vadd.scan.msk.f32 $0xffff, v9  }
0xc5: {  	v12 =	vmul.f32 v22, v12;
	v14 =	vld [tilespmem:s9+$0x0];
	(xrf2) =	vadd.scan.msk.f32 $0xffff, v8;
	v9 =	vadd.f32 v58, v10  }
0xc6: {  	v8 =	vld [tilespmem:s21+$0xFFFFFF90];
	v59 =	vmul.f32 v32, v43;
	v60 =	vmul.f32 v25, v44  }
0xc7: {  	(xrf2) =	vadd.scan.msk.f32 $0xffff, v9;
	v9 =	vld [tilespmem:s21+$0xFFFFFFA0]  }
0xc8: {  	v45 =	vld [tilespmem:s9+$0x40];
	(v2sf) =	vpush v39, $0x0;
	v58, _, _ =	vpop (xrf2);
	v10 =	vadd.f32 v60, v59;
	v11 =	vmul.f32 v21, v11  }
0xc9: {  	v46 =	vld [tilespmem:s9+$0x50];
	v43 =	vbroadcast v58, $0xF  }
0xca: {  	v53 =	vld [tilespmem:s9+$0x60];
	v54 =	vmul.f32 v35, v14;
	(xrf2) =	vadd.scan.msk.f32 $0xffff, v10;
	v11 =	vadd.f32 v11, v12;
	v12, _, _ =	vpop (xrf2)  }
0xcb: {  	v56 =	vld [tilespmem:s9+$0x70];
	v42 =	vmul.f32 v8, v61;
	v43 =	vmul.f32 v2, v43;
	v59, _, _ =	vpop (xrf2)  }
0xcc: {  	v10 =	vld [tilespmem:s21+$0xFFFFFFB0];
	v12 =	vbroadcast v12, $0xF;
	v40 =	vmul.f32 v9, v62;
	v48 =	vpop (erf)  }
0xcd: {  	s17 =	simm.s32 $0x203;
	v14 =	vld [tilespmem:s21+$0xFFFFFFF0];
	v44 =	vbroadcast v59, $0xF;
	v47 =	vbroadcast v48, $0x0  }
0xce: {  	v42 =	vadd.f32 v42, v54;
	v54 =	vld [tilespmem:s17+$0x0];
	(xrf2) =	vadd.scan.msk.f32 $0xffff, v11;
	v49, _, _ =	vpop (xrf2);
	v50 =	vmul.f32 v3, v12;
	v52 =	vbroadcast v48, $0x1  }
0xcf: {  	v11 =	vld [tilespmem:s21+$0xFFFFFFC0];
	v60, _, _ =	vpop (xrf2);
	v49 =	vbroadcast v49, $0xF;
	v59 =	vbroadcast v48, $0x3  }
0xd0: {  	s13 =	simm.s32 $0x800;
	v12 =	vld [tilespmem:s21+$0xFFFFFFD0];
	v44 =	vmul.f32 v4, v44;
	v39 =	vbroadcast v60, $0xF  }
0xd1: {  	(xrf2) =	vadd.scan.msk.f32 $0xffff, v42;
	v42 =	vld [tilespmem:s13+$0xD0];
	v51 =	vmul.f32 v47, v13;
	v41 =	vmul.f32 v10, v63  }
0xd2: {  	s22 =	simm.s32 $0x3080;
	v13 =	vld [tilespmem:s21+$0xFFFFFFE0];
	v47 =	vmul.f32 v47, v38;
	v36 =	vmul.f32 v52, v36  }
0xd3: {  	v38 =	vld [tilespmem:s22+$0x40];
	v52 =	vmul.f32 v52, v37;
	v16 =	vmul.f32 v59, v16;
	v55, _, _ =	vpop (xrf2)  }
0xd4: {  	v37 =	vld [tilespmem:s22+$0x0];
	v15 =	vmul.f32 v59, v15;
	v63 =	vmul.f32 v4, v39;
	v40 =	vadd.f32 v41, v40;
	v61, _, _ =	vpop (xrf2)  }
0xd5: {  	v43 =	vadd.f32 v50, v43;
	v59 =	vld [tilespmem:s13+$0xE0];
	v55 =	vbroadcast v55, $0xF;
	v50 =	vbroadcast v61, $0xF  }
0xd6: {  	v39 =	vld [tilespmem:s22+$0x50];
	v62 =	vmul.f32 v11, v45;
	v46 =	vmul.f32 v12, v46;
	(xrf2) =	vadd.scan.msk.f32 $0xffff, v40  }
0xd7: {  	s4 =	spop (v2sf);
	v43 =	vadd.f32 v44, v43;
	v44 =	vld [tilespmem:s2+$0xFFFFFFFF];
	v55 =	vmul.f32 v2, v55;
	v50 =	vmul.f32 v3, v50  }
0xd8: {  	s8 =	sand.u32 $0x80000001, s4;
	v60 =	vbroadcast v48, $0x2;
	v45 =	vld [tilespmem:s13+$0xC0];
	[tilespmem:s3+$0x10] =	vst v47;
	v41 =	vadd.f32 v46, v62;
	v57, _, _ =	vpop (xrf2)  }
0xd9: {  	p1 =	seq.s32 s8, $0x1;
	v49 =	vmul.f32 v5, v49;
	[tilespmem:s3+$0x20] =	vst v36;
	v36 =	vld [tilespmem:s22+$0x10];
	v57 =	vbroadcast v57, $0xF;
	v50 =	vadd.f32 v50, v55  }
0xda: {  	v34 =	vmul.f32 v60, v34;
	v47 =	vld [tilespmem:s22+$0x20];
	[tilespmem:s3+$0x60] =	vst v16;
	v16 =	vpsel p1, v7, v6;
	(xrf2) =	vadd.scan.msk.f32 $0xffff, v41  }
0xdb: {  	v46 =	vld [tilespmem:s22+$0x30];
	v62 =	vmul.f32 v5, v57;
	v61 =	vadd.f32 v63, v50;
	v63 =	vadd.f32 v49, v43  }
0xdc: {  	v33 =	vmul.f32 v60, v33;
	v48 =	vmul.f32 v48, v16;
	v55 =	vld [tilespmem:s13+$0x80]  }
0xdd: {  	[tilespmem:s3+$0x0] =	vst v51;
	v42 =	vmul.f32 v39, v42;
	v49 =	vld [tilespmem:s13+$0x90];
	v40 =	vadd.f32 v62, v61;
	v60 =	vmul.f32 $1.442695020e+00, v63  }
0xde: {  	[tilespmem:s3+$0x30] =	vst v52;
	v41 =	vld [tilespmem:s22+$0x70];
	v58, _, _ =	vpop (xrf2);
	v61 =	vmul.f32 v13, v53;
	v62 =	vmul.f32 v14, v56  }
0xdf: {  	[tilespmem:s3+$0x70] =	vst v15;
	v15 =	vbroadcast v58, $0xF;
	v63 =	vld [tilespmem:s13+$0xA0];
	v40 =	vmul.f32 $1.442695020e+00, v40  }
0xe0: {  	[tilespmem:s3+$0x40] =	vst v34;
	v56 =	vld [tilespmem:s13+$0xB0];
	v16, _, _ =	vpop (xrf2);
	(erf) = vpow2.f32 v60;
	v57 =	vadd.f32 v62, v61;
	v60 =	vmul.f32 v38, v45  }
0xe1: {  	[tilespmem:s3+$0x50] =	vst v33;
	v53 =	vld [tilespmem:s13+$0x0];
	v16 =	vbroadcast v16, $0xF;
	v43 =	vmul.f32 v37, v55  }
0xe2: {  	v61 =	vld [tilespmem:s13+$0xF0];
	v49 =	vmul.f32 v36, v49;
	(erf) = vpow2.f32 v40;
	(xrf2) =	vadd.scan.msk.f32 $0xffff, v57;
	v42 =	vadd.f32 v42, v60  }
0xe3: {  	[tilespmem:s1+$0x80] =	vst v0;
	(v2sf) =	vpush v44, $0x0;
	v40 =	vld [tilespmem:s22+$0x60]  }
0xe4: {  	v44 =	vmul.f32 v2, v15;
	v62, _, _ =	vpop (xrf2);
	v15 =	vadd.f32 v49, v43;
	(xrf2) =	vadd.scan.msk.f32 $0xffff, v42;
	v42 =	vmul.f32 v3, v16;
	v16 =	vld [tilespmem:s22+$0xFFFFFF80]  }
0xe5: {  	[tilespmem:s1+$0x90] =	vst v0;
	v52 =	vbroadcast v62, $0xF;
	v43 =	vld [tilespmem:s13+$0x10]  }
0xe6: {  	[tilespmem:s1+$0xA0] =	vst v0;
	v51 =	vmul.f32 v47, v63;
	v34 =	vmul.f32 v46, v56;
	(xrf2) =	vadd.scan.msk.f32 $0xffff, v15;
	v15 =	vld [tilespmem:s22+$0xFFFFFF90]  }
0xe7: {  	[tilespmem:s1+$0xB0] =	vst v0  }
0xe8: {  	[tilespmem:s1+$0xC0] =	vst v0;
	v49 =	vmul.f32 v4, v52;
	v34 =	vadd.f32 v34, v51;
	v45 =	vmul.f32 v41, v61  }
0xe9: {  	s4 =	sshll.u32 s4, $0x5;
	[tilespmem:s1+$0xD0] =	vst v0;
	(v2sf) =	vpush v54, $0x0;
	v50 =	vmul.f32 v40, v59;
	v33 =	vpop (erf);
	v61 =	vmul.f32 v16, v53  }
0xea: {  	s4 =	sshra.s32 s4, $0x2;
	v42 =	vadd.f32 v42, v44;
	(xrf2) =	vadd.scan.msk.f32 $0xffff, v34;
	v52 =	vbroadcast v33, $0x0;
	v34 =	vbroadcast v33, $0x1  }
0xeb: {  	s4 =	sand.u32 $0xFFFFFFF0, s4;
	[tilespmem:s1+$0xE0] =	vst v0;
	v55 =	vld [tilespmem:s13+$0x20];
	v56 =	vbroadcast v33, $0x2;
	v43 =	vmul.f32 v15, v43;
	v51 =	vpop (erf)  }
0xec: {  	s11 =	simm.s32 $0x205;
	s4 =	sadd.s32 $0x600, s4;
	[tilespmem:s1+$0xF0] =	vst v0;
	v57 =	vld [tilespmem:s13+$0x30];
	v42 =	vadd.f32 v49, v42;
	v54 =	vbroadcast v51, $0x0;
	v58, _, _ =	vpop (xrf2);
	v60 =	vbroadcast v51, $0x1  }
0xed: {  	[tilespmem:s4+$0x80] =	vst v48;
	v49 =	vld [tilespmem:s11+$0x0];
	v45 =	vadd.f32 v45, v50;
	v30 =	vmul.f32 v56, v30;
	v48 =	vbroadcast v58, $0xF  }
0xee: {  	v50 =	vld [tilespmem:s13+$0x50];
	v59 =	vmul.f32 v54, v17;
	v63 =	vmul.f32 v54, v19  }
0xef: {  	(xrf2) =	vadd.scan.msk.f32 $0xffff, v45;
	v17 =	vld [tilespmem:s22+$0xFFFFFFA0];
	v32 =	vmul.f32 v60, v32;
	v54 =	vbroadcast v51, $0x2  }
0xf0: {  	v19 =	vld [tilespmem:s22+$0xFFFFFFB0];
	v25 =	vmul.f32 v60, v25;
	[tilespmem:s3+$0xFFFFFFC0] =	vst v30;
	v44 =	vmul.f32 v5, v48  }
0xf1: {  	v53 =	vld [tilespmem:s13+$0x70];
	v48 =	vbroadcast v33, $0x3;
	[tilespmem:s21+$0x10] =	vst v63;
	v62 =	vmul.f32 v54, v20  }
0xf2: {  	s2 =	simm.s32 $0x3180;
	v58 =	vld [tilespmem:s13+$0x40];
	v63 =	vbroadcast v51, $0x3;
	[tilespmem:s21+$0x30] =	vst v25;
	v25 =	vmul.f32 v54, v18  }
0xf3: {  	v31 =	vmul.f32 v34, v31;
	v30 =	vld [tilespmem:s2+$0x30];
	[tilespmem:s21+$0x20] =	vst v32;
	v26 =	vmul.f32 v48, v26;
	v54, _, _ =	vpop (xrf2)  }
0xf4: {  	v20 =	vld [tilespmem:s22+$0xFFFFFFC0];
	v22 =	vmul.f32 v63, v22;
	[tilespmem:s21+$0x50] =	vst v25;
	v25 =	vmul.f32 v63, v21;
	v60, _, _ =	vpop (xrf2)  }
0xf5: {  	v43 =	vadd.f32 v43, v61;
	v18 =	vld [tilespmem:s22+$0xFFFFFFD0];
	[tilespmem:s21+$0x40] =	vst v62;
	v55 =	vmul.f32 v17, v55;
	v61 =	vmul.f32 v19, v57;
	v62, _, _ =	vpop (xrf2)  }
0xf6: {  	v32 =	vld [tilespmem:s13+$0x60];
	[tilespmem:s21+$0x70] =	vst v25;
	v25 =	vbroadcast v60, $0xF;
	v63 =	vbroadcast v62, $0xF  }
0xf7: {  	[tilespmem:s3+$0xFFFFFFB0] =	vst v31;
	v42 =	vadd.f32 v44, v42;
	v21 =	vld [tilespmem:s22+$0xFFFFFFE0];
	v57 =	vmul.f32 v52, v23;
	v23 =	vbroadcast v54, $0xF  }
0xf8: {  	s12 =	spop (v2sf);
	[tilespmem:s21+$0x0] =	vst v59;
	(xrf2) =	vadd.scan.msk.f32 $0xffff, v43;
	v54 =	vld [tilespmem:s17+$0xFFFFFFFF];
	v25 =	vmul.f32 v2, v25;
	v43 =	vmul.f32 v3, v63  }
0xf9: {  	s8 =	simm.s32 $0x900;
	s18 =	spop (v2sf);
	v24 =	vmul.f32 v48, v24;
	v42 =	vmul.f32 $1.442695020e+00, v42;
	[tilespmem:s21+$0x60] =	vst v22;
	v22 =	vld [tilespmem:s22+$0xFFFFFFF0];
	v45 =	vadd.f32 v61, v55;
	v59, _, _ =	vpop (xrf2)  }
0xfa: {  	s17 =	sand.u32 $0x80000001, s18;
	[tilespmem:s3+$0xFFFFFFE0] =	vst v26;
	v60 =	vld [tilespmem:s8+$0xD0];
	v61 =	vmul.f32 v4, v23;
	v59 =	vbroadcast v59, $0xF;
	v43 =	vadd.f32 v43, v25  }
0xfb: {  	[tilespmem:s3+$0xFFFFFFF0] =	vst v24;
	p4 =	seq.s32 s17, $0x1;
	v55 =	vmul.f32 v20, v58;
	v58 =	vld [tilespmem:s8+$0xC0];
	v50 =	vmul.f32 v18, v50  }
0xfc: {  	[tilespmem:s9+$0x80] =	vst v0;
	v23 =	vld [tilespmem:s2+$0x40];
	v62 =	vpsel p4, v7, v6;
	v63 =	vmul.f32 v5, v59;
	v43 =	vadd.f32 v61, v43  }
0xfd: {  	[tilespmem:s3+$0xFFFFFF80] =	vst v57;
	v57 =	vmul.f32 v56, v29;
	v29 =	vld [tilespmem:s2+$0x20];
	(xrf2) =	vadd.scan.msk.f32 $0xffff, v45;
	v55 =	vadd.f32 v50, v55  }
0xfe: {  	[tilespmem:s9+$0x90] =	vst v0;
	v45 =	vmul.f32 v51, v62;
	v51 =	vld [tilespmem:s8+$0x80];
	v43 =	vadd.f32 v63, v43  }
0xff: {  	[tilespmem:s9+$0xA0] =	vst v0;
	(erf) = vpow2.f32 v42;
	v25 =	vld [tilespmem:s2+$0x50];
	(xrf2) =	vadd.scan.msk.f32 $0xffff, v55  }
0x100: {  	[tilespmem:s9+$0xB0] =	vst v0;
	v44 =	vmul.f32 v22, v53;
	v53 =	vld [tilespmem:s8+$0x90];
	v63 =	vmul.f32 $1.442695020e+00, v43  }
0x101: {  	[tilespmem:s9+$0xC0] =	vst v0;
	v32 =	vmul.f32 v21, v32;
	v59 =	vmul.f32 v52, v27;
	v27 =	vld [tilespmem:s2+$0x10]  }
0x102: {  	[tilespmem:s9+$0xD0] =	vst v0;
	v52 =	vld [tilespmem:s8+$0xE0];
	v61 =	vmul.f32 v34, v28;
	(erf) = vpow2.f32 v63  }
0x103: {  	[tilespmem:s9+$0xE0] =	vst v0;
	v28 =	vld [tilespmem:s2+$0x0];
	v32 =	vadd.f32 v44, v32  }
0x104: {  	s4 =	sshll.u32 s18, $0x5;
	s18 =	sand.u32 $0x80000001, s12;
	v31 =	vmul.f32 v23, v58;
	v44 =	vld [tilespmem:s8+$0xB0];
	[tilespmem:s3+$0xFFFFFFA0] =	vst v61;
	v61 =	vmul.f32 v25, v60  }
0x105: {  	s4 =	sshra.s32 s4, $0x2;
	p5 =	seq.s32 s18, $0x1;
	[tilespmem:s9+$0xF0] =	vst v0;
	v62, _, _ =	vpop (xrf2);
	(xrf2) =	vadd.scan.msk.f32 $0xffff, v32;
	v32 =	vld [tilespmem:s2+$0x70]  }
0x106: {  	s4 =	sand.u32 $0xFFFFFFF0, s4;
	[tilespmem:s3+$0xFFFFFFD0] =	vst v57;
	v58 =	vpsel p5, v7, v6;
	v43 =	vld [tilespmem:s8+$0xA0];
	v26 =	vadd.f32 v61, v31  }
0x107: {  	s4 =	sadd.s32 $0x700, s4;
	[tilespmem:s3+$0xFFFFFF90] =	vst v59;
	v34 =	vmul.f32 v33, v58;
	v55 =	vbroadcast v62, $0xF;
	v31 =	vld [tilespmem:s2+$0x60];
	v59, _, _ =	vpop (xrf2)  }
0x108: {  	(v2sf) =	vpush v54, $0x0;
	[tilespmem:s4+$0x80] =	vst v45;
	v58 =	vmul.f32 v27, v53;
	v63 =	vld [tilespmem:s8+$0xF0];
	v62 =	vbroadcast v59, $0xF  }
0x109: {  	v56 =	vld [tilespmem:s8+$0x30];
	[tilespmem:s1+$0x0] =	vst v0;
	v50 =	vmul.f32 v2, v55;
	v57 =	vmul.f32 v28, v51;
	(xrf2) =	vadd.scan.msk.f32 $0xffff, v26;
	v59, _, _ =	vpop (xrf2)  }
0x10a: {  	v54 =	vld [tilespmem:s8+$0x10];
	[tilespmem:s1+$0x10] =	vst v0;
	v44 =	vmul.f32 v30, v44;
	v53 =	vmul.f32 v3, v62;
	v26 =	vpop (erf)  }
0x10b: {  	[tilespmem:s1+$0x20] =	vst v0;
	v51 =	vld [tilespmem:s8+$0x0];
	v33 =	vadd.f32 v58, v57;
	v24 =	vbroadcast v59, $0xF;
	v60 =	vmul.f32 v29, v43;
	v45 =	vpop (erf)  }
0x10c: {  	(v2sf) =	vpush v49, $0x0;
	[tilespmem:s1+$0x30] =	vst v0;
	v57 =	vld [tilespmem:s8+$0x20];
	v52 =	vmul.f32 v31, v52;
	v49 =	vbroadcast v45, $0x0  }
0x10d: {  	(xrf2) =	vadd.scan.msk.f32 $0xffff, v33;
	v33 =	vld [tilespmem:s2+$0xFFFFFF90];
	v55 =	vmul.f32 v4, v24;
	v61 =	vadd.f32 v44, v60;
	v58 =	vmul.f32 v32, v63  }
0x10e: {  	[tilespmem:s1+$0x40] =	vst v0;
	v60 =	vbroadcast v45, $0x1;
	v59 =	vmul.f32 v49, v37;
	v37 =	vld [tilespmem:s2+$0xFFFFFFA0]  }
0x10f: {  	[tilespmem:s1+$0x50] =	vst v0;
	v24 =	vld [tilespmem:s2+$0xFFFFFF80];
	(xrf2) =	vadd.scan.msk.f32 $0xffff, v61;
	v63 =	vbroadcast v45, $0x2;
	v62 =	vmul.f32 v49, v36  }
0x110: {  	[tilespmem:s1+$0x60] =	vst v0;
	v36 =	vld [tilespmem:s2+$0xFFFFFFB0];
	v47 =	vmul.f32 v60, v47;
	v46 =	vmul.f32 v60, v46  }
0x111: {  	v60 =	vmul.f32 v63, v38;
	[tilespmem:s22+$0x10] =	vst v62;
	v62 =	vmul.f32 v63, v39;
	v63 =	vadd.f32 v58, v52  }
0x112: {  	[tilespmem:s1+$0x70] =	vst v0;
	v43 =	vbroadcast v26, $0x0;
	v50 =	vadd.f32 v53, v50;
	v48, _, _ =	vpop (xrf2)  }
0x113: {  	v53 =	vld [tilespmem:s8+$0x40];
	v61 =	vbroadcast v48, $0xF;
	[tilespmem:s22+$0x0] =	vst v59;
	v52 =	vmul.f32 v37, v57;
	v57, _, _ =	vpop (xrf2);
	(xrf2) =	vadd.scan.msk.f32 $0xffff, v63  }
0x114: {  	v54 =	vmul.f32 v33, v54;
	v38 =	vld [tilespmem:s2+$0xFFFFFFC0];
	[tilespmem:s22+$0x20] =	vst v47;
	v59 =	vbroadcast v45, $0x3  }
0x115: {  	s18 =	sshll.u32 s12, $0x5;
	v48 =	vld [tilespmem:s8+$0x50];
	v51 =	vmul.f32 v24, v51;
	[tilespmem:s22+$0x30] =	vst v46;
	v56 =	vmul.f32 v36, v56  }
0x116: {  	s3 =	sshra.s32 s18, $0x2;
	v42 =	vbroadcast v26, $0x2;
	v55 =	vadd.f32 v55, v50;
	v50 =	vld [tilespmem:s8+$0x60];
	[tilespmem:s22+$0x40] =	vst v60;
	v60 =	vmul.f32 v59, v40  }
0x117: {  	s3 =	sand.u32 $0xFFFFFFF0, s3;
	v44 =	vbroadcast v26, $0x1;
	s4 =	spop (v2sf);
	v54 =	vadd.f32 v54, v51;
	v51 =	vld [tilespmem:s8+$0x70];
	[tilespmem:s22+$0x50] =	vst v62;
	v62 =	vmul.f32 v59, v41  }
0x118: {  	s18 =	sadd.s32 $0x600, s3;
	s3 =	simm.s32 $0x207;
	s17 =	sand.u32 $0x80000001, s4;
	v39 =	vld [tilespmem:s2+$0xFFFFFFD0];
	v58 =	vmul.f32 v5, v61;
	v47 =	vbroadcast v26, $0x3;
	v63, _, _ =	vpop (xrf2);
	[tilespmem:s22+$0x60] =	vst v60  }
0x119: {  	s1 =	sshll.u32 s4, $0x5;
	p6 =	seq.s32 s17, $0x1;
	v46 =	vld [tilespmem:s3+$0x0];
	[tilespmem:s22+$0x70] =	vst v62;
	(xrf2) =	vadd.scan.msk.f32 $0xffff, v54;
	v54 =	vmul.f32 v38, v53;
	v59 =	vadd.f32 v56, v52;
	v56, _, _ =	vpop (xrf2)  }
0x11a: {  	s1 =	sshra.s32 s1, $0x2;
	v40 =	vpsel p6, v7, v6;
	v41 =	vld [tilespmem:s2+$0xFFFFFFE0];
	v60 =	vbroadcast v63, $0xF;
	[tilespmem:s13+$0x80] =	vst v0;
	v61 =	vbroadcast v56, $0xF  }
0x11b: {  	s29 =	simm.s32 $0x6;
	s12 =	spop (v2sf);
	s1 =	sand.u32 $0xFFFFFFF0, s1;
	v49 =	vadd.f32 v58, v55;
	v55 =	vbroadcast v57, $0xF;
	v53 =	vld [tilespmem:s11+$0xFFFFFFFF];
	v52 =	vmul.f32 v43, v35;
	[tilespmem:s13+$0x90] =	vst v0  }
0x11c: {  	s17 =	sadd.s32 $0x700, s1;
	s1 =	simm.s32 $0x3180;
	s11 =	simm.s32 $0xA00;
	v35 =	vld [tilespmem:s2+$0xFFFFFFF0];
	[tilespmem:s13+$0xA0] =	vst v0;
	(xrf2) =	vadd.scan.msk.f32 $0xffff, v59;
	v56 =	vmul.f32 v2, v60;
	v57 =	vmul.f32 v3, v61  }
.LBB2_3:
0x11d: {  	v58 =	vld [tilespmem:s11+$0xC0];
	v48 =	vmul.f32 v39, v48;
	v59, _, _ =	vpop (xrf2);
	v60 =	vmul.f32 $1.442695020e+00, v49;
	[tilespmem:s13+$0xB0] =	vst v0;
	s4 =	sand.u32 $0x80000001, s12  }
0x11e: {  	v55 =	vmul.f32 v4, v55;
	s2 =	sadd.s32 $0x100, s2;
	v61 =	vld [tilespmem:s11+$0xD0];
	v56 =	vadd.f32 v57, v56;
	v57 =	vbroadcast v59, $0xF;
	[tilespmem:s13+$0xC0] =	vst v0;
	p1 =	seq.s32 s4, $0x1;
	s4 =	sshll.u32 s12, $0x5  }
0x11f: {  	v49 =	vld [tilespmem:s2+$0x40];
	v48 =	vadd.f32 v48, v54;
	v54 =	vmul.f32 v41, v50;
	[tilespmem:s13+$0xD0] =	vst v0;
	v59 =	vpsel p1, v7, v6;
	s4 =	sshra.s32 s4, $0x2  }
0x120: {  	v50 =	vld [tilespmem:s2+$0x50];
	v55 =	vadd.f32 v55, v56;
	v56 =	vmul.f32 v5, v57;
	[tilespmem:s13+$0xE0] =	vst v0;
	v45 =	vmul.f32 v45, v59;
	s4 =	sand.u32 $0xFFFFFFF0, s4  }
0x121: {  	v51 =	vmul.f32 v35, v51;
	v57 =	vld [tilespmem:s11+$0x80];
	(xrf2) =	vadd.scan.msk.f32 $0xffff, v48;
	[tilespmem:s13+$0xF0] =	vst v0;
	s4 =	sadd.s32 s4, s13;
	(v2sf) =	vpush v53, $0x0  }
0x122: {  	v48 =	vld [tilespmem:s11+$0x90];
	v53 =	vadd.f32 v56, v55;
	[tilespmem:s4+$0x80] =	vst v45;
	v56 =	vmul.f32 v43, v8;
	v43 =	vmul.f32 v44, v9  }
0x123: {  	v45 =	vadd.f32 v51, v54;
	v44 =	vmul.f32 v44, v10;
	v55 =	vld [tilespmem:s2+$0x0];
	v9, _, _ =	vpop (xrf2);
	(erf) = vpow2.f32 v60;
	[tilespmem:s21+$0xFFFFFF80] =	vst v52  }
0x124: {  	v8 =	vmovc v15;
	v15 =	vmovc v33;
	v51 =	vld [tilespmem:s2+$0x10];
	v52 =	vbroadcast v9, $0xF;
	v53 =	vmul.f32 $1.442695020e+00, v53;
	[tilespmem:s21+$0xFFFFFF90] =	vst v56;
	v9 =	vmov v17  }
0x125: {  	v54 =	vmul.f32 v42, v11;
	v10 =	vmovc v19;
	v56 =	vmul.f32 v42, v12;
	v17 =	vmov v37;
	v33 =	vld [tilespmem:s11+$0xA0];
	[tilespmem:s21+$0xFFFFFFA0] =	vst v43  }
0x126: {  	v37 =	vld [tilespmem:s11+$0xB0];
	v42 =	vmul.f32 v2, v52;
	v43, _, _ =	vpop (xrf2);
	(xrf2) =	vadd.scan.msk.f32 $0xffff, v45;
	(erf) = vpow2.f32 v53;
	[tilespmem:s21+$0xFFFFFFB0] =	vst v44  }
0x127: {  	v19 =	vmovc v36;
	v11 =	vmov v20;
	v44 =	vmul.f32 v49, v58;
	v45 =	vmul.f32 v50, v61;
	v52 =	vld [tilespmem:s2+$0x20];
	[tilespmem:s21+$0xFFFFFFC0] =	vst v54  }
0x128: {  	v20 =	vmovc v38;
	v12 =	vmovc v18;
	v18 =	vmov v39;
	v36 =	vbroadcast v43, $0xF;
	v43 =	vmul.f32 v47, v13;
	v53 =	vld [tilespmem:s2+$0x30];
	[tilespmem:s21+$0xFFFFFFD0] =	vst v56  }
0x129: {  	v44 =	vadd.f32 v45, v44;
	v45 =	vmul.f32 v47, v14;
	v39 =	vld [tilespmem:s11+$0xE0];
	[tilespmem:s18+$0x0] =	vst v34;
	v34 =	vmul.f32 v26, v40;
	s18 =	smov.u32 s17  }
0x12a: {  	v13 =	vmovc v21;
	v21 =	vmov v41;
	v56 =	vmul.f32 v55, v57;
	v40 =	vmul.f32 v51, v48;
	v47 =	vld [tilespmem:s11+$0xF0];
	[tilespmem:s21+$0xFFFFFFE0] =	vst v43  }
0x12b: {  	v14 =	vmov v22;
	v36 =	vmul.f32 v3, v36;
	v41 =	vld [tilespmem:s2+$0x60];
	(xrf2) =	vadd.scan.msk.f32 $0xffff, v44;
	v38, _, _ =	vpop (xrf2);
	[tilespmem:s21+$0xFFFFFFF0] =	vst v45;
	s21 =	smov.u32 s22;
	s22 =	smov.u32 s1;
	s1 =	smov.u32 s2  }
0x12c: {  	v22 =	vmov v35;
	v40 =	vadd.f32 v40, v56;
	v54 =	vld [tilespmem:s2+$0x70];
	v38 =	vbroadcast v38, $0xF;
	v26 =	vpop (erf);
	[tilespmem:s9+$0x0] =	vst v0  }
0x12d: {  	v36 =	vadd.f32 v36, v42;
	v33 =	vmul.f32 v52, v33;
	v35 =	vld [tilespmem:s11+$0x0];
	v37 =	vmul.f32 v53, v37;
	[tilespmem:s9+$0x10] =	vst v0  }
0x12e: {  	v43 =	vbroadcast v26, $0x0;
	v56 =	vld [tilespmem:s11+$0x10];
	(xrf2) =	vadd.scan.msk.f32 $0xffff, v40;
	v40 =	vmul.f32 v4, v38;
	[tilespmem:s9+$0x20] =	vst v0  }
0x12f: {  	v44 =	vbroadcast v26, $0x1;
	v57 =	vld [tilespmem:s2+$0xFFFFFF80];
	v37 =	vadd.f32 v37, v33;
	(v2sf) =	vpush v46, $0x0;
	v45 =	vpop (erf);
	[tilespmem:s9+$0x30] =	vst v0  }
0x130: {  	v42 =	vbroadcast v26, $0x2;
	v33 =	vld [tilespmem:s2+$0xFFFFFF90];
	v46 =	vadd.f32 v40, v36;
	v36 =	vbroadcast v45, $0x0;
	v38, _, _ =	vpop (xrf2);
	s4 =	spop (v2sf);
	[tilespmem:s9+$0x40] =	vst v0  }
0x131: {  	v39 =	vmul.f32 v41, v39;
	v58 =	vld [tilespmem:s11+$0x20];
	v40 =	vmul.f32 v54, v47;
	(xrf2) =	vadd.scan.msk.f32 $0xffff, v37;
	s12 =	sand.u32 $0x80000001, s4;
	s4 =	sshll.u32 s4, $0x5;
	[tilespmem:s9+$0x50] =	vst v0  }
0x132: {  	v59 =	vbroadcast v45, $0x1;
	v47 =	vld [tilespmem:s11+$0x30];
	v48 =	vmul.f32 v36, v28;
	p1 =	seq.s32 s12, $0x1;
	s4 =	sshra.s32 s4, $0x2;
	[tilespmem:s9+$0x60] =	vst v0;
	v28 =	vmov v55  }
0x133: {  	v55 =	vbroadcast v38, $0xF;
	v38 =	vmul.f32 v36, v27;
	v27 =	vmovc v51;
	v37 =	vld [tilespmem:s2+$0xFFFFFFA0];
	v39 =	vadd.f32 v40, v39;
	s4 =	sand.u32 $0xFFFFFFF0, s4;
	[tilespmem:s9+$0x70] =	vst v0;
	s9 =	smov.u32 s13;
	s13 =	smov.u32 s8  }
0x134: {  	v60 =	vbroadcast v45, $0x2;
	v51 =	vmul.f32 v59, v29;
	v29 =	vmovc v52;
	v40 =	vpsel p1, v7, v6;
	s8 =	smov.u32 s11;
	v36 =	vld [tilespmem:s2+$0xFFFFFFB0];
	[tilespmem:s22+$0x0] =	vst v48;
	s17 =	sadd.s32 s4, s9  }
0x135: {  	v35 =	vmul.f32 v57, v35;
	v61 =	vld [tilespmem:s11+$0x40];
	v62, _, _ =	vpop (xrf2);
	(xrf2) =	vadd.scan.msk.f32 $0xffff, v39;
	[tilespmem:s22+$0x10] =	vst v38;
	v39 =	vmul.f32 v59, v30  }
0x136: {  	v52 =	vbroadcast v45, $0x3;
	v30 =	vmovc v53;
	v48 =	vld [tilespmem:s11+$0x50];
	[tilespmem:s22+$0x20] =	vst v51;
	v51 =	vmul.f32 v60, v23;
	v23 =	vmov v49  }
0x137: {  	v53 =	vmul.f32 v60, v25;
	v25 =	vmov v50;
	v49 =	vmul.f32 v33, v56;
	v38 =	vld [tilespmem:s2+$0xFFFFFFC0];
	[tilespmem:s22+$0x30] =	vst v39  }
0x138: {  	s29 =	sadd.s32 $0x2, s29;
	v59 =	vmul.f32 v52, v31;
	v31 =	vmov v41;
	v56 =	vmul.f32 v37, v58;
	v39 =	vld [tilespmem:s2+$0xFFFFFFD0];
	v58, _, _ =	vpop (xrf2);
	[tilespmem:s22+$0x40] =	vst v51  }
0x139: {  	p1 =	slt.u32 s29, $0x4E;
	v35 =	vadd.f32 v49, v35;
	v49 =	vmul.f32 v52, v32;
	v41 =	vmul.f32 v36, v47;
	v50 =	vld [tilespmem:s11+$0x60];
	[tilespmem:s22+$0x50] =	vst v53  }
.Ltmp0:
0x13a: {  	v32 =	vmov v54;
	v53 =	vmul.f32 v5, v55;
	v47 =	vbroadcast v26, $0x3;
	v51 =	vld [tilespmem:s11+$0x70];
	[tilespmem:s22+$0x60] =	vst v59;
	(pc) =	sbr.rel @p1 .LBB2_3-.Ltmp0, $4  }
0x13b: {  	v52 =	vmul.f32 v43, v16;
	v59 =	vadd.f32 v41, v56;
	v41 =	vld [tilespmem:s2+$0xFFFFFFE0];
	(xrf2) =	vadd.scan.msk.f32 $0xffff, v35;
	v54, _, _ =	vpop (xrf2);
	[tilespmem:s22+$0x70] =	vst v49  }
0x13c: {  	v16 =	vmovc v24;
	v24 =	vmovc v57;
	v56 =	vbroadcast v58, $0xF;
	v49 =	vadd.f32 v53, v46;
	v35 =	vld [tilespmem:s2+$0xFFFFFFF0];
	v58 =	vbroadcast v54, $0xF;
	[tilespmem:s13+$0x80] =	vst v0  }
0x13d: {  	v55 =	vbroadcast v62, $0xF;
	v54 =	vmul.f32 v38, v61;
	v53 =	vld [tilespmem:s3+$0xFFFFFFFF];
	[tilespmem:s13+$0x90] =	vst v0;
	s3 =	sadd.s32 $0x2, s3  }
0x13e: {  	s11 =	sadd.s32 $0x100, s11;
	v56 =	vmul.f32 v2, v56;
	v46 =	vld [tilespmem:s3+$0x0];
	v57 =	vmul.f32 v3, v58;
	(xrf2) =	vadd.scan.msk.f32 $0xffff, v59;
	[tilespmem:s13+$0xA0] =	vst v0;
	s12 =	spop (v2sf)  }
0x13f: {  	v58, _, _ =	vpop (xrf2);
	[tilespmem:s13+$0xB0] =	vst v0  }
0x140: {  	v55 =	vmul.f32 v4, v55;
	[tilespmem:s13+$0xC0] =	vst v0;
	v56 =	vadd.f32 v57, v56;
	v61 =	vbroadcast v58, $0xF  }
0x141: {  	[tilespmem:s13+$0xD0] =	vst v0  }
0x142: {  	[tilespmem:s13+$0xE0] =	vst v0;
	v55 =	vadd.f32 v55, v56;
	v63 =	vmul.f32 v5, v61  }
0x143: {  	[tilespmem:s13+$0xF0] =	vst v0  }
0x144: {  	v8 =	vmul.f32 v43, v8;
	[tilespmem:s21+$0xFFFFFF80] =	vst v52;
	v55 =	vadd.f32 v63, v55  }
0x145: {  	v60 =	vmul.f32 $1.442695020e+00, v49;
	v9 =	vmul.f32 v44, v9;
	[tilespmem:s18+$0x0] =	vst v34  }
0x146: {  	s2 =	sand.u32 $0x80000001, s12;
	v10 =	vmul.f32 v44, v10;
	[tilespmem:s21+$0xFFFFFF90] =	vst v8;
	v61 =	vmul.f32 $1.442695020e+00, v55  }
0x147: {  	s4 =	sshll.u32 s12, $0x5;
	p1 =	seq.s32 s2, $0x1;
	(erf) = vpow2.f32 v60;
	[tilespmem:s21+$0xFFFFFFA0] =	vst v9;
	v8 =	vmul.f32 v42, v11  }
0x148: {  	s2 =	sshra.s32 s4, $0x2;
	v62 =	vpsel p1, v7, v6;
	v9 =	vmul.f32 v42, v12;
	[tilespmem:s21+$0xFFFFFFB0] =	vst v10;
	(erf) = vpow2.f32 v61  }
0x149: {  	s2 =	sand.u32 $0xFFFFFFF0, s2;
	v45 =	vmul.f32 v45, v62;
	[tilespmem:s21+$0xFFFFFFC0] =	vst v8  }
0x14a: {  	s2 =	sadd.s32 s2, s13;
	[tilespmem:s21+$0xFFFFFFD0] =	vst v9;
	v8 =	vmul.f32 v47, v13  }
0x14b: {  	v9 =	vmul.f32 v47, v14;
	[tilespmem:s2+$0x80] =	vst v45  }
0x14c: {  	[tilespmem:s21+$0xFFFFFFE0] =	vst v8  }
0x14d: {  	[tilespmem:s21+$0xFFFFFFF0] =	vst v9  }
0x14e: {  	[tilespmem:s9+$0x0] =	vst v0  }
0x14f: {  	[tilespmem:s9+$0x10] =	vst v0  }
0x150: {  	(v2sf) =	vpush v53, $0x0;
	[tilespmem:s9+$0x20] =	vst v0;
	v8 =	vpop (erf)  }
0x151: {  	(v2sf) =	vpush v46, $0x0;
	v9 =	vmul.f32 v39, v48;
	[tilespmem:s9+$0x30] =	vst v0;
	v10 =	vpop (erf)  }
0x152: {  	[tilespmem:s9+$0x40] =	vst v0;
	v11 =	vbroadcast v10, $0x0  }
0x153: {  	v12 =	vmul.f32 v41, v50;
	v13 =	vmul.f32 v35, v51;
	[tilespmem:s9+$0x50] =	vst v0;
	v9 =	vadd.f32 v9, v54  }
0x154: {  	[tilespmem:s9+$0x60] =	vst v0;
	v14 =	vmul.f32 v11, v28;
	v28 =	vbroadcast v10, $0x1  }
0x155: {  	[tilespmem:s9+$0x70] =	vst v0;
	(xrf2) =	vadd.scan.msk.f32 $0xffff, v9;
	v9 =	vadd.f32 v13, v12;
	v11 =	vmul.f32 v11, v27  }
0x156: {  	v13 =	vbroadcast v10, $0x2;
	[tilespmem:s1+$0x0] =	vst v14;
	v12 =	vmul.f32 v28, v29  }
0x157: {  	(xrf2) =	vadd.scan.msk.f32 $0xffff, v9;
	[tilespmem:s1+$0x10] =	vst v11;
	v9 =	vmul.f32 v28, v30  }
0x158: {  	v11 =	vmul.f32 v13, v23;
	[tilespmem:s1+$0x20] =	vst v12;
	v12 =	vbroadcast v10, $0x3  }
0x159: {  	[tilespmem:s1+$0x30] =	vst v9;
	v9 =	vmul.f32 v13, v25  }
0x15a: {  	[tilespmem:s1+$0x40] =	vst v11;
	v11 =	vmul.f32 v12, v31  }
0x15b: {  	[tilespmem:s1+$0x50] =	vst v9;
	v9 =	vmul.f32 v12, v32  }
0x15c: {  	v12, _, _ =	vpop (xrf2);
	[tilespmem:s1+$0x60] =	vst v11  }
0x15d: {  	[tilespmem:s1+$0x70] =	vst v9;
	v11 =	vbroadcast v12, $0xF;
	v12, _, _ =	vpop (xrf2)  }
0x15e: {  	[tilespmem:s8+$0x80] =	vst v0;
	v9 =	vbroadcast v12, $0xF  }
0x15f: {  	s11 =	spop (v2sf);
	[tilespmem:s8+$0x90] =	vst v0;
	v12, _, _ =	vpop (xrf2);
	v11 =	vmul.f32 v2, v11  }
0x160: {  	s4 =	spop (v2sf);
	[tilespmem:s8+$0xA0] =	vst v0;
	v12 =	vbroadcast v12, $0xF;
	v9 =	vmul.f32 v3, v9  }
0x161: {  	s12 =	sand.u32 $0x80000001, s4;
	[tilespmem:s8+$0xB0] =	vst v0;
	v13, _, _ =	vpop (xrf2)  }
0x162: {  	s4 =	sshll.u32 s4, $0x5;
	p5 =	seq.s32 s12, $0x1;
	[tilespmem:s8+$0xC0] =	vst v0;
	v9 =	vadd.f32 v9, v11;
	v11 =	vmul.f32 v4, v12;
	v12 =	vbroadcast v13, $0xF  }
0x163: {  	s4 =	sshra.s32 s4, $0x2;
	v14 =	vpsel p5, v7, v6;
	[tilespmem:s8+$0xD0] =	vst v0;
	v13 =	vbroadcast v8, $0x0  }
0x164: {  	s4 =	sand.u32 $0xFFFFFFF0, s4;
	v10 =	vmul.f32 v10, v14;
	[tilespmem:s8+$0xE0] =	vst v0;
	v9 =	vadd.f32 v11, v9;
	v11 =	vmul.f32 v5, v12  }
0x165: {  	s4 =	sadd.s32 s4, s8;
	[tilespmem:s8+$0xF0] =	vst v0;
	v12 =	vbroadcast v8, $0x1;
	v14 =	vmul.f32 v13, v16  }
0x166: {  	[tilespmem:s4+$0x80] =	vst v10;
	v10 =	vmul.f32 v13, v15;
	v9 =	vadd.f32 v11, v9  }
0x167: {  	v11 =	vbroadcast v8, $0x2;
	v13 =	vmul.f32 v12, v17;
	[tilespmem:s22+$0xFFFFFF80] =	vst v14  }
0x168: {  	v12 =	vmul.f32 v12, v19;
	[tilespmem:s22+$0xFFFFFF90] =	vst v10;
	v9 =	vmul.f32 $1.442695020e+00, v9  }
0x169: {  	v10 =	vbroadcast v8, $0x3;
	[tilespmem:s22+$0xFFFFFFA0] =	vst v13;
	v13 =	vmul.f32 v11, v20  }
0x16a: {  	[tilespmem:s22+$0xFFFFFFB0] =	vst v12;
	(erf) = vpow2.f32 v9;
	v9 =	vmul.f32 v11, v18  }
0x16b: {  	v11 =	vmul.f32 v26, v40;
	[tilespmem:s22+$0xFFFFFFC0] =	vst v13  }
0x16c: {  	[tilespmem:s22+$0xFFFFFFD0] =	vst v9;
	v9 =	vmul.f32 v10, v21  }
0x16d: {  	v10 =	vmul.f32 v10, v22;
	[tilespmem:s17+$0x0] =	vst v11  }
0x16e: {  	[tilespmem:s22+$0xFFFFFFE0] =	vst v9  }
0x16f: {  	v9 =	vld [tilespmem:s3+$0xFFFFFFFF];
	[tilespmem:s22+$0xFFFFFFF0] =	vst v10  }
0x170: {  	[tilespmem:s13+$0x0] =	vst v0  }
0x171: {  	[tilespmem:s13+$0x10] =	vst v0  }
0x172: {  	[tilespmem:s13+$0x20] =	vst v0  }
0x173: {  	[tilespmem:s13+$0x30] =	vst v0;
	v10 =	vpop (erf)  }
0x174: {  	[tilespmem:s13+$0x40] =	vst v0;
	(v2sf) =	vpush v9, $0x0;
	v9 =	vbroadcast v10, $0x0  }
0x175: {  	[tilespmem:s13+$0x50] =	vst v0  }
0x176: {  	[tilespmem:s13+$0x60] =	vst v0;
	v11 =	vbroadcast v10, $0x1;
	v12 =	vmul.f32 v9, v24  }
0x177: {  	[tilespmem:s13+$0x70] =	vst v0;
	v9 =	vmul.f32 v9, v33  }
0x178: {  	v13 =	vbroadcast v10, $0x2;
	v14 =	vmul.f32 v11, v37;
	[tilespmem:s1+$0xFFFFFF80] =	vst v12  }
0x179: {  	s17 =	sand.u32 $0x80000001, s11;
	v11 =	vmul.f32 v11, v36;
	[tilespmem:s1+$0xFFFFFF90] =	vst v9  }
0x17a: {  	s2 =	sshll.u32 s11, $0x5;
	p6 =	seq.s32 s17, $0x1;
	[tilespmem:s1+$0xFFFFFFA0] =	vst v14;
	v9 =	vmul.f32 v13, v38  }
0x17b: {  	s2 =	sshra.s32 s2, $0x2;
	v12 =	vpsel p6, v7, v6;
	v14 =	vbroadcast v10, $0x3;
	v13 =	vmul.f32 v13, v39;
	[tilespmem:s1+$0xFFFFFFB0] =	vst v11  }
0x17c: {  	s2 =	sand.u32 $0xFFFFFFF0, s2;
	v8 =	vmul.f32 v8, v12;
	[tilespmem:s1+$0xFFFFFFC0] =	vst v9  }
0x17d: {  	s2 =	sadd.s32 s2, s13;
	[tilespmem:s1+$0xFFFFFFD0] =	vst v13;
	v9 =	vmul.f32 v14, v41  }
0x17e: {  	v11 =	vmul.f32 v14, v35;
	[tilespmem:s2+$0x0] =	vst v8  }
0x17f: {  	[tilespmem:s1+$0xFFFFFFE0] =	vst v9  }
0x180: {  	[tilespmem:s1+$0xFFFFFFF0] =	vst v11  }
0x181: {  	[tilespmem:s8+$0x0] =	vst v0  }
0x182: {  	[tilespmem:s8+$0x10] =	vst v0  }
0x183: {  	[tilespmem:s8+$0x20] =	vst v0;
	s18 =	spop (v2sf)  }
0x184: {  	[tilespmem:s8+$0x30] =	vst v0;
	s21 =	sand.u32 $0x80000001, s18  }
0x185: {  	[tilespmem:s8+$0x40] =	vst v0;
	s1 =	sshll.u32 s18, $0x5;
	p2 =	seq.s32 s21, $0x1  }
0x186: {  	[tilespmem:s8+$0x50] =	vst v0;
	s1 =	sshra.s32 s1, $0x2;
	v8 =	vpsel p2, v7, v6  }
0x187: {  	[tilespmem:s8+$0x60] =	vst v0;
	s1 =	sand.u32 $0xFFFFFFF0, s1;
	v8 =	vmul.f32 v10, v8  }
0x188: {  	[tilespmem:s8+$0x70] =	vst v0;
	s1 =	sadd.s32 s1, s8  }
0x189: {  	s3 =	rddreg [dreg:$0x2];
	[tilespmem:s1+$0x0] =	vst v8  }
0x18a: {  	s4 =	simm.s32 $0x280;
	s22 =	sshll.u32 s26, $0x1;
	s1 =	rddreg [dreg:$0x5]  }
0x18b: {  	[spmem:s3] =	stream.indirect.scatter.add.f32 [tilespmem:s24], [sflag:$0x3], $0x80, s4, s0, $0xb8;
	[tilespmem:$0x1F600] =	vst v63  }
0x18c: {  	s1 =	sadd.s32 s1, s22  }
0x18d: {  	s11 =	simm.s32 $0x180;
	s8 =	rddreg [dreg:$0x3];
	s9 =	smul.u32 $0x50, s1  }
0x18e: {  	[spmem:s8] =	stream.indirect.scatter.add.f32 [tilespmem:s14], [sflag:$0x4], $0x80, s11, s0, $0xb8;
	[tilespmem:$0x1F600] =	vst v63  }
0x18f: {  	s12 =	sshrl.u32 s9, $0x3  }
0x190: {  	s1 =	sadd.s32 $0x14, s12  }
0x191: {  	s14 =	simm.s32 $0x0;
	s13 =	sadd.s32 s6, s1  }
0x192: {  	[tilespmem:s14], [sflag:$0x9] =	stream.linear.gather [hbm4b:s13+s14], $0x50, $0x38;
	[tilespmem:$0x1F600] =	vst v63  }
0x193: {  	s17 =	simm.s32 $0x5;
	s1 =	sadd.s32 s7, s1  }
0x194: {  	[tilespmem:s23], [sflag:$0xA] =	stream.linear.gather [hbm4b:s1+s14], $0x50, $0x38;
	[tilespmem:$0x1F600] =	vst v63  }
0x195: {  	_ =	swait.ge [sflag:s17], $0x2800  }
0x196: {  	[sflag:s17] =	ssyncset.done $0x0  }
0x197: {  	s18 =	simm.s32 $0x6;
	[sflag:s17] =	ssyncadd.s32 $0xFFFFD800  }
0x198: {  	_ =	swait.ge [sflag:s18], $0x2800  }
0x199: {  	[sflag:s18] =	ssyncset.done $0x0  }
0x19a: {  	s2 =	simm.s32 $0x5600;
	[sflag:s18] =	ssyncadd.s32 $0xFFFFD800  }
0x19b: {  	v8 =	vld [tilespmem:s2+$0xC0]  }
0x19c: {  	s17 =	simm.s32 $0x7E80;
	v9 =	vld [tilespmem:s2+$0xD0]  }
0x19d: {  	v34 =	vld [tilespmem:s17+$0x40]  }
0x19e: {  	v33 =	vld [tilespmem:s17+$0x50]  }
0x19f: {  	v10 =	vld [tilespmem:s2+$0x80]  }
0x1a0: {  	v11 =	vld [tilespmem:s2+$0x90]  }
0x1a1: {  	v13 =	vld [tilespmem:s17+$0x0]  }
0x1a2: {  	v38 =	vld [tilespmem:s17+$0x10]  }
0x1a3: {  	v12 =	vld [tilespmem:s2+$0xA0]  }
0x1a4: {  	v14 =	vld [tilespmem:s2+$0xB0]  }
0x1a5: {  	v36 =	vld [tilespmem:s17+$0x20]  }
0x1a6: {  	v37 =	vld [tilespmem:s17+$0x30]  }
0x1a7: {  	v17 =	vld [tilespmem:s2+$0xE0]  }
0x1a8: {  	v18 =	vld [tilespmem:s2+$0xF0]  }
0x1a9: {  	v16 =	vld [tilespmem:s17+$0x60]  }
0x1aa: {  	v15 =	vld [tilespmem:s17+$0x70]  }
0x1ab: {  	v21 =	vld [tilespmem:s2+$0x0]  }
0x1ac: {  	v22 =	vld [tilespmem:s2+$0x10]  }
0x1ad: {  	v23 =	vld [tilespmem:s17+$0xFFFFFF80]  }
0x1ae: {  	v26 =	vld [tilespmem:s17+$0xFFFFFF90]  }
0x1af: {  	v27 =	vld [tilespmem:s17+$0xFFFFFFA0]  }
0x1b0: {  	v31 =	vld [tilespmem:s17+$0xFFFFFFB0]  }
0x1b1: {  	v30 =	vld [tilespmem:s17+$0xFFFFFFC0];
	v8 =	vmul.f32 v34, v8;
	v9 =	vmul.f32 v33, v9  }
0x1b2: {  	v28 =	vld [tilespmem:s17+$0xFFFFFFD0];
	v10 =	vmul.f32 v13, v10;
	v11 =	vmul.f32 v38, v11  }
0x1b3: {  	v29 =	vld [tilespmem:s17+$0xFFFFFFE0];
	v8 =	vadd.f32 v9, v8;
	v9 =	vmul.f32 v36, v12;
	v12 =	vmul.f32 v37, v14  }
0x1b4: {  	s21 =	simm.s32 $0x501;
	v24 =	vld [tilespmem:s17+$0xFFFFFFF0];
	v10 =	vadd.f32 v11, v10  }
0x1b5: {  	s13 =	simm.s32 $0x5700;
	v62 =	vld [tilespmem:s21+$0x0];
	(xrf2) =	vadd.scan.msk.f32 $0xffff, v8;
	v8 =	vadd.f32 v12, v9  }
0x1b6: {  	v63 =	vld [tilespmem:s13+$0xC0];
	(xrf2) =	vadd.scan.msk.f32 $0xffff, v10  }
0x1b7: {  	s22 =	simm.s32 $0x7F80;
	v48 =	vld [tilespmem:s13+$0xD0];
	v12 =	vmul.f32 v15, v18;
	v10 =	vmul.f32 v16, v17;
	(xrf2) =	vadd.scan.msk.f32 $0xffff, v8  }
0x1b8: {  	v20 =	vld [tilespmem:s22+$0x40]  }
0x1b9: {  	v50 =	vld [tilespmem:s13+$0x80];
	v10 =	vadd.f32 v12, v10  }
0x1ba: {  	v51 =	vld [tilespmem:s13+$0x90]  }
0x1bb: {  	v52 =	vld [tilespmem:s13+$0xA0];
	(xrf2) =	vadd.scan.msk.f32 $0xffff, v10  }
0x1bc: {  	v53 =	vld [tilespmem:s13+$0xB0]  }
0x1bd: {  	v42 =	vld [tilespmem:s13+$0x10]  }
0x1be: {  	v35 =	vld [tilespmem:s22+$0xFFFFFF80]  }
0x1bf: {  	v11 =	vld [tilespmem:s2+$0x20];
	v17, _, _ =	vpop (xrf2)  }
0x1c0: {  	v9 =	vld [tilespmem:s2+$0x30];
	v18, _, _ =	vpop (xrf2)  }
0x1c1: {  	v21 =	vmul.f32 v23, v21;
	v8 =	vld [tilespmem:s2+$0x40];
	v19, _, _ =	vpop (xrf2)  }
0x1c2: {  	v12 =	vld [tilespmem:s2+$0x50];
	v18 =	vbroadcast v18, $0xF;
	v19 =	vbroadcast v19, $0xF  }
0x1c3: {  	v40 =	vld [tilespmem:s13+$0x20];
	v22 =	vmul.f32 v26, v22;
	v17 =	vbroadcast v17, $0xF  }
0x1c4: {  	v14 =	vld [tilespmem:s2+$0x70];
	v18 =	vmul.f32 v2, v18;
	v25 =	vmul.f32 v3, v19  }
0x1c5: {  	v21 =	vadd.f32 v22, v21;
	v22 =	vld [tilespmem:s22+$0x60];
	v11 =	vmul.f32 v27, v11;
	v9 =	vmul.f32 v31, v9;
	v49, _, _ =	vpop (xrf2)  }
0x1c6: {  	v10 =	vld [tilespmem:s2+$0x60];
	v32 =	vbroadcast v49, $0xF;
	v18 =	vadd.f32 v25, v18;
	v25 =	vmul.f32 v4, v17  }
0x1c7: {  	v8 =	vmul.f32 v30, v8;
	v12 =	vmul.f32 v28, v12;
	v19 =	vld [tilespmem:s22+$0x50]  }
0x1c8: {  	(xrf2) =	vadd.scan.msk.f32 $0xffff, v21;
	v9 =	vadd.f32 v9, v11;
	v17 =	vld [tilespmem:s22+$0x0];
	v32 =	vmul.f32 v5, v32;
	v25 =	vadd.f32 v25, v18  }
0x1c9: {  	v8 =	vadd.f32 v12, v8;
	v18 =	vld [tilespmem:s22+$0x10]  }
0x1ca: {  	(xrf2) =	vadd.scan.msk.f32 $0xffff, v9;
	v9 =	vmul.f32 v24, v14;
	v12 =	vld [tilespmem:s13+$0xE0];
	v25 =	vadd.f32 v32, v25  }
0x1cb: {  	v10 =	vmul.f32 v29, v10;
	(xrf2) =	vadd.scan.msk.f32 $0xffff, v8;
	v8 =	vmul.f32 v20, v63;
	v32 =	vld [tilespmem:s22+$0x20]  }
0x1cc: {  	v14 =	vmul.f32 v19, v48;
	v11 =	vmul.f32 $1.442695020e+00, v25;
	v25 =	vld [tilespmem:s22+$0x30]  }
0x1cd: {  	v21 =	vld [tilespmem:s22+$0x70];
	v9 =	vadd.f32 v9, v10;
	v10 =	vmul.f32 v17, v50  }
0x1ce: {  	v8 =	vadd.f32 v14, v8;
	v54 =	vmul.f32 v18, v51;
	(erf) = vpow2.f32 v11;
	v11 =	vld [tilespmem:s13+$0xF0]  }
0x1cf: {  	v41 =	vld [tilespmem:s13+$0x30];
	(xrf2) =	vadd.scan.msk.f32 $0xffff, v9  }
0x1d0: {  	v12 =	vmul.f32 v22, v12;
	v14 =	vld [tilespmem:s13+$0x0];
	(xrf2) =	vadd.scan.msk.f32 $0xffff, v8;
	v9 =	vadd.f32 v54, v10  }
0x1d1: {  	v8 =	vld [tilespmem:s22+$0xFFFFFF90];
	v55 =	vmul.f32 v32, v52;
	v56 =	vmul.f32 v25, v53  }
0x1d2: {  	(v2sf) =	vpush v62, $0x0;
	v57, _, _ =	vpop (xrf2);
	(xrf2) =	vadd.scan.msk.f32 $0xffff, v9;
	v9 =	vld [tilespmem:s22+$0xFFFFFFA0]  }
0x1d3: {  	v45 =	vld [tilespmem:s13+$0x40];
	v43 =	vbroadcast v57, $0xF;
	v10 =	vadd.f32 v56, v55;
	v11 =	vmul.f32 v21, v11  }
0x1d4: {  	s24 =	simm.s32 $0x503;
	v46 =	vld [tilespmem:s13+$0x50]  }
0x1d5: {  	v43 =	vmul.f32 v2, v43;
	v54 =	vld [tilespmem:s24+$0x0];
	(xrf2) =	vadd.scan.msk.f32 $0xffff, v10;
	v11 =	vadd.f32 v11, v12;
	v12, _, _ =	vpop (xrf2)  }
0x1d6: {  	v62 =	vmul.f32 v35, v14;
	v14 =	vld [tilespmem:s22+$0xFFFFFFF0];
	v42 =	vmul.f32 v8, v42;
	v58, _, _ =	vpop (xrf2)  }
0x1d7: {  	v10 =	vld [tilespmem:s22+$0xFFFFFFB0];
	v12 =	vbroadcast v12, $0xF;
	v40 =	vmul.f32 v9, v40;
	v48 =	vpop (erf)  }
0x1d8: {  	v53 =	vld [tilespmem:s13+$0x60];
	v44 =	vbroadcast v58, $0xF;
	v47 =	vbroadcast v48, $0x0  }
0x1d9: {  	v56 =	vld [tilespmem:s13+$0x70];
	(xrf2) =	vadd.scan.msk.f32 $0xffff, v11;
	v59, _, _ =	vpop (xrf2);
	v60 =	vmul.f32 v3, v12;
	v52 =	vbroadcast v48, $0x1  }
0x1da: {  	v11 =	vld [tilespmem:s22+$0xFFFFFFC0];
	v61, _, _ =	vpop (xrf2);
	v49 =	vbroadcast v59, $0xF;
	v59 =	vbroadcast v48, $0x3  }
0x1db: {  	v12 =	vld [tilespmem:s22+$0xFFFFFFD0];
	v44 =	vmul.f32 v4, v44;
	v39 =	vbroadcast v61, $0xF  }
0x1dc: {  	s8 =	simm.s32 $0x8080;
	v42 =	vadd.f32 v42, v62;
	v51 =	vmul.f32 v47, v13;
	v13 =	vld [tilespmem:s22+$0xFFFFFFE0];
	v41 =	vmul.f32 v10, v41  }
0x1dd: {  	v43 =	vadd.f32 v60, v43;
	v47 =	vmul.f32 v47, v38;
	v38 =	vld [tilespmem:s8+$0x40];
	v36 =	vmul.f32 v52, v36  }
0x1de: {  	v52 =	vmul.f32 v52, v37;
	v37 =	vld [tilespmem:s8+$0x0];
	v16 =	vmul.f32 v59, v16;
	v63, _, _ =	vpop (xrf2)  }
0x1df: {  	(xrf2) =	vadd.scan.msk.f32 $0xffff, v42;
	v55 =	vbroadcast v63, $0xF;
	v43 =	vadd.f32 v44, v43;
	v44 =	vld [tilespmem:s21+$0xFFFFFFFF];
	v40 =	vadd.f32 v41, v40;
	v60, _, _ =	vpop (xrf2)  }
0x1e0: {  	v63 =	vmul.f32 v4, v39;
	v39 =	vld [tilespmem:s8+$0x50];
	v50 =	vbroadcast v60, $0xF  }
0x1e1: {  	s11 =	spop (v2sf);
	v61 =	vmul.f32 v11, v45;
	[tilespmem:s17+$0x20] =	vst v36;
	v36 =	vld [tilespmem:s8+$0x10];
	v46 =	vmul.f32 v12, v46;
	(xrf2) =	vadd.scan.msk.f32 $0xffff, v40  }
0x1e2: {  	s12 =	sand.u32 $0x80000001, s11;
	s21 =	simm.s32 $0x5800;
	[tilespmem:s17+$0x10] =	vst v47;
	v47 =	vld [tilespmem:s8+$0x20];
	v55 =	vmul.f32 v2, v55;
	v50 =	vmul.f32 v3, v50  }
0x1e3: {  	p3 =	seq.s32 s12, $0x1;
	v49 =	vmul.f32 v5, v49;
	v15 =	vmul.f32 v59, v15;
	v42 =	vld [tilespmem:s21+$0xD0];
	v41 =	vadd.f32 v46, v61;
	v62, _, _ =	vpop (xrf2)  }
0x1e4: {  	[tilespmem:s17+$0x60] =	vst v16;
	v16 =	vpsel p3, v7, v6;
	v45 =	vld [tilespmem:s21+$0xC0];
	v57 =	vbroadcast v62, $0xF;
	v50 =	vadd.f32 v50, v55  }
0x1e5: {  	v59 =	vld [tilespmem:s21+$0xE0];
	v60 =	vbroadcast v48, $0x2;
	v48 =	vmul.f32 v48, v16;
	(xrf2) =	vadd.scan.msk.f32 $0xffff, v41  }
0x1e6: {  	v46 =	vld [tilespmem:s8+$0x30];
	v62 =	vmul.f32 v5, v57;
	v61 =	vadd.f32 v63, v50;
	v63 =	vadd.f32 v49, v43  }
0x1e7: {  	v34 =	vmul.f32 v60, v34;
	v33 =	vmul.f32 v60, v33;
	v55 =	vld [tilespmem:s21+$0x80]  }
0x1e8: {  	[tilespmem:s17+$0x0] =	vst v51;
	v42 =	vmul.f32 v39, v42;
	v49 =	vld [tilespmem:s21+$0x90];
	v40 =	vadd.f32 v62, v61;
	v60 =	vmul.f32 $1.442695020e+00, v63  }
0x1e9: {  	[tilespmem:s17+$0x30] =	vst v52;
	v41 =	vld [tilespmem:s8+$0x60];
	v58, _, _ =	vpop (xrf2);
	v61 =	vmul.f32 v13, v53;
	v62 =	vmul.f32 v14, v56  }
0x1ea: {  	[tilespmem:s17+$0x70] =	vst v15;
	v15 =	vbroadcast v58, $0xF;
	v63 =	vld [tilespmem:s21+$0xA0];
	v40 =	vmul.f32 $1.442695020e+00, v40  }
0x1eb: {  	[tilespmem:s17+$0x40] =	vst v34;
	v56 =	vld [tilespmem:s21+$0xB0];
	v16, _, _ =	vpop (xrf2);
	(erf) = vpow2.f32 v60;
	v57 =	vadd.f32 v62, v61;
	v60 =	vmul.f32 v38, v45  }
0x1ec: {  	[tilespmem:s17+$0x50] =	vst v33;
	v53 =	vld [tilespmem:s21+$0x0];
	v16 =	vbroadcast v16, $0xF;
	v43 =	vmul.f32 v37, v55  }
0x1ed: {  	v61 =	vld [tilespmem:s21+$0xF0];
	v49 =	vmul.f32 v36, v49;
	(erf) = vpow2.f32 v40;
	(xrf2) =	vadd.scan.msk.f32 $0xffff, v57;
	v42 =	vadd.f32 v42, v60  }
0x1ee: {  	(v2sf) =	vpush v44, $0x0;
	[tilespmem:s2+$0x80] =	vst v0;
	v40 =	vld [tilespmem:s8+$0x70]  }
0x1ef: {  	v44 =	vmul.f32 v2, v15;
	v62, _, _ =	vpop (xrf2);
	v15 =	vadd.f32 v49, v43;
	(xrf2) =	vadd.scan.msk.f32 $0xffff, v42;
	v42 =	vmul.f32 v3, v16;
	v16 =	vld [tilespmem:s8+$0xFFFFFF80]  }
0x1f0: {  	[tilespmem:s2+$0x90] =	vst v0;
	v52 =	vbroadcast v62, $0xF;
	v43 =	vld [tilespmem:s21+$0x10]  }
0x1f1: {  	[tilespmem:s2+$0xA0] =	vst v0;
	v51 =	vmul.f32 v47, v63;
	v34 =	vmul.f32 v46, v56;
	(xrf2) =	vadd.scan.msk.f32 $0xffff, v15;
	v15 =	vld [tilespmem:s8+$0xFFFFFF90]  }
0x1f2: {  	[tilespmem:s2+$0xB0] =	vst v0  }
0x1f3: {  	[tilespmem:s2+$0xC0] =	vst v0;
	v50 =	vmul.f32 v41, v59;
	v49 =	vmul.f32 v4, v52;
	v34 =	vadd.f32 v34, v51  }
0x1f4: {  	s3 =	sshll.u32 s11, $0x5;
	(v2sf) =	vpush v54, $0x0;
	[tilespmem:s2+$0xD0] =	vst v0;
	v45 =	vmul.f32 v40, v61;
	v33 =	vpop (erf);
	v61 =	vmul.f32 v16, v53  }
0x1f5: {  	s3 =	sshra.s32 s3, $0x2;
	v42 =	vadd.f32 v42, v44;
	(xrf2) =	vadd.scan.msk.f32 $0xffff, v34;
	v52 =	vbroadcast v33, $0x0;
	v34 =	vbroadcast v33, $0x1  }
0x1f6: {  	s3 =	sand.u32 $0xFFFFFFF0, s3;
	[tilespmem:s2+$0xE0] =	vst v0;
	v55 =	vld [tilespmem:s21+$0x20];
	v56 =	vbroadcast v33, $0x2;
	v43 =	vmul.f32 v15, v43;
	v51 =	vpop (erf)  }
0x1f7: {  	s12 =	simm.s32 $0x505;
	s3 =	sadd.s32 $0x5600, s3;
	[tilespmem:s2+$0xF0] =	vst v0;
	v57 =	vld [tilespmem:s21+$0x30];
	v42 =	vadd.f32 v49, v42;
	v54 =	vbroadcast v51, $0x0;
	v58, _, _ =	vpop (xrf2);
	v60 =	vbroadcast v51, $0x1  }
0x1f8: {  	[tilespmem:s3+$0x80] =	vst v48;
	v49 =	vld [tilespmem:s12+$0x0];
	v45 =	vadd.f32 v45, v50;
	v30 =	vmul.f32 v56, v30;
	v48 =	vbroadcast v58, $0xF  }
0x1f9: {  	v50 =	vld [tilespmem:s21+$0x50];
	v59 =	vmul.f32 v54, v17;
	v63 =	vmul.f32 v54, v18  }
0x1fa: {  	(xrf2) =	vadd.scan.msk.f32 $0xffff, v45;
	v17 =	vld [tilespmem:s8+$0xFFFFFFA0];
	v32 =	vmul.f32 v60, v32;
	v54 =	vbroadcast v51, $0x2  }
0x1fb: {  	v18 =	vld [tilespmem:s8+$0xFFFFFFB0];
	v25 =	vmul.f32 v60, v25;
	[tilespmem:s17+$0xFFFFFFC0] =	vst v30;
	v44 =	vmul.f32 v5, v48  }
0x1fc: {  	v53 =	vld [tilespmem:s21+$0x70];
	v48 =	vbroadcast v33, $0x3;
	[tilespmem:s22+$0x10] =	vst v63;
	v62 =	vmul.f32 v54, v20  }
0x1fd: {  	s3 =	simm.s32 $0x8180;
	v58 =	vld [tilespmem:s21+$0x40];
	v63 =	vbroadcast v51, $0x3;
	[tilespmem:s22+$0x30] =	vst v25;
	v25 =	vmul.f32 v54, v19  }
0x1fe: {  	v31 =	vmul.f32 v34, v31;
	v30 =	vld [tilespmem:s3+$0x30];
	[tilespmem:s22+$0x20] =	vst v32;
	v29 =	vmul.f32 v48, v29;
	v54, _, _ =	vpop (xrf2)  }
0x1ff: {  	v20 =	vld [tilespmem:s8+$0xFFFFFFC0];
	v22 =	vmul.f32 v63, v22;
	[tilespmem:s22+$0x50] =	vst v25;
	v25 =	vmul.f32 v63, v21;
	v60, _, _ =	vpop (xrf2)  }
0x200: {  	v43 =	vadd.f32 v43, v61;
	v19 =	vld [tilespmem:s8+$0xFFFFFFD0];
	[tilespmem:s22+$0x40] =	vst v62;
	v55 =	vmul.f32 v17, v55;
	v61 =	vmul.f32 v18, v57;
	v62, _, _ =	vpop (xrf2)  }
0x201: {  	v32 =	vld [tilespmem:s21+$0x60];
	[tilespmem:s22+$0x70] =	vst v25;
	v25 =	vbroadcast v60, $0xF;
	v63 =	vbroadcast v62, $0xF  }
0x202: {  	[tilespmem:s17+$0xFFFFFFB0] =	vst v31;
	v42 =	vadd.f32 v44, v42;
	v21 =	vld [tilespmem:s8+$0xFFFFFFE0];
	v57 =	vmul.f32 v52, v23;
	v23 =	vbroadcast v54, $0xF  }
0x203: {  	s11 =	spop (v2sf);
	[tilespmem:s22+$0x0] =	vst v59;
	(xrf2) =	vadd.scan.msk.f32 $0xffff, v43;
	v54 =	vld [tilespmem:s24+$0xFFFFFFFF];
	v25 =	vmul.f32 v2, v25;
	v43 =	vmul.f32 v3, v63  }
0x204: {  	s1 =	simm.s32 $0x5900;
	s14 =	spop (v2sf);
	v24 =	vmul.f32 v48, v24;
	v42 =	vmul.f32 $1.442695020e+00, v42;
	[tilespmem:s22+$0x60] =	vst v22;
	v22 =	vld [tilespmem:s8+$0xFFFFFFF0];
	v45 =	vadd.f32 v61, v55;
	v59, _, _ =	vpop (xrf2)  }
0x205: {  	s24 =	sand.u32 $0x80000001, s14;
	[tilespmem:s17+$0xFFFFFFE0] =	vst v29;
	v60 =	vld [tilespmem:s1+$0xD0];
	v61 =	vmul.f32 v4, v23;
	v59 =	vbroadcast v59, $0xF;
	v43 =	vadd.f32 v43, v25  }
0x206: {  	[tilespmem:s17+$0xFFFFFFF0] =	vst v24;
	p4 =	seq.s32 s24, $0x1;
	v55 =	vmul.f32 v20, v58;
	v58 =	vld [tilespmem:s1+$0xC0];
	v50 =	vmul.f32 v19, v50  }
0x207: {  	[tilespmem:s13+$0x80] =	vst v0;
	v23 =	vld [tilespmem:s3+$0x40];
	v62 =	vpsel p4, v7, v6;
	v63 =	vmul.f32 v5, v59;
	v43 =	vadd.f32 v61, v43  }
0x208: {  	[tilespmem:s17+$0xFFFFFF80] =	vst v57;
	v57 =	vmul.f32 v56, v28;
	v28 =	vld [tilespmem:s3+$0x20];
	(xrf2) =	vadd.scan.msk.f32 $0xffff, v45;
	v55 =	vadd.f32 v50, v55  }
0x209: {  	[tilespmem:s13+$0x90] =	vst v0;
	v45 =	vmul.f32 v51, v62;
	v51 =	vld [tilespmem:s1+$0x80];
	v43 =	vadd.f32 v63, v43  }
0x20a: {  	[tilespmem:s13+$0xA0] =	vst v0;
	(erf) = vpow2.f32 v42;
	v25 =	vld [tilespmem:s3+$0x50];
	(xrf2) =	vadd.scan.msk.f32 $0xffff, v55  }
0x20b: {  	[tilespmem:s13+$0xB0] =	vst v0;
	v44 =	vmul.f32 v22, v53;
	v53 =	vld [tilespmem:s1+$0x90];
	v63 =	vmul.f32 $1.442695020e+00, v43  }
0x20c: {  	[tilespmem:s13+$0xC0] =	vst v0;
	v32 =	vmul.f32 v21, v32;
	v59 =	vmul.f32 v52, v26;
	v26 =	vld [tilespmem:s3+$0x10]  }
0x20d: {  	[tilespmem:s13+$0xD0] =	vst v0;
	v52 =	vld [tilespmem:s1+$0xE0];
	v61 =	vmul.f32 v34, v27;
	(erf) = vpow2.f32 v63  }
0x20e: {  	[tilespmem:s13+$0xE0] =	vst v0;
	v27 =	vld [tilespmem:s3+$0x0];
	v32 =	vadd.f32 v44, v32  }
0x20f: {  	s4 =	sshll.u32 s14, $0x5;
	s14 =	sand.u32 $0x80000001, s11;
	v31 =	vmul.f32 v23, v58;
	v44 =	vld [tilespmem:s1+$0xB0];
	[tilespmem:s17+$0xFFFFFFA0] =	vst v61;
	v61 =	vmul.f32 v25, v60  }
0x210: {  	s4 =	sshra.s32 s4, $0x2;
	p5 =	seq.s32 s14, $0x1;
	[tilespmem:s13+$0xF0] =	vst v0;
	v62, _, _ =	vpop (xrf2);
	(xrf2) =	vadd.scan.msk.f32 $0xffff, v32;
	v32 =	vld [tilespmem:s3+$0x70]  }
0x211: {  	s4 =	sand.u32 $0xFFFFFFF0, s4;
	[tilespmem:s17+$0xFFFFFFD0] =	vst v57;
	v58 =	vpsel p5, v7, v6;
	v43 =	vld [tilespmem:s1+$0xA0];
	v29 =	vadd.f32 v61, v31  }
0x212: {  	s4 =	sadd.s32 $0x5700, s4;
	[tilespmem:s17+$0xFFFFFF90] =	vst v59;
	v34 =	vmul.f32 v33, v58;
	v55 =	vbroadcast v62, $0xF;
	v31 =	vld [tilespmem:s3+$0x60];
	v59, _, _ =	vpop (xrf2)  }
0x213: {  	(v2sf) =	vpush v54, $0x0;
	[tilespmem:s4+$0x80] =	vst v45;
	v58 =	vmul.f32 v26, v53;
	v63 =	vld [tilespmem:s1+$0xF0];
	v62 =	vbroadcast v59, $0xF  }
0x214: {  	v56 =	vld [tilespmem:s1+$0x30];
	[tilespmem:s2+$0x0] =	vst v0;
	v50 =	vmul.f32 v2, v55;
	v57 =	vmul.f32 v27, v51;
	(xrf2) =	vadd.scan.msk.f32 $0xffff, v29;
	v59, _, _ =	vpop (xrf2)  }
0x215: {  	v54 =	vld [tilespmem:s1+$0x10];
	[tilespmem:s2+$0x10] =	vst v0;
	v44 =	vmul.f32 v30, v44;
	v53 =	vmul.f32 v3, v62;
	v29 =	vpop (erf)  }
0x216: {  	[tilespmem:s2+$0x20] =	vst v0;
	v51 =	vld [tilespmem:s1+$0x0];
	v33 =	vadd.f32 v58, v57;
	v24 =	vbroadcast v59, $0xF;
	v60 =	vmul.f32 v28, v43;
	v45 =	vpop (erf)  }
0x217: {  	(v2sf) =	vpush v49, $0x0;
	[tilespmem:s2+$0x30] =	vst v0;
	v57 =	vld [tilespmem:s1+$0x20];
	v52 =	vmul.f32 v31, v52;
	v49 =	vbroadcast v45, $0x0  }
0x218: {  	(xrf2) =	vadd.scan.msk.f32 $0xffff, v33;
	v33 =	vld [tilespmem:s3+$0xFFFFFF90];
	v55 =	vmul.f32 v4, v24;
	v61 =	vadd.f32 v44, v60;
	v58 =	vmul.f32 v32, v63  }
0x219: {  	[tilespmem:s2+$0x40] =	vst v0;
	v60 =	vbroadcast v45, $0x1;
	v59 =	vmul.f32 v49, v37;
	v37 =	vld [tilespmem:s3+$0xFFFFFFA0]  }
0x21a: {  	[tilespmem:s2+$0x50] =	vst v0;
	v24 =	vld [tilespmem:s3+$0xFFFFFF80];
	(xrf2) =	vadd.scan.msk.f32 $0xffff, v61;
	v63 =	vbroadcast v45, $0x2;
	v62 =	vmul.f32 v49, v36  }
0x21b: {  	[tilespmem:s2+$0x60] =	vst v0;
	v36 =	vld [tilespmem:s3+$0xFFFFFFB0];
	v47 =	vmul.f32 v60, v47;
	v46 =	vmul.f32 v60, v46  }
0x21c: {  	v60 =	vmul.f32 v63, v38;
	[tilespmem:s8+$0x10] =	vst v62;
	v62 =	vmul.f32 v63, v39;
	v63 =	vadd.f32 v58, v52  }
0x21d: {  	[tilespmem:s2+$0x70] =	vst v0;
	v43 =	vbroadcast v29, $0x0;
	v50 =	vadd.f32 v53, v50;
	v48, _, _ =	vpop (xrf2)  }
0x21e: {  	v53 =	vld [tilespmem:s1+$0x40];
	v61 =	vbroadcast v48, $0xF;
	[tilespmem:s8+$0x0] =	vst v59;
	v52 =	vmul.f32 v37, v57;
	v57, _, _ =	vpop (xrf2);
	(xrf2) =	vadd.scan.msk.f32 $0xffff, v63  }
0x21f: {  	v54 =	vmul.f32 v33, v54;
	v38 =	vld [tilespmem:s3+$0xFFFFFFC0];
	[tilespmem:s8+$0x20] =	vst v47;
	v59 =	vbroadcast v45, $0x3  }
0x220: {  	v48 =	vld [tilespmem:s1+$0x50];
	v51 =	vmul.f32 v24, v51;
	[tilespmem:s8+$0x30] =	vst v46;
	v56 =	vmul.f32 v36, v56  }
0x221: {  	v42 =	vbroadcast v29, $0x2;
	v55 =	vadd.f32 v55, v50;
	v50 =	vld [tilespmem:s1+$0x60];
	[tilespmem:s8+$0x40] =	vst v60;
	v60 =	vmul.f32 v59, v41  }
0x222: {  	s24 =	sshll.u32 s11, $0x5;
	v44 =	vbroadcast v29, $0x1;
	s17 =	spop (v2sf);
	v54 =	vadd.f32 v54, v51;
	v51 =	vld [tilespmem:s1+$0x70];
	[tilespmem:s8+$0x50] =	vst v62;
	v62 =	vmul.f32 v59, v40  }
0x223: {  	s18 =	sand.u32 $0x80000001, s17;
	s2 =	sshll.u32 s17, $0x5;
	s17 =	simm.s32 $0x507;
	v39 =	vld [tilespmem:s3+$0xFFFFFFD0];
	v58 =	vmul.f32 v5, v61;
	v47 =	vbroadcast v29, $0x3;
	v63, _, _ =	vpop (xrf2);
	[tilespmem:s8+$0x60] =	vst v60  }
0x224: {  	s4 =	sshra.s32 s24, $0x2;
	p6 =	seq.s32 s18, $0x1;
	v46 =	vld [tilespmem:s17+$0x0];
	[tilespmem:s8+$0x70] =	vst v62;
	(xrf2) =	vadd.scan.msk.f32 $0xffff, v54;
	v54 =	vmul.f32 v38, v53;
	v59 =	vadd.f32 v56, v52;
	v56, _, _ =	vpop (xrf2)  }
0x225: {  	s11 =	simm.s32 $0x6;
	s4 =	sand.u32 $0xFFFFFFF0, s4;
	s2 =	sshra.s32 s2, $0x2;
	v41 =	vpsel p6, v7, v6;
	v40 =	vld [tilespmem:s3+$0xFFFFFFE0];
	v60 =	vbroadcast v63, $0xF;
	[tilespmem:s21+$0x80] =	vst v0;
	v61 =	vbroadcast v56, $0xF  }
0x226: {  	s18 =	sadd.s32 $0x5600, s4;
	s4 =	spop (v2sf);
	s2 =	sand.u32 $0xFFFFFFF0, s2;
	v49 =	vadd.f32 v58, v55;
	v55 =	vbroadcast v57, $0xF;
	v53 =	vld [tilespmem:s12+$0xFFFFFFFF];
	v52 =	vmul.f32 v43, v35;
	[tilespmem:s21+$0x90] =	vst v0  }
0x227: {  	s29 =	sadd.s32 $0x5700, s2;
	s2 =	simm.s32 $0x8180;
	s12 =	simm.s32 $0x5A00;
	v35 =	vld [tilespmem:s3+$0xFFFFFFF0];
	[tilespmem:s21+$0xA0] =	vst v0;
	(xrf2) =	vadd.scan.msk.f32 $0xffff, v59;
	v56 =	vmul.f32 v2, v60;
	v57 =	vmul.f32 v3, v61  }
.LBB2_5:
0x228: {  	v58 =	vld [tilespmem:s12+$0xC0];
	v48 =	vmul.f32 v39, v48;
	v59, _, _ =	vpop (xrf2);
	v60 =	vmul.f32 $1.442695020e+00, v49;
	[tilespmem:s21+$0xB0] =	vst v0;
	s14 =	sand.u32 $0x80000001, s4  }
0x229: {  	v55 =	vmul.f32 v4, v55;
	s3 =	sadd.s32 $0x100, s3;
	s4 =	sshll.u32 s4, $0x5;
	v61 =	vld [tilespmem:s12+$0xD0];
	v56 =	vadd.f32 v57, v56;
	v57 =	vbroadcast v59, $0xF;
	[tilespmem:s21+$0xC0] =	vst v0;
	p1 =	seq.s32 s14, $0x1  }
0x22a: {  	s4 =	sshra.s32 s4, $0x2;
	v49 =	vld [tilespmem:s3+$0x40];
	v48 =	vadd.f32 v48, v54;
	v54 =	vmul.f32 v40, v50;
	[tilespmem:s21+$0xD0] =	vst v0;
	v59 =	vpsel p1, v7, v6  }
0x22b: {  	s4 =	sand.u32 $0xFFFFFFF0, s4;
	v50 =	vld [tilespmem:s3+$0x50];
	v55 =	vadd.f32 v55, v56;
	v56 =	vmul.f32 v5, v57;
	[tilespmem:s21+$0xE0] =	vst v0;
	v45 =	vmul.f32 v45, v59  }
0x22c: {  	v51 =	vmul.f32 v35, v51;
	s4 =	sadd.s32 s4, s21;
	v57 =	vld [tilespmem:s12+$0x80];
	(xrf2) =	vadd.scan.msk.f32 $0xffff, v48;
	[tilespmem:s21+$0xF0] =	vst v0;
	(v2sf) =	vpush v53, $0x0  }
0x22d: {  	v48 =	vld [tilespmem:s12+$0x90];
	v53 =	vadd.f32 v56, v55;
	[tilespmem:s4+$0x80] =	vst v45;
	v56 =	vmul.f32 v43, v8;
	v43 =	vmul.f32 v44, v9  }
0x22e: {  	v45 =	vadd.f32 v51, v54;
	v44 =	vmul.f32 v44, v10;
	v55 =	vld [tilespmem:s3+$0x0];
	v9, _, _ =	vpop (xrf2);
	(erf) = vpow2.f32 v60;
	[tilespmem:s22+$0xFFFFFF80] =	vst v52  }
0x22f: {  	v8 =	vmovc v15;
	v15 =	vmovc v33;
	v51 =	vld [tilespmem:s3+$0x10];
	v52 =	vbroadcast v9, $0xF;
	v53 =	vmul.f32 $1.442695020e+00, v53;
	[tilespmem:s22+$0xFFFFFF90] =	vst v56;
	v9 =	vmov v17  }
0x230: {  	v54 =	vmul.f32 v42, v11;
	v10 =	vmovc v18;
	v56 =	vmul.f32 v42, v12;
	v17 =	vmov v37;
	v33 =	vld [tilespmem:s12+$0xA0];
	[tilespmem:s22+$0xFFFFFFA0] =	vst v43  }
0x231: {  	v37 =	vld [tilespmem:s12+$0xB0];
	v42 =	vmul.f32 v2, v52;
	v43, _, _ =	vpop (xrf2);
	(xrf2) =	vadd.scan.msk.f32 $0xffff, v45;
	(erf) = vpow2.f32 v53;
	[tilespmem:s22+$0xFFFFFFB0] =	vst v44  }
0x232: {  	v18 =	vmovc v36;
	v11 =	vmov v20;
	v44 =	vmul.f32 v49, v58;
	v45 =	vmul.f32 v50, v61;
	v52 =	vld [tilespmem:s3+$0x20];
	[tilespmem:s22+$0xFFFFFFC0] =	vst v54  }
0x233: {  	v20 =	vmovc v38;
	v12 =	vmovc v19;
	v19 =	vmov v39;
	v36 =	vbroadcast v43, $0xF;
	v43 =	vmul.f32 v47, v13;
	v53 =	vld [tilespmem:s3+$0x30];
	[tilespmem:s22+$0xFFFFFFD0] =	vst v56  }
0x234: {  	v44 =	vadd.f32 v45, v44;
	v45 =	vmul.f32 v47, v14;
	v39 =	vld [tilespmem:s12+$0xE0];
	[tilespmem:s18+$0x0] =	vst v34;
	v34 =	vmul.f32 v29, v41;
	s18 =	smov.u32 s29  }
0x235: {  	v13 =	vmovc v21;
	v21 =	vmov v40;
	v56 =	vmul.f32 v55, v57;
	v41 =	vmul.f32 v51, v48;
	v47 =	vld [tilespmem:s12+$0xF0];
	[tilespmem:s22+$0xFFFFFFE0] =	vst v43  }
0x236: {  	v14 =	vmov v22;
	v36 =	vmul.f32 v3, v36;
	v40 =	vld [tilespmem:s3+$0x60];
	(xrf2) =	vadd.scan.msk.f32 $0xffff, v44;
	v38, _, _ =	vpop (xrf2);
	[tilespmem:s22+$0xFFFFFFF0] =	vst v45;
	s22 =	smov.u32 s8;
	s8 =	smov.u32 s2;
	s2 =	smov.u32 s3  }
0x237: {  	v22 =	vmov v35;
	v41 =	vadd.f32 v41, v56;
	v54 =	vld [tilespmem:s3+$0x70];
	v38 =	vbroadcast v38, $0xF;
	v29 =	vpop (erf);
	[tilespmem:s13+$0x0] =	vst v0  }
0x238: {  	v36 =	vadd.f32 v36, v42;
	v33 =	vmul.f32 v52, v33;
	v35 =	vld [tilespmem:s12+$0x0];
	v37 =	vmul.f32 v53, v37;
	[tilespmem:s13+$0x10] =	vst v0  }
0x239: {  	v43 =	vbroadcast v29, $0x0;
	v56 =	vld [tilespmem:s12+$0x10];
	(xrf2) =	vadd.scan.msk.f32 $0xffff, v41;
	v41 =	vmul.f32 v4, v38;
	[tilespmem:s13+$0x20] =	vst v0  }
0x23a: {  	v44 =	vbroadcast v29, $0x1;
	v57 =	vld [tilespmem:s3+$0xFFFFFF80];
	v37 =	vadd.f32 v37, v33;
	(v2sf) =	vpush v46, $0x0;
	v45 =	vpop (erf);
	[tilespmem:s13+$0x30] =	vst v0  }
0x23b: {  	v42 =	vbroadcast v29, $0x2;
	v33 =	vld [tilespmem:s3+$0xFFFFFF90];
	v46 =	vadd.f32 v41, v36;
	v36 =	vbroadcast v45, $0x0;
	v38, _, _ =	vpop (xrf2);
	s4 =	spop (v2sf);
	[tilespmem:s13+$0x40] =	vst v0  }
0x23c: {  	v39 =	vmul.f32 v40, v39;
	v58 =	vld [tilespmem:s12+$0x20];
	v41 =	vmul.f32 v54, v47;
	(xrf2) =	vadd.scan.msk.f32 $0xffff, v37;
	s14 =	sand.u32 $0x80000001, s4;
	s4 =	sshll.u32 s4, $0x5;
	[tilespmem:s13+$0x50] =	vst v0  }
0x23d: {  	v59 =	vbroadcast v45, $0x1;
	v47 =	vld [tilespmem:s12+$0x30];
	v48 =	vmul.f32 v36, v27;
	p1 =	seq.s32 s14, $0x1;
	s4 =	sshra.s32 s4, $0x2;
	[tilespmem:s13+$0x60] =	vst v0;
	v27 =	vmov v55  }
0x23e: {  	v55 =	vbroadcast v38, $0xF;
	v38 =	vmul.f32 v36, v26;
	v26 =	vmovc v51;
	v37 =	vld [tilespmem:s3+$0xFFFFFFA0];
	v39 =	vadd.f32 v41, v39;
	s4 =	sand.u32 $0xFFFFFFF0, s4;
	[tilespmem:s13+$0x70] =	vst v0;
	s13 =	smov.u32 s21;
	s21 =	smov.u32 s1  }
0x23f: {  	v60 =	vbroadcast v45, $0x2;
	v51 =	vmul.f32 v59, v28;
	v28 =	vmovc v52;
	v41 =	vpsel p1, v7, v6;
	s1 =	smov.u32 s12;
	v36 =	vld [tilespmem:s3+$0xFFFFFFB0];
	[tilespmem:s8+$0x0] =	vst v48;
	s29 =	sadd.s32 s4, s13  }
0x240: {  	v35 =	vmul.f32 v57, v35;
	v61 =	vld [tilespmem:s12+$0x40];
	v62, _, _ =	vpop (xrf2);
	(xrf2) =	vadd.scan.msk.f32 $0xffff, v39;
	[tilespmem:s8+$0x10] =	vst v38;
	v39 =	vmul.f32 v59, v30  }
0x241: {  	v52 =	vbroadcast v45, $0x3;
	v30 =	vmovc v53;
	v48 =	vld [tilespmem:s12+$0x50];
	[tilespmem:s8+$0x20] =	vst v51;
	v51 =	vmul.f32 v60, v23;
	v23 =	vmov v49  }
0x242: {  	v53 =	vmul.f32 v60, v25;
	v25 =	vmov v50;
	v49 =	vmul.f32 v33, v56;
	v38 =	vld [tilespmem:s3+$0xFFFFFFC0];
	[tilespmem:s8+$0x30] =	vst v39  }
0x243: {  	s11 =	sadd.s32 $0x2, s11;
	v59 =	vmul.f32 v52, v31;
	v31 =	vmov v40;
	v56 =	vmul.f32 v37, v58;
	v39 =	vld [tilespmem:s3+$0xFFFFFFD0];
	v58, _, _ =	vpop (xrf2);
	[tilespmem:s8+$0x40] =	vst v51  }
0x244: {  	p1 =	slt.u32 s11, $0x4E;
	v35 =	vadd.f32 v49, v35;
	v49 =	vmul.f32 v52, v32;
	v40 =	vmul.f32 v36, v47;
	v50 =	vld [tilespmem:s12+$0x60];
	[tilespmem:s8+$0x50] =	vst v53  }
.Ltmp1:
0x245: {  	v32 =	vmov v54;
	v53 =	vmul.f32 v5, v55;
	v47 =	vbroadcast v29, $0x3;
	v51 =	vld [tilespmem:s12+$0x70];
	[tilespmem:s8+$0x60] =	vst v59;
	(pc) =	sbr.rel @p1 .LBB2_5-.Ltmp1, $4  }
0x246: {  	v52 =	vmul.f32 v43, v16;
	v59 =	vadd.f32 v40, v56;
	v40 =	vld [tilespmem:s3+$0xFFFFFFE0];
	(xrf2) =	vadd.scan.msk.f32 $0xffff, v35;
	v54, _, _ =	vpop (xrf2);
	[tilespmem:s8+$0x70] =	vst v49  }
0x247: {  	v16 =	vmovc v24;
	v24 =	vmovc v57;
	v56 =	vbroadcast v58, $0xF;
	v49 =	vadd.f32 v53, v46;
	v35 =	vld [tilespmem:s3+$0xFFFFFFF0];
	v58 =	vbroadcast v54, $0xF;
	[tilespmem:s21+$0x80] =	vst v0  }
0x248: {  	v55 =	vbroadcast v62, $0xF;
	v54 =	vmul.f32 v38, v61;
	v53 =	vld [tilespmem:s17+$0xFFFFFFFF];
	[tilespmem:s21+$0x90] =	vst v0;
	s17 =	sadd.s32 $0x2, s17  }
0x249: {  	s12 =	sadd.s32 $0x100, s12;
	v56 =	vmul.f32 v2, v56;
	v46 =	vld [tilespmem:s17+$0x0];
	v57 =	vmul.f32 v3, v58;
	(xrf2) =	vadd.scan.msk.f32 $0xffff, v59;
	[tilespmem:s21+$0xA0] =	vst v0;
	s4 =	spop (v2sf)  }
0x24a: {  	[tilespmem:s21+$0xB0] =	vst v0  }
0x24b: {  	v58, _, _ =	vpop (xrf2);
	[tilespmem:s21+$0xC0] =	vst v0  }
0x24c: {  	v55 =	vmul.f32 v4, v55;
	[tilespmem:s21+$0xD0] =	vst v0;
	v56 =	vadd.f32 v57, v56;
	v60 =	vbroadcast v58, $0xF  }
0x24d: {  	[tilespmem:s21+$0xE0] =	vst v0  }
0x24e: {  	[tilespmem:s21+$0xF0] =	vst v0;
	v55 =	vadd.f32 v55, v56;
	v62 =	vmul.f32 v5, v60  }
0x24f: {  	v8 =	vmul.f32 v43, v8;
	[tilespmem:s22+$0xFFFFFF80] =	vst v52  }
0x250: {  	s3 =	sand.u32 $0x80000001, s4;
	v9 =	vmul.f32 v44, v9;
	[tilespmem:s18+$0x0] =	vst v34;
	v63 =	vadd.f32 v62, v55  }
0x251: {  	s14 =	sshll.u32 s4, $0x5;
	v49 =	vmul.f32 $1.442695020e+00, v49;
	v10 =	vmul.f32 v44, v10;
	p1 =	seq.s32 s3, $0x1;
	[tilespmem:s22+$0xFFFFFF90] =	vst v8  }
0x252: {  	s3 =	sshra.s32 s14, $0x2;
	v61 =	vpsel p1, v7, v6;
	[tilespmem:s22+$0xFFFFFFA0] =	vst v9;
	v8 =	vmul.f32 v42, v11;
	v52 =	vmul.f32 $1.442695020e+00, v63  }
0x253: {  	s3 =	sand.u32 $0xFFFFFFF0, s3;
	(erf) = vpow2.f32 v49;
	[tilespmem:s22+$0xFFFFFFB0] =	vst v10;
	v45 =	vmul.f32 v45, v61  }
0x254: {  	s3 =	sadd.s32 s3, s21;
	v56 =	vmul.f32 v47, v14;
	[tilespmem:s22+$0xFFFFFFC0] =	vst v8;
	(erf) = vpow2.f32 v52  }
0x255: {  	v8 =	vmul.f32 v47, v13;
	[tilespmem:s3+$0x80] =	vst v45  }
0x256: {  	v55 =	vmul.f32 v42, v12;
	[tilespmem:s22+$0xFFFFFFF0] =	vst v56  }
0x257: {  	[tilespmem:s22+$0xFFFFFFE0] =	vst v8  }
0x258: {  	[tilespmem:s22+$0xFFFFFFD0] =	vst v55  }
0x259: {  	[tilespmem:s13+$0x0] =	vst v0  }
0x25a: {  	[tilespmem:s13+$0x10] =	vst v0  }
0x25b: {  	[tilespmem:s13+$0x20] =	vst v0  }
0x25c: {  	v57 =	vmul.f32 v39, v48;
	[tilespmem:s13+$0x30] =	vst v0;
	v8 =	vpop (erf)  }
0x25d: {  	v59 =	vmul.f32 v40, v50;
	v60 =	vmul.f32 v35, v51;
	[tilespmem:s13+$0x40] =	vst v0;
	v10 =	vpop (erf)  }
0x25e: {  	(v2sf) =	vpush v53, $0x0;
	v9 =	vadd.f32 v57, v54;
	[tilespmem:s13+$0x50] =	vst v0;
	v58 =	vbroadcast v10, $0x0  }
0x25f: {  	(v2sf) =	vpush v46, $0x0;
	v63 =	vadd.f32 v60, v59;
	v60 =	vmul.f32 v29, v41;
	[tilespmem:s13+$0x60] =	vst v0  }
0x260: {  	(xrf2) =	vadd.scan.msk.f32 $0xffff, v9;
	[tilespmem:s13+$0x70] =	vst v0;
	v62 =	vbroadcast v10, $0x1;
	v61 =	vmul.f32 v58, v27  }
0x261: {  	[tilespmem:s29+$0x0] =	vst v60;
	v11 =	vmul.f32 v58, v26  }
0x262: {  	(xrf2) =	vadd.scan.msk.f32 $0xffff, v63;
	v42 =	vbroadcast v10, $0x2;
	v34 =	vmul.f32 v62, v28;
	[tilespmem:s2+$0x0] =	vst v61  }
0x263: {  	v43 =	vmul.f32 v62, v30;
	[tilespmem:s2+$0x10] =	vst v11  }
0x264: {  	v45 =	vbroadcast v10, $0x3;
	v44 =	vmul.f32 v42, v23;
	[tilespmem:s2+$0x20] =	vst v34  }
0x265: {  	v49, _, _ =	vpop (xrf2);
	v46 =	vmul.f32 v42, v25;
	[tilespmem:s2+$0x30] =	vst v43  }
0x266: {  	v51, _, _ =	vpop (xrf2);
	v57 =	vbroadcast v8, $0x0;
	v47 =	vmul.f32 v45, v31;
	[tilespmem:s2+$0x40] =	vst v44  }
0x267: {  	v52 =	vbroadcast v51, $0xF;
	v48 =	vmul.f32 v45, v32;
	[tilespmem:s2+$0x50] =	vst v46  }
0x268: {  	v63 =	vbroadcast v8, $0x2;
	v62 =	vmul.f32 v57, v16;
	[tilespmem:s2+$0x60] =	vst v47  }
0x269: {  	v50 =	vbroadcast v49, $0xF;
	v16 =	vmul.f32 v57, v15;
	[tilespmem:s2+$0x70] =	vst v48  }
0x26a: {  	v9 =	vmul.f32 v3, v52;
	v53, _, _ =	vpop (xrf2);
	v25 =	vmul.f32 v63, v20;
	[tilespmem:s8+$0xFFFFFF80] =	vst v62  }
0x26b: {  	v12 =	vbroadcast v53, $0xF;
	v11 =	vmul.f32 v2, v50;
	[tilespmem:s8+$0xFFFFFF90] =	vst v16  }
0x26c: {  	v54, _, _ =	vpop (xrf2);
	[tilespmem:s8+$0xFFFFFFC0] =	vst v25  }
0x26d: {  	v55 =	vmul.f32 v4, v12;
	v56 =	vbroadcast v54, $0xF;
	[tilespmem:s1+$0x80] =	vst v0;
	v9 =	vadd.f32 v9, v11  }
0x26e: {  	s22 =	spop (v2sf);
	[tilespmem:s1+$0x90] =	vst v0  }
0x26f: {  	s24 =	spop (v2sf);
	v59 =	vmul.f32 v5, v56;
	[tilespmem:s1+$0xA0] =	vst v0;
	v9 =	vadd.f32 v55, v9  }
0x270: {  	s11 =	sand.u32 $0x80000001, s24;
	[tilespmem:s1+$0xB0] =	vst v0  }
0x271: {  	s4 =	sshll.u32 s24, $0x5;
	p4 =	seq.s32 s11, $0x1;
	[tilespmem:s1+$0xC0] =	vst v0;
	v9 =	vadd.f32 v59, v9  }
0x272: {  	s4 =	sshra.s32 s4, $0x2;
	v23 =	vbroadcast v8, $0x3;
	v58 =	vpsel p4, v7, v6;
	[tilespmem:s1+$0xD0] =	vst v0  }
0x273: {  	s4 =	sand.u32 $0xFFFFFFF0, s4;
	v10 =	vmul.f32 v10, v58;
	[tilespmem:s1+$0xE0] =	vst v0;
	v9 =	vmul.f32 $1.442695020e+00, v9  }
0x274: {  	s4 =	sadd.s32 s4, s1;
	v61 =	vbroadcast v8, $0x1;
	v26 =	vmul.f32 v23, v21;
	[tilespmem:s1+$0xF0] =	vst v0  }
0x275: {  	v27 =	vmul.f32 v23, v22;
	[tilespmem:s4+$0x80] =	vst v10;
	(erf) = vpow2.f32 v9  }
0x276: {  	v17 =	vmul.f32 v61, v17;
	[tilespmem:s8+$0xFFFFFFE0] =	vst v26  }
0x277: {  	v10 =	vmul.f32 v61, v18;
	[tilespmem:s8+$0xFFFFFFF0] =	vst v27  }
0x278: {  	v11 =	vmul.f32 v63, v19;
	[tilespmem:s8+$0xFFFFFFA0] =	vst v17  }
0x279: {  	[tilespmem:s8+$0xFFFFFFB0] =	vst v10  }
0x27a: {  	v28 =	vld [tilespmem:s17+$0xFFFFFFFF];
	[tilespmem:s8+$0xFFFFFFD0] =	vst v11  }
0x27b: {  	[tilespmem:s21+$0x0] =	vst v0  }
0x27c: {  	[tilespmem:s21+$0x10] =	vst v0  }
0x27d: {  	[tilespmem:s21+$0x20] =	vst v0  }
0x27e: {  	[tilespmem:s21+$0x30] =	vst v0;
	v29 =	vpop (erf)  }
0x27f: {  	(v2sf) =	vpush v28, $0x0;
	[tilespmem:s21+$0x40] =	vst v0;
	v30 =	vbroadcast v29, $0x0  }
0x280: {  	[tilespmem:s21+$0x50] =	vst v0  }
0x281: {  	[tilespmem:s21+$0x60] =	vst v0;
	v31 =	vbroadcast v29, $0x1;
	v32 =	vmul.f32 v30, v24  }
0x282: {  	s11 =	sand.u32 $0x80000001, s22;
	[tilespmem:s21+$0x70] =	vst v0;
	v9 =	vmul.f32 v30, v33  }
0x283: {  	s3 =	sshll.u32 s22, $0x5;
	p5 =	seq.s32 s11, $0x1;
	v34 =	vmul.f32 v31, v37;
	[tilespmem:s2+$0xFFFFFF80] =	vst v32  }
0x284: {  	s3 =	sshra.s32 s3, $0x2;
	v33 =	vbroadcast v29, $0x2;
	v11 =	vmul.f32 v31, v36;
	v37 =	vpsel p5, v7, v6;
	[tilespmem:s2+$0xFFFFFF90] =	vst v9  }
0x285: {  	s3 =	sand.u32 $0xFFFFFFF0, s3;
	v8 =	vmul.f32 v8, v37;
	[tilespmem:s2+$0xFFFFFFA0] =	vst v34  }
0x286: {  	s3 =	sadd.s32 s3, s21;
	v36 =	vmul.f32 v33, v38;
	v38 =	vbroadcast v29, $0x3;
	[tilespmem:s2+$0xFFFFFFB0] =	vst v11  }
0x287: {  	v13 =	vmul.f32 v33, v39;
	[tilespmem:s3+$0x0] =	vst v8  }
0x288: {  	[tilespmem:s2+$0xFFFFFFC0] =	vst v36;
	v39 =	vmul.f32 v38, v40  }
0x289: {  	[tilespmem:s2+$0xFFFFFFD0] =	vst v13;
	v40 =	vmul.f32 v38, v35  }
0x28a: {  	[tilespmem:s2+$0xFFFFFFE0] =	vst v39  }
0x28b: {  	[tilespmem:s2+$0xFFFFFFF0] =	vst v40  }
0x28c: {  	[tilespmem:s1+$0x0] =	vst v0  }
0x28d: {  	[tilespmem:s1+$0x10] =	vst v0  }
0x28e: {  	s12 =	spop (v2sf);
	[tilespmem:s1+$0x20] =	vst v0  }
0x28f: {  	s13 =	sand.u32 $0x80000001, s12;
	[tilespmem:s1+$0x30] =	vst v0  }
0x290: {  	p6 =	seq.s32 s13, $0x1;
	s2 =	sshll.u32 s12, $0x5;
	[tilespmem:s1+$0x40] =	vst v0  }
0x291: {  	v8 =	vpsel p6, v7, v6;
	s2 =	sshra.s32 s2, $0x2;
	[tilespmem:s1+$0x50] =	vst v0  }
0x292: {  	s18 =	rddreg [dreg:$0x3];
	v8 =	vmul.f32 v29, v8;
	[tilespmem:s1+$0x60] =	vst v0;
	s2 =	sand.u32 $0xFFFFFFF0, s2  }
0x293: {  	s14 =	rddreg [dreg:$0x2];
	p1 =	seq.s32 s26, $0x3D;
	[tilespmem:s1+$0x70] =	vst v0;
	s2 =	sadd.s32 s2, s1  }
0x294: {  	s17 =	simm.s32 $0x580;
	s11 =	simm.s32 $0x7E00;
	s1 =	sshrl.u32 @!p1 s9, $0x3;
	[tilespmem:s2+$0x0] =	vst v8  }
0x295: {  	[spmem:s14] =	stream.indirect.scatter.add.f32 [tilespmem:s11], [sflag:$0x7], $0x80, s17, s0, $0xb8;
	[tilespmem:$0x1F600] =	vst v63  }
0x296: {  	s8 =	simm.s32 $0x5600;
	s21 =	simm.s32 $0x480;
	s1 =	sadd.s32 @!p1 $0x1E, s1  }
0x297: {  	[spmem:s18] =	stream.indirect.scatter.add.f32 [tilespmem:s8], [sflag:$0x8], $0x80, s21, s0, $0xb8;
	[tilespmem:$0x1F600] =	vst v63  }
0x298: {  	s4 =	simm.s32 @!p1 $0x300;
	s3 =	simm.s32 @!p1 $0x0;
	s2 =	sadd.s32 @!p1 s6, s1  }
0x299: {  	[tilespmem:s4], [sflag:$0xB] =	stream.linear.gather @!p1 [hbm4b:s2+s3], $0x50, $0x38;
	[tilespmem:$0x1F600] =	vst v63  }
0x29a: {  	s1 =	sadd.s32 @!p1 s7, s1;
	s2 =	simm.s32 @!p1 $0x400  }
0x29b: {  	[tilespmem:s2], [sflag:$0xC] =	stream.linear.gather @!p1 [hbm4b:s1+s3], $0x50, $0x38;
	[tilespmem:$0x1F600] =	vst v63  }
0x29c: {  	_ =	swait.ge [sflag:s10], $0x2800  }
0x29d: {  	[sflag:s10] =	ssyncset.done $0x0  }
0x29e: {  	[sflag:s10] =	ssyncadd.s32 $0xFFFFD800  }
0x29f: {  	_ =	swait.ge [sflag:s28], $0x2800  }
0x2a0: {  	[sflag:s28] =	ssyncset.done $0x0  }
0x2a1: {  	[sflag:s28] =	ssyncadd.s32 $0xFFFFD800  }
0x2a2: {  	_ =	swait.ge [sflag:s30], $0x50  }
0x2a3: {  	[sflag:s30] =	ssyncset.done $0x0  }
0x2a4: {  	[sflag:s30] =	ssyncadd.s32 $0xFFFFFFB0  }
0x2a5: {  	_ =	swait.ge [sflag:s31], $0x50  }
0x2a6: {  	[sflag:s31] =	ssyncset.done $0x0  }
0x2a7: {  	[sflag:s31] =	ssyncadd.s32 $0xFFFFFFB0  }
0x2a8: {  	v8 =	vld [tilespmem:$0x0]  }
0x2a9: {  	v41 =	vld [tilespmem:$0x100]  }
0x2aa: {  	v43 =	vld [tilespmem:$0x10]  }
0x2ab: {  	v49 =	vld [tilespmem:$0x20]  }
0x2ac: {  	v51 =	vld [tilespmem:$0x30]  }
0x2ad: {  	v56 =	vld [tilespmem:$0x40]  }
0x2ae: {  	[tilespmem:$0x280] =	vst v8  }
0x2af: {  	v45 =	vld [tilespmem:$0x110];
	v42 =	vshra.s32 v8, $0x1F;
	[tilespmem:$0x290] =	vst v43  }
0x2b0: {  	[tilespmem:$0x2A0] =	vst v49;
	v10 =	vshrl.u32 v42, $0x1C  }
0x2b1: {  	v44 =	vadd.s32 v1, v8;
	v9 =	vadd.s32 v1, v41;
	[tilespmem:$0x2B0] =	vst v51;
	v10 =	vadd.s32 v10, v8  }
0x2b2: {  	v46 =	vshrl.u32 v8, $0x4;
	v48 =	vshra.s32 v43, $0x1F;
	[tilespmem:$0x2C0] =	vst v56;
	v10 =	vand.u32 $0xFFFFFFF0, v10  }
0x2b3: {  	[tilespmem:$0x100] =	vst v9;
	v9 =	vshrl.u32 v48, $0x1C;
	v47 =	vsub.s32 v8, v10;
	v8 =	vadd.s32 v1, v43  }
0x2b4: {  	v9 =	vadd.s32 v9, v43;
	[tilespmem:$0x90] =	vst v8;
	v8 =	vadd.s32 v1, v45  }
0x2b5: {  	v50 =	vld [tilespmem:$0x120];
	v9 =	vand.u32 $0xFFFFFFF0, v9;
	[tilespmem:$0x110] =	vst v8;
	v8 =	vshrl.u32 v43, $0x4  }
0x2b6: {  	[tilespmem:$0x190] =	vst v8;
	v8 =	vsub.s32 v43, v9  }
0x2b7: {  	[tilespmem:$0x210] =	vst v8;
	v8 =	vshra.s32 v49, $0x1F  }
0x2b8: {  	[tilespmem:$0x80] =	vst v44;
	v8 =	vshrl.u32 v8, $0x1C  }
0x2b9: {  	v54 =	vld [tilespmem:$0x130];
	v52 =	vadd.s32 v1, v49;
	[tilespmem:$0x180] =	vst v46;
	v8 =	vadd.s32 v8, v49  }
0x2ba: {  	v53 =	vadd.s32 v1, v50;
	[tilespmem:$0xA0] =	vst v52;
	v8 =	vand.u32 $0xFFFFFFF0, v8  }
0x2bb: {  	[tilespmem:$0x120] =	vst v53;
	v8 =	vsub.s32 v49, v8  }
0x2bc: {  	v55 =	vshrl.u32 v49, $0x4;
	[tilespmem:$0x220] =	vst v8;
	v8 =	vshra.s32 v51, $0x1F  }
0x2bd: {  	v59 =	vld [tilespmem:$0x140];
	v57 =	vadd.s32 v1, v51;
	[tilespmem:$0x1A0] =	vst v55;
	v8 =	vshrl.u32 v8, $0x1C  }
0x2be: {  	v58 =	vadd.s32 v1, v54;
	[tilespmem:$0xB0] =	vst v57;
	v8 =	vadd.s32 v8, v51  }
0x2bf: {  	v60 =	vshrl.u32 v51, $0x4;
	[tilespmem:$0x130] =	vst v58;
	v8 =	vand.u32 $0xFFFFFFF0, v8  }
0x2c0: {  	[tilespmem:$0x1B0] =	vst v60;
	v8 =	vsub.s32 v51, v8  }
0x2c1: {  	v61 =	vadd.s32 v1, v56;
	[tilespmem:$0x230] =	vst v8;
	v8 =	vshra.s32 v56, $0x1F  }
0x2c2: {  	v62 =	vadd.s32 v1, v59;
	[tilespmem:$0xC0] =	vst v61;
	v8 =	vshrl.u32 v8, $0x1C  }
0x2c3: {  	v63 =	vshrl.u32 v56, $0x4;
	[tilespmem:$0x140] =	vst v62;
	v8 =	vadd.s32 v8, v56  }
0x2c4: {  	[tilespmem:$0x1C0] =	vst v63;
	v8 =	vand.u32 $0xFFFFFFF0, v8  }
0x2c5: {  	[tilespmem:$0x200] =	vst v47;
	v8 =	vsub.s32 v56, v8  }
0x2c6: {  	s22 =	simm.s32 $0x80;
	s14 =	simm.s32 $0x600;
	[tilespmem:$0x240] =	vst v8  }
0x2c7: {  	[tilespmem:s14], [sflag:$0x1] =	stream.indirect.gather [hbm4b:s15+s0], $0x80, s22, s0, $0xb8;
	[tilespmem:$0x1F600] =	vst v63  }
0x2c8: {  	s24 =	simm.s32 $0x2E00  }
0x2c9: {  	[tilespmem:s24], [sflag:$0x2] =	stream.indirect.gather [hbm4b:s5+s0], $0x80, s23, s0, $0xb8;
	[tilespmem:$0x1F600] =	vst v63  }
0x2ca: {  	_ =	swait.ge [sflag:s16], $0x2800  }
.Ltmp2:
0x2cb: {  	[sflag:s16] =	ssyncset.done $0x0;
	(pc) =	sbr.rel @p1 .LBB2_8-.Ltmp2, $4  }
0x2cc: {  	[sflag:s16] =	ssyncadd.s32 $0xFFFFD800  }
0x2cd: {  	_ =	swait.ge [sflag:s25], $0x2800  }
0x2ce: {  	[sflag:s25] =	ssyncset.done $0x0  }
0x2cf: {  	s29 =	smov.u32 s15;
	[sflag:s25] =	ssyncadd.s32 $0xFFFFD800  }
0x2d0: {  	s1 =	simm.s32 $0xB  }
0x2d1: {  	_ =	swait.ge [sflag:s1], $0x50  }
0x2d2: {  	[sflag:s1] =	ssyncset.done $0x0  }
0x2d3: {  	s21 =	simm.s32 $0xC;
	[sflag:s1] =	ssyncadd.s32 $0xFFFFFFB0  }
0x2d4: {  	_ =	swait.ge [sflag:s21], $0x50  }
0x2d5: {  	[sflag:s21] =	ssyncset.done $0x0  }
0x2d6: {  	[sflag:s21] =	ssyncadd.s32 $0xFFFFFFB0  }
0x2d7: {  	v8 =	vld [tilespmem:$0x300]  }
0x2d8: {  	v9 =	vld [tilespmem:$0x400]  }
0x2d9: {  	v11 =	vld [tilespmem:$0x310]  }
0x2da: {  	v49 =	vld [tilespmem:$0x320]  }
0x2db: {  	v51 =	vld [tilespmem:$0x330]  }
0x2dc: {  	v56 =	vld [tilespmem:$0x340]  }
0x2dd: {  	[tilespmem:$0x580] =	vst v8  }
0x2de: {  	v45 =	vld [tilespmem:$0x410];
	v10 =	vshra.s32 v8, $0x1F;
	[tilespmem:$0x590] =	vst v11  }
0x2df: {  	[tilespmem:$0x5A0] =	vst v49;
	v10 =	vshrl.u32 v10, $0x1C  }
0x2e0: {  	v12 =	vadd.s32 v1, v8;
	v9 =	vadd.s32 v1, v9;
	[tilespmem:$0x5B0] =	vst v51;
	v10 =	vadd.s32 v10, v8  }
0x2e1: {  	v46 =	vshrl.u32 v8, $0x4;
	v48 =	vshra.s32 v11, $0x1F;
	[tilespmem:$0x5C0] =	vst v56;
	v10 =	vand.u32 $0xFFFFFFF0, v10  }
0x2e2: {  	[tilespmem:$0x400] =	vst v9;
	v9 =	vshrl.u32 v48, $0x1C;
	v47 =	vsub.s32 v8, v10;
	v8 =	vadd.s32 v1, v11  }
0x2e3: {  	v9 =	vadd.s32 v9, v11;
	[tilespmem:$0x390] =	vst v8;
	v8 =	vadd.s32 v1, v45  }
0x2e4: {  	v50 =	vld [tilespmem:$0x420];
	v9 =	vand.u32 $0xFFFFFFF0, v9;
	[tilespmem:$0x410] =	vst v8;
	v8 =	vshrl.u32 v11, $0x4  }
0x2e5: {  	[tilespmem:$0x490] =	vst v8;
	v8 =	vsub.s32 v11, v9  }
0x2e6: {  	[tilespmem:$0x510] =	vst v8;
	v8 =	vshra.s32 v49, $0x1F  }
0x2e7: {  	[tilespmem:$0x380] =	vst v12;
	v8 =	vshrl.u32 v8, $0x1C  }
0x2e8: {  	v54 =	vld [tilespmem:$0x430];
	v52 =	vadd.s32 v1, v49;
	[tilespmem:$0x480] =	vst v46;
	v8 =	vadd.s32 v8, v49  }
0x2e9: {  	v53 =	vadd.s32 v1, v50;
	[tilespmem:$0x3A0] =	vst v52;
	v8 =	vand.u32 $0xFFFFFFF0, v8  }
0x2ea: {  	[tilespmem:$0x420] =	vst v53;
	v8 =	vsub.s32 v49, v8  }
0x2eb: {  	v55 =	vshrl.u32 v49, $0x4;
	[tilespmem:$0x520] =	vst v8;
	v8 =	vshra.s32 v51, $0x1F  }
0x2ec: {  	v59 =	vld [tilespmem:$0x440];
	v57 =	vadd.s32 v1, v51;
	[tilespmem:$0x4A0] =	vst v55;
	v8 =	vshrl.u32 v8, $0x1C  }
0x2ed: {  	v58 =	vadd.s32 v1, v54;
	[tilespmem:$0x3B0] =	vst v57;
	v8 =	vadd.s32 v8, v51  }
0x2ee: {  	v60 =	vshrl.u32 v51, $0x4;
	[tilespmem:$0x430] =	vst v58;
	v8 =	vand.u32 $0xFFFFFFF0, v8  }
0x2ef: {  	[tilespmem:$0x4B0] =	vst v60;
	v8 =	vsub.s32 v51, v8  }
0x2f0: {  	v61 =	vadd.s32 v1, v56;
	[tilespmem:$0x530] =	vst v8;
	v8 =	vshra.s32 v56, $0x1F  }
0x2f1: {  	v62 =	vadd.s32 v1, v59;
	[tilespmem:$0x3C0] =	vst v61;
	v8 =	vshrl.u32 v8, $0x1C  }
0x2f2: {  	v63 =	vshrl.u32 v56, $0x4;
	[tilespmem:$0x440] =	vst v62;
	v8 =	vadd.s32 v8, v56  }
0x2f3: {  	[tilespmem:$0x4C0] =	vst v63;
	v8 =	vand.u32 $0xFFFFFFF0, v8  }
.Ltmp3:
0x2f4: {  	[tilespmem:$0x500] =	vst v47;
	v8 =	vsub.s32 v56, v8;
	(pc) =	sbr.rel .LBB2_2-.Ltmp3, $4  }
0x2f5: {  	s22 =	simm.s32 $0x380;
	[tilespmem:$0x540] =	vst v8  }
0x2f6: {  	[tilespmem:s8], [sflag:$0x5] =	stream.indirect.gather [hbm4b:s29+s0], $0x80, s22, s0, $0xb8;
	[tilespmem:$0x1F600] =	vst v63  }
0x2f7: {  	s24 =	simm.s32 $0x2E00;
	s26 =	sadd.s32 $0x1, s26;
	s29 =	simm.s32 $0x400  }
0x2f8: {  	[tilespmem:s11], [sflag:$0x6] =	stream.indirect.gather [hbm4b:s5+s0], $0x80, s29, s0, $0xb8;
	[tilespmem:$0x1F600] =	vst v63  }
.LBB2_8:
0x2f9: {  	_ =	swait.ge [sflag:s19], $0x2800  }
0x2fa: {  	[sflag:s19] =	ssyncset.done $0x0  }
0x2fb: {  	[sflag:s19] =	ssyncadd.s32 $0xFFFFD800  }
0x2fc: {  	_ =	swait.ge [sflag:s20], $0x2800  }
0x2fd: {  	[sflag:s20] =	ssyncset.done $0x0  }
0x2fe: {  	s2 =	simm.s32 $0x600;
	[sflag:s20] =	ssyncadd.s32 $0xFFFFD800  }
0x2ff: {  	v8 =	vld [tilespmem:s2+$0xC0]  }
0x300: {  	s17 =	simm.s32 $0x2E80;
	v9 =	vld [tilespmem:s2+$0xD0]  }
0x301: {  	v34 =	vld [tilespmem:s17+$0x40]  }
0x302: {  	v33 =	vld [tilespmem:s17+$0x50]  }
0x303: {  	v10 =	vld [tilespmem:s2+$0x80]  }
0x304: {  	v11 =	vld [tilespmem:s2+$0x90]  }
0x305: {  	v13 =	vld [tilespmem:s17+$0x0]  }
0x306: {  	v38 =	vld [tilespmem:s17+$0x10]  }
0x307: {  	v12 =	vld [tilespmem:s2+$0xA0]  }
0x308: {  	v14 =	vld [tilespmem:s2+$0xB0]  }
0x309: {  	v36 =	vld [tilespmem:s17+$0x20]  }
0x30a: {  	v37 =	vld [tilespmem:s17+$0x30]  }
0x30b: {  	v17 =	vld [tilespmem:s2+$0xE0]  }
0x30c: {  	v18 =	vld [tilespmem:s2+$0xF0]  }
0x30d: {  	v16 =	vld [tilespmem:s17+$0x60]  }
0x30e: {  	v15 =	vld [tilespmem:s17+$0x70]  }
0x30f: {  	v21 =	vld [tilespmem:s2+$0x0]  }
0x310: {  	v22 =	vld [tilespmem:s2+$0x10]  }
0x311: {  	v23 =	vld [tilespmem:s17+$0xFFFFFF80]  }
0x312: {  	v26 =	vld [tilespmem:s17+$0xFFFFFF90]  }
0x313: {  	v27 =	vld [tilespmem:s17+$0xFFFFFFA0]  }
0x314: {  	v31 =	vld [tilespmem:s17+$0xFFFFFFB0]  }
0x315: {  	v30 =	vld [tilespmem:s17+$0xFFFFFFC0];
	v8 =	vmul.f32 v34, v8;
	v9 =	vmul.f32 v33, v9  }
0x316: {  	v28 =	vld [tilespmem:s17+$0xFFFFFFD0];
	v10 =	vmul.f32 v13, v10;
	v11 =	vmul.f32 v38, v11  }
0x317: {  	v29 =	vld [tilespmem:s17+$0xFFFFFFE0];
	v8 =	vadd.f32 v9, v8;
	v9 =	vmul.f32 v36, v12;
	v12 =	vmul.f32 v37, v14  }
0x318: {  	s1 =	simm.s32 $0x201;
	v24 =	vld [tilespmem:s17+$0xFFFFFFF0];
	v10 =	vadd.f32 v11, v10  }
0x319: {  	s9 =	simm.s32 $0x700;
	v39 =	vld [tilespmem:s1+$0x0];
	(xrf2) =	vadd.scan.msk.f32 $0xffff, v8;
	v8 =	vadd.f32 v12, v9  }
0x31a: {  	v35 =	vld [tilespmem:s9+$0xC0];
	(xrf2) =	vadd.scan.msk.f32 $0xffff, v10  }
0x31b: {  	s21 =	simm.s32 $0x2F80;
	v40 =	vld [tilespmem:s9+$0xD0];
	v12 =	vmul.f32 v15, v18;
	v10 =	vmul.f32 v16, v17;
	(xrf2) =	vadd.scan.msk.f32 $0xffff, v8  }
0x31c: {  	v20 =	vld [tilespmem:s21+$0x40]  }
0x31d: {  	v41 =	vld [tilespmem:s9+$0x80];
	v10 =	vadd.f32 v12, v10  }
0x31e: {  	v42 =	vld [tilespmem:s9+$0x90]  }
0x31f: {  	v43 =	vld [tilespmem:s9+$0xA0];
	(xrf2) =	vadd.scan.msk.f32 $0xffff, v10  }
0x320: {  	v44 =	vld [tilespmem:s9+$0xB0]  }
0x321: {  	v61 =	vld [tilespmem:s9+$0x10]  }
0x322: {  	v62 =	vld [tilespmem:s9+$0x20]  }
0x323: {  	v11 =	vld [tilespmem:s2+$0x20];
	v17, _, _ =	vpop (xrf2)  }
0x324: {  	v9 =	vld [tilespmem:s2+$0x30];
	v18, _, _ =	vpop (xrf2)  }
0x325: {  	v21 =	vmul.f32 v23, v21;
	v8 =	vld [tilespmem:s2+$0x40];
	v19, _, _ =	vpop (xrf2)  }
0x326: {  	v12 =	vld [tilespmem:s2+$0x50];
	v18 =	vbroadcast v18, $0xF;
	v19 =	vbroadcast v19, $0xF  }
0x327: {  	v63 =	vld [tilespmem:s9+$0x30];
	v22 =	vmul.f32 v26, v22;
	v17 =	vbroadcast v17, $0xF  }
0x328: {  	v14 =	vld [tilespmem:s2+$0x70];
	v18 =	vmul.f32 v2, v18;
	v25 =	vmul.f32 v3, v19  }
0x329: {  	v21 =	vadd.f32 v22, v21;
	v11 =	vmul.f32 v27, v11;
	v10 =	vld [tilespmem:s2+$0x60];
	v9 =	vmul.f32 v31, v9;
	v32, _, _ =	vpop (xrf2)  }
0x32a: {  	v22 =	vld [tilespmem:s21+$0x60];
	v32 =	vbroadcast v32, $0xF;
	v18 =	vadd.f32 v25, v18;
	v25 =	vmul.f32 v4, v17  }
0x32b: {  	v8 =	vmul.f32 v30, v8;
	v12 =	vmul.f32 v28, v12;
	v19 =	vld [tilespmem:s21+$0x50]  }
0x32c: {  	v9 =	vadd.f32 v9, v11;
	v17 =	vld [tilespmem:s21+$0x0];
	v32 =	vmul.f32 v5, v32;
	v25 =	vadd.f32 v25, v18  }
0x32d: {  	(xrf2) =	vadd.scan.msk.f32 $0xffff, v21;
	v8 =	vadd.f32 v12, v8;
	v18 =	vld [tilespmem:s21+$0x10]  }
0x32e: {  	v10 =	vmul.f32 v29, v10;
	v12 =	vld [tilespmem:s9+$0xE0];
	(xrf2) =	vadd.scan.msk.f32 $0xffff, v9;
	v25 =	vadd.f32 v32, v25  }
0x32f: {  	v9 =	vmul.f32 v24, v14;
	(xrf2) =	vadd.scan.msk.f32 $0xffff, v8;
	v8 =	vmul.f32 v20, v35;
	v32 =	vld [tilespmem:s21+$0x20]  }
0x330: {  	v14 =	vmul.f32 v19, v40;
	v11 =	vmul.f32 $1.442695020e+00, v25;
	v25 =	vld [tilespmem:s21+$0x30]  }
0x331: {  	v21 =	vld [tilespmem:s21+$0x70];
	v9 =	vadd.f32 v9, v10;
	v10 =	vmul.f32 v17, v41  }
0x332: {  	v8 =	vadd.f32 v14, v8;
	v58 =	vmul.f32 v18, v42;
	(erf) = vpow2.f32 v11;
	v11 =	vld [tilespmem:s9+$0xF0]  }
0x333: {  	v35 =	vld [tilespmem:s21+$0xFFFFFF80];
	(xrf2) =	vadd.scan.msk.f32 $0xffff, v9  }
0x334: {  	v12 =	vmul.f32 v22, v12;
	v14 =	vld [tilespmem:s9+$0x0];
	(xrf2) =	vadd.scan.msk.f32 $0xffff, v8;
	v9 =	vadd.f32 v58, v10  }
0x335: {  	v8 =	vld [tilespmem:s21+$0xFFFFFF90];
	v59 =	vmul.f32 v32, v43;
	v60 =	vmul.f32 v25, v44  }
0x336: {  	(xrf2) =	vadd.scan.msk.f32 $0xffff, v9;
	v9 =	vld [tilespmem:s21+$0xFFFFFFA0]  }
0x337: {  	v45 =	vld [tilespmem:s9+$0x40];
	(v2sf) =	vpush v39, $0x0;
	v58, _, _ =	vpop (xrf2);
	v10 =	vadd.f32 v60, v59;
	v11 =	vmul.f32 v21, v11  }
0x338: {  	v46 =	vld [tilespmem:s9+$0x50];
	v43 =	vbroadcast v58, $0xF  }
0x339: {  	v53 =	vld [tilespmem:s9+$0x60];
	v54 =	vmul.f32 v35, v14;
	(xrf2) =	vadd.scan.msk.f32 $0xffff, v10;
	v11 =	vadd.f32 v11, v12;
	v12, _, _ =	vpop (xrf2)  }
0x33a: {  	v56 =	vld [tilespmem:s9+$0x70];
	v42 =	vmul.f32 v8, v61;
	v43 =	vmul.f32 v2, v43;
	v59, _, _ =	vpop (xrf2)  }
0x33b: {  	v10 =	vld [tilespmem:s21+$0xFFFFFFB0];
	v12 =	vbroadcast v12, $0xF;
	v40 =	vmul.f32 v9, v62;
	v48 =	vpop (erf)  }
0x33c: {  	s14 =	simm.s32 $0x203;
	v14 =	vld [tilespmem:s21+$0xFFFFFFF0];
	v44 =	vbroadcast v59, $0xF;
	v47 =	vbroadcast v48, $0x0  }
0x33d: {  	v42 =	vadd.f32 v42, v54;
	v54 =	vld [tilespmem:s14+$0x0];
	(xrf2) =	vadd.scan.msk.f32 $0xffff, v11;
	v49, _, _ =	vpop (xrf2);
	v50 =	vmul.f32 v3, v12;
	v52 =	vbroadcast v48, $0x1  }
0x33e: {  	v11 =	vld [tilespmem:s21+$0xFFFFFFC0];
	v60, _, _ =	vpop (xrf2);
	v49 =	vbroadcast v49, $0xF;
	v59 =	vbroadcast v48, $0x3  }
0x33f: {  	s13 =	simm.s32 $0x800;
	v12 =	vld [tilespmem:s21+$0xFFFFFFD0];
	v44 =	vmul.f32 v4, v44;
	v39 =	vbroadcast v60, $0xF  }
0x340: {  	(xrf2) =	vadd.scan.msk.f32 $0xffff, v42;
	v42 =	vld [tilespmem:s13+$0xD0];
	v51 =	vmul.f32 v47, v13;
	v41 =	vmul.f32 v10, v63  }
0x341: {  	s8 =	simm.s32 $0x3080;
	v13 =	vld [tilespmem:s21+$0xFFFFFFE0];
	v47 =	vmul.f32 v47, v38;
	v36 =	vmul.f32 v52, v36  }
0x342: {  	v38 =	vld [tilespmem:s8+$0x40];
	v52 =	vmul.f32 v52, v37;
	v16 =	vmul.f32 v59, v16;
	v55, _, _ =	vpop (xrf2)  }
0x343: {  	v37 =	vld [tilespmem:s8+$0x0];
	v15 =	vmul.f32 v59, v15;
	v63 =	vmul.f32 v4, v39;
	v40 =	vadd.f32 v41, v40;
	v61, _, _ =	vpop (xrf2)  }
0x344: {  	v43 =	vadd.f32 v50, v43;
	v59 =	vld [tilespmem:s13+$0xE0];
	v55 =	vbroadcast v55, $0xF;
	v50 =	vbroadcast v61, $0xF  }
0x345: {  	v39 =	vld [tilespmem:s8+$0x50];
	v62 =	vmul.f32 v11, v45;
	v46 =	vmul.f32 v12, v46;
	(xrf2) =	vadd.scan.msk.f32 $0xffff, v40  }
0x346: {  	s3 =	spop (v2sf);
	v43 =	vadd.f32 v44, v43;
	v44 =	vld [tilespmem:s1+$0xFFFFFFFF];
	v55 =	vmul.f32 v2, v55;
	v50 =	vmul.f32 v3, v50  }
0x347: {  	s4 =	sand.u32 $0x80000001, s3;
	v60 =	vbroadcast v48, $0x2;
	v45 =	vld [tilespmem:s13+$0xC0];
	[tilespmem:s17+$0x10] =	vst v47;
	v41 =	vadd.f32 v46, v62;
	v57, _, _ =	vpop (xrf2)  }
0x348: {  	p1 =	seq.s32 s4, $0x1;
	v49 =	vmul.f32 v5, v49;
	[tilespmem:s17+$0x20] =	vst v36;
	v36 =	vld [tilespmem:s8+$0x10];
	v57 =	vbroadcast v57, $0xF;
	v50 =	vadd.f32 v50, v55  }
0x349: {  	v34 =	vmul.f32 v60, v34;
	v47 =	vld [tilespmem:s8+$0x20];
	[tilespmem:s17+$0x60] =	vst v16;
	v16 =	vpsel p1, v7, v6;
	(xrf2) =	vadd.scan.msk.f32 $0xffff, v41  }
0x34a: {  	v46 =	vld [tilespmem:s8+$0x30];
	v62 =	vmul.f32 v5, v57;
	v61 =	vadd.f32 v63, v50;
	v63 =	vadd.f32 v49, v43  }
0x34b: {  	v33 =	vmul.f32 v60, v33;
	v48 =	vmul.f32 v48, v16;
	v55 =	vld [tilespmem:s13+$0x80]  }
0x34c: {  	[tilespmem:s17+$0x0] =	vst v51;
	v42 =	vmul.f32 v39, v42;
	v49 =	vld [tilespmem:s13+$0x90];
	v40 =	vadd.f32 v62, v61;
	v60 =	vmul.f32 $1.442695020e+00, v63  }
0x34d: {  	[tilespmem:s17+$0x30] =	vst v52;
	v41 =	vld [tilespmem:s8+$0x60];
	v58, _, _ =	vpop (xrf2);
	v61 =	vmul.f32 v13, v53;
	v62 =	vmul.f32 v14, v56  }
0x34e: {  	[tilespmem:s17+$0x70] =	vst v15;
	v15 =	vbroadcast v58, $0xF;
	v63 =	vld [tilespmem:s13+$0xA0];
	v40 =	vmul.f32 $1.442695020e+00, v40  }
0x34f: {  	[tilespmem:s17+$0x40] =	vst v34;
	v56 =	vld [tilespmem:s13+$0xB0];
	v16, _, _ =	vpop (xrf2);
	(erf) = vpow2.f32 v60;
	v57 =	vadd.f32 v62, v61;
	v60 =	vmul.f32 v38, v45  }
0x350: {  	[tilespmem:s17+$0x50] =	vst v33;
	v53 =	vld [tilespmem:s13+$0x0];
	v16 =	vbroadcast v16, $0xF;
	v43 =	vmul.f32 v37, v55  }
0x351: {  	v61 =	vld [tilespmem:s13+$0xF0];
	v49 =	vmul.f32 v36, v49;
	(erf) = vpow2.f32 v40;
	(xrf2) =	vadd.scan.msk.f32 $0xffff, v57;
	v42 =	vadd.f32 v42, v60  }
0x352: {  	[tilespmem:s2+$0x80] =	vst v0;
	(v2sf) =	vpush v44, $0x0;
	v40 =	vld [tilespmem:s8+$0x70]  }
0x353: {  	v44 =	vmul.f32 v2, v15;
	v62, _, _ =	vpop (xrf2);
	v15 =	vadd.f32 v49, v43;
	(xrf2) =	vadd.scan.msk.f32 $0xffff, v42;
	v42 =	vmul.f32 v3, v16;
	v16 =	vld [tilespmem:s8+$0xFFFFFF80]  }
0x354: {  	[tilespmem:s2+$0x90] =	vst v0;
	v52 =	vbroadcast v62, $0xF;
	v43 =	vld [tilespmem:s13+$0x10]  }
0x355: {  	[tilespmem:s2+$0xA0] =	vst v0;
	v51 =	vmul.f32 v47, v63;
	v34 =	vmul.f32 v46, v56;
	(xrf2) =	vadd.scan.msk.f32 $0xffff, v15;
	v15 =	vld [tilespmem:s8+$0xFFFFFF90]  }
0x356: {  	[tilespmem:s2+$0xB0] =	vst v0  }
0x357: {  	[tilespmem:s2+$0xC0] =	vst v0;
	v50 =	vmul.f32 v41, v59;
	v49 =	vmul.f32 v4, v52;
	v34 =	vadd.f32 v34, v51  }
0x358: {  	s3 =	sshll.u32 s3, $0x5;
	[tilespmem:s2+$0xD0] =	vst v0;
	(v2sf) =	vpush v54, $0x0;
	v45 =	vmul.f32 v40, v61;
	v33 =	vpop (erf);
	v61 =	vmul.f32 v16, v53  }
0x359: {  	s3 =	sshra.s32 s3, $0x2;
	v42 =	vadd.f32 v42, v44;
	(xrf2) =	vadd.scan.msk.f32 $0xffff, v34;
	v52 =	vbroadcast v33, $0x0;
	v34 =	vbroadcast v33, $0x1  }
0x35a: {  	s3 =	sand.u32 $0xFFFFFFF0, s3;
	[tilespmem:s2+$0xE0] =	vst v0;
	v55 =	vld [tilespmem:s13+$0x20];
	v56 =	vbroadcast v33, $0x2;
	v43 =	vmul.f32 v15, v43;
	v51 =	vpop (erf)  }
0x35b: {  	s12 =	simm.s32 $0x205;
	s3 =	sadd.s32 $0x600, s3;
	[tilespmem:s2+$0xF0] =	vst v0;
	v57 =	vld [tilespmem:s13+$0x30];
	v42 =	vadd.f32 v49, v42;
	v54 =	vbroadcast v51, $0x0;
	v58, _, _ =	vpop (xrf2);
	v60 =	vbroadcast v51, $0x1  }
0x35c: {  	[tilespmem:s3+$0x80] =	vst v48;
	v49 =	vld [tilespmem:s12+$0x0];
	v45 =	vadd.f32 v45, v50;
	v30 =	vmul.f32 v56, v30;
	v48 =	vbroadcast v58, $0xF  }
0x35d: {  	v50 =	vld [tilespmem:s13+$0x50];
	v59 =	vmul.f32 v54, v17;
	v63 =	vmul.f32 v54, v18  }
0x35e: {  	(xrf2) =	vadd.scan.msk.f32 $0xffff, v45;
	v17 =	vld [tilespmem:s8+$0xFFFFFFA0];
	v32 =	vmul.f32 v60, v32;
	v54 =	vbroadcast v51, $0x2  }
0x35f: {  	v18 =	vld [tilespmem:s8+$0xFFFFFFB0];
	v25 =	vmul.f32 v60, v25;
	[tilespmem:s17+$0xFFFFFFC0] =	vst v30;
	v44 =	vmul.f32 v5, v48  }
0x360: {  	v53 =	vld [tilespmem:s13+$0x70];
	v48 =	vbroadcast v33, $0x3;
	[tilespmem:s21+$0x10] =	vst v63;
	v62 =	vmul.f32 v54, v20  }
0x361: {  	s3 =	simm.s32 $0x3180;
	v58 =	vld [tilespmem:s13+$0x40];
	v63 =	vbroadcast v51, $0x3;
	[tilespmem:s21+$0x30] =	vst v25;
	v25 =	vmul.f32 v54, v19  }
0x362: {  	v31 =	vmul.f32 v34, v31;
	v30 =	vld [tilespmem:s3+$0x30];
	[tilespmem:s21+$0x20] =	vst v32;
	v29 =	vmul.f32 v48, v29;
	v54, _, _ =	vpop (xrf2)  }
0x363: {  	v20 =	vld [tilespmem:s8+$0xFFFFFFC0];
	v22 =	vmul.f32 v63, v22;
	[tilespmem:s21+$0x50] =	vst v25;
	v25 =	vmul.f32 v63, v21;
	v60, _, _ =	vpop (xrf2)  }
0x364: {  	v43 =	vadd.f32 v43, v61;
	v19 =	vld [tilespmem:s8+$0xFFFFFFD0];
	[tilespmem:s21+$0x40] =	vst v62;
	v55 =	vmul.f32 v17, v55;
	v61 =	vmul.f32 v18, v57;
	v62, _, _ =	vpop (xrf2)  }
0x365: {  	v32 =	vld [tilespmem:s13+$0x60];
	[tilespmem:s21+$0x70] =	vst v25;
	v25 =	vbroadcast v60, $0xF;
	v63 =	vbroadcast v62, $0xF  }
0x366: {  	[tilespmem:s17+$0xFFFFFFB0] =	vst v31;
	v42 =	vadd.f32 v44, v42;
	v21 =	vld [tilespmem:s8+$0xFFFFFFE0];
	v57 =	vmul.f32 v52, v23;
	v23 =	vbroadcast v54, $0xF  }
0x367: {  	s11 =	spop (v2sf);
	[tilespmem:s21+$0x0] =	vst v59;
	(xrf2) =	vadd.scan.msk.f32 $0xffff, v43;
	v54 =	vld [tilespmem:s14+$0xFFFFFFFF];
	v25 =	vmul.f32 v2, v25;
	v43 =	vmul.f32 v3, v63  }
0x368: {  	s1 =	simm.s32 $0x900;
	s15 =	spop (v2sf);
	v24 =	vmul.f32 v48, v24;
	v42 =	vmul.f32 $1.442695020e+00, v42;
	[tilespmem:s21+$0x60] =	vst v22;
	v22 =	vld [tilespmem:s8+$0xFFFFFFF0];
	v45 =	vadd.f32 v61, v55;
	v59, _, _ =	vpop (xrf2)  }
0x369: {  	s14 =	sand.u32 $0x80000001, s15;
	[tilespmem:s17+$0xFFFFFFE0] =	vst v29;
	v60 =	vld [tilespmem:s1+$0xD0];
	v61 =	vmul.f32 v4, v23;
	v59 =	vbroadcast v59, $0xF;
	v43 =	vadd.f32 v43, v25  }
0x36a: {  	[tilespmem:s17+$0xFFFFFFF0] =	vst v24;
	p4 =	seq.s32 s14, $0x1;
	v55 =	vmul.f32 v20, v58;
	v58 =	vld [tilespmem:s1+$0xC0];
	v50 =	vmul.f32 v19, v50  }
0x36b: {  	[tilespmem:s9+$0x80] =	vst v0;
	v23 =	vld [tilespmem:s3+$0x40];
	v62 =	vpsel p4, v7, v6;
	v63 =	vmul.f32 v5, v59;
	v43 =	vadd.f32 v61, v43  }
0x36c: {  	[tilespmem:s17+$0xFFFFFF80] =	vst v57;
	v57 =	vmul.f32 v56, v28;
	v28 =	vld [tilespmem:s3+$0x20];
	(xrf2) =	vadd.scan.msk.f32 $0xffff, v45;
	v55 =	vadd.f32 v50, v55  }
0x36d: {  	[tilespmem:s9+$0x90] =	vst v0;
	v45 =	vmul.f32 v51, v62;
	v51 =	vld [tilespmem:s1+$0x80];
	v43 =	vadd.f32 v63, v43  }
0x36e: {  	[tilespmem:s9+$0xA0] =	vst v0;
	(erf) = vpow2.f32 v42;
	v25 =	vld [tilespmem:s3+$0x50];
	(xrf2) =	vadd.scan.msk.f32 $0xffff, v55  }
0x36f: {  	[tilespmem:s9+$0xB0] =	vst v0;
	v44 =	vmul.f32 v22, v53;
	v53 =	vld [tilespmem:s1+$0x90];
	v63 =	vmul.f32 $1.442695020e+00, v43  }
0x370: {  	[tilespmem:s9+$0xC0] =	vst v0;
	v32 =	vmul.f32 v21, v32;
	v59 =	vmul.f32 v52, v26;
	v26 =	vld [tilespmem:s3+$0x10]  }
0x371: {  	[tilespmem:s9+$0xD0] =	vst v0;
	v52 =	vld [tilespmem:s1+$0xE0];
	v61 =	vmul.f32 v34, v27;
	(erf) = vpow2.f32 v63  }
0x372: {  	[tilespmem:s9+$0xE0] =	vst v0;
	v27 =	vld [tilespmem:s3+$0x0];
	v32 =	vadd.f32 v44, v32  }
0x373: {  	s18 =	sand.u32 $0x80000001, s11;
	s4 =	sshll.u32 s15, $0x5;
	v31 =	vmul.f32 v23, v58;
	v44 =	vld [tilespmem:s1+$0xB0];
	[tilespmem:s17+$0xFFFFFFA0] =	vst v61;
	v61 =	vmul.f32 v25, v60  }
0x374: {  	p5 =	seq.s32 s18, $0x1;
	s4 =	sshra.s32 s4, $0x2;
	[tilespmem:s9+$0xF0] =	vst v0;
	v62, _, _ =	vpop (xrf2);
	(xrf2) =	vadd.scan.msk.f32 $0xffff, v32;
	v32 =	vld [tilespmem:s3+$0x70]  }
0x375: {  	s4 =	sand.u32 $0xFFFFFFF0, s4;
	[tilespmem:s17+$0xFFFFFFD0] =	vst v57;
	v58 =	vpsel p5, v7, v6;
	v43 =	vld [tilespmem:s1+$0xA0];
	v29 =	vadd.f32 v61, v31  }
0x376: {  	s4 =	sadd.s32 $0x700, s4;
	[tilespmem:s17+$0xFFFFFF90] =	vst v59;
	v34 =	vmul.f32 v33, v58;
	v55 =	vbroadcast v62, $0xF;
	v31 =	vld [tilespmem:s3+$0x60];
	v59, _, _ =	vpop (xrf2)  }
0x377: {  	(v2sf) =	vpush v54, $0x0;
	[tilespmem:s4+$0x80] =	vst v45;
	v58 =	vmul.f32 v26, v53;
	v63 =	vld [tilespmem:s1+$0xF0];
	v62 =	vbroadcast v59, $0xF  }
0x378: {  	v56 =	vld [tilespmem:s1+$0x30];
	[tilespmem:s2+$0x0] =	vst v0;
	v50 =	vmul.f32 v2, v55;
	v57 =	vmul.f32 v27, v51;
	(xrf2) =	vadd.scan.msk.f32 $0xffff, v29;
	v59, _, _ =	vpop (xrf2)  }
0x379: {  	v54 =	vld [tilespmem:s1+$0x10];
	[tilespmem:s2+$0x10] =	vst v0;
	v44 =	vmul.f32 v30, v44;
	v53 =	vmul.f32 v3, v62;
	v29 =	vpop (erf)  }
0x37a: {  	[tilespmem:s2+$0x20] =	vst v0;
	v51 =	vld [tilespmem:s1+$0x0];
	v33 =	vadd.f32 v58, v57;
	v24 =	vbroadcast v59, $0xF;
	v60 =	vmul.f32 v28, v43;
	v45 =	vpop (erf)  }
0x37b: {  	(v2sf) =	vpush v49, $0x0;
	[tilespmem:s2+$0x30] =	vst v0;
	v57 =	vld [tilespmem:s1+$0x20];
	v52 =	vmul.f32 v31, v52;
	v49 =	vbroadcast v45, $0x0  }
0x37c: {  	(xrf2) =	vadd.scan.msk.f32 $0xffff, v33;
	v33 =	vld [tilespmem:s3+$0xFFFFFF90];
	v55 =	vmul.f32 v4, v24;
	v61 =	vadd.f32 v44, v60;
	v58 =	vmul.f32 v32, v63  }
0x37d: {  	[tilespmem:s2+$0x40] =	vst v0;
	v60 =	vbroadcast v45, $0x1;
	v59 =	vmul.f32 v49, v37;
	v37 =	vld [tilespmem:s3+$0xFFFFFFA0]  }
0x37e: {  	[tilespmem:s2+$0x50] =	vst v0;
	v24 =	vld [tilespmem:s3+$0xFFFFFF80];
	(xrf2) =	vadd.scan.msk.f32 $0xffff, v61;
	v63 =	vbroadcast v45, $0x2;
	v62 =	vmul.f32 v49, v36  }
0x37f: {  	[tilespmem:s2+$0x60] =	vst v0;
	v36 =	vld [tilespmem:s3+$0xFFFFFFB0];
	v47 =	vmul.f32 v60, v47;
	v46 =	vmul.f32 v60, v46  }
0x380: {  	v60 =	vmul.f32 v63, v38;
	[tilespmem:s8+$0x10] =	vst v62;
	v62 =	vmul.f32 v63, v39;
	v63 =	vadd.f32 v58, v52  }
0x381: {  	[tilespmem:s2+$0x70] =	vst v0;
	v43 =	vbroadcast v29, $0x0;
	v50 =	vadd.f32 v53, v50;
	v48, _, _ =	vpop (xrf2)  }
0x382: {  	v53 =	vld [tilespmem:s1+$0x40];
	v61 =	vbroadcast v48, $0xF;
	[tilespmem:s8+$0x0] =	vst v59;
	v52 =	vmul.f32 v37, v57;
	v57, _, _ =	vpop (xrf2);
	(xrf2) =	vadd.scan.msk.f32 $0xffff, v63  }
0x383: {  	v54 =	vmul.f32 v33, v54;
	v38 =	vld [tilespmem:s3+$0xFFFFFFC0];
	[tilespmem:s8+$0x20] =	vst v47;
	v59 =	vbroadcast v45, $0x3  }
0x384: {  	v48 =	vld [tilespmem:s1+$0x50];
	v51 =	vmul.f32 v24, v51;
	[tilespmem:s8+$0x30] =	vst v46;
	v56 =	vmul.f32 v36, v56  }
0x385: {  	v42 =	vbroadcast v29, $0x2;
	v55 =	vadd.f32 v55, v50;
	v50 =	vld [tilespmem:s1+$0x60];
	[tilespmem:s8+$0x40] =	vst v60;
	v60 =	vmul.f32 v59, v41  }
0x386: {  	v44 =	vbroadcast v29, $0x1;
	s22 =	spop (v2sf);
	v54 =	vadd.f32 v54, v51;
	v51 =	vld [tilespmem:s1+$0x70];
	[tilespmem:s8+$0x50] =	vst v62;
	v62 =	vmul.f32 v59, v40  }
0x387: {  	s26 =	sshll.u32 s11, $0x5;
	s17 =	simm.s32 $0x207;
	s24 =	sand.u32 $0x80000001, s22;
	v39 =	vld [tilespmem:s3+$0xFFFFFFD0];
	v58 =	vmul.f32 v5, v61;
	v47 =	vbroadcast v29, $0x3;
	v63, _, _ =	vpop (xrf2);
	[tilespmem:s8+$0x60] =	vst v60  }
0x388: {  	s4 =	sshra.s32 s26, $0x2;
	s2 =	sshll.u32 s22, $0x5;
	p6 =	seq.s32 s24, $0x1;
	v46 =	vld [tilespmem:s17+$0x0];
	[tilespmem:s8+$0x70] =	vst v62;
	(xrf2) =	vadd.scan.msk.f32 $0xffff, v54;
	v54 =	vmul.f32 v38, v53;
	v59 =	vadd.f32 v56, v52;
	v56, _, _ =	vpop (xrf2)  }
0x389: {  	s11 =	simm.s32 $0x6;
	s4 =	sand.u32 $0xFFFFFFF0, s4;
	s2 =	sshra.s32 s2, $0x2;
	v41 =	vpsel p6, v7, v6;
	v40 =	vld [tilespmem:s3+$0xFFFFFFE0];
	v60 =	vbroadcast v63, $0xF;
	[tilespmem:s13+$0x80] =	vst v0;
	v61 =	vbroadcast v56, $0xF  }
0x38a: {  	s18 =	sadd.s32 $0x600, s4;
	s4 =	spop (v2sf);
	s2 =	sand.u32 $0xFFFFFFF0, s2;
	v49 =	vadd.f32 v58, v55;
	v55 =	vbroadcast v57, $0xF;
	v53 =	vld [tilespmem:s12+$0xFFFFFFFF];
	v52 =	vmul.f32 v43, v35;
	[tilespmem:s13+$0x90] =	vst v0  }
0x38b: {  	s22 =	sadd.s32 $0x700, s2;
	s2 =	simm.s32 $0x3180;
	s12 =	simm.s32 $0xA00;
	v35 =	vld [tilespmem:s3+$0xFFFFFFF0];
	[tilespmem:s13+$0xA0] =	vst v0;
	(xrf2) =	vadd.scan.msk.f32 $0xffff, v59;
	v56 =	vmul.f32 v2, v60;
	v57 =	vmul.f32 v3, v61  }
.LBB2_9:
0x38c: {  	v58 =	vld [tilespmem:s12+$0xC0];
	v48 =	vmul.f32 v39, v48;
	v59, _, _ =	vpop (xrf2);
	v60 =	vmul.f32 $1.442695020e+00, v49;
	[tilespmem:s13+$0xB0] =	vst v0;
	s14 =	sand.u32 $0x80000001, s4  }
0x38d: {  	v55 =	vmul.f32 v4, v55;
	s3 =	sadd.s32 $0x100, s3;
	s4 =	sshll.u32 s4, $0x5;
	v61 =	vld [tilespmem:s12+$0xD0];
	v56 =	vadd.f32 v57, v56;
	v57 =	vbroadcast v59, $0xF;
	[tilespmem:s13+$0xC0] =	vst v0;
	p1 =	seq.s32 s14, $0x1  }
0x38e: {  	s4 =	sshra.s32 s4, $0x2;
	v49 =	vld [tilespmem:s3+$0x40];
	v48 =	vadd.f32 v48, v54;
	v54 =	vmul.f32 v40, v50;
	[tilespmem:s13+$0xD0] =	vst v0;
	v59 =	vpsel p1, v7, v6  }
0x38f: {  	s4 =	sand.u32 $0xFFFFFFF0, s4;
	v50 =	vld [tilespmem:s3+$0x50];
	v55 =	vadd.f32 v55, v56;
	v56 =	vmul.f32 v5, v57;
	[tilespmem:s13+$0xE0] =	vst v0;
	v45 =	vmul.f32 v45, v59  }
0x390: {  	v51 =	vmul.f32 v35, v51;
	s4 =	sadd.s32 s4, s13;
	v57 =	vld [tilespmem:s12+$0x80];
	(xrf2) =	vadd.scan.msk.f32 $0xffff, v48;
	[tilespmem:s13+$0xF0] =	vst v0;
	(v2sf) =	vpush v53, $0x0  }
0x391: {  	v48 =	vld [tilespmem:s12+$0x90];
	v53 =	vadd.f32 v56, v55;
	[tilespmem:s4+$0x80] =	vst v45;
	v56 =	vmul.f32 v43, v8;
	v43 =	vmul.f32 v44, v9  }
0x392: {  	v45 =	vadd.f32 v51, v54;
	v44 =	vmul.f32 v44, v10;
	v55 =	vld [tilespmem:s3+$0x0];
	v9, _, _ =	vpop (xrf2);
	(erf) = vpow2.f32 v60;
	[tilespmem:s21+$0xFFFFFF80] =	vst v52  }
0x393: {  	v8 =	vmovc v15;
	v15 =	vmovc v33;
	v51 =	vld [tilespmem:s3+$0x10];
	v52 =	vbroadcast v9, $0xF;
	v53 =	vmul.f32 $1.442695020e+00, v53;
	[tilespmem:s21+$0xFFFFFF90] =	vst v56;
	v9 =	vmov v17  }
0x394: {  	v54 =	vmul.f32 v42, v11;
	v10 =	vmovc v18;
	v56 =	vmul.f32 v42, v12;
	v17 =	vmov v37;
	v33 =	vld [tilespmem:s12+$0xA0];
	[tilespmem:s21+$0xFFFFFFA0] =	vst v43  }
0x395: {  	v37 =	vld [tilespmem:s12+$0xB0];
	v42 =	vmul.f32 v2, v52;
	v43, _, _ =	vpop (xrf2);
	(xrf2) =	vadd.scan.msk.f32 $0xffff, v45;
	(erf) = vpow2.f32 v53;
	[tilespmem:s21+$0xFFFFFFB0] =	vst v44  }
0x396: {  	v18 =	vmovc v36;
	v11 =	vmov v20;
	v44 =	vmul.f32 v49, v58;
	v45 =	vmul.f32 v50, v61;
	v52 =	vld [tilespmem:s3+$0x20];
	[tilespmem:s21+$0xFFFFFFC0] =	vst v54  }
0x397: {  	v20 =	vmovc v38;
	v12 =	vmovc v19;
	v19 =	vmov v39;
	v36 =	vbroadcast v43, $0xF;
	v43 =	vmul.f32 v47, v13;
	v53 =	vld [tilespmem:s3+$0x30];
	[tilespmem:s21+$0xFFFFFFD0] =	vst v56  }
0x398: {  	v44 =	vadd.f32 v45, v44;
	v45 =	vmul.f32 v47, v14;
	v39 =	vld [tilespmem:s12+$0xE0];
	[tilespmem:s18+$0x0] =	vst v34;
	v34 =	vmul.f32 v29, v41;
	s18 =	smov.u32 s22  }
0x399: {  	v13 =	vmovc v21;
	v21 =	vmov v40;
	v56 =	vmul.f32 v55, v57;
	v41 =	vmul.f32 v51, v48;
	v47 =	vld [tilespmem:s12+$0xF0];
	[tilespmem:s21+$0xFFFFFFE0] =	vst v43  }
0x39a: {  	v14 =	vmov v22;
	v36 =	vmul.f32 v3, v36;
	v40 =	vld [tilespmem:s3+$0x60];
	(xrf2) =	vadd.scan.msk.f32 $0xffff, v44;
	v38, _, _ =	vpop (xrf2);
	[tilespmem:s21+$0xFFFFFFF0] =	vst v45;
	s21 =	smov.u32 s8;
	s8 =	smov.u32 s2;
	s2 =	smov.u32 s3  }
0x39b: {  	v22 =	vmov v35;
	v41 =	vadd.f32 v41, v56;
	v54 =	vld [tilespmem:s3+$0x70];
	v38 =	vbroadcast v38, $0xF;
	v29 =	vpop (erf);
	[tilespmem:s9+$0x0] =	vst v0  }
0x39c: {  	v36 =	vadd.f32 v36, v42;
	v33 =	vmul.f32 v52, v33;
	v35 =	vld [tilespmem:s12+$0x0];
	v37 =	vmul.f32 v53, v37;
	[tilespmem:s9+$0x10] =	vst v0  }
0x39d: {  	v43 =	vbroadcast v29, $0x0;
	v56 =	vld [tilespmem:s12+$0x10];
	(xrf2) =	vadd.scan.msk.f32 $0xffff, v41;
	v41 =	vmul.f32 v4, v38;
	[tilespmem:s9+$0x20] =	vst v0  }
0x39e: {  	v44 =	vbroadcast v29, $0x1;
	v57 =	vld [tilespmem:s3+$0xFFFFFF80];
	v37 =	vadd.f32 v37, v33;
	(v2sf) =	vpush v46, $0x0;
	v45 =	vpop (erf);
	[tilespmem:s9+$0x30] =	vst v0  }
0x39f: {  	v42 =	vbroadcast v29, $0x2;
	v33 =	vld [tilespmem:s3+$0xFFFFFF90];
	v46 =	vadd.f32 v41, v36;
	v36 =	vbroadcast v45, $0x0;
	v38, _, _ =	vpop (xrf2);
	s4 =	spop (v2sf);
	[tilespmem:s9+$0x40] =	vst v0  }
0x3a0: {  	v39 =	vmul.f32 v40, v39;
	v58 =	vld [tilespmem:s12+$0x20];
	v41 =	vmul.f32 v54, v47;
	(xrf2) =	vadd.scan.msk.f32 $0xffff, v37;
	s14 =	sand.u32 $0x80000001, s4;
	s4 =	sshll.u32 s4, $0x5;
	[tilespmem:s9+$0x50] =	vst v0  }
0x3a1: {  	v59 =	vbroadcast v45, $0x1;
	v47 =	vld [tilespmem:s12+$0x30];
	v48 =	vmul.f32 v36, v27;
	p1 =	seq.s32 s14, $0x1;
	s4 =	sshra.s32 s4, $0x2;
	[tilespmem:s9+$0x60] =	vst v0;
	v27 =	vmov v55  }
0x3a2: {  	v55 =	vbroadcast v38, $0xF;
	v38 =	vmul.f32 v36, v26;
	v26 =	vmovc v51;
	v37 =	vld [tilespmem:s3+$0xFFFFFFA0];
	v39 =	vadd.f32 v41, v39;
	s4 =	sand.u32 $0xFFFFFFF0, s4;
	[tilespmem:s9+$0x70] =	vst v0;
	s9 =	smov.u32 s13;
	s13 =	smov.u32 s1  }
0x3a3: {  	v60 =	vbroadcast v45, $0x2;
	v51 =	vmul.f32 v59, v28;
	v28 =	vmovc v52;
	v41 =	vpsel p1, v7, v6;
	s1 =	smov.u32 s12;
	v36 =	vld [tilespmem:s3+$0xFFFFFFB0];
	[tilespmem:s8+$0x0] =	vst v48;
	s22 =	sadd.s32 s4, s9  }
0x3a4: {  	v35 =	vmul.f32 v57, v35;
	v61 =	vld [tilespmem:s12+$0x40];
	v62, _, _ =	vpop (xrf2);
	(xrf2) =	vadd.scan.msk.f32 $0xffff, v39;
	[tilespmem:s8+$0x10] =	vst v38;
	v39 =	vmul.f32 v59, v30  }
0x3a5: {  	v52 =	vbroadcast v45, $0x3;
	v30 =	vmovc v53;
	v48 =	vld [tilespmem:s12+$0x50];
	[tilespmem:s8+$0x20] =	vst v51;
	v51 =	vmul.f32 v60, v23;
	v23 =	vmov v49  }
0x3a6: {  	v53 =	vmul.f32 v60, v25;
	v25 =	vmov v50;
	v49 =	vmul.f32 v33, v56;
	v38 =	vld [tilespmem:s3+$0xFFFFFFC0];
	[tilespmem:s8+$0x30] =	vst v39  }
0x3a7: {  	s11 =	sadd.s32 $0x2, s11;
	v59 =	vmul.f32 v52, v31;
	v31 =	vmov v40;
	v56 =	vmul.f32 v37, v58;
	v39 =	vld [tilespmem:s3+$0xFFFFFFD0];
	v58, _, _ =	vpop (xrf2);
	[tilespmem:s8+$0x40] =	vst v51  }
0x3a8: {  	p1 =	slt.u32 s11, $0x4E;
	v35 =	vadd.f32 v49, v35;
	v49 =	vmul.f32 v52, v32;
	v40 =	vmul.f32 v36, v47;
	v50 =	vld [tilespmem:s12+$0x60];
	[tilespmem:s8+$0x50] =	vst v53  }
.Ltmp4:
0x3a9: {  	v32 =	vmov v54;
	v53 =	vmul.f32 v5, v55;
	v47 =	vbroadcast v29, $0x3;
	v51 =	vld [tilespmem:s12+$0x70];
	[tilespmem:s8+$0x60] =	vst v59;
	(pc) =	sbr.rel @p1 .LBB2_9-.Ltmp4, $4  }
0x3aa: {  	v52 =	vmul.f32 v43, v16;
	v59 =	vadd.f32 v40, v56;
	v40 =	vld [tilespmem:s3+$0xFFFFFFE0];
	(xrf2) =	vadd.scan.msk.f32 $0xffff, v35;
	v54, _, _ =	vpop (xrf2);
	[tilespmem:s8+$0x70] =	vst v49  }
0x3ab: {  	v16 =	vmovc v24;
	v24 =	vmovc v57;
	v56 =	vbroadcast v58, $0xF;
	v49 =	vadd.f32 v53, v46;
	v35 =	vld [tilespmem:s3+$0xFFFFFFF0];
	v58 =	vbroadcast v54, $0xF;
	[tilespmem:s13+$0x80] =	vst v0  }
0x3ac: {  	v55 =	vbroadcast v62, $0xF;
	v54 =	vmul.f32 v38, v61;
	v53 =	vld [tilespmem:s17+$0xFFFFFFFF];
	[tilespmem:s13+$0x90] =	vst v0;
	s17 =	sadd.s32 $0x2, s17  }
0x3ad: {  	s12 =	sadd.s32 $0x100, s12;
	v56 =	vmul.f32 v2, v56;
	v46 =	vld [tilespmem:s17+$0x0];
	v57 =	vmul.f32 v3, v58;
	(xrf2) =	vadd.scan.msk.f32 $0xffff, v59;
	[tilespmem:s13+$0xA0] =	vst v0;
	s4 =	spop (v2sf)  }
0x3ae: {  	[tilespmem:s13+$0xB0] =	vst v0  }
0x3af: {  	[tilespmem:s13+$0xC0] =	vst v0  }
0x3b0: {  	v58, _, _ =	vpop (xrf2);
	[tilespmem:s13+$0xD0] =	vst v0  }
0x3b1: {  	v55 =	vmul.f32 v4, v55;
	[tilespmem:s13+$0xE0] =	vst v0;
	v56 =	vadd.f32 v57, v56;
	v62 =	vbroadcast v58, $0xF  }
0x3b2: {  	[tilespmem:s13+$0xF0] =	vst v0  }
0x3b3: {  	v8 =	vmul.f32 v43, v8;
	[tilespmem:s21+$0xFFFFFF80] =	vst v52;
	v55 =	vadd.f32 v55, v56;
	v60 =	vmul.f32 v5, v62  }
0x3b4: {  	s3 =	sand.u32 $0x80000001, s4;
	v9 =	vmul.f32 v44, v9;
	[tilespmem:s18+$0x0] =	vst v34  }
0x3b5: {  	v10 =	vmul.f32 v44, v10;
	v43 =	vmul.f32 v42, v12;
	p1 =	seq.s32 s3, $0x1;
	[tilespmem:s21+$0xFFFFFF90] =	vst v8;
	v61 =	vadd.f32 v60, v55  }
0x3b6: {  	v44 =	vmul.f32 v47, v14;
	v63 =	vpsel p1, v7, v6;
	[tilespmem:s21+$0xFFFFFFA0] =	vst v9;
	v62 =	vmul.f32 $1.442695020e+00, v49  }
0x3b7: {  	s15 =	sshll.u32 s4, $0x5;
	[tilespmem:s21+$0xFFFFFFB0] =	vst v10;
	v45 =	vmul.f32 v45, v63;
	v63 =	vmul.f32 $1.442695020e+00, v61  }
0x3b8: {  	s3 =	sshra.s32 s15, $0x2;
	v8 =	vmul.f32 v42, v11;
	[tilespmem:s21+$0xFFFFFFD0] =	vst v43;
	(erf) = vpow2.f32 v62  }
0x3b9: {  	s3 =	sand.u32 $0xFFFFFFF0, s3;
	[tilespmem:s21+$0xFFFFFFF0] =	vst v44;
	(erf) = vpow2.f32 v63  }
0x3ba: {  	s3 =	sadd.s32 s3, s13;
	[tilespmem:s21+$0xFFFFFFC0] =	vst v8;
	v8 =	vmul.f32 v47, v13  }
0x3bb: {  	[tilespmem:s3+$0x80] =	vst v45  }
0x3bc: {  	[tilespmem:s21+$0xFFFFFFE0] =	vst v8  }
0x3bd: {  	[tilespmem:s9+$0x0] =	vst v0  }
0x3be: {  	[tilespmem:s9+$0x10] =	vst v0  }
0x3bf: {  	[tilespmem:s9+$0x20] =	vst v0  }
0x3c0: {  	v45 =	vmul.f32 v39, v48;
	[tilespmem:s9+$0x30] =	vst v0  }
0x3c1: {  	(v2sf) =	vpush v53, $0x0;
	v49 =	vmul.f32 v40, v50;
	v50 =	vmul.f32 v35, v51;
	[tilespmem:s9+$0x40] =	vst v0;
	v8 =	vpop (erf)  }
0x3c2: {  	(v2sf) =	vpush v46, $0x0;
	v9 =	vadd.f32 v45, v54;
	[tilespmem:s9+$0x50] =	vst v0;
	v45 =	vbroadcast v8, $0x2;
	v47 =	vpop (erf)  }
0x3c3: {  	v42 =	vmul.f32 v29, v41;
	[tilespmem:s9+$0x60] =	vst v0;
	v48 =	vbroadcast v47, $0x0  }
0x3c4: {  	v53 =	vadd.f32 v50, v49;
	[tilespmem:s9+$0x70] =	vst v0;
	v49 =	vmul.f32 v45, v20  }
0x3c5: {  	[tilespmem:s22+$0x0] =	vst v42;
	(xrf2) =	vadd.scan.msk.f32 $0xffff, v9;
	v52 =	vbroadcast v47, $0x1;
	v51 =	vmul.f32 v48, v27  }
0x3c6: {  	[tilespmem:s8+$0xFFFFFFC0] =	vst v49;
	v11 =	vmul.f32 v48, v26  }
0x3c7: {  	(xrf2) =	vadd.scan.msk.f32 $0xffff, v53;
	v55 =	vbroadcast v47, $0x2;
	v54 =	vmul.f32 v52, v28;
	[tilespmem:s2+$0x0] =	vst v51  }
0x3c8: {  	v56 =	vmul.f32 v52, v30;
	[tilespmem:s2+$0x10] =	vst v11  }
0x3c9: {  	v58 =	vbroadcast v47, $0x3;
	v57 =	vmul.f32 v55, v23;
	[tilespmem:s2+$0x20] =	vst v54  }
0x3ca: {  	v59 =	vmul.f32 v55, v25;
	[tilespmem:s2+$0x30] =	vst v56  }
0x3cb: {  	v60 =	vmul.f32 v58, v31;
	[tilespmem:s2+$0x40] =	vst v57  }
0x3cc: {  	v62, _, _ =	vpop (xrf2);
	v61 =	vmul.f32 v58, v32;
	[tilespmem:s2+$0x50] =	vst v59  }
0x3cd: {  	v63 =	vbroadcast v62, $0xF;
	v23, _, _ =	vpop (xrf2);
	[tilespmem:s2+$0x60] =	vst v60  }
0x3ce: {  	v25 =	vbroadcast v23, $0xF;
	[tilespmem:s2+$0x70] =	vst v61  }
0x3cf: {  	v26, _, _ =	vpop (xrf2);
	v11 =	vmul.f32 v2, v63;
	[tilespmem:s1+$0x80] =	vst v0  }
0x3d0: {  	s18 =	spop (v2sf);
	v12 =	vbroadcast v26, $0xF;
	[tilespmem:s1+$0x90] =	vst v0;
	v9 =	vmul.f32 v3, v25  }
0x3d1: {  	s21 =	spop (v2sf);
	v27, _, _ =	vpop (xrf2);
	[tilespmem:s1+$0xA0] =	vst v0  }
0x3d2: {  	s24 =	sand.u32 $0x80000001, s21;
	[tilespmem:s1+$0xB0] =	vst v0;
	v30 =	vbroadcast v27, $0xF;
	v28 =	vmul.f32 v4, v12;
	v9 =	vadd.f32 v9, v11  }
0x3d3: {  	s4 =	sshll.u32 s21, $0x5;
	p4 =	seq.s32 s24, $0x1;
	v31 =	vbroadcast v8, $0x0;
	[tilespmem:s1+$0xC0] =	vst v0  }
0x3d4: {  	s4 =	sshra.s32 s4, $0x2;
	v32 =	vpsel p4, v7, v6;
	[tilespmem:s1+$0xD0] =	vst v0;
	v34 =	vmul.f32 v5, v30;
	v9 =	vadd.f32 v28, v9  }
0x3d5: {  	s4 =	sand.u32 $0xFFFFFFF0, s4;
	v10 =	vmul.f32 v47, v32;
	[tilespmem:s1+$0xE0] =	vst v0  }
0x3d6: {  	v43 =	vbroadcast v8, $0x1;
	s4 =	sadd.s32 s4, s1;
	v44 =	vmul.f32 v31, v16;
	[tilespmem:s1+$0xF0] =	vst v0;
	v9 =	vadd.f32 v34, v9  }
0x3d7: {  	v48 =	vbroadcast v8, $0x3;
	v46 =	vmul.f32 v31, v15;
	[tilespmem:s4+$0x80] =	vst v10  }
0x3d8: {  	v47 =	vmul.f32 v43, v17;
	[tilespmem:s8+$0xFFFFFF80] =	vst v44;
	v9 =	vmul.f32 $1.442695020e+00, v9  }
0x3d9: {  	v50 =	vmul.f32 v48, v21;
	[tilespmem:s8+$0xFFFFFF90] =	vst v46  }
0x3da: {  	v51 =	vmul.f32 v48, v22;
	[tilespmem:s8+$0xFFFFFFA0] =	vst v47;
	(erf) = vpow2.f32 v9  }
0x3db: {  	v10 =	vmul.f32 v43, v18;
	[tilespmem:s8+$0xFFFFFFE0] =	vst v50  }
0x3dc: {  	[tilespmem:s8+$0xFFFFFFF0] =	vst v51;
	v11 =	vmul.f32 v45, v19  }
0x3dd: {  	[tilespmem:s8+$0xFFFFFFB0] =	vst v10  }
0x3de: {  	v52 =	vld [tilespmem:s17+$0xFFFFFFFF];
	[tilespmem:s8+$0xFFFFFFD0] =	vst v11  }
0x3df: {  	[tilespmem:s13+$0x0] =	vst v0  }
0x3e0: {  	[tilespmem:s13+$0x10] =	vst v0  }
0x3e1: {  	[tilespmem:s13+$0x20] =	vst v0  }
0x3e2: {  	s26 =	sand.u32 $0x80000001, s18;
	[tilespmem:s13+$0x30] =	vst v0  }
0x3e3: {  	s3 =	sshll.u32 s18, $0x5;
	p5 =	seq.s32 s26, $0x1;
	(v2sf) =	vpush v52, $0x0;
	[tilespmem:s13+$0x40] =	vst v0;
	v53 =	vpop (erf)  }
0x3e4: {  	s3 =	sshra.s32 s3, $0x2;
	v60 =	vpsel p5, v7, v6;
	[tilespmem:s13+$0x50] =	vst v0;
	v54 =	vbroadcast v53, $0x0  }
0x3e5: {  	s3 =	sand.u32 $0xFFFFFFF0, s3;
	v8 =	vmul.f32 v8, v60;
	[tilespmem:s13+$0x60] =	vst v0  }
0x3e6: {  	s3 =	sadd.s32 s3, s13;
	[tilespmem:s13+$0x70] =	vst v0;
	v55 =	vbroadcast v53, $0x1;
	v56 =	vmul.f32 v54, v24  }
0x3e7: {  	[tilespmem:s3+$0x0] =	vst v8;
	v9 =	vmul.f32 v54, v33  }
0x3e8: {  	v57 =	vbroadcast v53, $0x2;
	v58 =	vmul.f32 v55, v37;
	[tilespmem:s2+$0xFFFFFF80] =	vst v56  }
0x3e9: {  	v11 =	vmul.f32 v55, v36;
	[tilespmem:s2+$0xFFFFFF90] =	vst v9  }
0x3ea: {  	v61 =	vbroadcast v53, $0x3;
	v59 =	vmul.f32 v57, v38;
	[tilespmem:s2+$0xFFFFFFA0] =	vst v58  }
0x3eb: {  	v13 =	vmul.f32 v57, v39;
	[tilespmem:s2+$0xFFFFFFB0] =	vst v11  }
0x3ec: {  	v62 =	vmul.f32 v61, v40;
	[tilespmem:s2+$0xFFFFFFC0] =	vst v59  }
0x3ed: {  	v63 =	vmul.f32 v61, v35;
	[tilespmem:s2+$0xFFFFFFD0] =	vst v13  }
0x3ee: {  	[tilespmem:s2+$0xFFFFFFE0] =	vst v62  }
0x3ef: {  	[tilespmem:s2+$0xFFFFFFF0] =	vst v63  }
0x3f0: {  	[tilespmem:s1+$0x0] =	vst v0  }
0x3f1: {  	[tilespmem:s1+$0x10] =	vst v0  }
0x3f2: {  	s4 =	spop (v2sf);
	[tilespmem:s1+$0x20] =	vst v0  }
0x3f3: {  	s8 =	sand.u32 $0x80000001, s4;
	[tilespmem:s1+$0x30] =	vst v0  }
0x3f4: {  	p6 =	seq.s32 s8, $0x1;
	s2 =	sshll.u32 s4, $0x5;
	[tilespmem:s1+$0x40] =	vst v0  }
0x3f5: {  	v8 =	vpsel p6, v7, v6;
	s2 =	sshra.s32 s2, $0x2;
	[tilespmem:s1+$0x50] =	vst v0  }
0x3f6: {  	v8 =	vmul.f32 v53, v8;
	[tilespmem:s1+$0x60] =	vst v0;
	s2 =	sand.u32 $0xFFFFFFF0, s2  }
0x3f7: {  	[tilespmem:s1+$0x70] =	vst v0;
	s2 =	sadd.s32 s2, s1  }
0x3f8: {  	s11 =	simm.s32 $0x280;
	s9 =	rddreg [dreg:$0x2];
	s8 =	simm.s32 $0x2E00;
	[tilespmem:s2+$0x0] =	vst v8  }
0x3f9: {  	[spmem:s9] =	stream.indirect.scatter.add.f32 [tilespmem:s8], [sflag:$0x3], $0x80, s11, s0, $0xb8;
	[tilespmem:$0x1F600] =	vst v63  }
0x3fa: {  	s12 =	rddreg [dreg:$0x3];
	s14 =	simm.s32 $0x600;
	s13 =	simm.s32 $0x180  }
0x3fb: {  	[spmem:s12] =	stream.indirect.scatter.add.f32 [tilespmem:s14], [sflag:$0x4], $0x80, s13, s0, $0xb8;
	[tilespmem:$0x1F600] =	vst v63  }
0x3fc: {  	_ =	swait.ge [sflag:s10], $0x2800  }
0x3fd: {  	[sflag:s10] =	ssyncset.done $0x0  }
0x3fe: {  	[sflag:s10] =	ssyncadd.s32 $0xFFFFD800  }
0x3ff: {  	_ =	swait.ge [sflag:s28], $0x2800  }
0x400: {  	[sflag:s28] =	ssyncset.done $0x0  }
0x401: {  	[sflag:s28] =	ssyncadd.s32 $0xFFFFD800  }
0x402: {  	[bflag:$0x0] =	sbarrier.arrive $0xFFFF  }
0x403: {  	s18 =	rddreg [dreg:$0x7]  }
0x404: {  	s15 =	rddreg [dreg:$0x9]  }
0x405: {  	s4 =	simm.s32 $0xD;
	s17 =	rddreg [dreg:$0x14]  }
0x406: {  	[hbm:s15], [sflag:s18] =	dma.local [spmem:s17], $0x2700  }
0x407: {  	_ =	swait.ge [sflag:s4], $0x2700  }
0x408: {  	[sflag:s4] =	ssyncset.done $0x0;
	s21 =	rddreg [dreg:$0xa]  }
0x409: {  	s22 =	rddreg [dreg:$0x15];
	[sflag:s4] =	ssyncadd.s32 $0xFFFFD900  }
0x40a: {  	[hbm:s21], [sflag:s18] =	dma.local [spmem:s22], $0x200  }
0x40b: {  	_ =	swait.ge [sflag:s4], $0x200  }
0x40c: {  	[sflag:s4] =	ssyncset.done $0x0;
	s1 =	rddreg [dreg:$0xf]  }
0x40d: {  	s2 =	rddreg [dreg:$0x16];
	[sflag:s4] =	ssyncadd.s32 $0xFFFFFE00  }
0x40e: {  	[hbm:s1], [sflag:s18] =	dma.local @!p0 [spmem:s2], $0x100  }
0x40f: {  	s1 =	simm.s32 @!p0 $0xD  }
0x410: {  	_ =	swait.ge @!p0 [sflag:s1], $0x100  }
0x411: {  	[sflag:s1] =	ssyncset.done @!p0 $0x0;
	s2 =	rddreg [dreg:$0x10]  }
0x412: {  	s3 =	rddreg [dreg:$0x17];
	[sflag:s1] =	ssyncadd.s32 @!p0 $0xFFFFFF00  }
0x413: {  	[hbm:s2], [sflag:s18] =	dma.local @!p0 [spmem:s3], $0x780  }
0x414: {  	_ =	swait.ge @!p0 [sflag:s1], $0x780  }
0x415: {  	s24 =	rddreg [dreg:$0x18]  }
0x416: {  	s26 =	rddreg [dreg:$0x11];
	s3 =	sadd.s32 $0x1, s24  }
0x417: {  	p1 =	sne.s32 s3, s26  }
.Ltmp5:
0x418: {  	_ = 	snop;
	(pc) =	sbr.rel @p1 .LBB2_1-.Ltmp5, $3  }
0x419: {  	_ =	sdelay $0x1  }
0x41a: {  	[sflag:s1] =	ssyncset.done @!p0 $0x0  }
0x41b: {  	s9 =	simm.s32 $0x5600;
	s11 =	simm.s32 $0x7E00;
	[sflag:s1] =	ssyncadd.s32 @!p0 $0xFFFFF880  }
0x41c: {  	_ =	sfence.sel $0x180000  }
0x41d: {  	[bflag:$0x0] =	sbarrier.arrive $0xFFFF  }
0x41e: {  	_ =	strace $0x90000047  }
0x41f: {  	[bflag:$0x2] =	sbarrier.arrive $0xFFFF  }
0x420: {  	s0 =	rddreg [dreg:$0x4]  }
0x421: {  	s0 =	sadd.s32 @!p0 $0x100000, s0  }
0x422: {  	[sflag:s0] =	ssyncadd.tile.s32 @!p0 $0x1;
	_ =	shalt  }
.Lfunc_end2:
_tile_overlayer_lowered:
.L_overlay_start_2:
0x423: {  	(tag) =	ssettag $0x2  }
0x424: {  	s0 =	rddreg [dreg:$0x0];
	s2 =	stileid.u32  }
0x425: {  	s1 =	rddreg [dreg:$0x1];
	p0 =	sne.s32 s2, $0x0  }
0x426: {  	s3 =	rddreg [dreg:$0x2];
	[bflag:$0x3] =	sbarrier.arrive $0xFFFF;
	s2 =	simm.s32 @!p0 $0x1C0D  }
0x427: {  	[timem:s3], [sflag:s2] =	dma.local @!p0 [hbm:s0], s1  }
0x428: {  	s0 =	simm.s32 @!p0 $0xD  }
0x429: {  	_ =	swait.ge @!p0 [sflag:s0], s1  }
0x42a: {  	s1 =	ssub.s32 @!p0 $0x0, s1;
	[sflag:s0] =	ssyncset.done @!p0 $0x0  }
0x42b: {  	[sflag:s0] =	ssyncadd.s32 @!p0 s1  }
0x42c: {  	[bflag:$0x3] =	sbarrier.arrive $0xFFFF  }
0x42d: {  	_ =	shalt  }

</sc_bundles>
